<compile_context>
chip_gen: v7x
topology: tpu7x:2x2x1
jax: 0.10.2.dev20260603
libtpu: 0.0.44.dev20260713+nightly
codegen_flags: <defaults>
</compile_context>

<pallas_src>
import functools

import jax
import jax.numpy as jnp
from jax import lax
from jax.experimental import pallas as pl
from jax.experimental.pallas import tpu as pltpu
from jax.experimental.pallas import tpu_sc as plsc

N = 10000
E = 320000
D = 128
H = 128
NC = 2
NS = 16
NW = NC * NS
CHUNK = 128
NCHUNKS = E // CHUNK
CPT = (NCHUNKS + NW - 1) // NW
CPT = 80
NCHUNKS_PAD = CPT * NW
EPAD = NCHUNKS_PAD * CHUNK
NBUF = 2
NPAD = 10240
RPT = NPAD // NS
EPS = 1e-5

_MESH = plsc.VectorSubcoreMesh(
    core_axis_name="c", subcore_axis_name="s", num_cores=NC, num_subcores=NS)


def _zero_fill(ref, nrows, ncols):
  z16 = jnp.zeros((16,), jnp.float32)

  def body(i, _):
    for j in range(ncols // 16):
      ref[i, pl.ds(j * 16, 16)] = z16
    return 0

  lax.fori_loop(0, nrows, body, 0)


@functools.partial(
    pl.kernel,
    out_type=jax.ShapeDtypeStruct((NC * NPAD, 16), jnp.float32),
    mesh=_MESH,
    scratch_types=[
        pltpu.VMEM_SHARED((NPAD, 16), jnp.float32),
        pltpu.VMEM((1, CHUNK), jnp.int32),
        pltpu.VMEM((CHUNK, 16), jnp.float32),
        pltpu.VMEM((RPT, 16), jnp.float32),
    ],
)
def _sc_degree(dst_hbm, out_hbm, hist, didx, ones, zeros):
  cid = lax.axis_index("c")
  sid = lax.axis_index("s")
  wid = sid * NC + cid

  one16 = jnp.ones((16,), jnp.float32)

  def fill_ones(i, _):
    ones[i, pl.ds(0, 16)] = one16
    return 0

  lax.fori_loop(0, CHUNK, fill_ones, 0)
  _zero_fill(zeros, RPT, 16)
  pltpu.sync_copy(zeros, hist.at[pl.ds(sid * RPT, RPT)])
  plsc.subcore_barrier()

  def body(it, _):
    g = it * NW + wid
    pltpu.sync_copy(dst_hbm.at[pl.ds(g * CHUNK, CHUNK)], didx.at[0])
    pltpu.sync_copy(ones, hist.at[didx.at[0]], add=True)
    return 0

  lax.fori_loop(0, CPT, body, 0)
  plsc.subcore_barrier()
  pltpu.sync_copy(hist.at[pl.ds(sid * RPT, RPT)],
                  out_hbm.at[pl.ds(cid * NPAD + sid * RPT, RPT)])


NI = 4


@functools.partial(
    pl.kernel,
    out_type=jax.ShapeDtypeStruct((NC * NPAD, H), jnp.float32),
    mesh=_MESH,
    scratch_types=[
        pltpu.VMEM_SHARED((NPAD, H), jnp.float32),
        pltpu.VMEM((NI, CHUNK), jnp.int32),
        pltpu.VMEM((NI, CHUNK), jnp.int32),
        pltpu.VMEM((CHUNK, H), jnp.float32),
        pltpu.VMEM((CHUNK, H), jnp.float32),
        pltpu.VMEM((RPT // 20, H), jnp.float32),
    ] + [pltpu.SemaphoreType.DMA] * 13,
)
def _sc_aggregate(u_hbm, src_hbm, dst_hbm, out_hbm, acc, sibuf, dibuf,
                  rows0, rows1, zeros, *sems):
  cid = lax.axis_index("c")
  sid = lax.axis_index("s")
  wid = sid * NC + cid
  isems = list(sems[0:4])
  dsems = list(sems[4:8])
  gsems = list(sems[8:10])
  ssems = list(sems[10:12])
  zsem = sems[12]

  zr = RPT // 20
  _zero_fill(zeros, zr, H)
  zdesc = []
  for k in range(20):
    zdesc.append(pltpu.async_copy(
        zeros, acc.at[pl.ds(sid * RPT + k * zr, zr)], zsem))
  for d in zdesc:
    d.wait()
  plsc.subcore_barrier()

  rowbufs = [rows0, rows1]

  def fetch(c, b):
    off = (c * NW + wid) * CHUNK
    pltpu.async_copy(src_hbm.at[pl.ds(off, CHUNK)], sibuf.at[b], isems[b])
    pltpu.async_copy(dst_hbm.at[pl.ds(off, CHUNK)], dibuf.at[b], dsems[b])

  def wait_idx(b):
    pltpu.make_async_copy(src_hbm.at[pl.ds(0, CHUNK)], sibuf.at[b],
                          isems[b]).wait()
    pltpu.make_async_copy(dst_hbm.at[pl.ds(0, CHUNK)], dibuf.at[b],
                          dsems[b]).wait()

  def gather(b, r):
    pltpu.async_copy(u_hbm.at[sibuf.at[b]], rowbufs[r], gsems[r])

  def wait_gather(b, r):
    pltpu.make_async_copy(u_hbm.at[sibuf.at[b]], rowbufs[r],
                          gsems[r]).wait()

  def scatter(b, r):
    pltpu.async_copy(rowbufs[r], acc.at[dibuf.at[b]], ssems[r], add=True)

  def wait_scatter(b, r):
    pltpu.make_async_copy(rowbufs[r], acc.at[dibuf.at[b]], ssems[r]).wait()

  def body(c, _):
    off = (c * NW + wid) * CHUNK
    pltpu.sync_copy(src_hbm.at[pl.ds(off, CHUNK)], sibuf.at[0])
    pltpu.sync_copy(dst_hbm.at[pl.ds(off, CHUNK)], dibuf.at[0])
    pltpu.async_copy(u_hbm.at[sibuf.at[0]], rows0, gsems[0]).wait()
    pltpu.sync_copy(rows0, acc.at[dibuf.at[0]], add=True)
    return 0

  lax.fori_loop(0, CPT, body, 0)
  plsc.subcore_barrier()
  pltpu.sync_copy(acc.at[pl.ds(sid * RPT, RPT)],
                  out_hbm.at[pl.ds(cid * NPAD + sid * RPT, RPT)])


def _tc_first_body(hist_ref, x_ref, w_ref, dinv_ref, u_ref):
  deg = hist_ref[pl.ds(0, N), 0:1] + hist_ref[pl.ds(NPAD, N), 0:1] + 1.0
  dinv = lax.rsqrt(deg)
  dinv_ref[...] = dinv
  u_ref[...] = jnp.dot(x_ref[...], w_ref[...],
                       preferred_element_type=jnp.float32) * dinv


def _tc_mid_body(part_ref, u_ref, dinv_ref, b_ref, g_ref, be_ref, w_ref,
                 unext_ref):
  dinv = dinv_ref[...]
  t = (part_ref[pl.ds(0, N), :] + part_ref[pl.ds(NPAD, N), :] + u_ref[...]) * dinv
  y = jnp.maximum(t + b_ref[...], 0.0)
  mu = jnp.mean(y, axis=0, keepdims=True)
  var = jnp.mean((y - mu) ** 2, axis=0, keepdims=True)
  z = (y - mu) * lax.rsqrt(var + EPS) * g_ref[...] + be_ref[...]
  unext_ref[...] = jnp.dot(z, w_ref[...],
                           preferred_element_type=jnp.float32) * dinv


def _tc_last_body(part_ref, u_ref, dinv_ref, b_ref, g_ref, be_ref, out_ref):
  dinv = dinv_ref[...]
  t = (part_ref[pl.ds(0, N), :] + part_ref[pl.ds(NPAD, N), :] + u_ref[...]) * dinv
  y = jnp.maximum(t + b_ref[...], 0.0)
  mu = jnp.mean(y, axis=0, keepdims=True)
  var = jnp.mean((y - mu) ** 2, axis=0, keepdims=True)
  out_ref[...] = (y - mu) * lax.rsqrt(var + EPS) * g_ref[...] + be_ref[...]


_tc_first = pl.pallas_call(
    _tc_first_body,
    out_shape=(jax.ShapeDtypeStruct((N, 1), jnp.float32),
               jax.ShapeDtypeStruct((N, H), jnp.float32)),
)

_tc_mid = pl.pallas_call(
    _tc_mid_body,
    out_shape=jax.ShapeDtypeStruct((N, H), jnp.float32),
)

_tc_last = pl.pallas_call(
    _tc_last_body,
    out_shape=jax.ShapeDtypeStruct((N, H), jnp.float32),
)


def kernel(x, edge_index, W1, b1, g1, be1, W2, b2, g2, be2, W3, b3, g3, be3,
           W4, b4, g4, be4):
  npad_e = EPAD - E
  src = jnp.concatenate(
      [edge_index[0], jnp.zeros((npad_e,), jnp.int32)])
  dst = jnp.concatenate(
      [edge_index[1],
       N + (jnp.arange(npad_e, dtype=jnp.int32) % (NPAD - N))])
  hist = _sc_degree(dst)
  dinv, u = _tc_first(hist, x, W1)

  params = [(b1, g1, be1), (b2, g2, be2), (b3, g3, be3), (b4, g4, be4)]
  nxt = [W2, W3, W4]
  for i in range(4):
    b, g, be = params[i]
    part = _sc_aggregate(u, src, dst)
    b2d = b.reshape(1, H)
    g2d = g.reshape(1, H)
    be2d = be.reshape(1, H)
    if i < 3:
      u = _tc_mid(part, u, dinv, b2d, g2d, be2d, nxt[i])
    else:
      u = _tc_last(part, u, dinv, b2d, g2d, be2d)
  return u

# --- scband reference (transcript-rebuilt; emitter-appended) ---
"""Pipeline reference for scband-gcnencoder-31774168056018 (READ-ONLY COPY).

The authoritative reference and input builder live on the scoring server;
editing this copy changes nothing except your own understanding.
"""

import jax, jax.numpy as jnp
import numpy as np

N = 10000
E = 320000
D = 128
H = 128
NUM_LAYERS = 4


def setup_inputs(seed: int = 0) -> dict:
    key = jax.random.key(seed)
    ks = jax.random.split(key, 2 + 4 * NUM_LAYERS)
    inp = {}
    inp["x"] = jax.random.normal(ks[0], (N, D), dtype=jnp.float32)
    inp["edge_index"] = jax.random.randint(ks[1], (2, E), 0, N, dtype=jnp.int32)
    dims_in = [D] + [H] * (NUM_LAYERS - 1)
    for i in range(NUM_LAYERS):
        di = dims_in[i]
        inp[f"W{i+1}"] = jax.random.normal(ks[2 + i], (di, H), dtype=jnp.float32) * (1.0 / np.sqrt(di))
        inp[f"b{i+1}"] = jnp.zeros((H,), dtype=jnp.float32)
        inp[f"g{i+1}"] = jnp.ones((H,), dtype=jnp.float32)
        inp[f"be{i+1}"] = jnp.zeros((H,), dtype=jnp.float32)
    return inp


def _gcn_conv(z, src, dst, W, b):
    # PyG-style GCNConv: linear transform, add self loops, symmetric norm, scatter-add
    h = z @ W
    loop = jnp.arange(N, dtype=src.dtype)
    s = jnp.concatenate([src, loop])
    d = jnp.concatenate([dst, loop])
    deg = jnp.zeros((N,), dtype=h.dtype).at[d].add(1.0)
    dinv = jax.lax.rsqrt(jnp.maximum(deg, 1.0))
    norm = dinv[s] * dinv[d]
    msg = h[s] * norm[:, None]
    out = jnp.zeros_like(h).at[d].add(msg)
    return out + b


def _batchnorm(z, g, be, eps=1e-5):
    mu = jnp.mean(z, axis=0)
    var = jnp.var(z, axis=0)
    return (z - mu) * jax.lax.rsqrt(var + eps) * g + be


def reference(x, edge_index, W1, b1, g1, be1, W2, b2, g2, be2, W3, b3, g3, be3, W4, b4, g4, be4):
    src = edge_index[0]
    dst = edge_index[1]
    params = [(W1, b1, g1, be1), (W2, b2, g2, be2), (W3, b3, g3, be3), (W4, b4, g4, be4)]
    z = x
    for (W, b, g, be) in params:
        z = _gcn_conv(z, src, dst, W, b)
        z = jax.nn.relu(z)
        z = _batchnorm(z, g, be)
        # dropout is identity in eval / deterministic reference
    return z

if __name__ == "__main__":
    import jax
    _d = setup_inputs()
    print(jax.jit(kernel)(*tuple(_d.values())))

</pallas_src>

<mosaic_0001>
#map = affine_map<(d0, d1) -> (0, 0)>
#map1 = affine_map<(d0, d1) -> (0)>
module attributes {stable_mosaic.version = 14 : i64} {
  func.func @_sc_aggregate(%arg0: i32, %arg1: i32, %arg2: memref<10000x128xf32, #tpu.memory_space<hbm>>, %arg3: memref<327680xi32, #tpu.memory_space<hbm>>, %arg4: memref<327680xi32, #tpu.memory_space<hbm>>, %arg5: memref<20480x128xf32, #tpu.memory_space<hbm>>, %arg6: memref<10240x128xf32, #tpu.memory_space<vmem_shared>>, %arg7: memref<4x128xi32, #tpu.memory_space<vmem>>, %arg8: memref<4x128xi32, #tpu.memory_space<vmem>>, %arg9: memref<128x128xf32, #tpu.memory_space<vmem>>, %arg10: memref<128x128xf32, #tpu.memory_space<vmem>>, %arg11: memref<32x128xf32, #tpu.memory_space<vmem>>, %arg12: memref<!tpu.dma_semaphore, #tpu.memory_space<semaphore_mem>>, %arg13: memref<!tpu.dma_semaphore, #tpu.memory_space<semaphore_mem>>, %arg14: memref<!tpu.dma_semaphore, #tpu.memory_space<semaphore_mem>>, %arg15: memref<!tpu.dma_semaphore, #tpu.memory_space<semaphore_mem>>, %arg16: memref<!tpu.dma_semaphore, #tpu.memory_space<semaphore_mem>>, %arg17: memref<!tpu.dma_semaphore, #tpu.memory_space<semaphore_mem>>, %arg18: memref<!tpu.dma_semaphore, #tpu.memory_space<semaphore_mem>>, %arg19: memref<!tpu.dma_semaphore, #tpu.memory_space<semaphore_mem>>, %arg20: memref<!tpu.dma_semaphore, #tpu.memory_space<semaphore_mem>>, %arg21: memref<!tpu.dma_semaphore, #tpu.memory_space<semaphore_mem>>, %arg22: memref<!tpu.dma_semaphore, #tpu.memory_space<semaphore_mem>>, %arg23: memref<!tpu.dma_semaphore, #tpu.memory_space<semaphore_mem>>, %arg24: memref<!tpu.dma_semaphore, #tpu.memory_space<semaphore_mem>>) attributes {dimension_semantics = [#tpu.dimension_semantics<core_parallel>, #tpu.dimension_semantics<subcore_parallel>], iteration_bounds = array<i64: 2, 16>, scalar_prefetch = 0 : i64, scratch_operands = 19 : i64, tpu.core_type = #tpu.core_type<sc_vector_subcore>, window_params = [{transform_indices = #map}, {transform_indices = #map1}, {transform_indices = #map1}, {transform_indices = #map}]} {
    %mul3A = arith.constant 2 : i32
    %mul3A_0 = arith.muli %arg1, %mul3A : i32
    %add3A = arith.addi %mul3A_0, %arg0 : i32
    %broadcast_in_dim3A = arith.constant 0.000000e+00 : f32
    %broadcast_in_dim3A_1 = vector.broadcast %broadcast_in_dim3A : f32 to vector<16xf32>
    %scan3A = arith.constant 0 : i32
    %scan3A_2 = arith.constant 0 : i32
    %scan3A_3 = arith.constant 32 : i32
    %scan3A_4 = arith.addi %scan3A_2, %scan3A_3 : i32
    %scan3A_5 = arith.constant 1 : i32
    %scan3A_6 = scf.for %scan3A_261 = %scan3A_2 to %scan3A_4 step %scan3A_5 iter_args(%scan3A_262 = %scan3A) -> (i32)  : i32 {
      %swap3A = arith.index_cast %scan3A_261 : i32 to index
      %swap3A_263 = arith.constant 0 : index
      %swap3A_264 = tpu.vector_load %arg11[%swap3A, %swap3A_263] {strides = array<i32>} : memref<32x128xf32, #tpu.memory_space<vmem>>, vector<1x16xf32>,
      %swap3A_265 = vector.shape_cast %swap3A_264 : vector<1x16xf32> to vector<16xf32>
      %swap3A_266 = vector.shape_cast %broadcast_in_dim3A_1 : vector<16xf32> to vector<1x16xf32>
      tpu.vector_store %arg11[%swap3A, %swap3A_263], %swap3A_266 {strides = array<i32>} : memref<32x128xf32, #tpu.memory_space<vmem>>, vector<1x16xf32>,
      %swap3A_267 = arith.index_cast %scan3A_261 : i32 to index
      %swap3A_268 = arith.constant 16 : index
      %swap3A_269 = tpu.vector_load %arg11[%swap3A_267, %swap3A_268] {strides = array<i32>} : memref<32x128xf32, #tpu.memory_space<vmem>>, vector<1x16xf32>,
      %swap3A_270 = vector.shape_cast %swap3A_269 : vector<1x16xf32> to vector<16xf32>
      %swap3A_271 = vector.shape_cast %broadcast_in_dim3A_1 : vector<16xf32> to vector<1x16xf32>
      tpu.vector_store %arg11[%swap3A_267, %swap3A_268], %swap3A_271 {strides = array<i32>} : memref<32x128xf32, #tpu.memory_space<vmem>>, vector<1x16xf32>,
      %swap3A_272 = arith.index_cast %scan3A_261 : i32 to index
      %swap3A_273 = arith.constant 32 : index
      %swap3A_274 = tpu.vector_load %arg11[%swap3A_272, %swap3A_273] {strides = array<i32>} : memref<32x128xf32, #tpu.memory_space<vmem>>, vector<1x16xf32>,
      %swap3A_275 = vector.shape_cast %swap3A_274 : vector<1x16xf32> to vector<16xf32>
      %swap3A_276 = vector.shape_cast %broadcast_in_dim3A_1 : vector<16xf32> to vector<1x16xf32>
      tpu.vector_store %arg11[%swap3A_272, %swap3A_273], %swap3A_276 {strides = array<i32>} : memref<32x128xf32, #tpu.memory_space<vmem>>, vector<1x16xf32>,
      %swap3A_277 = arith.index_cast %scan3A_261 : i32 to index
      %swap3A_278 = arith.constant 48 : index
      %swap3A_279 = tpu.vector_load %arg11[%swap3A_277, %swap3A_278] {strides = array<i32>} : memref<32x128xf32, #tpu.memory_space<vmem>>, vector<1x16xf32>,
      %swap3A_280 = vector.shape_cast %swap3A_279 : vector<1x16xf32> to vector<16xf32>
      %swap3A_281 = vector.shape_cast %broadcast_in_dim3A_1 : vector<16xf32> to vector<1x16xf32>
      tpu.vector_store %arg11[%swap3A_277, %swap3A_278], %swap3A_281 {strides = array<i32>} : memref<32x128xf32, #tpu.memory_space<vmem>>, vector<1x16xf32>,
      %swap3A_282 = arith.index_cast %scan3A_261 : i32 to index
      %swap3A_283 = arith.constant 64 : index
      %swap3A_284 = tpu.vector_load %arg11[%swap3A_282, %swap3A_283] {strides = array<i32>} : memref<32x128xf32, #tpu.memory_space<vmem>>, vector<1x16xf32>,
      %swap3A_285 = vector.shape_cast %swap3A_284 : vector<1x16xf32> to vector<16xf32>
      %swap3A_286 = vector.shape_cast %broadcast_in_dim3A_1 : vector<16xf32> to vector<1x16xf32>
      tpu.vector_store %arg11[%swap3A_282, %swap3A_283], %swap3A_286 {strides = array<i32>} : memref<32x128xf32, #tpu.memory_space<vmem>>, vector<1x16xf32>,
      %swap3A_287 = arith.index_cast %scan3A_261 : i32 to index
      %swap3A_288 = arith.constant 80 : index
      %swap3A_289 = tpu.vector_load %arg11[%swap3A_287, %swap3A_288] {strides = array<i32>} : memref<32x128xf32, #tpu.memory_space<vmem>>, vector<1x16xf32>,
      %swap3A_290 = vector.shape_cast %swap3A_289 : vector<1x16xf32> to vector<16xf32>
      %swap3A_291 = vector.shape_cast %broadcast_in_dim3A_1 : vector<16xf32> to vector<1x16xf32>
      tpu.vector_store %arg11[%swap3A_287, %swap3A_288], %swap3A_291 {strides = array<i32>} : memref<32x128xf32, #tpu.memory_space<vmem>>, vector<1x16xf32>,
      %swap3A_292 = arith.index_cast %scan3A_261 : i32 to index
      %swap3A_293 = arith.constant 96 : index
      %swap3A_294 = tpu.vector_load %arg11[%swap3A_292, %swap3A_293] {strides = array<i32>} : memref<32x128xf32, #tpu.memory_space<vmem>>, vector<1x16xf32>,
      %swap3A_295 = vector.shape_cast %swap3A_294 : vector<1x16xf32> to vector<16xf32>
      %swap3A_296 = vector.shape_cast %broadcast_in_dim3A_1 : vector<16xf32> to vector<1x16xf32>
      tpu.vector_store %arg11[%swap3A_292, %swap3A_293], %swap3A_296 {strides = array<i32>} : memref<32x128xf32, #tpu.memory_space<vmem>>, vector<1x16xf32>,
      %swap3A_297 = arith.index_cast %scan3A_261 : i32 to index
      %swap3A_298 = arith.constant 112 : index
      %swap3A_299 = tpu.vector_load %arg11[%swap3A_297, %swap3A_298] {strides = array<i32>} : memref<32x128xf32, #tpu.memory_space<vmem>>, vector<1x16xf32>,
      %swap3A_300 = vector.shape_cast %swap3A_299 : vector<1x16xf32> to vector<16xf32>
      %swap3A_301 = vector.shape_cast %broadcast_in_dim3A_1 : vector<16xf32> to vector<1x16xf32>
      tpu.vector_store %arg11[%swap3A_297, %swap3A_298], %swap3A_301 {strides = array<i32>} : memref<32x128xf32, #tpu.memory_space<vmem>>, vector<1x16xf32>,
      %scan3A_302 = arith.constant 0 : i32
      scf.yield %scan3A_302 : i32
    }
    %scan3A_7 = arith.constant 32 : i32
    %mul3A_8 = arith.constant 640 : i32
    %mul3A_9 = arith.muli %arg1, %mul3A_8 : i32
    %add3A_10 = arith.constant 0 : i32
    %add3A_11 = arith.addi %mul3A_9, %add3A_10 : i32
    %dma_start3A = arith.constant 0 : i32
    %dma_start3A_12 = tpu.memref_slice %arg6[%add3A_11, %dma_start3A] : memref<10240x128xf32, #tpu.memory_space<vmem_shared>> -> memref<32x128xf32, #tpu.memory_space<vmem_shared>>
    %dma_start3A_13 = arith.constant 0 : i32
    %dma_start3A_14 = tpu.memref_slice %arg6[%add3A_11, %dma_start3A_13] : memref<10240x128xf32, #tpu.memory_space<vmem_shared>> -> memref<32x128xf32, #tpu.memory_space<vmem_shared>>
    tpu.enqueue_dma source(%arg11 : memref<32x128xf32, #tpu.memory_space<vmem>>) target(%dma_start3A_14 : memref<32x128xf32, #tpu.memory_space<vmem_shared>>) target_semaphore(%arg24 : memref<!tpu.dma_semaphore, #tpu.memory_space<semaphore_mem>>)
    %mul3A_15 = arith.constant 640 : i32
    %mul3A_16 = arith.muli %arg1, %mul3A_15 : i32
    %add3A_17 = arith.constant 32 : i32
    %add3A_18 = arith.addi %mul3A_16, %add3A_17 : i32
    %dma_start3A_19 = arith.constant 0 : i32
    %dma_start3A_20 = tpu.memref_slice %arg6[%add3A_18, %dma_start3A_19] : memref<10240x128xf32, #tpu.memory_space<vmem_shared>> -> memref<32x128xf32, #tpu.memory_space<vmem_shared>>
    %dma_start3A_21 = arith.constant 0 : i32
    %dma_start3A_22 = tpu.memref_slice %arg6[%add3A_18, %dma_start3A_21] : memref<10240x128xf32, #tpu.memory_space<vmem_shared>> -> memref<32x128xf32, #tpu.memory_space<vmem_shared>>
    tpu.enqueue_dma source(%arg11 : memref<32x128xf32, #tpu.memory_space<vmem>>) target(%dma_start3A_22 : memref<32x128xf32, #tpu.memory_space<vmem_shared>>) target_semaphore(%arg24 : memref<!tpu.dma_semaphore, #tpu.memory_space<semaphore_mem>>)
    %mul3A_23 = arith.constant 640 : i32
    %mul3A_24 = arith.muli %arg1, %mul3A_23 : i32
    %add3A_25 = arith.constant 64 : i32
    %add3A_26 = arith.addi %mul3A_24, %add3A_25 : i32
    %dma_start3A_27 = arith.constant 0 : i32
    %dma_start3A_28 = tpu.memref_slice %arg6[%add3A_26, %dma_start3A_27] : memref<10240x128xf32, #tpu.memory_space<vmem_shared>> -> memref<32x128xf32, #tpu.memory_space<vmem_shared>>
    %dma_start3A_29 = arith.constant 0 : i32
    %dma_start3A_30 = tpu.memref_slice %arg6[%add3A_26, %dma_start3A_29] : memref<10240x128xf32, #tpu.memory_space<vmem_shared>> -> memref<32x128xf32, #tpu.memory_space<vmem_shared>>
    tpu.enqueue_dma source(%arg11 : memref<32x128xf32, #tpu.memory_space<vmem>>) target(%dma_start3A_30 : memref<32x128xf32, #tpu.memory_space<vmem_shared>>) target_semaphore(%arg24 : memref<!tpu.dma_semaphore, #tpu.memory_space<semaphore_mem>>)
    %mul3A_31 = arith.constant 640 : i32
    %mul3A_32 = arith.muli %arg1, %mul3A_31 : i32
    %add3A_33 = arith.constant 96 : i32
    %add3A_34 = arith.addi %mul3A_32, %add3A_33 : i32
    %dma_start3A_35 = arith.constant 0 : i32
    %dma_start3A_36 = tpu.memref_slice %arg6[%add3A_34, %dma_start3A_35] : memref<10240x128xf32, #tpu.memory_space<vmem_shared>> -> memref<32x128xf32, #tpu.memory_space<vmem_shared>>
    %dma_start3A_37 = arith.constant 0 : i32
    %dma_start3A_38 = tpu.memref_slice %arg6[%add3A_34, %dma_start3A_37] : memref<10240x128xf32, #tpu.memory_space<vmem_shared>> -> memref<32x128xf32, #tpu.memory_space<vmem_shared>>
    tpu.enqueue_dma source(%arg11 : memref<32x128xf32, #tpu.memory_space<vmem>>) target(%dma_start3A_38 : memref<32x128xf32, #tpu.memory_space<vmem_shared>>) target_semaphore(%arg24 : memref<!tpu.dma_semaphore, #tpu.memory_space<semaphore_mem>>)
    %mul3A_39 = arith.constant 640 : i32
    %mul3A_40 = arith.muli %arg1, %mul3A_39 : i32
    %add3A_41 = arith.constant 128 : i32
    %add3A_42 = arith.addi %mul3A_40, %add3A_41 : i32
    %dma_start3A_43 = arith.constant 0 : i32
    %dma_start3A_44 = tpu.memref_slice %arg6[%add3A_42, %dma_start3A_43] : memref<10240x128xf32, #tpu.memory_space<vmem_shared>> -> memref<32x128xf32, #tpu.memory_space<vmem_shared>>
    %dma_start3A_45 = arith.constant 0 : i32
    %dma_start3A_46 = tpu.memref_slice %arg6[%add3A_42, %dma_start3A_45] : memref<10240x128xf32, #tpu.memory_space<vmem_shared>> -> memref<32x128xf32, #tpu.memory_space<vmem_shared>>
    tpu.enqueue_dma source(%arg11 : memref<32x128xf32, #tpu.memory_space<vmem>>) target(%dma_start3A_46 : memref<32x128xf32, #tpu.memory_space<vmem_shared>>) target_semaphore(%arg24 : memref<!tpu.dma_semaphore, #tpu.memory_space<semaphore_mem>>)
    %mul3A_47 = arith.constant 640 : i32
    %mul3A_48 = arith.muli %arg1, %mul3A_47 : i32
    %add3A_49 = arith.constant 160 : i32
    %add3A_50 = arith.addi %mul3A_48, %add3A_49 : i32
    %dma_start3A_51 = arith.constant 0 : i32
    %dma_start3A_52 = tpu.memref_slice %arg6[%add3A_50, %dma_start3A_51] : memref<10240x128xf32, #tpu.memory_space<vmem_shared>> -> memref<32x128xf32, #tpu.memory_space<vmem_shared>>
    %dma_start3A_53 = arith.constant 0 : i32
    %dma_start3A_54 = tpu.memref_slice %arg6[%add3A_50, %dma_start3A_53] : memref<10240x128xf32, #tpu.memory_space<vmem_shared>> -> memref<32x128xf32, #tpu.memory_space<vmem_shared>>
    tpu.enqueue_dma source(%arg11 : memref<32x128xf32, #tpu.memory_space<vmem>>) target(%dma_start3A_54 : memref<32x128xf32, #tpu.memory_space<vmem_shared>>) target_semaphore(%arg24 : memref<!tpu.dma_semaphore, #tpu.memory_space<semaphore_mem>>)
    %mul3A_55 = arith.constant 640 : i32
    %mul3A_56 = arith.muli %arg1, %mul3A_55 : i32
    %add3A_57 = arith.constant 192 : i32
    %add3A_58 = arith.addi %mul3A_56, %add3A_57 : i32
    %dma_start3A_59 = arith.constant 0 : i32
    %dma_start3A_60 = tpu.memref_slice %arg6[%add3A_58, %dma_start3A_59] : memref<10240x128xf32, #tpu.memory_space<vmem_shared>> -> memref<32x128xf32, #tpu.memory_space<vmem_shared>>
    %dma_start3A_61 = arith.constant 0 : i32
    %dma_start3A_62 = tpu.memref_slice %arg6[%add3A_58, %dma_start3A_61] : memref<10240x128xf32, #tpu.memory_space<vmem_shared>> -> memref<32x128xf32, #tpu.memory_space<vmem_shared>>
    tpu.enqueue_dma source(%arg11 : memref<32x128xf32, #tpu.memory_space<vmem>>) target(%dma_start3A_62 : memref<32x128xf32, #tpu.memory_space<vmem_shared>>) target_semaphore(%arg24 : memref<!tpu.dma_semaphore, #tpu.memory_space<semaphore_mem>>)
    %mul3A_63 = arith.constant 640 : i32
    %mul3A_64 = arith.muli %arg1, %mul3A_63 : i32
    %add3A_65 = arith.constant 224 : i32
    %add3A_66 = arith.addi %mul3A_64, %add3A_65 : i32
    %dma_start3A_67 = arith.constant 0 : i32
    %dma_start3A_68 = tpu.memref_slice %arg6[%add3A_66, %dma_start3A_67] : memref<10240x128xf32, #tpu.memory_space<vmem_shared>> -> memref<32x128xf32, #tpu.memory_space<vmem_shared>>
    %dma_start3A_69 = arith.constant 0 : i32
    %dma_start3A_70 = tpu.memref_slice %arg6[%add3A_66, %dma_start3A_69] : memref<10240x128xf32, #tpu.memory_space<vmem_shared>> -> memref<32x128xf32, #tpu.memory_space<vmem_shared>>
    tpu.enqueue_dma source(%arg11 : memref<32x128xf32, #tpu.memory_space<vmem>>) target(%dma_start3A_70 : memref<32x128xf32, #tpu.memory_space<vmem_shared>>) target_semaphore(%arg24 : memref<!tpu.dma_semaphore, #tpu.memory_space<semaphore_mem>>)
    %mul3A_71 = arith.constant 640 : i32
    %mul3A_72 = arith.muli %arg1, %mul3A_71 : i32
    %add3A_73 = arith.constant 256 : i32
    %add3A_74 = arith.addi %mul3A_72, %add3A_73 : i32
    %dma_start3A_75 = arith.constant 0 : i32
    %dma_start3A_76 = tpu.memref_slice %arg6[%add3A_74, %dma_start3A_75] : memref<10240x128xf32, #tpu.memory_space<vmem_shared>> -> memref<32x128xf32, #tpu.memory_space<vmem_shared>>
    %dma_start3A_77 = arith.constant 0 : i32
    %dma_start3A_78 = tpu.memref_slice %arg6[%add3A_74, %dma_start3A_77] : memref<10240x128xf32, #tpu.memory_space<vmem_shared>> -> memref<32x128xf32, #tpu.memory_space<vmem_shared>>
    tpu.enqueue_dma source(%arg11 : memref<32x128xf32, #tpu.memory_space<vmem>>) target(%dma_start3A_78 : memref<32x128xf32, #tpu.memory_space<vmem_shared>>) target_semaphore(%arg24 : memref<!tpu.dma_semaphore, #tpu.memory_space<semaphore_mem>>)
    %mul3A_79 = arith.constant 640 : i32
    %mul3A_80 = arith.muli %arg1, %mul3A_79 : i32
    %add3A_81 = arith.constant 288 : i32
    %add3A_82 = arith.addi %mul3A_80, %add3A_81 : i32
    %dma_start3A_83 = arith.constant 0 : i32
    %dma_start3A_84 = tpu.memref_slice %arg6[%add3A_82, %dma_start3A_83] : memref<10240x128xf32, #tpu.memory_space<vmem_shared>> -> memref<32x128xf32, #tpu.memory_space<vmem_shared>>
    %dma_start3A_85 = arith.constant 0 : i32
    %dma_start3A_86 = tpu.memref_slice %arg6[%add3A_82, %dma_start3A_85] : memref<10240x128xf32, #tpu.memory_space<vmem_shared>> -> memref<32x128xf32, #tpu.memory_space<vmem_shared>>
    tpu.enqueue_dma source(%arg11 : memref<32x128xf32, #tpu.memory_space<vmem>>) target(%dma_start3A_86 : memref<32x128xf32, #tpu.memory_space<vmem_shared>>) target_semaphore(%arg24 : memref<!tpu.dma_semaphore, #tpu.memory_space<semaphore_mem>>)
    %mul3A_87 = arith.constant 640 : i32
    %mul3A_88 = arith.muli %arg1, %mul3A_87 : i32
    %add3A_89 = arith.constant 320 : i32
    %add3A_90 = arith.addi %mul3A_88, %add3A_89 : i32
    %dma_start3A_91 = arith.constant 0 : i32
    %dma_start3A_92 = tpu.memref_slice %arg6[%add3A_90, %dma_start3A_91] : memref<10240x128xf32, #tpu.memory_space<vmem_shared>> -> memref<32x128xf32, #tpu.memory_space<vmem_shared>>
    %dma_start3A_93 = arith.constant 0 : i32
    %dma_start3A_94 = tpu.memref_slice %arg6[%add3A_90, %dma_start3A_93] : memref<10240x128xf32, #tpu.memory_space<vmem_shared>> -> memref<32x128xf32, #tpu.memory_space<vmem_shared>>
    tpu.enqueue_dma source(%arg11 : memref<32x128xf32, #tpu.memory_space<vmem>>) target(%dma_start3A_94 : memref<32x128xf32, #tpu.memory_space<vmem_shared>>) target_semaphore(%arg24 : memref<!tpu.dma_semaphore, #tpu.memory_space<semaphore_mem>>)
    %mul3A_95 = arith.constant 640 : i32
    %mul3A_96 = arith.muli %arg1, %mul3A_95 : i32
    %add3A_97 = arith.constant 352 : i32
    %add3A_98 = arith.addi %mul3A_96, %add3A_97 : i32
    %dma_start3A_99 = arith.constant 0 : i32
    %dma_start3A_100 = tpu.memref_slice %arg6[%add3A_98, %dma_start3A_99] : memref<10240x128xf32, #tpu.memory_space<vmem_shared>> -> memref<32x128xf32, #tpu.memory_space<vmem_shared>>
    %dma_start3A_101 = arith.constant 0 : i32
    %dma_start3A_102 = tpu.memref_slice %arg6[%add3A_98, %dma_start3A_101] : memref<10240x128xf32, #tpu.memory_space<vmem_shared>> -> memref<32x128xf32, #tpu.memory_space<vmem_shared>>
    tpu.enqueue_dma source(%arg11 : memref<32x128xf32, #tpu.memory_space<vmem>>) target(%dma_start3A_102 : memref<32x128xf32, #tpu.memory_space<vmem_shared>>) target_semaphore(%arg24 : memref<!tpu.dma_semaphore, #tpu.memory_space<semaphore_mem>>)
    %mul3A_103 = arith.constant 640 : i32
    %mul3A_104 = arith.muli %arg1, %mul3A_103 : i32
    %add3A_105 = arith.constant 384 : i32
    %add3A_106 = arith.addi %mul3A_104, %add3A_105 : i32
    %dma_start3A_107 = arith.constant 0 : i32
    %dma_start3A_108 = tpu.memref_slice %arg6[%add3A_106, %dma_start3A_107] : memref<10240x128xf32, #tpu.memory_space<vmem_shared>> -> memref<32x128xf32, #tpu.memory_space<vmem_shared>>
    %dma_start3A_109 = arith.constant 0 : i32
    %dma_start3A_110 = tpu.memref_slice %arg6[%add3A_106, %dma_start3A_109] : memref<10240x128xf32, #tpu.memory_space<vmem_shared>> -> memref<32x128xf32, #tpu.memory_space<vmem_shared>>
    tpu.enqueue_dma source(%arg11 : memref<32x128xf32, #tpu.memory_space<vmem>>) target(%dma_start3A_110 : memref<32x128xf32, #tpu.memory_space<vmem_shared>>) target_semaphore(%arg24 : memref<!tpu.dma_semaphore, #tpu.memory_space<semaphore_mem>>)
    %mul3A_111 = arith.constant 640 : i32
    %mul3A_112 = arith.muli %arg1, %mul3A_111 : i32
    %add3A_113 = arith.constant 416 : i32
    %add3A_114 = arith.addi %mul3A_112, %add3A_113 : i32
    %dma_start3A_115 = arith.constant 0 : i32
    %dma_start3A_116 = tpu.memref_slice %arg6[%add3A_114, %dma_start3A_115] : memref<10240x128xf32, #tpu.memory_space<vmem_shared>> -> memref<32x128xf32, #tpu.memory_space<vmem_shared>>
    %dma_start3A_117 = arith.constant 0 : i32
    %dma_start3A_118 = tpu.memref_slice %arg6[%add3A_114, %dma_start3A_117] : memref<10240x128xf32, #tpu.memory_space<vmem_shared>> -> memref<32x128xf32, #tpu.memory_space<vmem_shared>>
    tpu.enqueue_dma source(%arg11 : memref<32x128xf32, #tpu.memory_space<vmem>>) target(%dma_start3A_118 : memref<32x128xf32, #tpu.memory_space<vmem_shared>>) target_semaphore(%arg24 : memref<!tpu.dma_semaphore, #tpu.memory_space<semaphore_mem>>)
    %mul3A_119 = arith.constant 640 : i32
    %mul3A_120 = arith.muli %arg1, %mul3A_119 : i32
    %add3A_121 = arith.constant 448 : i32
    %add3A_122 = arith.addi %mul3A_120, %add3A_121 : i32
    %dma_start3A_123 = arith.constant 0 : i32
    %dma_start3A_124 = tpu.memref_slice %arg6[%add3A_122, %dma_start3A_123] : memref<10240x128xf32, #tpu.memory_space<vmem_shared>> -> memref<32x128xf32, #tpu.memory_space<vmem_shared>>
    %dma_start3A_125 = arith.constant 0 : i32
    %dma_start3A_126 = tpu.memref_slice %arg6[%add3A_122, %dma_start3A_125] : memref<10240x128xf32, #tpu.memory_space<vmem_shared>> -> memref<32x128xf32, #tpu.memory_space<vmem_shared>>
    tpu.enqueue_dma source(%arg11 : memref<32x128xf32, #tpu.memory_space<vmem>>) target(%dma_start3A_126 : memref<32x128xf32, #tpu.memory_space<vmem_shared>>) target_semaphore(%arg24 : memref<!tpu.dma_semaphore, #tpu.memory_space<semaphore_mem>>)
    %mul3A_127 = arith.constant 640 : i32
    %mul3A_128 = arith.muli %arg1, %mul3A_127 : i32
    %add3A_129 = arith.constant 480 : i32
    %add3A_130 = arith.addi %mul3A_128, %add3A_129 : i32
    %dma_start3A_131 = arith.constant 0 : i32
    %dma_start3A_132 = tpu.memref_slice %arg6[%add3A_130, %dma_start3A_131] : memref<10240x128xf32, #tpu.memory_space<vmem_shared>> -> memref<32x128xf32, #tpu.memory_space<vmem_shared>>
    %dma_start3A_133 = arith.constant 0 : i32
    %dma_start3A_134 = tpu.memref_slice %arg6[%add3A_130, %dma_start3A_133] : memref<10240x128xf32, #tpu.memory_space<vmem_shared>> -> memref<32x128xf32, #tpu.memory_space<vmem_shared>>
    tpu.enqueue_dma source(%arg11 : memref<32x128xf32, #tpu.memory_space<vmem>>) target(%dma_start3A_134 : memref<32x128xf32, #tpu.memory_space<vmem_shared>>) target_semaphore(%arg24 : memref<!tpu.dma_semaphore, #tpu.memory_space<semaphore_mem>>)
    %mul3A_135 = arith.constant 640 : i32
    %mul3A_136 = arith.muli %arg1, %mul3A_135 : i32
    %add3A_137 = arith.constant 512 : i32
    %add3A_138 = arith.addi %mul3A_136, %add3A_137 : i32
    %dma_start3A_139 = arith.constant 0 : i32
    %dma_start3A_140 = tpu.memref_slice %arg6[%add3A_138, %dma_start3A_139] : memref<10240x128xf32, #tpu.memory_space<vmem_shared>> -> memref<32x128xf32, #tpu.memory_space<vmem_shared>>
    %dma_start3A_141 = arith.constant 0 : i32
    %dma_start3A_142 = tpu.memref_slice %arg6[%add3A_138, %dma_start3A_141] : memref<10240x128xf32, #tpu.memory_space<vmem_shared>> -> memref<32x128xf32, #tpu.memory_space<vmem_shared>>
    tpu.enqueue_dma source(%arg11 : memref<32x128xf32, #tpu.memory_space<vmem>>) target(%dma_start3A_142 : memref<32x128xf32, #tpu.memory_space<vmem_shared>>) target_semaphore(%arg24 : memref<!tpu.dma_semaphore, #tpu.memory_space<semaphore_mem>>)
    %mul3A_143 = arith.constant 640 : i32
    %mul3A_144 = arith.muli %arg1, %mul3A_143 : i32
    %add3A_145 = arith.constant 544 : i32
    %add3A_146 = arith.addi %mul3A_144, %add3A_145 : i32
    %dma_start3A_147 = arith.constant 0 : i32
    %dma_start3A_148 = tpu.memref_slice %arg6[%add3A_146, %dma_start3A_147] : memref<10240x128xf32, #tpu.memory_space<vmem_shared>> -> memref<32x128xf32, #tpu.memory_space<vmem_shared>>
    %dma_start3A_149 = arith.constant 0 : i32
    %dma_start3A_150 = tpu.memref_slice %arg6[%add3A_146, %dma_start3A_149] : memref<10240x128xf32, #tpu.memory_space<vmem_shared>> -> memref<32x128xf32, #tpu.memory_space<vmem_shared>>
    tpu.enqueue_dma source(%arg11 : memref<32x128xf32, #tpu.memory_space<vmem>>) target(%dma_start3A_150 : memref<32x128xf32, #tpu.memory_space<vmem_shared>>) target_semaphore(%arg24 : memref<!tpu.dma_semaphore, #tpu.memory_space<semaphore_mem>>)
    %mul3A_151 = arith.constant 640 : i32
    %mul3A_152 = arith.muli %arg1, %mul3A_151 : i32
    %add3A_153 = arith.constant 576 : i32
    %add3A_154 = arith.addi %mul3A_152, %add3A_153 : i32
    %dma_start3A_155 = arith.constant 0 : i32
    %dma_start3A_156 = tpu.memref_slice %arg6[%add3A_154, %dma_start3A_155] : memref<10240x128xf32, #tpu.memory_space<vmem_shared>> -> memref<32x128xf32, #tpu.memory_space<vmem_shared>>
    %dma_start3A_157 = arith.constant 0 : i32
    %dma_start3A_158 = tpu.memref_slice %arg6[%add3A_154, %dma_start3A_157] : memref<10240x128xf32, #tpu.memory_space<vmem_shared>> -> memref<32x128xf32, #tpu.memory_space<vmem_shared>>
    tpu.enqueue_dma source(%arg11 : memref<32x128xf32, #tpu.memory_space<vmem>>) target(%dma_start3A_158 : memref<32x128xf32, #tpu.memory_space<vmem_shared>>) target_semaphore(%arg24 : memref<!tpu.dma_semaphore, #tpu.memory_space<semaphore_mem>>)
    %mul3A_159 = arith.constant 640 : i32
    %mul3A_160 = arith.muli %arg1, %mul3A_159 : i32
    %add3A_161 = arith.constant 608 : i32
    %add3A_162 = arith.addi %mul3A_160, %add3A_161 : i32
    %dma_start3A_163 = arith.constant 0 : i32
    %dma_start3A_164 = tpu.memref_slice %arg6[%add3A_162, %dma_start3A_163] : memref<10240x128xf32, #tpu.memory_space<vmem_shared>> -> memref<32x128xf32, #tpu.memory_space<vmem_shared>>
    %dma_start3A_165 = arith.constant 0 : i32
    %dma_start3A_166 = tpu.memref_slice %arg6[%add3A_162, %dma_start3A_165] : memref<10240x128xf32, #tpu.memory_space<vmem_shared>> -> memref<32x128xf32, #tpu.memory_space<vmem_shared>>
    tpu.enqueue_dma source(%arg11 : memref<32x128xf32, #tpu.memory_space<vmem>>) target(%dma_start3A_166 : memref<32x128xf32, #tpu.memory_space<vmem_shared>>) target_semaphore(%arg24 : memref<!tpu.dma_semaphore, #tpu.memory_space<semaphore_mem>>)
    %dma_wait3A = arith.constant 0 : i32
    %dma_wait3A_167 = tpu.memref_slice %arg6[%add3A_11, %dma_wait3A] : memref<10240x128xf32, #tpu.memory_space<vmem_shared>> -> memref<32x128xf32, #tpu.memory_space<vmem_shared>>
    %dma_wait3A_168 = arith.constant 0 : i32
    %dma_wait3A_169 = tpu.memref_slice %arg6[%add3A_11, %dma_wait3A_168] : memref<10240x128xf32, #tpu.memory_space<vmem_shared>> -> memref<32x128xf32, #tpu.memory_space<vmem_shared>>
    tpu.wait_dma2 semaphore(%arg24 : memref<!tpu.dma_semaphore, #tpu.memory_space<semaphore_mem>>) src(%arg11 : memref<32x128xf32, #tpu.memory_space<vmem>>) dst(%dma_wait3A_169 : memref<32x128xf32, #tpu.memory_space<vmem_shared>>)
    %dma_wait3A_170 = arith.constant 0 : i32
    %dma_wait3A_171 = tpu.memref_slice %arg6[%add3A_18, %dma_wait3A_170] : memref<10240x128xf32, #tpu.memory_space<vmem_shared>> -> memref<32x128xf32, #tpu.memory_space<vmem_shared>>
    %dma_wait3A_172 = arith.constant 0 : i32
    %dma_wait3A_173 = tpu.memref_slice %arg6[%add3A_18, %dma_wait3A_172] : memref<10240x128xf32, #tpu.memory_space<vmem_shared>> -> memref<32x128xf32, #tpu.memory_space<vmem_shared>>
    tpu.wait_dma2 semaphore(%arg24 : memref<!tpu.dma_semaphore, #tpu.memory_space<semaphore_mem>>) src(%arg11 : memref<32x128xf32, #tpu.memory_space<vmem>>) dst(%dma_wait3A_173 : memref<32x128xf32, #tpu.memory_space<vmem_shared>>)
    %dma_wait3A_174 = arith.constant 0 : i32
    %dma_wait3A_175 = tpu.memref_slice %arg6[%add3A_26, %dma_wait3A_174] : memref<10240x128xf32, #tpu.memory_space<vmem_shared>> -> memref<32x128xf32, #tpu.memory_space<vmem_shared>>
    %dma_wait3A_176 = arith.constant 0 : i32
    %dma_wait3A_177 = tpu.memref_slice %arg6[%add3A_26, %dma_wait3A_176] : memref<10240x128xf32, #tpu.memory_space<vmem_shared>> -> memref<32x128xf32, #tpu.memory_space<vmem_shared>>
    tpu.wait_dma2 semaphore(%arg24 : memref<!tpu.dma_semaphore, #tpu.memory_space<semaphore_mem>>) src(%arg11 : memref<32x128xf32, #tpu.memory_space<vmem>>) dst(%dma_wait3A_177 : memref<32x128xf32, #tpu.memory_space<vmem_shared>>)
    %dma_wait3A_178 = arith.constant 0 : i32
    %dma_wait3A_179 = tpu.memref_slice %arg6[%add3A_34, %dma_wait3A_178] : memref<10240x128xf32, #tpu.memory_space<vmem_shared>> -> memref<32x128xf32, #tpu.memory_space<vmem_shared>>
    %dma_wait3A_180 = arith.constant 0 : i32
    %dma_wait3A_181 = tpu.memref_slice %arg6[%add3A_34, %dma_wait3A_180] : memref<10240x128xf32, #tpu.memory_space<vmem_shared>> -> memref<32x128xf32, #tpu.memory_space<vmem_shared>>
    tpu.wait_dma2 semaphore(%arg24 : memref<!tpu.dma_semaphore, #tpu.memory_space<semaphore_mem>>) src(%arg11 : memref<32x128xf32, #tpu.memory_space<vmem>>) dst(%dma_wait3A_181 : memref<32x128xf32, #tpu.memory_space<vmem_shared>>)
    %dma_wait3A_182 = arith.constant 0 : i32
    %dma_wait3A_183 = tpu.memref_slice %arg6[%add3A_42, %dma_wait3A_182] : memref<10240x128xf32, #tpu.memory_space<vmem_shared>> -> memref<32x128xf32, #tpu.memory_space<vmem_shared>>
    %dma_wait3A_184 = arith.constant 0 : i32
    %dma_wait3A_185 = tpu.memref_slice %arg6[%add3A_42, %dma_wait3A_184] : memref<10240x128xf32, #tpu.memory_space<vmem_shared>> -> memref<32x128xf32, #tpu.memory_space<vmem_shared>>
    tpu.wait_dma2 semaphore(%arg24 : memref<!tpu.dma_semaphore, #tpu.memory_space<semaphore_mem>>) src(%arg11 : memref<32x128xf32, #tpu.memory_space<vmem>>) dst(%dma_wait3A_185 : memref<32x128xf32, #tpu.memory_space<vmem_shared>>)
    %dma_wait3A_186 = arith.constant 0 : i32
    %dma_wait3A_187 = tpu.memref_slice %arg6[%add3A_50, %dma_wait3A_186] : memref<10240x128xf32, #tpu.memory_space<vmem_shared>> -> memref<32x128xf32, #tpu.memory_space<vmem_shared>>
    %dma_wait3A_188 = arith.constant 0 : i32
    %dma_wait3A_189 = tpu.memref_slice %arg6[%add3A_50, %dma_wait3A_188] : memref<10240x128xf32, #tpu.memory_space<vmem_shared>> -> memref<32x128xf32, #tpu.memory_space<vmem_shared>>
    tpu.wait_dma2 semaphore(%arg24 : memref<!tpu.dma_semaphore, #tpu.memory_space<semaphore_mem>>) src(%arg11 : memref<32x128xf32, #tpu.memory_space<vmem>>) dst(%dma_wait3A_189 : memref<32x128xf32, #tpu.memory_space<vmem_shared>>)
    %dma_wait3A_190 = arith.constant 0 : i32
    %dma_wait3A_191 = tpu.memref_slice %arg6[%add3A_58, %dma_wait3A_190] : memref<10240x128xf32, #tpu.memory_space<vmem_shared>> -> memref<32x128xf32, #tpu.memory_space<vmem_shared>>
    %dma_wait3A_192 = arith.constant 0 : i32
    %dma_wait3A_193 = tpu.memref_slice %arg6[%add3A_58, %dma_wait3A_192] : memref<10240x128xf32, #tpu.memory_space<vmem_shared>> -> memref<32x128xf32, #tpu.memory_space<vmem_shared>>
    tpu.wait_dma2 semaphore(%arg24 : memref<!tpu.dma_semaphore, #tpu.memory_space<semaphore_mem>>) src(%arg11 : memref<32x128xf32, #tpu.memory_space<vmem>>) dst(%dma_wait3A_193 : memref<32x128xf32, #tpu.memory_space<vmem_shared>>)
    %dma_wait3A_194 = arith.constant 0 : i32
    %dma_wait3A_195 = tpu.memref_slice %arg6[%add3A_66, %dma_wait3A_194] : memref<10240x128xf32, #tpu.memory_space<vmem_shared>> -> memref<32x128xf32, #tpu.memory_space<vmem_shared>>
    %dma_wait3A_196 = arith.constant 0 : i32
    %dma_wait3A_197 = tpu.memref_slice %arg6[%add3A_66, %dma_wait3A_196] : memref<10240x128xf32, #tpu.memory_space<vmem_shared>> -> memref<32x128xf32, #tpu.memory_space<vmem_shared>>
    tpu.wait_dma2 semaphore(%arg24 : memref<!tpu.dma_semaphore, #tpu.memory_space<semaphore_mem>>) src(%arg11 : memref<32x128xf32, #tpu.memory_space<vmem>>) dst(%dma_wait3A_197 : memref<32x128xf32, #tpu.memory_space<vmem_shared>>)
    %dma_wait3A_198 = arith.constant 0 : i32
    %dma_wait3A_199 = tpu.memref_slice %arg6[%add3A_74, %dma_wait3A_198] : memref<10240x128xf32, #tpu.memory_space<vmem_shared>> -> memref<32x128xf32, #tpu.memory_space<vmem_shared>>
    %dma_wait3A_200 = arith.constant 0 : i32
    %dma_wait3A_201 = tpu.memref_slice %arg6[%add3A_74, %dma_wait3A_200] : memref<10240x128xf32, #tpu.memory_space<vmem_shared>> -> memref<32x128xf32, #tpu.memory_space<vmem_shared>>
    tpu.wait_dma2 semaphore(%arg24 : memref<!tpu.dma_semaphore, #tpu.memory_space<semaphore_mem>>) src(%arg11 : memref<32x128xf32, #tpu.memory_space<vmem>>) dst(%dma_wait3A_201 : memref<32x128xf32, #tpu.memory_space<vmem_shared>>)
    %dma_wait3A_202 = arith.constant 0 : i32
    %dma_wait3A_203 = tpu.memref_slice %arg6[%add3A_82, %dma_wait3A_202] : memref<10240x128xf32, #tpu.memory_space<vmem_shared>> -> memref<32x128xf32, #tpu.memory_space<vmem_shared>>
    %dma_wait3A_204 = arith.constant 0 : i32
    %dma_wait3A_205 = tpu.memref_slice %arg6[%add3A_82, %dma_wait3A_204] : memref<10240x128xf32, #tpu.memory_space<vmem_shared>> -> memref<32x128xf32, #tpu.memory_space<vmem_shared>>
    tpu.wait_dma2 semaphore(%arg24 : memref<!tpu.dma_semaphore, #tpu.memory_space<semaphore_mem>>) src(%arg11 : memref<32x128xf32, #tpu.memory_space<vmem>>) dst(%dma_wait3A_205 : memref<32x128xf32, #tpu.memory_space<vmem_shared>>)
    %dma_wait3A_206 = arith.constant 0 : i32
    %dma_wait3A_207 = tpu.memref_slice %arg6[%add3A_90, %dma_wait3A_206] : memref<10240x128xf32, #tpu.memory_space<vmem_shared>> -> memref<32x128xf32, #tpu.memory_space<vmem_shared>>
    %dma_wait3A_208 = arith.constant 0 : i32
    %dma_wait3A_209 = tpu.memref_slice %arg6[%add3A_90, %dma_wait3A_208] : memref<10240x128xf32, #tpu.memory_space<vmem_shared>> -> memref<32x128xf32, #tpu.memory_space<vmem_shared>>
    tpu.wait_dma2 semaphore(%arg24 : memref<!tpu.dma_semaphore, #tpu.memory_space<semaphore_mem>>) src(%arg11 : memref<32x128xf32, #tpu.memory_space<vmem>>) dst(%dma_wait3A_209 : memref<32x128xf32, #tpu.memory_space<vmem_shared>>)
    %dma_wait3A_210 = arith.constant 0 : i32
    %dma_wait3A_211 = tpu.memref_slice %arg6[%add3A_98, %dma_wait3A_210] : memref<10240x128xf32, #tpu.memory_space<vmem_shared>> -> memref<32x128xf32, #tpu.memory_space<vmem_shared>>
    %dma_wait3A_212 = arith.constant 0 : i32
    %dma_wait3A_213 = tpu.memref_slice %arg6[%add3A_98, %dma_wait3A_212] : memref<10240x128xf32, #tpu.memory_space<vmem_shared>> -> memref<32x128xf32, #tpu.memory_space<vmem_shared>>
    tpu.wait_dma2 semaphore(%arg24 : memref<!tpu.dma_semaphore, #tpu.memory_space<semaphore_mem>>) src(%arg11 : memref<32x128xf32, #tpu.memory_space<vmem>>) dst(%dma_wait3A_213 : memref<32x128xf32, #tpu.memory_space<vmem_shared>>)
    %dma_wait3A_214 = arith.constant 0 : i32
    %dma_wait3A_215 = tpu.memref_slice %arg6[%add3A_106, %dma_wait3A_214] : memref<10240x128xf32, #tpu.memory_space<vmem_shared>> -> memref<32x128xf32, #tpu.memory_space<vmem_shared>>
    %dma_wait3A_216 = arith.constant 0 : i32
    %dma_wait3A_217 = tpu.memref_slice %arg6[%add3A_106, %dma_wait3A_216] : memref<10240x128xf32, #tpu.memory_space<vmem_shared>> -> memref<32x128xf32, #tpu.memory_space<vmem_shared>>
    tpu.wait_dma2 semaphore(%arg24 : memref<!tpu.dma_semaphore, #tpu.memory_space<semaphore_mem>>) src(%arg11 : memref<32x128xf32, #tpu.memory_space<vmem>>) dst(%dma_wait3A_217 : memref<32x128xf32, #tpu.memory_space<vmem_shared>>)
    %dma_wait3A_218 = arith.constant 0 : i32
    %dma_wait3A_219 = tpu.memref_slice %arg6[%add3A_114, %dma_wait3A_218] : memref<10240x128xf32, #tpu.memory_space<vmem_shared>> -> memref<32x128xf32, #tpu.memory_space<vmem_shared>>
    %dma_wait3A_220 = arith.constant 0 : i32
    %dma_wait3A_221 = tpu.memref_slice %arg6[%add3A_114, %dma_wait3A_220] : memref<10240x128xf32, #tpu.memory_space<vmem_shared>> -> memref<32x128xf32, #tpu.memory_space<vmem_shared>>
    tpu.wait_dma2 semaphore(%arg24 : memref<!tpu.dma_semaphore, #tpu.memory_space<semaphore_mem>>) src(%arg11 : memref<32x128xf32, #tpu.memory_space<vmem>>) dst(%dma_wait3A_221 : memref<32x128xf32, #tpu.memory_space<vmem_shared>>)
    %dma_wait3A_222 = arith.constant 0 : i32
    %dma_wait3A_223 = tpu.memref_slice %arg6[%add3A_122, %dma_wait3A_222] : memref<10240x128xf32, #tpu.memory_space<vmem_shared>> -> memref<32x128xf32, #tpu.memory_space<vmem_shared>>
    %dma_wait3A_224 = arith.constant 0 : i32
    %dma_wait3A_225 = tpu.memref_slice %arg6[%add3A_122, %dma_wait3A_224] : memref<10240x128xf32, #tpu.memory_space<vmem_shared>> -> memref<32x128xf32, #tpu.memory_space<vmem_shared>>
    tpu.wait_dma2 semaphore(%arg24 : memref<!tpu.dma_semaphore, #tpu.memory_space<semaphore_mem>>) src(%arg11 : memref<32x128xf32, #tpu.memory_space<vmem>>) dst(%dma_wait3A_225 : memref<32x128xf32, #tpu.memory_space<vmem_shared>>)
    %dma_wait3A_226 = arith.constant 0 : i32
    %dma_wait3A_227 = tpu.memref_slice %arg6[%add3A_130, %dma_wait3A_226] : memref<10240x128xf32, #tpu.memory_space<vmem_shared>> -> memref<32x128xf32, #tpu.memory_space<vmem_shared>>
    %dma_wait3A_228 = arith.constant 0 : i32
    %dma_wait3A_229 = tpu.memref_slice %arg6[%add3A_130, %dma_wait3A_228] : memref<10240x128xf32, #tpu.memory_space<vmem_shared>> -> memref<32x128xf32, #tpu.memory_space<vmem_shared>>
    tpu.wait_dma2 semaphore(%arg24 : memref<!tpu.dma_semaphore, #tpu.memory_space<semaphore_mem>>) src(%arg11 : memref<32x128xf32, #tpu.memory_space<vmem>>) dst(%dma_wait3A_229 : memref<32x128xf32, #tpu.memory_space<vmem_shared>>)
    %dma_wait3A_230 = arith.constant 0 : i32
    %dma_wait3A_231 = tpu.memref_slice %arg6[%add3A_138, %dma_wait3A_230] : memref<10240x128xf32, #tpu.memory_space<vmem_shared>> -> memref<32x128xf32, #tpu.memory_space<vmem_shared>>
    %dma_wait3A_232 = arith.constant 0 : i32
    %dma_wait3A_233 = tpu.memref_slice %arg6[%add3A_138, %dma_wait3A_232] : memref<10240x128xf32, #tpu.memory_space<vmem_shared>> -> memref<32x128xf32, #tpu.memory_space<vmem_shared>>
    tpu.wait_dma2 semaphore(%arg24 : memref<!tpu.dma_semaphore, #tpu.memory_space<semaphore_mem>>) src(%arg11 : memref<32x128xf32, #tpu.memory_space<vmem>>) dst(%dma_wait3A_233 : memref<32x128xf32, #tpu.memory_space<vmem_shared>>)
    %dma_wait3A_234 = arith.constant 0 : i32
    %dma_wait3A_235 = tpu.memref_slice %arg6[%add3A_146, %dma_wait3A_234] : memref<10240x128xf32, #tpu.memory_space<vmem_shared>> -> memref<32x128xf32, #tpu.memory_space<vmem_shared>>
    %dma_wait3A_236 = arith.constant 0 : i32
    %dma_wait3A_237 = tpu.memref_slice %arg6[%add3A_146, %dma_wait3A_236] : memref<10240x128xf32, #tpu.memory_space<vmem_shared>> -> memref<32x128xf32, #tpu.memory_space<vmem_shared>>
    tpu.wait_dma2 semaphore(%arg24 : memref<!tpu.dma_semaphore, #tpu.memory_space<semaphore_mem>>) src(%arg11 : memref<32x128xf32, #tpu.memory_space<vmem>>) dst(%dma_wait3A_237 : memref<32x128xf32, #tpu.memory_space<vmem_shared>>)
    %dma_wait3A_238 = arith.constant 0 : i32
    %dma_wait3A_239 = tpu.memref_slice %arg6[%add3A_154, %dma_wait3A_238] : memref<10240x128xf32, #tpu.memory_space<vmem_shared>> -> memref<32x128xf32, #tpu.memory_space<vmem_shared>>
    %dma_wait3A_240 = arith.constant 0 : i32
    %dma_wait3A_241 = tpu.memref_slice %arg6[%add3A_154, %dma_wait3A_240] : memref<10240x128xf32, #tpu.memory_space<vmem_shared>> -> memref<32x128xf32, #tpu.memory_space<vmem_shared>>
    tpu.wait_dma2 semaphore(%arg24 : memref<!tpu.dma_semaphore, #tpu.memory_space<semaphore_mem>>) src(%arg11 : memref<32x128xf32, #tpu.memory_space<vmem>>) dst(%dma_wait3A_241 : memref<32x128xf32, #tpu.memory_space<vmem_shared>>)
    %dma_wait3A_242 = arith.constant 0 : i32
    %dma_wait3A_243 = tpu.memref_slice %arg6[%add3A_162, %dma_wait3A_242] : memref<10240x128xf32, #tpu.memory_space<vmem_shared>> -> memref<32x128xf32, #tpu.memory_space<vmem_shared>>
    %dma_wait3A_244 = arith.constant 0 : i32
    %dma_wait3A_245 = tpu.memref_slice %arg6[%add3A_162, %dma_wait3A_244] : memref<10240x128xf32, #tpu.memory_space<vmem_shared>> -> memref<32x128xf32, #tpu.memory_space<vmem_shared>>
    tpu.wait_dma2 semaphore(%arg24 : memref<!tpu.dma_semaphore, #tpu.memory_space<semaphore_mem>>) src(%arg11 : memref<32x128xf32, #tpu.memory_space<vmem>>) dst(%dma_wait3A_245 : memref<32x128xf32, #tpu.memory_space<vmem_shared>>)
    %barrier3A = arith.constant 0 : index
    tpu.barrier barrier_id(%barrier3A)
    %scan3A_246 = arith.constant 0 : i32
    %scan3A_247 = arith.constant 0 : i32
    %scan3A_248 = arith.constant 80 : i32
    %scan3A_249 = arith.addi %scan3A_247, %scan3A_248 : i32
    %scan3A_250 = arith.constant 1 : i32
    %scan3A_251 = scf.for %scan3A_261 = %scan3A_247 to %scan3A_249 step %scan3A_250 iter_args(%scan3A_262 = %scan3A_246) -> (i32)  : i32 {
      %mul3A_263 = arith.constant 32 : i32
      %mul3A_264 = arith.muli %scan3A_261, %mul3A_263 : i32
      %add3A_265 = arith.addi %mul3A_264, %add3A : i32
      %mul3A_266 = arith.constant 128 : i32
      %mul3A_267 = arith.muli %add3A_265, %mul3A_266 : i32
      %run_scoped3A = arith.constant 0 : i32
      "tpu.region"() ({
        %run_scoped3A_285 = tpu.sem_alloc : memref<!tpu.dma_semaphore, #tpu.memory_space<semaphore_mem>>
        %dma_start3A_286 = arith.constant 0 : i32
        %dma_start3A_287 = tpu.memref_slice %arg7[%run_scoped3A, %dma_start3A_286] : memref<4x128xi32, #tpu.memory_space<vmem>> -> memref<1x128xi32, #tpu.memory_space<vmem>>
        %dma_start3A_288 = tpu.memref_squeeze %dma_start3A_287 : memref<1x128xi32, #tpu.memory_space<vmem>> -> memref<128xi32, #tpu.memory_space<vmem>>
        %dma_start3A_289 = tpu.memref_slice %arg3[%mul3A_267] : memref<327680xi32, #tpu.memory_space<hbm>> -> memref<128xi32, #tpu.memory_space<hbm>>
        %dma_start3A_290 = arith.constant 0 : i32
        %dma_start3A_291 = tpu.memref_slice %arg7[%run_scoped3A, %dma_start3A_290] : memref<4x128xi32, #tpu.memory_space<vmem>> -> memref<1x128xi32, #tpu.memory_space<vmem>>
        %dma_start3A_292 = tpu.memref_squeeze %dma_start3A_291 : memref<1x128xi32, #tpu.memory_space<vmem>> -> memref<128xi32, #tpu.memory_space<vmem>>
        %dma_start3A_293 = tpu.memref_slice %arg3[%mul3A_267] : memref<327680xi32, #tpu.memory_space<hbm>> -> memref<128xi32, #tpu.memory_space<hbm>>
        tpu.enqueue_dma source(%dma_start3A_293 : memref<128xi32, #tpu.memory_space<hbm>>) target(%dma_start3A_292 : memref<128xi32, #tpu.memory_space<vmem>>) target_semaphore(%run_scoped3A_285 : memref<!tpu.dma_semaphore, #tpu.memory_space<semaphore_mem>>)
        %dma_wait3A_294 = arith.constant 0 : i32
        %dma_wait3A_295 = tpu.memref_slice %arg7[%run_scoped3A, %dma_wait3A_294] : memref<4x128xi32, #tpu.memory_space<vmem>> -> memref<1x128xi32, #tpu.memory_space<vmem>>
        %dma_wait3A_296 = tpu.memref_squeeze %dma_wait3A_295 : memref<1x128xi32, #tpu.memory_space<vmem>> -> memref<128xi32, #tpu.memory_space<vmem>>
        %dma_wait3A_297 = tpu.memref_slice %arg3[%mul3A_267] : memref<327680xi32, #tpu.memory_space<hbm>> -> memref<128xi32, #tpu.memory_space<hbm>>
        %dma_wait3A_298 = arith.constant 0 : i32
        %dma_wait3A_299 = tpu.memref_slice %arg7[%run_scoped3A, %dma_wait3A_298] : memref<4x128xi32, #tpu.memory_space<vmem>> -> memref<1x128xi32, #tpu.memory_space<vmem>>
        %dma_wait3A_300 = tpu.memref_squeeze %dma_wait3A_299 : memref<1x128xi32, #tpu.memory_space<vmem>> -> memref<128xi32, #tpu.memory_space<vmem>>
        %dma_wait3A_301 = tpu.memref_slice %arg3[%mul3A_267] : memref<327680xi32, #tpu.memory_space<hbm>> -> memref<128xi32, #tpu.memory_space<hbm>>
        tpu.wait_dma2 semaphore(%run_scoped3A_285 : memref<!tpu.dma_semaphore, #tpu.memory_space<semaphore_mem>>) src(%dma_wait3A_301 : memref<128xi32, #tpu.memory_space<hbm>>) dst(%dma_wait3A_300 : memref<128xi32, #tpu.memory_space<vmem>>)
        tpu.yield
      }) : () -> ()
      %run_scoped3A_268 = arith.constant 0 : i32
      "tpu.region"() ({
        %run_scoped3A_285 = tpu.sem_alloc : memref<!tpu.dma_semaphore, #tpu.memory_space<semaphore_mem>>
        %dma_start3A_286 = arith.constant 0 : i32
        %dma_start3A_287 = tpu.memref_slice %arg8[%run_scoped3A_268, %dma_start3A_286] : memref<4x128xi32, #tpu.memory_space<vmem>> -> memref<1x128xi32, #tpu.memory_space<vmem>>
        %dma_start3A_288 = tpu.memref_squeeze %dma_start3A_287 : memref<1x128xi32, #tpu.memory_space<vmem>> -> memref<128xi32, #tpu.memory_space<vmem>>
        %dma_start3A_289 = tpu.memref_slice %arg4[%mul3A_267] : memref<327680xi32, #tpu.memory_space<hbm>> -> memref<128xi32, #tpu.memory_space<hbm>>
        %dma_start3A_290 = arith.constant 0 : i32
        %dma_start3A_291 = tpu.memref_slice %arg8[%run_scoped3A_268, %dma_start3A_290] : memref<4x128xi32, #tpu.memory_space<vmem>> -> memref<1x128xi32, #tpu.memory_space<vmem>>
        %dma_start3A_292 = tpu.memref_squeeze %dma_start3A_291 : memref<1x128xi32, #tpu.memory_space<vmem>> -> memref<128xi32, #tpu.memory_space<vmem>>
        %dma_start3A_293 = tpu.memref_slice %arg4[%mul3A_267] : memref<327680xi32, #tpu.memory_space<hbm>> -> memref<128xi32, #tpu.memory_space<hbm>>
        tpu.enqueue_dma source(%dma_start3A_293 : memref<128xi32, #tpu.memory_space<hbm>>) target(%dma_start3A_292 : memref<128xi32, #tpu.memory_space<vmem>>) target_semaphore(%run_scoped3A_285 : memref<!tpu.dma_semaphore, #tpu.memory_space<semaphore_mem>>)
        %dma_wait3A_294 = arith.constant 0 : i32
        %dma_wait3A_295 = tpu.memref_slice %arg8[%run_scoped3A_268, %dma_wait3A_294] : memref<4x128xi32, #tpu.memory_space<vmem>> -> memref<1x128xi32, #tpu.memory_space<vmem>>
        %dma_wait3A_296 = tpu.memref_squeeze %dma_wait3A_295 : memref<1x128xi32, #tpu.memory_space<vmem>> -> memref<128xi32, #tpu.memory_space<vmem>>
        %dma_wait3A_297 = tpu.memref_slice %arg4[%mul3A_267] : memref<327680xi32, #tpu.memory_space<hbm>> -> memref<128xi32, #tpu.memory_space<hbm>>
        %dma_wait3A_298 = arith.constant 0 : i32
        %dma_wait3A_299 = tpu.memref_slice %arg8[%run_scoped3A_268, %dma_wait3A_298] : memref<4x128xi32, #tpu.memory_space<vmem>> -> memref<1x128xi32, #tpu.memory_space<vmem>>
        %dma_wait3A_300 = tpu.memref_squeeze %dma_wait3A_299 : memref<1x128xi32, #tpu.memory_space<vmem>> -> memref<128xi32, #tpu.memory_space<vmem>>
        %dma_wait3A_301 = tpu.memref_slice %arg4[%mul3A_267] : memref<327680xi32, #tpu.memory_space<hbm>> -> memref<128xi32, #tpu.memory_space<hbm>>
        tpu.wait_dma2 semaphore(%run_scoped3A_285 : memref<!tpu.dma_semaphore, #tpu.memory_space<semaphore_mem>>) src(%dma_wait3A_301 : memref<128xi32, #tpu.memory_space<hbm>>) dst(%dma_wait3A_300 : memref<128xi32, #tpu.memory_space<vmem>>)
        tpu.yield
      }) : () -> ()
      %dma_start3A_269 = arith.constant 0 : i32
      %dma_start3A_270 = arith.constant 0 : i32
      %dma_start3A_271 = tpu.memref_slice %arg7[%dma_start3A_269, %dma_start3A_270] : memref<4x128xi32, #tpu.memory_space<vmem>> -> memref<1x128xi32, #tpu.memory_space<vmem>>
      %dma_start3A_272 = tpu.memref_squeeze %dma_start3A_271 : memref<1x128xi32, #tpu.memory_space<vmem>> -> memref<128xi32, #tpu.memory_space<vmem>>
      %dma_start3A_273 = arith.constant 0 : i32
      %dma_start3A_274 = arith.constant 0 : i32
      %dma_start3A_275 = tpu.memref_slice %arg2[%dma_start3A_273, %dma_start3A_274] : memref<10000x128xf32, #tpu.memory_space<hbm>> -> memref<10000x128xf32, #tpu.memory_space<hbm>>
      tpu.enqueue_indirect_dma source(%dma_start3A_275 : memref<10000x128xf32, #tpu.memory_space<hbm>>) target(%arg9 : memref<128x128xf32, #tpu.memory_space<vmem>>) offsets(%dma_start3A_272 : memref<128xi32, #tpu.memory_space<vmem>>) semaphore(%arg20 : memref<!tpu.dma_semaphore, #tpu.memory_space<semaphore_mem>>)
      %dma_wait3A_276 = arith.constant 0 : i32
      %dma_wait3A_277 = arith.constant 0 : i32
      %dma_wait3A_278 = tpu.memref_slice %arg7[%dma_wait3A_276, %dma_wait3A_277] : memref<4x128xi32, #tpu.memory_space<vmem>> -> memref<1x128xi32, #tpu.memory_space<vmem>>
      %dma_wait3A_279 = tpu.memref_squeeze %dma_wait3A_278 : memref<1x128xi32, #tpu.memory_space<vmem>> -> memref<128xi32, #tpu.memory_space<vmem>>
      %dma_wait3A_280 = arith.constant 0 : i32
      %dma_wait3A_281 = arith.constant 0 : i32
      %dma_wait3A_282 = tpu.memref_slice %arg2[%dma_wait3A_280, %dma_wait3A_281] : memref<10000x128xf32, #tpu.memory_space<hbm>> -> memref<10000x128xf32, #tpu.memory_space<hbm>>
      tpu.wait_indirect_dma semaphore(%arg20 : memref<!tpu.dma_semaphore, #tpu.memory_space<semaphore_mem>>) src(%dma_wait3A_282 : memref<10000x128xf32, #tpu.memory_space<hbm>>) dst(%arg9 : memref<128x128xf32, #tpu.memory_space<vmem>>)
      %run_scoped3A_283 = arith.constant 0 : i32
      "tpu.region"() ({
        %run_scoped3A_285 = tpu.sem_alloc : memref<!tpu.dma_semaphore, #tpu.memory_space<semaphore_mem>>
        %dma_start3A_286 = arith.constant 0 : i32
        %dma_start3A_287 = tpu.memref_slice %arg8[%run_scoped3A_283, %dma_start3A_286] : memref<4x128xi32, #tpu.memory_space<vmem>> -> memref<1x128xi32, #tpu.memory_space<vmem>>
        %dma_start3A_288 = tpu.memref_squeeze %dma_start3A_287 : memref<1x128xi32, #tpu.memory_space<vmem>> -> memref<128xi32, #tpu.memory_space<vmem>>
        %dma_start3A_289 = arith.constant 0 : i32
        %dma_start3A_290 = arith.constant 0 : i32
        %dma_start3A_291 = tpu.memref_slice %arg6[%dma_start3A_289, %dma_start3A_290] : memref<10240x128xf32, #tpu.memory_space<vmem_shared>> -> memref<10240x128xf32, #tpu.memory_space<vmem_shared>>
        tpu.enqueue_indirect_dma source(%arg9 : memref<128x128xf32, #tpu.memory_space<vmem>>) target(%dma_start3A_291 : memref<10240x128xf32, #tpu.memory_space<vmem_shared>>) offsets(%dma_start3A_288 : memref<128xi32, #tpu.memory_space<vmem>>) semaphore(%run_scoped3A_285 : memref<!tpu.dma_semaphore, #tpu.memory_space<semaphore_mem>>) {add = true}
        %dma_wait3A_292 = arith.constant 0 : i32
        %dma_wait3A_293 = tpu.memref_slice %arg8[%run_scoped3A_283, %dma_wait3A_292] : memref<4x128xi32, #tpu.memory_space<vmem>> -> memref<1x128xi32, #tpu.memory_space<vmem>>
        %dma_wait3A_294 = tpu.memref_squeeze %dma_wait3A_293 : memref<1x128xi32, #tpu.memory_space<vmem>> -> memref<128xi32, #tpu.memory_space<vmem>>
        %dma_wait3A_295 = arith.constant 0 : i32
        %dma_wait3A_296 = arith.constant 0 : i32
        %dma_wait3A_297 = tpu.memref_slice %arg6[%dma_wait3A_295, %dma_wait3A_296] : memref<10240x128xf32, #tpu.memory_space<vmem_shared>> -> memref<10240x128xf32, #tpu.memory_space<vmem_shared>>
        tpu.wait_indirect_dma semaphore(%run_scoped3A_285 : memref<!tpu.dma_semaphore, #tpu.memory_space<semaphore_mem>>) src(%arg9 : memref<128x128xf32, #tpu.memory_space<vmem>>) dst(%dma_wait3A_297 : memref<10240x128xf32, #tpu.memory_space<vmem_shared>>)
        tpu.yield
      }) : () -> ()
      %scan3A_284 = arith.constant 0 : i32
      scf.yield %scan3A_284 : i32
    }
    %scan3A_252 = arith.constant 80 : i32
    %barrier3A_253 = arith.constant 0 : index
    tpu.barrier barrier_id(%barrier3A_253)
    %mul3A_254 = arith.constant 640 : i32
    %mul3A_255 = arith.muli %arg1, %mul3A_254 : i32
    %mul3A_256 = arith.constant 10240 : i32
    %mul3A_257 = arith.muli %arg0, %mul3A_256 : i32
    %mul3A_258 = arith.constant 640 : i32
    %mul3A_259 = arith.muli %arg1, %mul3A_258 : i32
    %add3A_260 = arith.addi %mul3A_257, %mul3A_259 : i32
    "tpu.region"() ({
      %run_scoped3A = tpu.sem_alloc : memref<!tpu.dma_semaphore, #tpu.memory_space<semaphore_mem>>
      %dma_start3A_261 = arith.constant 0 : i32
      %dma_start3A_262 = tpu.memref_slice %arg5[%add3A_260, %dma_start3A_261] : memref<20480x128xf32, #tpu.memory_space<hbm>> -> memref<640x128xf32, #tpu.memory_space<hbm>>
      %dma_start3A_263 = arith.constant 0 : i32
      %dma_start3A_264 = tpu.memref_slice %arg6[%mul3A_255, %dma_start3A_263] : memref<10240x128xf32, #tpu.memory_space<vmem_shared>> -> memref<640x128xf32, #tpu.memory_space<vmem_shared>>
      tpu.enqueue_dma source(%dma_start3A_264 : memref<640x128xf32, #tpu.memory_space<vmem_shared>>) target(%dma_start3A_262 : memref<640x128xf32, #tpu.memory_space<hbm>>) target_semaphore(%run_scoped3A : memref<!tpu.dma_semaphore, #tpu.memory_space<semaphore_mem>>)
      %dma_wait3A_265 = arith.constant 0 : i32
      %dma_wait3A_266 = tpu.memref_slice %arg5[%add3A_260, %dma_wait3A_265] : memref<20480x128xf32, #tpu.memory_space<hbm>> -> memref<640x128xf32, #tpu.memory_space<hbm>>
      %dma_wait3A_267 = arith.constant 0 : i32
      %dma_wait3A_268 = tpu.memref_slice %arg6[%mul3A_255, %dma_wait3A_267] : memref<10240x128xf32, #tpu.memory_space<vmem_shared>> -> memref<640x128xf32, #tpu.memory_space<vmem_shared>>
      tpu.wait_dma2 semaphore(%run_scoped3A : memref<!tpu.dma_semaphore, #tpu.memory_space<semaphore_mem>>) src(%dma_wait3A_268 : memref<640x128xf32, #tpu.memory_space<vmem_shared>>) dst(%dma_wait3A_266 : memref<640x128xf32, #tpu.memory_space<hbm>>)
      tpu.yield
    }) : () -> ()
    return
  }
}

#map = affine_map<(d0, d1) -> (0)>
#map1 = affine_map<(d0, d1) -> (0, 0)>
module attributes {stable_mosaic.version = 14 : i64} {
  func.func @_sc_degree(%arg0: i32, %arg1: i32, %arg2: memref<327680xi32, #tpu.memory_space<hbm>>, %arg3: memref<20480x16xf32, #tpu.memory_space<hbm>>, %arg4: memref<10240x16xf32, #tpu.memory_space<vmem_shared>>, %arg5: memref<1x128xi32, #tpu.memory_space<vmem>>, %arg6: memref<128x16xf32, #tpu.memory_space<vmem>>, %arg7: memref<640x16xf32, #tpu.memory_space<vmem>>) attributes {dimension_semantics = [#tpu.dimension_semantics<core_parallel>, #tpu.dimension_semantics<subcore_parallel>], iteration_bounds = array<i64: 2, 16>, scalar_prefetch = 0 : i64, scratch_operands = 4 : i64, tpu.core_type = #tpu.core_type<sc_vector_subcore>, window_params = [{transform_indices = #map}, {transform_indices = #map1}]} {
    %mul3A = arith.constant 2 : i32
    %mul3A_0 = arith.muli %arg1, %mul3A : i32
    %add3A = arith.addi %mul3A_0, %arg0 : i32
    %broadcast_in_dim3A = arith.constant 1.000000e+00 : f32
    %broadcast_in_dim3A_1 = vector.broadcast %broadcast_in_dim3A : f32 to vector<16xf32>
    %scan3A = arith.constant 0 : i32
    %scan3A_2 = arith.constant 0 : i32
    %scan3A_3 = arith.constant 128 : i32
    %scan3A_4 = arith.addi %scan3A_2, %scan3A_3 : i32
    %scan3A_5 = arith.constant 1 : i32
    %scan3A_6 = scf.for %scan3A_34 = %scan3A_2 to %scan3A_4 step %scan3A_5 iter_args(%scan3A_35 = %scan3A) -> (i32)  : i32 {
      %swap3A = arith.index_cast %scan3A_34 : i32 to index
      %swap3A_36 = arith.constant 0 : index
      %swap3A_37 = tpu.vector_load %arg6[%swap3A, %swap3A_36] {strides = array<i32>} : memref<128x16xf32, #tpu.memory_space<vmem>>, vector<1x16xf32>,
      %swap3A_38 = vector.shape_cast %swap3A_37 : vector<1x16xf32> to vector<16xf32>
      %swap3A_39 = vector.shape_cast %broadcast_in_dim3A_1 : vector<16xf32> to vector<1x16xf32>
      tpu.vector_store %arg6[%swap3A, %swap3A_36], %swap3A_39 {strides = array<i32>} : memref<128x16xf32, #tpu.memory_space<vmem>>, vector<1x16xf32>,
      %scan3A_40 = arith.constant 0 : i32
      scf.yield %scan3A_40 : i32
    }
    %scan3A_7 = arith.constant 128 : i32
    %broadcast_in_dim3A_8 = arith.constant 0.000000e+00 : f32
    %broadcast_in_dim3A_9 = vector.broadcast %broadcast_in_dim3A_8 : f32 to vector<16xf32>
    %scan3A_10 = arith.constant 0 : i32
    %scan3A_11 = arith.constant 0 : i32
    %scan3A_12 = arith.constant 640 : i32
    %scan3A_13 = arith.addi %scan3A_11, %scan3A_12 : i32
    %scan3A_14 = arith.constant 1 : i32
    %scan3A_15 = scf.for %scan3A_34 = %scan3A_11 to %scan3A_13 step %scan3A_14 iter_args(%scan3A_35 = %scan3A_10) -> (i32)  : i32 {
      %swap3A = arith.index_cast %scan3A_34 : i32 to index
      %swap3A_36 = arith.constant 0 : index
      %swap3A_37 = tpu.vector_load %arg7[%swap3A, %swap3A_36] {strides = array<i32>} : memref<640x16xf32, #tpu.memory_space<vmem>>, vector<1x16xf32>,
      %swap3A_38 = vector.shape_cast %swap3A_37 : vector<1x16xf32> to vector<16xf32>
      %swap3A_39 = vector.shape_cast %broadcast_in_dim3A_9 : vector<16xf32> to vector<1x16xf32>
      tpu.vector_store %arg7[%swap3A, %swap3A_36], %swap3A_39 {strides = array<i32>} : memref<640x16xf32, #tpu.memory_space<vmem>>, vector<1x16xf32>,
      %scan3A_40 = arith.constant 0 : i32
      scf.yield %scan3A_40 : i32
    }
    %scan3A_16 = arith.constant 640 : i32
    %mul3A_17 = arith.constant 640 : i32
    %mul3A_18 = arith.muli %arg1, %mul3A_17 : i32
    "tpu.region"() ({
      %run_scoped3A = tpu.sem_alloc : memref<!tpu.dma_semaphore, #tpu.memory_space<semaphore_mem>>
      %dma_start3A = arith.constant 0 : i32
      %dma_start3A_34 = tpu.memref_slice %arg4[%mul3A_18, %dma_start3A] : memref<10240x16xf32, #tpu.memory_space<vmem_shared>> -> memref<640x16xf32, #tpu.memory_space<vmem_shared>>
      %dma_start3A_35 = arith.constant 0 : i32
      %dma_start3A_36 = tpu.memref_slice %arg4[%mul3A_18, %dma_start3A_35] : memref<10240x16xf32, #tpu.memory_space<vmem_shared>> -> memref<640x16xf32, #tpu.memory_space<vmem_shared>>
      tpu.enqueue_dma source(%arg7 : memref<640x16xf32, #tpu.memory_space<vmem>>) target(%dma_start3A_36 : memref<640x16xf32, #tpu.memory_space<vmem_shared>>) target_semaphore(%run_scoped3A : memref<!tpu.dma_semaphore, #tpu.memory_space<semaphore_mem>>)
      %dma_wait3A = arith.constant 0 : i32
      %dma_wait3A_37 = tpu.memref_slice %arg4[%mul3A_18, %dma_wait3A] : memref<10240x16xf32, #tpu.memory_space<vmem_shared>> -> memref<640x16xf32, #tpu.memory_space<vmem_shared>>
      %dma_wait3A_38 = arith.constant 0 : i32
      %dma_wait3A_39 = tpu.memref_slice %arg4[%mul3A_18, %dma_wait3A_38] : memref<10240x16xf32, #tpu.memory_space<vmem_shared>> -> memref<640x16xf32, #tpu.memory_space<vmem_shared>>
      tpu.wait_dma2 semaphore(%run_scoped3A : memref<!tpu.dma_semaphore, #tpu.memory_space<semaphore_mem>>) src(%arg7 : memref<640x16xf32, #tpu.memory_space<vmem>>) dst(%dma_wait3A_39 : memref<640x16xf32, #tpu.memory_space<vmem_shared>>)
      tpu.yield
    }) : () -> ()
    %barrier3A = arith.constant 0 : index
    tpu.barrier barrier_id(%barrier3A)
    %scan3A_19 = arith.constant 0 : i32
    %scan3A_20 = arith.constant 0 : i32
    %scan3A_21 = arith.constant 80 : i32
    %scan3A_22 = arith.addi %scan3A_20, %scan3A_21 : i32
    %scan3A_23 = arith.constant 1 : i32
    %scan3A_24 = scf.for %scan3A_34 = %scan3A_20 to %scan3A_22 step %scan3A_23 iter_args(%scan3A_35 = %scan3A_19) -> (i32)  : i32 {
      %mul3A_36 = arith.constant 32 : i32
      %mul3A_37 = arith.muli %scan3A_34, %mul3A_36 : i32
      %add3A_38 = arith.addi %mul3A_37, %add3A : i32
      %mul3A_39 = arith.constant 128 : i32
      %mul3A_40 = arith.muli %add3A_38, %mul3A_39 : i32
      %run_scoped3A = arith.constant 0 : i32
      "tpu.region"() ({
        %run_scoped3A_43 = tpu.sem_alloc : memref<!tpu.dma_semaphore, #tpu.memory_space<semaphore_mem>>
        %dma_start3A = arith.constant 0 : i32
        %dma_start3A_44 = tpu.memref_slice %arg5[%run_scoped3A, %dma_start3A] : memref<1x128xi32, #tpu.memory_space<vmem>> -> memref<1x128xi32, #tpu.memory_space<vmem>>
        %dma_start3A_45 = tpu.memref_squeeze %dma_start3A_44 : memref<1x128xi32, #tpu.memory_space<vmem>> -> memref<128xi32, #tpu.memory_space<vmem>>
        %dma_start3A_46 = tpu.memref_slice %arg2[%mul3A_40] : memref<327680xi32, #tpu.memory_space<hbm>> -> memref<128xi32, #tpu.memory_space<hbm>>
        %dma_start3A_47 = arith.constant 0 : i32
        %dma_start3A_48 = tpu.memref_slice %arg5[%run_scoped3A, %dma_start3A_47] : memref<1x128xi32, #tpu.memory_space<vmem>> -> memref<1x128xi32, #tpu.memory_space<vmem>>
        %dma_start3A_49 = tpu.memref_squeeze %dma_start3A_48 : memref<1x128xi32, #tpu.memory_space<vmem>> -> memref<128xi32, #tpu.memory_space<vmem>>
        %dma_start3A_50 = tpu.memref_slice %arg2[%mul3A_40] : memref<327680xi32, #tpu.memory_space<hbm>> -> memref<128xi32, #tpu.memory_space<hbm>>
        tpu.enqueue_dma source(%dma_start3A_50 : memref<128xi32, #tpu.memory_space<hbm>>) target(%dma_start3A_49 : memref<128xi32, #tpu.memory_space<vmem>>) target_semaphore(%run_scoped3A_43 : memref<!tpu.dma_semaphore, #tpu.memory_space<semaphore_mem>>)
        %dma_wait3A = arith.constant 0 : i32
        %dma_wait3A_51 = tpu.memref_slice %arg5[%run_scoped3A, %dma_wait3A] : memref<1x128xi32, #tpu.memory_space<vmem>> -> memref<1x128xi32, #tpu.memory_space<vmem>>
        %dma_wait3A_52 = tpu.memref_squeeze %dma_wait3A_51 : memref<1x128xi32, #tpu.memory_space<vmem>> -> memref<128xi32, #tpu.memory_space<vmem>>
        %dma_wait3A_53 = tpu.memref_slice %arg2[%mul3A_40] : memref<327680xi32, #tpu.memory_space<hbm>> -> memref<128xi32, #tpu.memory_space<hbm>>
        %dma_wait3A_54 = arith.constant 0 : i32
        %dma_wait3A_55 = tpu.memref_slice %arg5[%run_scoped3A, %dma_wait3A_54] : memref<1x128xi32, #tpu.memory_space<vmem>> -> memref<1x128xi32, #tpu.memory_space<vmem>>
        %dma_wait3A_56 = tpu.memref_squeeze %dma_wait3A_55 : memref<1x128xi32, #tpu.memory_space<vmem>> -> memref<128xi32, #tpu.memory_space<vmem>>
        %dma_wait3A_57 = tpu.memref_slice %arg2[%mul3A_40] : memref<327680xi32, #tpu.memory_space<hbm>> -> memref<128xi32, #tpu.memory_space<hbm>>
        tpu.wait_dma2 semaphore(%run_scoped3A_43 : memref<!tpu.dma_semaphore, #tpu.memory_space<semaphore_mem>>) src(%dma_wait3A_57 : memref<128xi32, #tpu.memory_space<hbm>>) dst(%dma_wait3A_56 : memref<128xi32, #tpu.memory_space<vmem>>)
        tpu.yield
      }) : () -> ()
      %run_scoped3A_41 = arith.constant 0 : i32
      "tpu.region"() ({
        %run_scoped3A_43 = tpu.sem_alloc : memref<!tpu.dma_semaphore, #tpu.memory_space<semaphore_mem>>
        %dma_start3A = arith.constant 0 : i32
        %dma_start3A_44 = tpu.memref_slice %arg5[%run_scoped3A_41, %dma_start3A] : memref<1x128xi32, #tpu.memory_space<vmem>> -> memref<1x128xi32, #tpu.memory_space<vmem>>
        %dma_start3A_45 = tpu.memref_squeeze %dma_start3A_44 : memref<1x128xi32, #tpu.memory_space<vmem>> -> memref<128xi32, #tpu.memory_space<vmem>>
        %dma_start3A_46 = arith.constant 0 : i32
        %dma_start3A_47 = arith.constant 0 : i32
        %dma_start3A_48 = tpu.memref_slice %arg4[%dma_start3A_46, %dma_start3A_47] : memref<10240x16xf32, #tpu.memory_space<vmem_shared>> -> memref<10240x16xf32, #tpu.memory_space<vmem_shared>>
        tpu.enqueue_indirect_dma source(%arg6 : memref<128x16xf32, #tpu.memory_space<vmem>>) target(%dma_start3A_48 : memref<10240x16xf32, #tpu.memory_space<vmem_shared>>) offsets(%dma_start3A_45 : memref<128xi32, #tpu.memory_space<vmem>>) semaphore(%run_scoped3A_43 : memref<!tpu.dma_semaphore, #tpu.memory_space<semaphore_mem>>) {add = true}
        %dma_wait3A = arith.constant 0 : i32
        %dma_wait3A_49 = tpu.memref_slice %arg5[%run_scoped3A_41, %dma_wait3A] : memref<1x128xi32, #tpu.memory_space<vmem>> -> memref<1x128xi32, #tpu.memory_space<vmem>>
        %dma_wait3A_50 = tpu.memref_squeeze %dma_wait3A_49 : memref<1x128xi32, #tpu.memory_space<vmem>> -> memref<128xi32, #tpu.memory_space<vmem>>
        %dma_wait3A_51 = arith.constant 0 : i32
        %dma_wait3A_52 = arith.constant 0 : i32
        %dma_wait3A_53 = tpu.memref_slice %arg4[%dma_wait3A_51, %dma_wait3A_52] : memref<10240x16xf32, #tpu.memory_space<vmem_shared>> -> memref<10240x16xf32, #tpu.memory_space<vmem_shared>>
        tpu.wait_indirect_dma semaphore(%run_scoped3A_43 : memref<!tpu.dma_semaphore, #tpu.memory_space<semaphore_mem>>) src(%arg6 : memref<128x16xf32, #tpu.memory_space<vmem>>) dst(%dma_wait3A_53 : memref<10240x16xf32, #tpu.memory_space<vmem_shared>>)
        tpu.yield
      }) : () -> ()
      %scan3A_42 = arith.constant 0 : i32
      scf.yield %scan3A_42 : i32
    }
    %scan3A_25 = arith.constant 80 : i32
    %barrier3A_26 = arith.constant 0 : index
    tpu.barrier barrier_id(%barrier3A_26)
    %mul3A_27 = arith.constant 640 : i32
    %mul3A_28 = arith.muli %arg1, %mul3A_27 : i32
    %mul3A_29 = arith.constant 10240 : i32
    %mul3A_30 = arith.muli %arg0, %mul3A_29 : i32
    %mul3A_31 = arith.constant 640 : i32
    %mul3A_32 = arith.muli %arg1, %mul3A_31 : i32
    %add3A_33 = arith.addi %mul3A_30, %mul3A_32 : i32
    "tpu.region"() ({
      %run_scoped3A = tpu.sem_alloc : memref<!tpu.dma_semaphore, #tpu.memory_space<semaphore_mem>>
      %dma_start3A = arith.constant 0 : i32
      %dma_start3A_34 = tpu.memref_slice %arg3[%add3A_33, %dma_start3A] : memref<20480x16xf32, #tpu.memory_space<hbm>> -> memref<640x16xf32, #tpu.memory_space<hbm>>
      %dma_start3A_35 = arith.constant 0 : i32
      %dma_start3A_36 = tpu.memref_slice %arg4[%mul3A_28, %dma_start3A_35] : memref<10240x16xf32, #tpu.memory_space<vmem_shared>> -> memref<640x16xf32, #tpu.memory_space<vmem_shared>>
      tpu.enqueue_dma source(%dma_start3A_36 : memref<640x16xf32, #tpu.memory_space<vmem_shared>>) target(%dma_start3A_34 : memref<640x16xf32, #tpu.memory_space<hbm>>) target_semaphore(%run_scoped3A : memref<!tpu.dma_semaphore, #tpu.memory_space<semaphore_mem>>)
      %dma_wait3A = arith.constant 0 : i32
      %dma_wait3A_37 = tpu.memref_slice %arg3[%add3A_33, %dma_wait3A] : memref<20480x16xf32, #tpu.memory_space<hbm>> -> memref<640x16xf32, #tpu.memory_space<hbm>>
      %dma_wait3A_38 = arith.constant 0 : i32
      %dma_wait3A_39 = tpu.memref_slice %arg4[%mul3A_28, %dma_wait3A_38] : memref<10240x16xf32, #tpu.memory_space<vmem_shared>> -> memref<640x16xf32, #tpu.memory_space<vmem_shared>>
      tpu.wait_dma2 semaphore(%run_scoped3A : memref<!tpu.dma_semaphore, #tpu.memory_space<semaphore_mem>>) src(%dma_wait3A_39 : memref<640x16xf32, #tpu.memory_space<vmem_shared>>) dst(%dma_wait3A_37 : memref<640x16xf32, #tpu.memory_space<hbm>>)
      tpu.yield
    }) : () -> ()
    return
  }
}

#map = affine_map<(d0, d1) -> (0, 0)>
#map1 = affine_map<(d0, d1) -> (0)>
module attributes {stable_mosaic.version = 14 : i64} {
  func.func @_sc_aggregate(%arg0: i32, %arg1: i32, %arg2: memref<10000x128xf32, #tpu.memory_space<hbm>>, %arg3: memref<327680xi32, #tpu.memory_space<hbm>>, %arg4: memref<327680xi32, #tpu.memory_space<hbm>>, %arg5: memref<20480x128xf32, #tpu.memory_space<hbm>>, %arg6: memref<10240x128xf32, #tpu.memory_space<vmem_shared>>, %arg7: memref<4x128xi32, #tpu.memory_space<vmem>>, %arg8: memref<4x128xi32, #tpu.memory_space<vmem>>, %arg9: memref<128x128xf32, #tpu.memory_space<vmem>>, %arg10: memref<128x128xf32, #tpu.memory_space<vmem>>, %arg11: memref<32x128xf32, #tpu.memory_space<vmem>>, %arg12: memref<!tpu.dma_semaphore, #tpu.memory_space<semaphore_mem>>, %arg13: memref<!tpu.dma_semaphore, #tpu.memory_space<semaphore_mem>>, %arg14: memref<!tpu.dma_semaphore, #tpu.memory_space<semaphore_mem>>, %arg15: memref<!tpu.dma_semaphore, #tpu.memory_space<semaphore_mem>>, %arg16: memref<!tpu.dma_semaphore, #tpu.memory_space<semaphore_mem>>, %arg17: memref<!tpu.dma_semaphore, #tpu.memory_space<semaphore_mem>>, %arg18: memref<!tpu.dma_semaphore, #tpu.memory_space<semaphore_mem>>, %arg19: memref<!tpu.dma_semaphore, #tpu.memory_space<semaphore_mem>>, %arg20: memref<!tpu.dma_semaphore, #tpu.memory_space<semaphore_mem>>, %arg21: memref<!tpu.dma_semaphore, #tpu.memory_space<semaphore_mem>>, %arg22: memref<!tpu.dma_semaphore, #tpu.memory_space<semaphore_mem>>, %arg23: memref<!tpu.dma_semaphore, #tpu.memory_space<semaphore_mem>>, %arg24: memref<!tpu.dma_semaphore, #tpu.memory_space<semaphore_mem>>) attributes {dimension_semantics = [#tpu.dimension_semantics<core_parallel>, #tpu.dimension_semantics<subcore_parallel>], iteration_bounds = array<i64: 2, 16>, scalar_prefetch = 0 : i64, scratch_operands = 19 : i64, tpu.core_type = #tpu.core_type<sc_vector_subcore>, window_params = [{transform_indices = #map}, {transform_indices = #map1}, {transform_indices = #map1}, {transform_indices = #map}]} {
    %mul3A = arith.constant 2 : i32
    %mul3A_0 = arith.muli %arg1, %mul3A : i32
    %add3A = arith.addi %mul3A_0, %arg0 : i32
    %broadcast_in_dim3A = arith.constant 0.000000e+00 : f32
    %broadcast_in_dim3A_1 = vector.broadcast %broadcast_in_dim3A : f32 to vector<16xf32>
    %scan3A = arith.constant 0 : i32
    %scan3A_2 = arith.constant 0 : i32
    %scan3A_3 = arith.constant 32 : i32
    %scan3A_4 = arith.addi %scan3A_2, %scan3A_3 : i32
    %scan3A_5 = arith.constant 1 : i32
    %scan3A_6 = scf.for %scan3A_261 = %scan3A_2 to %scan3A_4 step %scan3A_5 iter_args(%scan3A_262 = %scan3A) -> (i32)  : i32 {
      %swap3A = arith.index_cast %scan3A_261 : i32 to index
      %swap3A_263 = arith.constant 0 : index
      %swap3A_264 = tpu.vector_load %arg11[%swap3A, %swap3A_263] {strides = array<i32>} : memref<32x128xf32, #tpu.memory_space<vmem>>, vector<1x16xf32>,
      %swap3A_265 = vector.shape_cast %swap3A_264 : vector<1x16xf32> to vector<16xf32>
      %swap3A_266 = vector.shape_cast %broadcast_in_dim3A_1 : vector<16xf32> to vector<1x16xf32>
      tpu.vector_store %arg11[%swap3A, %swap3A_263], %swap3A_266 {strides = array<i32>} : memref<32x128xf32, #tpu.memory_space<vmem>>, vector<1x16xf32>,
      %swap3A_267 = arith.index_cast %scan3A_261 : i32 to index
      %swap3A_268 = arith.constant 16 : index
      %swap3A_269 = tpu.vector_load %arg11[%swap3A_267, %swap3A_268] {strides = array<i32>} : memref<32x128xf32, #tpu.memory_space<vmem>>, vector<1x16xf32>,
      %swap3A_270 = vector.shape_cast %swap3A_269 : vector<1x16xf32> to vector<16xf32>
      %swap3A_271 = vector.shape_cast %broadcast_in_dim3A_1 : vector<16xf32> to vector<1x16xf32>
      tpu.vector_store %arg11[%swap3A_267, %swap3A_268], %swap3A_271 {strides = array<i32>} : memref<32x128xf32, #tpu.memory_space<vmem>>, vector<1x16xf32>,
      %swap3A_272 = arith.index_cast %scan3A_261 : i32 to index
      %swap3A_273 = arith.constant 32 : index
      %swap3A_274 = tpu.vector_load %arg11[%swap3A_272, %swap3A_273] {strides = array<i32>} : memref<32x128xf32, #tpu.memory_space<vmem>>, vector<1x16xf32>,
      %swap3A_275 = vector.shape_cast %swap3A_274 : vector<1x16xf32> to vector<16xf32>
      %swap3A_276 = vector.shape_cast %broadcast_in_dim3A_1 : vector<16xf32> to vector<1x16xf32>
      tpu.vector_store %arg11[%swap3A_272, %swap3A_273], %swap3A_276 {strides = array<i32>} : memref<32x128xf32, #tpu.memory_space<vmem>>, vector<1x16xf32>,
      %swap3A_277 = arith.index_cast %scan3A_261 : i32 to index
      %swap3A_278 = arith.constant 48 : index
      %swap3A_279 = tpu.vector_load %arg11[%swap3A_277, %swap3A_278] {strides = array<i32>} : memref<32x128xf32, #tpu.memory_space<vmem>>, vector<1x16xf32>,
      %swap3A_280 = vector.shape_cast %swap3A_279 : vector<1x16xf32> to vector<16xf32>
      %swap3A_281 = vector.shape_cast %broadcast_in_dim3A_1 : vector<16xf32> to vector<1x16xf32>
      tpu.vector_store %arg11[%swap3A_277, %swap3A_278], %swap3A_281 {strides = array<i32>} : memref<32x128xf32, #tpu.memory_space<vmem>>, vector<1x16xf32>,
      %swap3A_282 = arith.index_cast %scan3A_261 : i32 to index
      %swap3A_283 = arith.constant 64 : index
      %swap3A_284 = tpu.vector_load %arg11[%swap3A_282, %swap3A_283] {strides = array<i32>} : memref<32x128xf32, #tpu.memory_space<vmem>>, vector<1x16xf32>,
      %swap3A_285 = vector.shape_cast %swap3A_284 : vector<1x16xf32> to vector<16xf32>
      %swap3A_286 = vector.shape_cast %broadcast_in_dim3A_1 : vector<16xf32> to vector<1x16xf32>
      tpu.vector_store %arg11[%swap3A_282, %swap3A_283], %swap3A_286 {strides = array<i32>} : memref<32x128xf32, #tpu.memory_space<vmem>>, vector<1x16xf32>,
      %swap3A_287 = arith.index_cast %scan3A_261 : i32 to index
      %swap3A_288 = arith.constant 80 : index
      %swap3A_289 = tpu.vector_load %arg11[%swap3A_287, %swap3A_288] {strides = array<i32>} : memref<32x128xf32, #tpu.memory_space<vmem>>, vector<1x16xf32>,
      %swap3A_290 = vector.shape_cast %swap3A_289 : vector<1x16xf32> to vector<16xf32>
      %swap3A_291 = vector.shape_cast %broadcast_in_dim3A_1 : vector<16xf32> to vector<1x16xf32>
      tpu.vector_store %arg11[%swap3A_287, %swap3A_288], %swap3A_291 {strides = array<i32>} : memref<32x128xf32, #tpu.memory_space<vmem>>, vector<1x16xf32>,
      %swap3A_292 = arith.index_cast %scan3A_261 : i32 to index
      %swap3A_293 = arith.constant 96 : index
      %swap3A_294 = tpu.vector_load %arg11[%swap3A_292, %swap3A_293] {strides = array<i32>} : memref<32x128xf32, #tpu.memory_space<vmem>>, vector<1x16xf32>,
      %swap3A_295 = vector.shape_cast %swap3A_294 : vector<1x16xf32> to vector<16xf32>
      %swap3A_296 = vector.shape_cast %broadcast_in_dim3A_1 : vector<16xf32> to vector<1x16xf32>
      tpu.vector_store %arg11[%swap3A_292, %swap3A_293], %swap3A_296 {strides = array<i32>} : memref<32x128xf32, #tpu.memory_space<vmem>>, vector<1x16xf32>,
      %swap3A_297 = arith.index_cast %scan3A_261 : i32 to index
      %swap3A_298 = arith.constant 112 : index
      %swap3A_299 = tpu.vector_load %arg11[%swap3A_297, %swap3A_298] {strides = array<i32>} : memref<32x128xf32, #tpu.memory_space<vmem>>, vector<1x16xf32>,
      %swap3A_300 = vector.shape_cast %swap3A_299 : vector<1x16xf32> to vector<16xf32>
      %swap3A_301 = vector.shape_cast %broadcast_in_dim3A_1 : vector<16xf32> to vector<1x16xf32>
      tpu.vector_store %arg11[%swap3A_297, %swap3A_298], %swap3A_301 {strides = array<i32>} : memref<32x128xf32, #tpu.memory_space<vmem>>, vector<1x16xf32>,
      %scan3A_302 = arith.constant 0 : i32
      scf.yield %scan3A_302 : i32
    }
    %scan3A_7 = arith.constant 32 : i32
    %mul3A_8 = arith.constant 640 : i32
    %mul3A_9 = arith.muli %arg1, %mul3A_8 : i32
    %add3A_10 = arith.constant 0 : i32
    %add3A_11 = arith.addi %mul3A_9, %add3A_10 : i32
    %dma_start3A = arith.constant 0 : i32
    %dma_start3A_12 = tpu.memref_slice %arg6[%add3A_11, %dma_start3A] : memref<10240x128xf32, #tpu.memory_space<vmem_shared>> -> memref<32x128xf32, #tpu.memory_space<vmem_shared>>
    %dma_start3A_13 = arith.constant 0 : i32
    %dma_start3A_14 = tpu.memref_slice %arg6[%add3A_11, %dma_start3A_13] : memref<10240x128xf32, #tpu.memory_space<vmem_shared>> -> memref<32x128xf32, #tpu.memory_space<vmem_shared>>
    tpu.enqueue_dma source(%arg11 : memref<32x128xf32, #tpu.memory_space<vmem>>) target(%dma_start3A_14 : memref<32x128xf32, #tpu.memory_space<vmem_shared>>) target_semaphore(%arg24 : memref<!tpu.dma_semaphore, #tpu.memory_space<semaphore_mem>>)
    %mul3A_15 = arith.constant 640 : i32
    %mul3A_16 = arith.muli %arg1, %mul3A_15 : i32
    %add3A_17 = arith.constant 32 : i32
    %add3A_18 = arith.addi %mul3A_16, %add3A_17 : i32
    %dma_start3A_19 = arith.constant 0 : i32
    %dma_start3A_20 = tpu.memref_slice %arg6[%add3A_18, %dma_start3A_19] : memref<10240x128xf32, #tpu.memory_space<vmem_shared>> -> memref<32x128xf32, #tpu.memory_space<vmem_shared>>
    %dma_start3A_21 = arith.constant 0 : i32
    %dma_start3A_22 = tpu.memref_slice %arg6[%add3A_18, %dma_start3A_21] : memref<10240x128xf32, #tpu.memory_space<vmem_shared>> -> memref<32x128xf32, #tpu.memory_space<vmem_shared>>
    tpu.enqueue_dma source(%arg11 : memref<32x128xf32, #tpu.memory_space<vmem>>) target(%dma_start3A_22 : memref<32x128xf32, #tpu.memory_space<vmem_shared>>) target_semaphore(%arg24 : memref<!tpu.dma_semaphore, #tpu.memory_space<semaphore_mem>>)
    %mul3A_23 = arith.constant 640 : i32
    %mul3A_24 = arith.muli %arg1, %mul3A_23 : i32
    %add3A_25 = arith.constant 64 : i32
    %add3A_26 = arith.addi %mul3A_24, %add3A_25 : i32
    %dma_start3A_27 = arith.constant 0 : i32
    %dma_start3A_28 = tpu.memref_slice %arg6[%add3A_26, %dma_start3A_27] : memref<10240x128xf32, #tpu.memory_space<vmem_shared>> -> memref<32x128xf32, #tpu.memory_space<vmem_shared>>
    %dma_start3A_29 = arith.constant 0 : i32
    %dma_start3A_30 = tpu.memref_slice %arg6[%add3A_26, %dma_start3A_29] : memref<10240x128xf32, #tpu.memory_space<vmem_shared>> -> memref<32x128xf32, #tpu.memory_space<vmem_shared>>
    tpu.enqueue_dma source(%arg11 : memref<32x128xf32, #tpu.memory_space<vmem>>) target(%dma_start3A_30 : memref<32x128xf32, #tpu.memory_space<vmem_shared>>) target_semaphore(%arg24 : memref<!tpu.dma_semaphore, #tpu.memory_space<semaphore_mem>>)
    %mul3A_31 = arith.constant 640 : i32
    %mul3A_32 = arith.muli %arg1, %mul3A_31 : i32
    %add3A_33 = arith.constant 96 : i32
    %add3A_34 = arith.addi %mul3A_32, %add3A_33 : i32
    %dma_start3A_35 = arith.constant 0 : i32
    %dma_start3A_36 = tpu.memref_slice %arg6[%add3A_34, %dma_start3A_35] : memref<10240x128xf32, #tpu.memory_space<vmem_shared>> -> memref<32x128xf32, #tpu.memory_space<vmem_shared>>
    %dma_start3A_37 = arith.constant 0 : i32
    %dma_start3A_38 = tpu.memref_slice %arg6[%add3A_34, %dma_start3A_37] : memref<10240x128xf32, #tpu.memory_space<vmem_shared>> -> memref<32x128xf32, #tpu.memory_space<vmem_shared>>
    tpu.enqueue_dma source(%arg11 : memref<32x128xf32, #tpu.memory_space<vmem>>) target(%dma_start3A_38 : memref<32x128xf32, #tpu.memory_space<vmem_shared>>) target_semaphore(%arg24 : memref<!tpu.dma_semaphore, #tpu.memory_space<semaphore_mem>>)
    %mul3A_39 = arith.constant 640 : i32
    %mul3A_40 = arith.muli %arg1, %mul3A_39 : i32
    %add3A_41 = arith.constant 128 : i32
    %add3A_42 = arith.addi %mul3A_40, %add3A_41 : i32
    %dma_start3A_43 = arith.constant 0 : i32
    %dma_start3A_44 = tpu.memref_slice %arg6[%add3A_42, %dma_start3A_43] : memref<10240x128xf32, #tpu.memory_space<vmem_shared>> -> memref<32x128xf32, #tpu.memory_space<vmem_shared>>
    %dma_start3A_45 = arith.constant 0 : i32
    %dma_start3A_46 = tpu.memref_slice %arg6[%add3A_42, %dma_start3A_45] : memref<10240x128xf32, #tpu.memory_space<vmem_shared>> -> memref<32x128xf32, #tpu.memory_space<vmem_shared>>
    tpu.enqueue_dma source(%arg11 : memref<32x128xf32, #tpu.memory_space<vmem>>) target(%dma_start3A_46 : memref<32x128xf32, #tpu.memory_space<vmem_shared>>) target_semaphore(%arg24 : memref<!tpu.dma_semaphore, #tpu.memory_space<semaphore_mem>>)
    %mul3A_47 = arith.constant 640 : i32
    %mul3A_48 = arith.muli %arg1, %mul3A_47 : i32
    %add3A_49 = arith.constant 160 : i32
    %add3A_50 = arith.addi %mul3A_48, %add3A_49 : i32
    %dma_start3A_51 = arith.constant 0 : i32
    %dma_start3A_52 = tpu.memref_slice %arg6[%add3A_50, %dma_start3A_51] : memref<10240x128xf32, #tpu.memory_space<vmem_shared>> -> memref<32x128xf32, #tpu.memory_space<vmem_shared>>
    %dma_start3A_53 = arith.constant 0 : i32
    %dma_start3A_54 = tpu.memref_slice %arg6[%add3A_50, %dma_start3A_53] : memref<10240x128xf32, #tpu.memory_space<vmem_shared>> -> memref<32x128xf32, #tpu.memory_space<vmem_shared>>
    tpu.enqueue_dma source(%arg11 : memref<32x128xf32, #tpu.memory_space<vmem>>) target(%dma_start3A_54 : memref<32x128xf32, #tpu.memory_space<vmem_shared>>) target_semaphore(%arg24 : memref<!tpu.dma_semaphore, #tpu.memory_space<semaphore_mem>>)
    %mul3A_55 = arith.constant 640 : i32
    %mul3A_56 = arith.muli %arg1, %mul3A_55 : i32
    %add3A_57 = arith.constant 192 : i32
    %add3A_58 = arith.addi %mul3A_56, %add3A_57 : i32
    %dma_start3A_59 = arith.constant 0 : i32
    %dma_start3A_60 = tpu.memref_slice %arg6[%add3A_58, %dma_start3A_59] : memref<10240x128xf32, #tpu.memory_space<vmem_shared>> -> memref<32x128xf32, #tpu.memory_space<vmem_shared>>
    %dma_start3A_61 = arith.constant 0 : i32
    %dma_start3A_62 = tpu.memref_slice %arg6[%add3A_58, %dma_start3A_61] : memref<10240x128xf32, #tpu.memory_space<vmem_shared>> -> memref<32x128xf32, #tpu.memory_space<vmem_shared>>
    tpu.enqueue_dma source(%arg11 : memref<32x128xf32, #tpu.memory_space<vmem>>) target(%dma_start3A_62 : memref<32x128xf32, #tpu.memory_space<vmem_shared>>) target_semaphore(%arg24 : memref<!tpu.dma_semaphore, #tpu.memory_space<semaphore_mem>>)
    %mul3A_63 = arith.constant 640 : i32
    %mul3A_64 = arith.muli %arg1, %mul3A_63 : i32
    %add3A_65 = arith.constant 224 : i32
    %add3A_66 = arith.addi %mul3A_64, %add3A_65 : i32
    %dma_start3A_67 = arith.constant 0 : i32
    %dma_start3A_68 = tpu.memref_slice %arg6[%add3A_66, %dma_start3A_67] : memref<10240x128xf32, #tpu.memory_space<vmem_shared>> -> memref<32x128xf32, #tpu.memory_space<vmem_shared>>
    %dma_start3A_69 = arith.constant 0 : i32
    %dma_start3A_70 = tpu.memref_slice %arg6[%add3A_66, %dma_start3A_69] : memref<10240x128xf32, #tpu.memory_space<vmem_shared>> -> memref<32x128xf32, #tpu.memory_space<vmem_shared>>
    tpu.enqueue_dma source(%arg11 : memref<32x128xf32, #tpu.memory_space<vmem>>) target(%dma_start3A_70 : memref<32x128xf32, #tpu.memory_space<vmem_shared>>) target_semaphore(%arg24 : memref<!tpu.dma_semaphore, #tpu.memory_space<semaphore_mem>>)
    %mul3A_71 = arith.constant 640 : i32
    %mul3A_72 = arith.muli %arg1, %mul3A_71 : i32
    %add3A_73 = arith.constant 256 : i32
    %add3A_74 = arith.addi %mul3A_72, %add3A_73 : i32
    %dma_start3A_75 = arith.constant 0 : i32
    %dma_start3A_76 = tpu.memref_slice %arg6[%add3A_74, %dma_start3A_75] : memref<10240x128xf32, #tpu.memory_space<vmem_shared>> -> memref<32x128xf32, #tpu.memory_space<vmem_shared>>
    %dma_start3A_77 = arith.constant 0 : i32
    %dma_start3A_78 = tpu.memref_slice %arg6[%add3A_74, %dma_start3A_77] : memref<10240x128xf32, #tpu.memory_space<vmem_shared>> -> memref<32x128xf32, #tpu.memory_space<vmem_shared>>
    tpu.enqueue_dma source(%arg11 : memref<32x128xf32, #tpu.memory_space<vmem>>) target(%dma_start3A_78 : memref<32x128xf32, #tpu.memory_space<vmem_shared>>) target_semaphore(%arg24 : memref<!tpu.dma_semaphore, #tpu.memory_space<semaphore_mem>>)
    %mul3A_79 = arith.constant 640 : i32
    %mul3A_80 = arith.muli %arg1, %mul3A_79 : i32
    %add3A_81 = arith.constant 288 : i32
    %add3A_82 = arith.addi %mul3A_80, %add3A_81 : i32
    %dma_start3A_83 = arith.constant 0 : i32
    %dma_start3A_84 = tpu.memref_slice %arg6[%add3A_82, %dma_start3A_83] : memref<10240x128xf32, #tpu.memory_space<vmem_shared>> -> memref<32x128xf32, #tpu.memory_space<vmem_shared>>
    %dma_start3A_85 = arith.constant 0 : i32
    %dma_start3A_86 = tpu.memref_slice %arg6[%add3A_82, %dma_start3A_85] : memref<10240x128xf32, #tpu.memory_space<vmem_shared>> -> memref<32x128xf32, #tpu.memory_space<vmem_shared>>
    tpu.enqueue_dma source(%arg11 : memref<32x128xf32, #tpu.memory_space<vmem>>) target(%dma_start3A_86 : memref<32x128xf32, #tpu.memory_space<vmem_shared>>) target_semaphore(%arg24 : memref<!tpu.dma_semaphore, #tpu.memory_space<semaphore_mem>>)
    %mul3A_87 = arith.constant 640 : i32
    %mul3A_88 = arith.muli %arg1, %mul3A_87 : i32
    %add3A_89 = arith.constant 320 : i32
    %add3A_90 = arith.addi %mul3A_88, %add3A_89 : i32
    %dma_start3A_91 = arith.constant 0 : i32
    %dma_start3A_92 = tpu.memref_slice %arg6[%add3A_90, %dma_start3A_91] : memref<10240x128xf32, #tpu.memory_space<vmem_shared>> -> memref<32x128xf32, #tpu.memory_space<vmem_shared>>
    %dma_start3A_93 = arith.constant 0 : i32
    %dma_start3A_94 = tpu.memref_slice %arg6[%add3A_90, %dma_start3A_93] : memref<10240x128xf32, #tpu.memory_space<vmem_shared>> -> memref<32x128xf32, #tpu.memory_space<vmem_shared>>
    tpu.enqueue_dma source(%arg11 : memref<32x128xf32, #tpu.memory_space<vmem>>) target(%dma_start3A_94 : memref<32x128xf32, #tpu.memory_space<vmem_shared>>) target_semaphore(%arg24 : memref<!tpu.dma_semaphore, #tpu.memory_space<semaphore_mem>>)
    %mul3A_95 = arith.constant 640 : i32
    %mul3A_96 = arith.muli %arg1, %mul3A_95 : i32
    %add3A_97 = arith.constant 352 : i32
    %add3A_98 = arith.addi %mul3A_96, %add3A_97 : i32
    %dma_start3A_99 = arith.constant 0 : i32
    %dma_start3A_100 = tpu.memref_slice %arg6[%add3A_98, %dma_start3A_99] : memref<10240x128xf32, #tpu.memory_space<vmem_shared>> -> memref<32x128xf32, #tpu.memory_space<vmem_shared>>
    %dma_start3A_101 = arith.constant 0 : i32
    %dma_start3A_102 = tpu.memref_slice %arg6[%add3A_98, %dma_start3A_101] : memref<10240x128xf32, #tpu.memory_space<vmem_shared>> -> memref<32x128xf32, #tpu.memory_space<vmem_shared>>
    tpu.enqueue_dma source(%arg11 : memref<32x128xf32, #tpu.memory_space<vmem>>) target(%dma_start3A_102 : memref<32x128xf32, #tpu.memory_space<vmem_shared>>) target_semaphore(%arg24 : memref<!tpu.dma_semaphore, #tpu.memory_space<semaphore_mem>>)
    %mul3A_103 = arith.constant 640 : i32
    %mul3A_104 = arith.muli %arg1, %mul3A_103 : i32
    %add3A_105 = arith.constant 384 : i32
    %add3A_106 = arith.addi %mul3A_104, %add3A_105 : i32
    %dma_start3A_107 = arith.constant 0 : i32
    %dma_start3A_108 = tpu.memref_slice %arg6[%add3A_106, %dma_start3A_107] : memref<10240x128xf32, #tpu.memory_space<vmem_shared>> -> memref<32x128xf32, #tpu.memory_space<vmem_shared>>
    %dma_start3A_109 = arith.constant 0 : i32
    %dma_start3A_110 = tpu.memref_slice %arg6[%add3A_106, %dma_start3A_109] : memref<10240x128xf32, #tpu.memory_space<vmem_shared>> -> memref<32x128xf32, #tpu.memory_space<vmem_shared>>
    tpu.enqueue_dma source(%arg11 : memref<32x128xf32, #tpu.memory_space<vmem>>) target(%dma_start3A_110 : memref<32x128xf32, #tpu.memory_space<vmem_shared>>) target_semaphore(%arg24 : memref<!tpu.dma_semaphore, #tpu.memory_space<semaphore_mem>>)
    %mul3A_111 = arith.constant 640 : i32
    %mul3A_112 = arith.muli %arg1, %mul3A_111 : i32
    %add3A_113 = arith.constant 416 : i32
    %add3A_114 = arith.addi %mul3A_112, %add3A_113 : i32
    %dma_start3A_115 = arith.constant 0 : i32
    %dma_start3A_116 = tpu.memref_slice %arg6[%add3A_114, %dma_start3A_115] : memref<10240x128xf32, #tpu.memory_space<vmem_shared>> -> memref<32x128xf32, #tpu.memory_space<vmem_shared>>
    %dma_start3A_117 = arith.constant 0 : i32
    %dma_start3A_118 = tpu.memref_slice %arg6[%add3A_114, %dma_start3A_117] : memref<10240x128xf32, #tpu.memory_space<vmem_shared>> -> memref<32x128xf32, #tpu.memory_space<vmem_shared>>
    tpu.enqueue_dma source(%arg11 : memref<32x128xf32, #tpu.memory_space<vmem>>) target(%dma_start3A_118 : memref<32x128xf32, #tpu.memory_space<vmem_shared>>) target_semaphore(%arg24 : memref<!tpu.dma_semaphore, #tpu.memory_space<semaphore_mem>>)
    %mul3A_119 = arith.constant 640 : i32
    %mul3A_120 = arith.muli %arg1, %mul3A_119 : i32
    %add3A_121 = arith.constant 448 : i32
    %add3A_122 = arith.addi %mul3A_120, %add3A_121 : i32
    %dma_start3A_123 = arith.constant 0 : i32
    %dma_start3A_124 = tpu.memref_slice %arg6[%add3A_122, %dma_start3A_123] : memref<10240x128xf32, #tpu.memory_space<vmem_shared>> -> memref<32x128xf32, #tpu.memory_space<vmem_shared>>
    %dma_start3A_125 = arith.constant 0 : i32
    %dma_start3A_126 = tpu.memref_slice %arg6[%add3A_122, %dma_start3A_125] : memref<10240x128xf32, #tpu.memory_space<vmem_shared>> -> memref<32x128xf32, #tpu.memory_space<vmem_shared>>
    tpu.enqueue_dma source(%arg11 : memref<32x128xf32, #tpu.memory_space<vmem>>) target(%dma_start3A_126 : memref<32x128xf32, #tpu.memory_space<vmem_shared>>) target_semaphore(%arg24 : memref<!tpu.dma_semaphore, #tpu.memory_space<semaphore_mem>>)
    %mul3A_127 = arith.constant 640 : i32
    %mul3A_128 = arith.muli %arg1, %mul3A_127 : i32
    %add3A_129 = arith.constant 480 : i32
    %add3A_130 = arith.addi %mul3A_128, %add3A_129 : i32
    %dma_start3A_131 = arith.constant 0 : i32
    %dma_start3A_132 = tpu.memref_slice %arg6[%add3A_130, %dma_start3A_131] : memref<10240x128xf32, #tpu.memory_space<vmem_shared>> -> memref<32x128xf32, #tpu.memory_space<vmem_shared>>
    %dma_start3A_133 = arith.constant 0 : i32
    %dma_start3A_134 = tpu.memref_slice %arg6[%add3A_130, %dma_start3A_133] : memref<10240x128xf32, #tpu.memory_space<vmem_shared>> -> memref<32x128xf32, #tpu.memory_space<vmem_shared>>
    tpu.enqueue_dma source(%arg11 : memref<32x128xf32, #tpu.memory_space<vmem>>) target(%dma_start3A_134 : memref<32x128xf32, #tpu.memory_space<vmem_shared>>) target_semaphore(%arg24 : memref<!tpu.dma_semaphore, #tpu.memory_space<semaphore_mem>>)
    %mul3A_135 = arith.constant 640 : i32
    %mul3A_136 = arith.muli %arg1, %mul3A_135 : i32
    %add3A_137 = arith.constant 512 : i32
    %add3A_138 = arith.addi %mul3A_136, %add3A_137 : i32
    %dma_start3A_139 = arith.constant 0 : i32
    %dma_start3A_140 = tpu.memref_slice %arg6[%add3A_138, %dma_start3A_139] : memref<10240x128xf32, #tpu.memory_space<vmem_shared>> -> memref<32x128xf32, #tpu.memory_space<vmem_shared>>
    %dma_start3A_141 = arith.constant 0 : i32
    %dma_start3A_142 = tpu.memref_slice %arg6[%add3A_138, %dma_start3A_141] : memref<10240x128xf32, #tpu.memory_space<vmem_shared>> -> memref<32x128xf32, #tpu.memory_space<vmem_shared>>
    tpu.enqueue_dma source(%arg11 : memref<32x128xf32, #tpu.memory_space<vmem>>) target(%dma_start3A_142 : memref<32x128xf32, #tpu.memory_space<vmem_shared>>) target_semaphore(%arg24 : memref<!tpu.dma_semaphore, #tpu.memory_space<semaphore_mem>>)
    %mul3A_143 = arith.constant 640 : i32
    %mul3A_144 = arith.muli %arg1, %mul3A_143 : i32
    %add3A_145 = arith.constant 544 : i32
    %add3A_146 = arith.addi %mul3A_144, %add3A_145 : i32
    %dma_start3A_147 = arith.constant 0 : i32
    %dma_start3A_148 = tpu.memref_slice %arg6[%add3A_146, %dma_start3A_147] : memref<10240x128xf32, #tpu.memory_space<vmem_shared>> -> memref<32x128xf32, #tpu.memory_space<vmem_shared>>
    %dma_start3A_149 = arith.constant 0 : i32
    %dma_start3A_150 = tpu.memref_slice %arg6[%add3A_146, %dma_start3A_149] : memref<10240x128xf32, #tpu.memory_space<vmem_shared>> -> memref<32x128xf32, #tpu.memory_space<vmem_shared>>
    tpu.enqueue_dma source(%arg11 : memref<32x128xf32, #tpu.memory_space<vmem>>) target(%dma_start3A_150 : memref<32x128xf32, #tpu.memory_space<vmem_shared>>) target_semaphore(%arg24 : memref<!tpu.dma_semaphore, #tpu.memory_space<semaphore_mem>>)
    %mul3A_151 = arith.constant 640 : i32
    %mul3A_152 = arith.muli %arg1, %mul3A_151 : i32
    %add3A_153 = arith.constant 576 : i32
    %add3A_154 = arith.addi %mul3A_152, %add3A_153 : i32
    %dma_start3A_155 = arith.constant 0 : i32
    %dma_start3A_156 = tpu.memref_slice %arg6[%add3A_154, %dma_start3A_155] : memref<10240x128xf32, #tpu.memory_space<vmem_shared>> -> memref<32x128xf32, #tpu.memory_space<vmem_shared>>
    %dma_start3A_157 = arith.constant 0 : i32
    %dma_start3A_158 = tpu.memref_slice %arg6[%add3A_154, %dma_start3A_157] : memref<10240x128xf32, #tpu.memory_space<vmem_shared>> -> memref<32x128xf32, #tpu.memory_space<vmem_shared>>
    tpu.enqueue_dma source(%arg11 : memref<32x128xf32, #tpu.memory_space<vmem>>) target(%dma_start3A_158 : memref<32x128xf32, #tpu.memory_space<vmem_shared>>) target_semaphore(%arg24 : memref<!tpu.dma_semaphore, #tpu.memory_space<semaphore_mem>>)
    %mul3A_159 = arith.constant 640 : i32
    %mul3A_160 = arith.muli %arg1, %mul3A_159 : i32
    %add3A_161 = arith.constant 608 : i32
    %add3A_162 = arith.addi %mul3A_160, %add3A_161 : i32
    %dma_start3A_163 = arith.constant 0 : i32
    %dma_start3A_164 = tpu.memref_slice %arg6[%add3A_162, %dma_start3A_163] : memref<10240x128xf32, #tpu.memory_space<vmem_shared>> -> memref<32x128xf32, #tpu.memory_space<vmem_shared>>
    %dma_start3A_165 = arith.constant 0 : i32
    %dma_start3A_166 = tpu.memref_slice %arg6[%add3A_162, %dma_start3A_165] : memref<10240x128xf32, #tpu.memory_space<vmem_shared>> -> memref<32x128xf32, #tpu.memory_space<vmem_shared>>
    tpu.enqueue_dma source(%arg11 : memref<32x128xf32, #tpu.memory_space<vmem>>) target(%dma_start3A_166 : memref<32x128xf32, #tpu.memory_space<vmem_shared>>) target_semaphore(%arg24 : memref<!tpu.dma_semaphore, #tpu.memory_space<semaphore_mem>>)
    %dma_wait3A = arith.constant 0 : i32
    %dma_wait3A_167 = tpu.memref_slice %arg6[%add3A_11, %dma_wait3A] : memref<10240x128xf32, #tpu.memory_space<vmem_shared>> -> memref<32x128xf32, #tpu.memory_space<vmem_shared>>
    %dma_wait3A_168 = arith.constant 0 : i32
    %dma_wait3A_169 = tpu.memref_slice %arg6[%add3A_11, %dma_wait3A_168] : memref<10240x128xf32, #tpu.memory_space<vmem_shared>> -> memref<32x128xf32, #tpu.memory_space<vmem_shared>>
    tpu.wait_dma2 semaphore(%arg24 : memref<!tpu.dma_semaphore, #tpu.memory_space<semaphore_mem>>) src(%arg11 : memref<32x128xf32, #tpu.memory_space<vmem>>) dst(%dma_wait3A_169 : memref<32x128xf32, #tpu.memory_space<vmem_shared>>)
    %dma_wait3A_170 = arith.constant 0 : i32
    %dma_wait3A_171 = tpu.memref_slice %arg6[%add3A_18, %dma_wait3A_170] : memref<10240x128xf32, #tpu.memory_space<vmem_shared>> -> memref<32x128xf32, #tpu.memory_space<vmem_shared>>
    %dma_wait3A_172 = arith.constant 0 : i32
    %dma_wait3A_173 = tpu.memref_slice %arg6[%add3A_18, %dma_wait3A_172] : memref<10240x128xf32, #tpu.memory_space<vmem_shared>> -> memref<32x128xf32, #tpu.memory_space<vmem_shared>>
    tpu.wait_dma2 semaphore(%arg24 : memref<!tpu.dma_semaphore, #tpu.memory_space<semaphore_mem>>) src(%arg11 : memref<32x128xf32, #tpu.memory_space<vmem>>) dst(%dma_wait3A_173 : memref<32x128xf32, #tpu.memory_space<vmem_shared>>)
    %dma_wait3A_174 = arith.constant 0 : i32
    %dma_wait3A_175 = tpu.memref_slice %arg6[%add3A_26, %dma_wait3A_174] : memref<10240x128xf32, #tpu.memory_space<vmem_shared>> -> memref<32x128xf32, #tpu.memory_space<vmem_shared>>
    %dma_wait3A_176 = arith.constant 0 : i32
    %dma_wait3A_177 = tpu.memref_slice %arg6[%add3A_26, %dma_wait3A_176] : memref<10240x128xf32, #tpu.memory_space<vmem_shared>> -> memref<32x128xf32, #tpu.memory_space<vmem_shared>>
    tpu.wait_dma2 semaphore(%arg24 : memref<!tpu.dma_semaphore, #tpu.memory_space<semaphore_mem>>) src(%arg11 : memref<32x128xf32, #tpu.memory_space<vmem>>) dst(%dma_wait3A_177 : memref<32x128xf32, #tpu.memory_space<vmem_shared>>)
    %dma_wait3A_178 = arith.constant 0 : i32
    %dma_wait3A_179 = tpu.memref_slice %arg6[%add3A_34, %dma_wait3A_178] : memref<10240x128xf32, #tpu.memory_space<vmem_shared>> -> memref<32x128xf32, #tpu.memory_space<vmem_shared>>
    %dma_wait3A_180 = arith.constant 0 : i32
    %dma_wait3A_181 = tpu.memref_slice %arg6[%add3A_34, %dma_wait3A_180] : memref<10240x128xf32, #tpu.memory_space<vmem_shared>> -> memref<32x128xf32, #tpu.memory_space<vmem_shared>>
    tpu.wait_dma2 semaphore(%arg24 : memref<!tpu.dma_semaphore, #tpu.memory_space<semaphore_mem>>) src(%arg11 : memref<32x128xf32, #tpu.memory_space<vmem>>) dst(%dma_wait3A_181 : memref<32x128xf32, #tpu.memory_space<vmem_shared>>)
    %dma_wait3A_182 = arith.constant 0 : i32
    %dma_wait3A_183 = tpu.memref_slice %arg6[%add3A_42, %dma_wait3A_182] : memref<10240x128xf32, #tpu.memory_space<vmem_shared>> -> memref<32x128xf32, #tpu.memory_space<vmem_shared>>
    %dma_wait3A_184 = arith.constant 0 : i32
    %dma_wait3A_185 = tpu.memref_slice %arg6[%add3A_42, %dma_wait3A_184] : memref<10240x128xf32, #tpu.memory_space<vmem_shared>> -> memref<32x128xf32, #tpu.memory_space<vmem_shared>>
    tpu.wait_dma2 semaphore(%arg24 : memref<!tpu.dma_semaphore, #tpu.memory_space<semaphore_mem>>) src(%arg11 : memref<32x128xf32, #tpu.memory_space<vmem>>) dst(%dma_wait3A_185 : memref<32x128xf32, #tpu.memory_space<vmem_shared>>)
    %dma_wait3A_186 = arith.constant 0 : i32
    %dma_wait3A_187 = tpu.memref_slice %arg6[%add3A_50, %dma_wait3A_186] : memref<10240x128xf32, #tpu.memory_space<vmem_shared>> -> memref<32x128xf32, #tpu.memory_space<vmem_shared>>
    %dma_wait3A_188 = arith.constant 0 : i32
    %dma_wait3A_189 = tpu.memref_slice %arg6[%add3A_50, %dma_wait3A_188] : memref<10240x128xf32, #tpu.memory_space<vmem_shared>> -> memref<32x128xf32, #tpu.memory_space<vmem_shared>>
    tpu.wait_dma2 semaphore(%arg24 : memref<!tpu.dma_semaphore, #tpu.memory_space<semaphore_mem>>) src(%arg11 : memref<32x128xf32, #tpu.memory_space<vmem>>) dst(%dma_wait3A_189 : memref<32x128xf32, #tpu.memory_space<vmem_shared>>)
    %dma_wait3A_190 = arith.constant 0 : i32
    %dma_wait3A_191 = tpu.memref_slice %arg6[%add3A_58, %dma_wait3A_190] : memref<10240x128xf32, #tpu.memory_space<vmem_shared>> -> memref<32x128xf32, #tpu.memory_space<vmem_shared>>
    %dma_wait3A_192 = arith.constant 0 : i32
    %dma_wait3A_193 = tpu.memref_slice %arg6[%add3A_58, %dma_wait3A_192] : memref<10240x128xf32, #tpu.memory_space<vmem_shared>> -> memref<32x128xf32, #tpu.memory_space<vmem_shared>>
    tpu.wait_dma2 semaphore(%arg24 : memref<!tpu.dma_semaphore, #tpu.memory_space<semaphore_mem>>) src(%arg11 : memref<32x128xf32, #tpu.memory_space<vmem>>) dst(%dma_wait3A_193 : memref<32x128xf32, #tpu.memory_space<vmem_shared>>)
    %dma_wait3A_194 = arith.constant 0 : i32
    %dma_wait3A_195 = tpu.memref_slice %arg6[%add3A_66, %dma_wait3A_194] : memref<10240x128xf32, #tpu.memory_space<vmem_shared>> -> memref<32x128xf32, #tpu.memory_space<vmem_shared>>
    %dma_wait3A_196 = arith.constant 0 : i32
    %dma_wait3A_197 = tpu.memref_slice %arg6[%add3A_66, %dma_wait3A_196] : memref<10240x128xf32, #tpu.memory_space<vmem_shared>> -> memref<32x128xf32, #tpu.memory_space<vmem_shared>>
    tpu.wait_dma2 semaphore(%arg24 : memref<!tpu.dma_semaphore, #tpu.memory_space<semaphore_mem>>) src(%arg11 : memref<32x128xf32, #tpu.memory_space<vmem>>) dst(%dma_wait3A_197 : memref<32x128xf32, #tpu.memory_space<vmem_shared>>)
    %dma_wait3A_198 = arith.constant 0 : i32
    %dma_wait3A_199 = tpu.memref_slice %arg6[%add3A_74, %dma_wait3A_198] : memref<10240x128xf32, #tpu.memory_space<vmem_shared>> -> memref<32x128xf32, #tpu.memory_space<vmem_shared>>
    %dma_wait3A_200 = arith.constant 0 : i32
    %dma_wait3A_201 = tpu.memref_slice %arg6[%add3A_74, %dma_wait3A_200] : memref<10240x128xf32, #tpu.memory_space<vmem_shared>> -> memref<32x128xf32, #tpu.memory_space<vmem_shared>>
    tpu.wait_dma2 semaphore(%arg24 : memref<!tpu.dma_semaphore, #tpu.memory_space<semaphore_mem>>) src(%arg11 : memref<32x128xf32, #tpu.memory_space<vmem>>) dst(%dma_wait3A_201 : memref<32x128xf32, #tpu.memory_space<vmem_shared>>)
    %dma_wait3A_202 = arith.constant 0 : i32
    %dma_wait3A_203 = tpu.memref_slice %arg6[%add3A_82, %dma_wait3A_202] : memref<10240x128xf32, #tpu.memory_space<vmem_shared>> -> memref<32x128xf32, #tpu.memory_space<vmem_shared>>
    %dma_wait3A_204 = arith.constant 0 : i32
    %dma_wait3A_205 = tpu.memref_slice %arg6[%add3A_82, %dma_wait3A_204] : memref<10240x128xf32, #tpu.memory_space<vmem_shared>> -> memref<32x128xf32, #tpu.memory_space<vmem_shared>>
    tpu.wait_dma2 semaphore(%arg24 : memref<!tpu.dma_semaphore, #tpu.memory_space<semaphore_mem>>) src(%arg11 : memref<32x128xf32, #tpu.memory_space<vmem>>) dst(%dma_wait3A_205 : memref<32x128xf32, #tpu.memory_space<vmem_shared>>)
    %dma_wait3A_206 = arith.constant 0 : i32
    %dma_wait3A_207 = tpu.memref_slice %arg6[%add3A_90, %dma_wait3A_206] : memref<10240x128xf32, #tpu.memory_space<vmem_shared>> -> memref<32x128xf32, #tpu.memory_space<vmem_shared>>
    %dma_wait3A_208 = arith.constant 0 : i32
    %dma_wait3A_209 = tpu.memref_slice %arg6[%add3A_90, %dma_wait3A_208] : memref<10240x128xf32, #tpu.memory_space<vmem_shared>> -> memref<32x128xf32, #tpu.memory_space<vmem_shared>>
    tpu.wait_dma2 semaphore(%arg24 : memref<!tpu.dma_semaphore, #tpu.memory_space<semaphore_mem>>) src(%arg11 : memref<32x128xf32, #tpu.memory_space<vmem>>) dst(%dma_wait3A_209 : memref<32x128xf32, #tpu.memory_space<vmem_shared>>)
    %dma_wait3A_210 = arith.constant 0 : i32
    %dma_wait3A_211 = tpu.memref_slice %arg6[%add3A_98, %dma_wait3A_210] : memref<10240x128xf32, #tpu.memory_space<vmem_shared>> -> memref<32x128xf32, #tpu.memory_space<vmem_shared>>
    %dma_wait3A_212 = arith.constant 0 : i32
    %dma_wait3A_213 = tpu.memref_slice %arg6[%add3A_98, %dma_wait3A_212] : memref<10240x128xf32, #tpu.memory_space<vmem_shared>> -> memref<32x128xf32, #tpu.memory_space<vmem_shared>>
    tpu.wait_dma2 semaphore(%arg24 : memref<!tpu.dma_semaphore, #tpu.memory_space<semaphore_mem>>) src(%arg11 : memref<32x128xf32, #tpu.memory_space<vmem>>) dst(%dma_wait3A_213 : memref<32x128xf32, #tpu.memory_space<vmem_shared>>)
    %dma_wait3A_214 = arith.constant 0 : i32
    %dma_wait3A_215 = tpu.memref_slice %arg6[%add3A_106, %dma_wait3A_214] : memref<10240x128xf32, #tpu.memory_space<vmem_shared>> -> memref<32x128xf32, #tpu.memory_space<vmem_shared>>
    %dma_wait3A_216 = arith.constant 0 : i32
    %dma_wait3A_217 = tpu.memref_slice %arg6[%add3A_106, %dma_wait3A_216] : memref<10240x128xf32, #tpu.memory_space<vmem_shared>> -> memref<32x128xf32, #tpu.memory_space<vmem_shared>>
    tpu.wait_dma2 semaphore(%arg24 : memref<!tpu.dma_semaphore, #tpu.memory_space<semaphore_mem>>) src(%arg11 : memref<32x128xf32, #tpu.memory_space<vmem>>) dst(%dma_wait3A_217 : memref<32x128xf32, #tpu.memory_space<vmem_shared>>)
    %dma_wait3A_218 = arith.constant 0 : i32
    %dma_wait3A_219 = tpu.memref_slice %arg6[%add3A_114, %dma_wait3A_218] : memref<10240x128xf32, #tpu.memory_space<vmem_shared>> -> memref<32x128xf32, #tpu.memory_space<vmem_shared>>
    %dma_wait3A_220 = arith.constant 0 : i32
    %dma_wait3A_221 = tpu.memref_slice %arg6[%add3A_114, %dma_wait3A_220] : memref<10240x128xf32, #tpu.memory_space<vmem_shared>> -> memref<32x128xf32, #tpu.memory_space<vmem_shared>>
    tpu.wait_dma2 semaphore(%arg24 : memref<!tpu.dma_semaphore, #tpu.memory_space<semaphore_mem>>) src(%arg11 : memref<32x128xf32, #tpu.memory_space<vmem>>) dst(%dma_wait3A_221 : memref<32x128xf32, #tpu.memory_space<vmem_shared>>)
    %dma_wait3A_222 = arith.constant 0 : i32
    %dma_wait3A_223 = tpu.memref_slice %arg6[%add3A_122, %dma_wait3A_222] : memref<10240x128xf32, #tpu.memory_space<vmem_shared>> -> memref<32x128xf32, #tpu.memory_space<vmem_shared>>
    %dma_wait3A_224 = arith.constant 0 : i32
    %dma_wait3A_225 = tpu.memref_slice %arg6[%add3A_122, %dma_wait3A_224] : memref<10240x128xf32, #tpu.memory_space<vmem_shared>> -> memref<32x128xf32, #tpu.memory_space<vmem_shared>>
    tpu.wait_dma2 semaphore(%arg24 : memref<!tpu.dma_semaphore, #tpu.memory_space<semaphore_mem>>) src(%arg11 : memref<32x128xf32, #tpu.memory_space<vmem>>) dst(%dma_wait3A_225 : memref<32x128xf32, #tpu.memory_space<vmem_shared>>)
    %dma_wait3A_226 = arith.constant 0 : i32
    %dma_wait3A_227 = tpu.memref_slice %arg6[%add3A_130, %dma_wait3A_226] : memref<10240x128xf32, #tpu.memory_space<vmem_shared>> -> memref<32x128xf32, #tpu.memory_space<vmem_shared>>
    %dma_wait3A_228 = arith.constant 0 : i32
    %dma_wait3A_229 = tpu.memref_slice %arg6[%add3A_130, %dma_wait3A_228] : memref<10240x128xf32, #tpu.memory_space<vmem_shared>> -> memref<32x128xf32, #tpu.memory_space<vmem_shared>>
    tpu.wait_dma2 semaphore(%arg24 : memref<!tpu.dma_semaphore, #tpu.memory_space<semaphore_mem>>) src(%arg11 : memref<32x128xf32, #tpu.memory_space<vmem>>) dst(%dma_wait3A_229 : memref<32x128xf32, #tpu.memory_space<vmem_shared>>)
    %dma_wait3A_230 = arith.constant 0 : i32
    %dma_wait3A_231 = tpu.memref_slice %arg6[%add3A_138, %dma_wait3A_230] : memref<10240x128xf32, #tpu.memory_space<vmem_shared>> -> memref<32x128xf32, #tpu.memory_space<vmem_shared>>
    %dma_wait3A_232 = arith.constant 0 : i32
    %dma_wait3A_233 = tpu.memref_slice %arg6[%add3A_138, %dma_wait3A_232] : memref<10240x128xf32, #tpu.memory_space<vmem_shared>> -> memref<32x128xf32, #tpu.memory_space<vmem_shared>>
    tpu.wait_dma2 semaphore(%arg24 : memref<!tpu.dma_semaphore, #tpu.memory_space<semaphore_mem>>) src(%arg11 : memref<32x128xf32, #tpu.memory_space<vmem>>) dst(%dma_wait3A_233 : memref<32x128xf32, #tpu.memory_space<vmem_shared>>)
    %dma_wait3A_234 = arith.constant 0 : i32
    %dma_wait3A_235 = tpu.memref_slice %arg6[%add3A_146, %dma_wait3A_234] : memref<10240x128xf32, #tpu.memory_space<vmem_shared>> -> memref<32x128xf32, #tpu.memory_space<vmem_shared>>
    %dma_wait3A_236 = arith.constant 0 : i32
    %dma_wait3A_237 = tpu.memref_slice %arg6[%add3A_146, %dma_wait3A_236] : memref<10240x128xf32, #tpu.memory_space<vmem_shared>> -> memref<32x128xf32, #tpu.memory_space<vmem_shared>>
    tpu.wait_dma2 semaphore(%arg24 : memref<!tpu.dma_semaphore, #tpu.memory_space<semaphore_mem>>) src(%arg11 : memref<32x128xf32, #tpu.memory_space<vmem>>) dst(%dma_wait3A_237 : memref<32x128xf32, #tpu.memory_space<vmem_shared>>)
    %dma_wait3A_238 = arith.constant 0 : i32
    %dma_wait3A_239 = tpu.memref_slice %arg6[%add3A_154, %dma_wait3A_238] : memref<10240x128xf32, #tpu.memory_space<vmem_shared>> -> memref<32x128xf32, #tpu.memory_space<vmem_shared>>
    %dma_wait3A_240 = arith.constant 0 : i32
    %dma_wait3A_241 = tpu.memref_slice %arg6[%add3A_154, %dma_wait3A_240] : memref<10240x128xf32, #tpu.memory_space<vmem_shared>> -> memref<32x128xf32, #tpu.memory_space<vmem_shared>>
    tpu.wait_dma2 semaphore(%arg24 : memref<!tpu.dma_semaphore, #tpu.memory_space<semaphore_mem>>) src(%arg11 : memref<32x128xf32, #tpu.memory_space<vmem>>) dst(%dma_wait3A_241 : memref<32x128xf32, #tpu.memory_space<vmem_shared>>)
    %dma_wait3A_242 = arith.constant 0 : i32
    %dma_wait3A_243 = tpu.memref_slice %arg6[%add3A_162, %dma_wait3A_242] : memref<10240x128xf32, #tpu.memory_space<vmem_shared>> -> memref<32x128xf32, #tpu.memory_space<vmem_shared>>
    %dma_wait3A_244 = arith.constant 0 : i32
    %dma_wait3A_245 = tpu.memref_slice %arg6[%add3A_162, %dma_wait3A_244] : memref<10240x128xf32, #tpu.memory_space<vmem_shared>> -> memref<32x128xf32, #tpu.memory_space<vmem_shared>>
    tpu.wait_dma2 semaphore(%arg24 : memref<!tpu.dma_semaphore, #tpu.memory_space<semaphore_mem>>) src(%arg11 : memref<32x128xf32, #tpu.memory_space<vmem>>) dst(%dma_wait3A_245 : memref<32x128xf32, #tpu.memory_space<vmem_shared>>)
    %barrier3A = arith.constant 0 : index
    tpu.barrier barrier_id(%barrier3A)
    %scan3A_246 = arith.constant 0 : i32
    %scan3A_247 = arith.constant 0 : i32
    %scan3A_248 = arith.constant 80 : i32
    %scan3A_249 = arith.addi %scan3A_247, %scan3A_248 : i32
    %scan3A_250 = arith.constant 1 : i32
    %scan3A_251 = scf.for %scan3A_261 = %scan3A_247 to %scan3A_249 step %scan3A_250 iter_args(%scan3A_262 = %scan3A_246) -> (i32)  : i32 {
      %mul3A_263 = arith.constant 32 : i32
      %mul3A_264 = arith.muli %scan3A_261, %mul3A_263 : i32
      %add3A_265 = arith.addi %mul3A_264, %add3A : i32
      %mul3A_266 = arith.constant 128 : i32
      %mul3A_267 = arith.muli %add3A_265, %mul3A_266 : i32
      %run_scoped3A = arith.constant 0 : i32
      "tpu.region"() ({
        %run_scoped3A_285 = tpu.sem_alloc : memref<!tpu.dma_semaphore, #tpu.memory_space<semaphore_mem>>
        %dma_start3A_286 = arith.constant 0 : i32
        %dma_start3A_287 = tpu.memref_slice %arg7[%run_scoped3A, %dma_start3A_286] : memref<4x128xi32, #tpu.memory_space<vmem>> -> memref<1x128xi32, #tpu.memory_space<vmem>>
        %dma_start3A_288 = tpu.memref_squeeze %dma_start3A_287 : memref<1x128xi32, #tpu.memory_space<vmem>> -> memref<128xi32, #tpu.memory_space<vmem>>
        %dma_start3A_289 = tpu.memref_slice %arg3[%mul3A_267] : memref<327680xi32, #tpu.memory_space<hbm>> -> memref<128xi32, #tpu.memory_space<hbm>>
        %dma_start3A_290 = arith.constant 0 : i32
        %dma_start3A_291 = tpu.memref_slice %arg7[%run_scoped3A, %dma_start3A_290] : memref<4x128xi32, #tpu.memory_space<vmem>> -> memref<1x128xi32, #tpu.memory_space<vmem>>
        %dma_start3A_292 = tpu.memref_squeeze %dma_start3A_291 : memref<1x128xi32, #tpu.memory_space<vmem>> -> memref<128xi32, #tpu.memory_space<vmem>>
        %dma_start3A_293 = tpu.memref_slice %arg3[%mul3A_267] : memref<327680xi32, #tpu.memory_space<hbm>> -> memref<128xi32, #tpu.memory_space<hbm>>
        tpu.enqueue_dma source(%dma_start3A_293 : memref<128xi32, #tpu.memory_space<hbm>>) target(%dma_start3A_292 : memref<128xi32, #tpu.memory_space<vmem>>) target_semaphore(%run_scoped3A_285 : memref<!tpu.dma_semaphore, #tpu.memory_space<semaphore_mem>>)
        %dma_wait3A_294 = arith.constant 0 : i32
        %dma_wait3A_295 = tpu.memref_slice %arg7[%run_scoped3A, %dma_wait3A_294] : memref<4x128xi32, #tpu.memory_space<vmem>> -> memref<1x128xi32, #tpu.memory_space<vmem>>
        %dma_wait3A_296 = tpu.memref_squeeze %dma_wait3A_295 : memref<1x128xi32, #tpu.memory_space<vmem>> -> memref<128xi32, #tpu.memory_space<vmem>>
        %dma_wait3A_297 = tpu.memref_slice %arg3[%mul3A_267] : memref<327680xi32, #tpu.memory_space<hbm>> -> memref<128xi32, #tpu.memory_space<hbm>>
        %dma_wait3A_298 = arith.constant 0 : i32
        %dma_wait3A_299 = tpu.memref_slice %arg7[%run_scoped3A, %dma_wait3A_298] : memref<4x128xi32, #tpu.memory_space<vmem>> -> memref<1x128xi32, #tpu.memory_space<vmem>>
        %dma_wait3A_300 = tpu.memref_squeeze %dma_wait3A_299 : memref<1x128xi32, #tpu.memory_space<vmem>> -> memref<128xi32, #tpu.memory_space<vmem>>
        %dma_wait3A_301 = tpu.memref_slice %arg3[%mul3A_267] : memref<327680xi32, #tpu.memory_space<hbm>> -> memref<128xi32, #tpu.memory_space<hbm>>
        tpu.wait_dma2 semaphore(%run_scoped3A_285 : memref<!tpu.dma_semaphore, #tpu.memory_space<semaphore_mem>>) src(%dma_wait3A_301 : memref<128xi32, #tpu.memory_space<hbm>>) dst(%dma_wait3A_300 : memref<128xi32, #tpu.memory_space<vmem>>)
        tpu.yield
      }) : () -> ()
      %run_scoped3A_268 = arith.constant 0 : i32
      "tpu.region"() ({
        %run_scoped3A_285 = tpu.sem_alloc : memref<!tpu.dma_semaphore, #tpu.memory_space<semaphore_mem>>
        %dma_start3A_286 = arith.constant 0 : i32
        %dma_start3A_287 = tpu.memref_slice %arg8[%run_scoped3A_268, %dma_start3A_286] : memref<4x128xi32, #tpu.memory_space<vmem>> -> memref<1x128xi32, #tpu.memory_space<vmem>>
        %dma_start3A_288 = tpu.memref_squeeze %dma_start3A_287 : memref<1x128xi32, #tpu.memory_space<vmem>> -> memref<128xi32, #tpu.memory_space<vmem>>
        %dma_start3A_289 = tpu.memref_slice %arg4[%mul3A_267] : memref<327680xi32, #tpu.memory_space<hbm>> -> memref<128xi32, #tpu.memory_space<hbm>>
        %dma_start3A_290 = arith.constant 0 : i32
        %dma_start3A_291 = tpu.memref_slice %arg8[%run_scoped3A_268, %dma_start3A_290] : memref<4x128xi32, #tpu.memory_space<vmem>> -> memref<1x128xi32, #tpu.memory_space<vmem>>
        %dma_start3A_292 = tpu.memref_squeeze %dma_start3A_291 : memref<1x128xi32, #tpu.memory_space<vmem>> -> memref<128xi32, #tpu.memory_space<vmem>>
        %dma_start3A_293 = tpu.memref_slice %arg4[%mul3A_267] : memref<327680xi32, #tpu.memory_space<hbm>> -> memref<128xi32, #tpu.memory_space<hbm>>
        tpu.enqueue_dma source(%dma_start3A_293 : memref<128xi32, #tpu.memory_space<hbm>>) target(%dma_start3A_292 : memref<128xi32, #tpu.memory_space<vmem>>) target_semaphore(%run_scoped3A_285 : memref<!tpu.dma_semaphore, #tpu.memory_space<semaphore_mem>>)
        %dma_wait3A_294 = arith.constant 0 : i32
        %dma_wait3A_295 = tpu.memref_slice %arg8[%run_scoped3A_268, %dma_wait3A_294] : memref<4x128xi32, #tpu.memory_space<vmem>> -> memref<1x128xi32, #tpu.memory_space<vmem>>
        %dma_wait3A_296 = tpu.memref_squeeze %dma_wait3A_295 : memref<1x128xi32, #tpu.memory_space<vmem>> -> memref<128xi32, #tpu.memory_space<vmem>>
        %dma_wait3A_297 = tpu.memref_slice %arg4[%mul3A_267] : memref<327680xi32, #tpu.memory_space<hbm>> -> memref<128xi32, #tpu.memory_space<hbm>>
        %dma_wait3A_298 = arith.constant 0 : i32
        %dma_wait3A_299 = tpu.memref_slice %arg8[%run_scoped3A_268, %dma_wait3A_298] : memref<4x128xi32, #tpu.memory_space<vmem>> -> memref<1x128xi32, #tpu.memory_space<vmem>>
        %dma_wait3A_300 = tpu.memref_squeeze %dma_wait3A_299 : memref<1x128xi32, #tpu.memory_space<vmem>> -> memref<128xi32, #tpu.memory_space<vmem>>
        %dma_wait3A_301 = tpu.memref_slice %arg4[%mul3A_267] : memref<327680xi32, #tpu.memory_space<hbm>> -> memref<128xi32, #tpu.memory_space<hbm>>
        tpu.wait_dma2 semaphore(%run_scoped3A_285 : memref<!tpu.dma_semaphore, #tpu.memory_space<semaphore_mem>>) src(%dma_wait3A_301 : memref<128xi32, #tpu.memory_space<hbm>>) dst(%dma_wait3A_300 : memref<128xi32, #tpu.memory_space<vmem>>)
        tpu.yield
      }) : () -> ()
      %dma_start3A_269 = arith.constant 0 : i32
      %dma_start3A_270 = arith.constant 0 : i32
      %dma_start3A_271 = tpu.memref_slice %arg7[%dma_start3A_269, %dma_start3A_270] : memref<4x128xi32, #tpu.memory_space<vmem>> -> memref<1x128xi32, #tpu.memory_space<vmem>>
      %dma_start3A_272 = tpu.memref_squeeze %dma_start3A_271 : memref<1x128xi32, #tpu.memory_space<vmem>> -> memref<128xi32, #tpu.memory_space<vmem>>
      %dma_start3A_273 = arith.constant 0 : i32
      %dma_start3A_274 = arith.constant 0 : i32
      %dma_start3A_275 = tpu.memref_slice %arg2[%dma_start3A_273, %dma_start3A_274] : memref<10000x128xf32, #tpu.memory_space<hbm>> -> memref<10000x128xf32, #tpu.memory_space<hbm>>
      tpu.enqueue_indirect_dma source(%dma_start3A_275 : memref<10000x128xf32, #tpu.memory_space<hbm>>) target(%arg9 : memref<128x128xf32, #tpu.memory_space<vmem>>) offsets(%dma_start3A_272 : memref<128xi32, #tpu.memory_space<vmem>>) semaphore(%arg20 : memref<!tpu.dma_semaphore, #tpu.memory_space<semaphore_mem>>)
      %dma_wait3A_276 = arith.constant 0 : i32
      %dma_wait3A_277 = arith.constant 0 : i32
      %dma_wait3A_278 = tpu.memref_slice %arg7[%dma_wait3A_276, %dma_wait3A_277] : memref<4x128xi32, #tpu.memory_space<vmem>> -> memref<1x128xi32, #tpu.memory_space<vmem>>
      %dma_wait3A_279 = tpu.memref_squeeze %dma_wait3A_278 : memref<1x128xi32, #tpu.memory_space<vmem>> -> memref<128xi32, #tpu.memory_space<vmem>>
      %dma_wait3A_280 = arith.constant 0 : i32
      %dma_wait3A_281 = arith.constant 0 : i32
      %dma_wait3A_282 = tpu.memref_slice %arg2[%dma_wait3A_280, %dma_wait3A_281] : memref<10000x128xf32, #tpu.memory_space<hbm>> -> memref<10000x128xf32, #tpu.memory_space<hbm>>
      tpu.wait_indirect_dma semaphore(%arg20 : memref<!tpu.dma_semaphore, #tpu.memory_space<semaphore_mem>>) src(%dma_wait3A_282 : memref<10000x128xf32, #tpu.memory_space<hbm>>) dst(%arg9 : memref<128x128xf32, #tpu.memory_space<vmem>>)
      %run_scoped3A_283 = arith.constant 0 : i32
      "tpu.region"() ({
        %run_scoped3A_285 = tpu.sem_alloc : memref<!tpu.dma_semaphore, #tpu.memory_space<semaphore_mem>>
        %dma_start3A_286 = arith.constant 0 : i32
        %dma_start3A_287 = tpu.memref_slice %arg8[%run_scoped3A_283, %dma_start3A_286] : memref<4x128xi32, #tpu.memory_space<vmem>> -> memref<1x128xi32, #tpu.memory_space<vmem>>
        %dma_start3A_288 = tpu.memref_squeeze %dma_start3A_287 : memref<1x128xi32, #tpu.memory_space<vmem>> -> memref<128xi32, #tpu.memory_space<vmem>>
        %dma_start3A_289 = arith.constant 0 : i32
        %dma_start3A_290 = arith.constant 0 : i32
        %dma_start3A_291 = tpu.memref_slice %arg6[%dma_start3A_289, %dma_start3A_290] : memref<10240x128xf32, #tpu.memory_space<vmem_shared>> -> memref<10240x128xf32, #tpu.memory_space<vmem_shared>>
        tpu.enqueue_indirect_dma source(%arg9 : memref<128x128xf32, #tpu.memory_space<vmem>>) target(%dma_start3A_291 : memref<10240x128xf32, #tpu.memory_space<vmem_shared>>) offsets(%dma_start3A_288 : memref<128xi32, #tpu.memory_space<vmem>>) semaphore(%run_scoped3A_285 : memref<!tpu.dma_semaphore, #tpu.memory_space<semaphore_mem>>) {add = true}
        %dma_wait3A_292 = arith.constant 0 : i32
        %dma_wait3A_293 = tpu.memref_slice %arg8[%run_scoped3A_283, %dma_wait3A_292] : memref<4x128xi32, #tpu.memory_space<vmem>> -> memref<1x128xi32, #tpu.memory_space<vmem>>
        %dma_wait3A_294 = tpu.memref_squeeze %dma_wait3A_293 : memref<1x128xi32, #tpu.memory_space<vmem>> -> memref<128xi32, #tpu.memory_space<vmem>>
        %dma_wait3A_295 = arith.constant 0 : i32
        %dma_wait3A_296 = arith.constant 0 : i32
        %dma_wait3A_297 = tpu.memref_slice %arg6[%dma_wait3A_295, %dma_wait3A_296] : memref<10240x128xf32, #tpu.memory_space<vmem_shared>> -> memref<10240x128xf32, #tpu.memory_space<vmem_shared>>
        tpu.wait_indirect_dma semaphore(%run_scoped3A_285 : memref<!tpu.dma_semaphore, #tpu.memory_space<semaphore_mem>>) src(%arg9 : memref<128x128xf32, #tpu.memory_space<vmem>>) dst(%dma_wait3A_297 : memref<10240x128xf32, #tpu.memory_space<vmem_shared>>)
        tpu.yield
      }) : () -> ()
      %scan3A_284 = arith.constant 0 : i32
      scf.yield %scan3A_284 : i32
    }
    %scan3A_252 = arith.constant 80 : i32
    %barrier3A_253 = arith.constant 0 : index
    tpu.barrier barrier_id(%barrier3A_253)
    %mul3A_254 = arith.constant 640 : i32
    %mul3A_255 = arith.muli %arg1, %mul3A_254 : i32
    %mul3A_256 = arith.constant 10240 : i32
    %mul3A_257 = arith.muli %arg0, %mul3A_256 : i32
    %mul3A_258 = arith.constant 640 : i32
    %mul3A_259 = arith.muli %arg1, %mul3A_258 : i32
    %add3A_260 = arith.addi %mul3A_257, %mul3A_259 : i32
    "tpu.region"() ({
      %run_scoped3A = tpu.sem_alloc : memref<!tpu.dma_semaphore, #tpu.memory_space<semaphore_mem>>
      %dma_start3A_261 = arith.constant 0 : i32
      %dma_start3A_262 = tpu.memref_slice %arg5[%add3A_260, %dma_start3A_261] : memref<20480x128xf32, #tpu.memory_space<hbm>> -> memref<640x128xf32, #tpu.memory_space<hbm>>
      %dma_start3A_263 = arith.constant 0 : i32
      %dma_start3A_264 = tpu.memref_slice %arg6[%mul3A_255, %dma_start3A_263] : memref<10240x128xf32, #tpu.memory_space<vmem_shared>> -> memref<640x128xf32, #tpu.memory_space<vmem_shared>>
      tpu.enqueue_dma source(%dma_start3A_264 : memref<640x128xf32, #tpu.memory_space<vmem_shared>>) target(%dma_start3A_262 : memref<640x128xf32, #tpu.memory_space<hbm>>) target_semaphore(%run_scoped3A : memref<!tpu.dma_semaphore, #tpu.memory_space<semaphore_mem>>)
      %dma_wait3A_265 = arith.constant 0 : i32
      %dma_wait3A_266 = tpu.memref_slice %arg5[%add3A_260, %dma_wait3A_265] : memref<20480x128xf32, #tpu.memory_space<hbm>> -> memref<640x128xf32, #tpu.memory_space<hbm>>
      %dma_wait3A_267 = arith.constant 0 : i32
      %dma_wait3A_268 = tpu.memref_slice %arg6[%mul3A_255, %dma_wait3A_267] : memref<10240x128xf32, #tpu.memory_space<vmem_shared>> -> memref<640x128xf32, #tpu.memory_space<vmem_shared>>
      tpu.wait_dma2 semaphore(%run_scoped3A : memref<!tpu.dma_semaphore, #tpu.memory_space<semaphore_mem>>) src(%dma_wait3A_268 : memref<640x128xf32, #tpu.memory_space<vmem_shared>>) dst(%dma_wait3A_266 : memref<640x128xf32, #tpu.memory_space<hbm>>)
      tpu.yield
    }) : () -> ()
    return
  }
}

#map = affine_map<(d0, d1) -> (0, 0)>
#map1 = affine_map<(d0, d1) -> (0)>
module attributes {stable_mosaic.version = 14 : i64} {
  func.func @_sc_aggregate(%arg0: i32, %arg1: i32, %arg2: memref<10000x128xf32, #tpu.memory_space<hbm>>, %arg3: memref<327680xi32, #tpu.memory_space<hbm>>, %arg4: memref<327680xi32, #tpu.memory_space<hbm>>, %arg5: memref<20480x128xf32, #tpu.memory_space<hbm>>, %arg6: memref<10240x128xf32, #tpu.memory_space<vmem_shared>>, %arg7: memref<4x128xi32, #tpu.memory_space<vmem>>, %arg8: memref<4x128xi32, #tpu.memory_space<vmem>>, %arg9: memref<128x128xf32, #tpu.memory_space<vmem>>, %arg10: memref<128x128xf32, #tpu.memory_space<vmem>>, %arg11: memref<32x128xf32, #tpu.memory_space<vmem>>, %arg12: memref<!tpu.dma_semaphore, #tpu.memory_space<semaphore_mem>>, %arg13: memref<!tpu.dma_semaphore, #tpu.memory_space<semaphore_mem>>, %arg14: memref<!tpu.dma_semaphore, #tpu.memory_space<semaphore_mem>>, %arg15: memref<!tpu.dma_semaphore, #tpu.memory_space<semaphore_mem>>, %arg16: memref<!tpu.dma_semaphore, #tpu.memory_space<semaphore_mem>>, %arg17: memref<!tpu.dma_semaphore, #tpu.memory_space<semaphore_mem>>, %arg18: memref<!tpu.dma_semaphore, #tpu.memory_space<semaphore_mem>>, %arg19: memref<!tpu.dma_semaphore, #tpu.memory_space<semaphore_mem>>, %arg20: memref<!tpu.dma_semaphore, #tpu.memory_space<semaphore_mem>>, %arg21: memref<!tpu.dma_semaphore, #tpu.memory_space<semaphore_mem>>, %arg22: memref<!tpu.dma_semaphore, #tpu.memory_space<semaphore_mem>>, %arg23: memref<!tpu.dma_semaphore, #tpu.memory_space<semaphore_mem>>, %arg24: memref<!tpu.dma_semaphore, #tpu.memory_space<semaphore_mem>>) attributes {dimension_semantics = [#tpu.dimension_semantics<core_parallel>, #tpu.dimension_semantics<subcore_parallel>], iteration_bounds = array<i64: 2, 16>, scalar_prefetch = 0 : i64, scratch_operands = 19 : i64, tpu.core_type = #tpu.core_type<sc_vector_subcore>, window_params = [{transform_indices = #map}, {transform_indices = #map1}, {transform_indices = #map1}, {transform_indices = #map}]} {
    %mul3A = arith.constant 2 : i32
    %mul3A_0 = arith.muli %arg1, %mul3A : i32
    %add3A = arith.addi %mul3A_0, %arg0 : i32
    %broadcast_in_dim3A = arith.constant 0.000000e+00 : f32
    %broadcast_in_dim3A_1 = vector.broadcast %broadcast_in_dim3A : f32 to vector<16xf32>
    %scan3A = arith.constant 0 : i32
    %scan3A_2 = arith.constant 0 : i32
    %scan3A_3 = arith.constant 32 : i32
    %scan3A_4 = arith.addi %scan3A_2, %scan3A_3 : i32
    %scan3A_5 = arith.constant 1 : i32
    %scan3A_6 = scf.for %scan3A_261 = %scan3A_2 to %scan3A_4 step %scan3A_5 iter_args(%scan3A_262 = %scan3A) -> (i32)  : i32 {
      %swap3A = arith.index_cast %scan3A_261 : i32 to index
      %swap3A_263 = arith.constant 0 : index
      %swap3A_264 = tpu.vector_load %arg11[%swap3A, %swap3A_263] {strides = array<i32>} : memref<32x128xf32, #tpu.memory_space<vmem>>, vector<1x16xf32>,
      %swap3A_265 = vector.shape_cast %swap3A_264 : vector<1x16xf32> to vector<16xf32>
      %swap3A_266 = vector.shape_cast %broadcast_in_dim3A_1 : vector<16xf32> to vector<1x16xf32>
      tpu.vector_store %arg11[%swap3A, %swap3A_263], %swap3A_266 {strides = array<i32>} : memref<32x128xf32, #tpu.memory_space<vmem>>, vector<1x16xf32>,
      %swap3A_267 = arith.index_cast %scan3A_261 : i32 to index
      %swap3A_268 = arith.constant 16 : index
      %swap3A_269 = tpu.vector_load %arg11[%swap3A_267, %swap3A_268] {strides = array<i32>} : memref<32x128xf32, #tpu.memory_space<vmem>>, vector<1x16xf32>,
      %swap3A_270 = vector.shape_cast %swap3A_269 : vector<1x16xf32> to vector<16xf32>
      %swap3A_271 = vector.shape_cast %broadcast_in_dim3A_1 : vector<16xf32> to vector<1x16xf32>
      tpu.vector_store %arg11[%swap3A_267, %swap3A_268], %swap3A_271 {strides = array<i32>} : memref<32x128xf32, #tpu.memory_space<vmem>>, vector<1x16xf32>,
      %swap3A_272 = arith.index_cast %scan3A_261 : i32 to index
      %swap3A_273 = arith.constant 32 : index
      %swap3A_274 = tpu.vector_load %arg11[%swap3A_272, %swap3A_273] {strides = array<i32>} : memref<32x128xf32, #tpu.memory_space<vmem>>, vector<1x16xf32>,
      %swap3A_275 = vector.shape_cast %swap3A_274 : vector<1x16xf32> to vector<16xf32>
      %swap3A_276 = vector.shape_cast %broadcast_in_dim3A_1 : vector<16xf32> to vector<1x16xf32>
      tpu.vector_store %arg11[%swap3A_272, %swap3A_273], %swap3A_276 {strides = array<i32>} : memref<32x128xf32, #tpu.memory_space<vmem>>, vector<1x16xf32>,
      %swap3A_277 = arith.index_cast %scan3A_261 : i32 to index
      %swap3A_278 = arith.constant 48 : index
      %swap3A_279 = tpu.vector_load %arg11[%swap3A_277, %swap3A_278] {strides = array<i32>} : memref<32x128xf32, #tpu.memory_space<vmem>>, vector<1x16xf32>,
      %swap3A_280 = vector.shape_cast %swap3A_279 : vector<1x16xf32> to vector<16xf32>
      %swap3A_281 = vector.shape_cast %broadcast_in_dim3A_1 : vector<16xf32> to vector<1x16xf32>
      tpu.vector_store %arg11[%swap3A_277, %swap3A_278], %swap3A_281 {strides = array<i32>} : memref<32x128xf32, #tpu.memory_space<vmem>>, vector<1x16xf32>,
      %swap3A_282 = arith.index_cast %scan3A_261 : i32 to index
      %swap3A_283 = arith.constant 64 : index
      %swap3A_284 = tpu.vector_load %arg11[%swap3A_282, %swap3A_283] {strides = array<i32>} : memref<32x128xf32, #tpu.memory_space<vmem>>, vector<1x16xf32>,
      %swap3A_285 = vector.shape_cast %swap3A_284 : vector<1x16xf32> to vector<16xf32>
      %swap3A_286 = vector.shape_cast %broadcast_in_dim3A_1 : vector<16xf32> to vector<1x16xf32>
      tpu.vector_store %arg11[%swap3A_282, %swap3A_283], %swap3A_286 {strides = array<i32>} : memref<32x128xf32, #tpu.memory_space<vmem>>, vector<1x16xf32>,
      %swap3A_287 = arith.index_cast %scan3A_261 : i32 to index
      %swap3A_288 = arith.constant 80 : index
      %swap3A_289 = tpu.vector_load %arg11[%swap3A_287, %swap3A_288] {strides = array<i32>} : memref<32x128xf32, #tpu.memory_space<vmem>>, vector<1x16xf32>,
      %swap3A_290 = vector.shape_cast %swap3A_289 : vector<1x16xf32> to vector<16xf32>
      %swap3A_291 = vector.shape_cast %broadcast_in_dim3A_1 : vector<16xf32> to vector<1x16xf32>
      tpu.vector_store %arg11[%swap3A_287, %swap3A_288], %swap3A_291 {strides = array<i32>} : memref<32x128xf32, #tpu.memory_space<vmem>>, vector<1x16xf32>,
      %swap3A_292 = arith.index_cast %scan3A_261 : i32 to index
      %swap3A_293 = arith.constant 96 : index
      %swap3A_294 = tpu.vector_load %arg11[%swap3A_292, %swap3A_293] {strides = array<i32>} : memref<32x128xf32, #tpu.memory_space<vmem>>, vector<1x16xf32>,
      %swap3A_295 = vector.shape_cast %swap3A_294 : vector<1x16xf32> to vector<16xf32>
      %swap3A_296 = vector.shape_cast %broadcast_in_dim3A_1 : vector<16xf32> to vector<1x16xf32>
      tpu.vector_store %arg11[%swap3A_292, %swap3A_293], %swap3A_296 {strides = array<i32>} : memref<32x128xf32, #tpu.memory_space<vmem>>, vector<1x16xf32>,
      %swap3A_297 = arith.index_cast %scan3A_261 : i32 to index
      %swap3A_298 = arith.constant 112 : index
      %swap3A_299 = tpu.vector_load %arg11[%swap3A_297, %swap3A_298] {strides = array<i32>} : memref<32x128xf32, #tpu.memory_space<vmem>>, vector<1x16xf32>,
      %swap3A_300 = vector.shape_cast %swap3A_299 : vector<1x16xf32> to vector<16xf32>
      %swap3A_301 = vector.shape_cast %broadcast_in_dim3A_1 : vector<16xf32> to vector<1x16xf32>
      tpu.vector_store %arg11[%swap3A_297, %swap3A_298], %swap3A_301 {strides = array<i32>} : memref<32x128xf32, #tpu.memory_space<vmem>>, vector<1x16xf32>,
      %scan3A_302 = arith.constant 0 : i32
      scf.yield %scan3A_302 : i32
    }
    %scan3A_7 = arith.constant 32 : i32
    %mul3A_8 = arith.constant 640 : i32
    %mul3A_9 = arith.muli %arg1, %mul3A_8 : i32
    %add3A_10 = arith.constant 0 : i32
    %add3A_11 = arith.addi %mul3A_9, %add3A_10 : i32
    %dma_start3A = arith.constant 0 : i32
    %dma_start3A_12 = tpu.memref_slice %arg6[%add3A_11, %dma_start3A] : memref<10240x128xf32, #tpu.memory_space<vmem_shared>> -> memref<32x128xf32, #tpu.memory_space<vmem_shared>>
    %dma_start3A_13 = arith.constant 0 : i32
    %dma_start3A_14 = tpu.memref_slice %arg6[%add3A_11, %dma_start3A_13] : memref<10240x128xf32, #tpu.memory_space<vmem_shared>> -> memref<32x128xf32, #tpu.memory_space<vmem_shared>>
    tpu.enqueue_dma source(%arg11 : memref<32x128xf32, #tpu.memory_space<vmem>>) target(%dma_start3A_14 : memref<32x128xf32, #tpu.memory_space<vmem_shared>>) target_semaphore(%arg24 : memref<!tpu.dma_semaphore, #tpu.memory_space<semaphore_mem>>)
    %mul3A_15 = arith.constant 640 : i32
    %mul3A_16 = arith.muli %arg1, %mul3A_15 : i32
    %add3A_17 = arith.constant 32 : i32
    %add3A_18 = arith.addi %mul3A_16, %add3A_17 : i32
    %dma_start3A_19 = arith.constant 0 : i32
    %dma_start3A_20 = tpu.memref_slice %arg6[%add3A_18, %dma_start3A_19] : memref<10240x128xf32, #tpu.memory_space<vmem_shared>> -> memref<32x128xf32, #tpu.memory_space<vmem_shared>>
    %dma_start3A_21 = arith.constant 0 : i32
    %dma_start3A_22 = tpu.memref_slice %arg6[%add3A_18, %dma_start3A_21] : memref<10240x128xf32, #tpu.memory_space<vmem_shared>> -> memref<32x128xf32, #tpu.memory_space<vmem_shared>>
    tpu.enqueue_dma source(%arg11 : memref<32x128xf32, #tpu.memory_space<vmem>>) target(%dma_start3A_22 : memref<32x128xf32, #tpu.memory_space<vmem_shared>>) target_semaphore(%arg24 : memref<!tpu.dma_semaphore, #tpu.memory_space<semaphore_mem>>)
    %mul3A_23 = arith.constant 640 : i32
    %mul3A_24 = arith.muli %arg1, %mul3A_23 : i32
    %add3A_25 = arith.constant 64 : i32
    %add3A_26 = arith.addi %mul3A_24, %add3A_25 : i32
    %dma_start3A_27 = arith.constant 0 : i32
    %dma_start3A_28 = tpu.memref_slice %arg6[%add3A_26, %dma_start3A_27] : memref<10240x128xf32, #tpu.memory_space<vmem_shared>> -> memref<32x128xf32, #tpu.memory_space<vmem_shared>>
    %dma_start3A_29 = arith.constant 0 : i32
    %dma_start3A_30 = tpu.memref_slice %arg6[%add3A_26, %dma_start3A_29] : memref<10240x128xf32, #tpu.memory_space<vmem_shared>> -> memref<32x128xf32, #tpu.memory_space<vmem_shared>>
    tpu.enqueue_dma source(%arg11 : memref<32x128xf32, #tpu.memory_space<vmem>>) target(%dma_start3A_30 : memref<32x128xf32, #tpu.memory_space<vmem_shared>>) target_semaphore(%arg24 : memref<!tpu.dma_semaphore, #tpu.memory_space<semaphore_mem>>)
    %mul3A_31 = arith.constant 640 : i32
    %mul3A_32 = arith.muli %arg1, %mul3A_31 : i32
    %add3A_33 = arith.constant 96 : i32
    %add3A_34 = arith.addi %mul3A_32, %add3A_33 : i32
    %dma_start3A_35 = arith.constant 0 : i32
    %dma_start3A_36 = tpu.memref_slice %arg6[%add3A_34, %dma_start3A_35] : memref<10240x128xf32, #tpu.memory_space<vmem_shared>> -> memref<32x128xf32, #tpu.memory_space<vmem_shared>>
    %dma_start3A_37 = arith.constant 0 : i32
    %dma_start3A_38 = tpu.memref_slice %arg6[%add3A_34, %dma_start3A_37] : memref<10240x128xf32, #tpu.memory_space<vmem_shared>> -> memref<32x128xf32, #tpu.memory_space<vmem_shared>>
    tpu.enqueue_dma source(%arg11 : memref<32x128xf32, #tpu.memory_space<vmem>>) target(%dma_start3A_38 : memref<32x128xf32, #tpu.memory_space<vmem_shared>>) target_semaphore(%arg24 : memref<!tpu.dma_semaphore, #tpu.memory_space<semaphore_mem>>)
    %mul3A_39 = arith.constant 640 : i32
    %mul3A_40 = arith.muli %arg1, %mul3A_39 : i32
    %add3A_41 = arith.constant 128 : i32
    %add3A_42 = arith.addi %mul3A_40, %add3A_41 : i32
    %dma_start3A_43 = arith.constant 0 : i32
    %dma_start3A_44 = tpu.memref_slice %arg6[%add3A_42, %dma_start3A_43] : memref<10240x128xf32, #tpu.memory_space<vmem_shared>> -> memref<32x128xf32, #tpu.memory_space<vmem_shared>>
    %dma_start3A_45 = arith.constant 0 : i32
    %dma_start3A_46 = tpu.memref_slice %arg6[%add3A_42, %dma_start3A_45] : memref<10240x128xf32, #tpu.memory_space<vmem_shared>> -> memref<32x128xf32, #tpu.memory_space<vmem_shared>>
    tpu.enqueue_dma source(%arg11 : memref<32x128xf32, #tpu.memory_space<vmem>>) target(%dma_start3A_46 : memref<32x128xf32, #tpu.memory_space<vmem_shared>>) target_semaphore(%arg24 : memref<!tpu.dma_semaphore, #tpu.memory_space<semaphore_mem>>)
    %mul3A_47 = arith.constant 640 : i32
    %mul3A_48 = arith.muli %arg1, %mul3A_47 : i32
    %add3A_49 = arith.constant 160 : i32
    %add3A_50 = arith.addi %mul3A_48, %add3A_49 : i32
    %dma_start3A_51 = arith.constant 0 : i32
    %dma_start3A_52 = tpu.memref_slice %arg6[%add3A_50, %dma_start3A_51] : memref<10240x128xf32, #tpu.memory_space<vmem_shared>> -> memref<32x128xf32, #tpu.memory_space<vmem_shared>>
    %dma_start3A_53 = arith.constant 0 : i32
    %dma_start3A_54 = tpu.memref_slice %arg6[%add3A_50, %dma_start3A_53] : memref<10240x128xf32, #tpu.memory_space<vmem_shared>> -> memref<32x128xf32, #tpu.memory_space<vmem_shared>>
    tpu.enqueue_dma source(%arg11 : memref<32x128xf32, #tpu.memory_space<vmem>>) target(%dma_start3A_54 : memref<32x128xf32, #tpu.memory_space<vmem_shared>>) target_semaphore(%arg24 : memref<!tpu.dma_semaphore, #tpu.memory_space<semaphore_mem>>)
    %mul3A_55 = arith.constant 640 : i32
    %mul3A_56 = arith.muli %arg1, %mul3A_55 : i32
    %add3A_57 = arith.constant 192 : i32
    %add3A_58 = arith.addi %mul3A_56, %add3A_57 : i32
    %dma_start3A_59 = arith.constant 0 : i32
    %dma_start3A_60 = tpu.memref_slice %arg6[%add3A_58, %dma_start3A_59] : memref<10240x128xf32, #tpu.memory_space<vmem_shared>> -> memref<32x128xf32, #tpu.memory_space<vmem_shared>>
    %dma_start3A_61 = arith.constant 0 : i32
    %dma_start3A_62 = tpu.memref_slice %arg6[%add3A_58, %dma_start3A_61] : memref<10240x128xf32, #tpu.memory_space<vmem_shared>> -> memref<32x128xf32, #tpu.memory_space<vmem_shared>>
    tpu.enqueue_dma source(%arg11 : memref<32x128xf32, #tpu.memory_space<vmem>>) target(%dma_start3A_62 : memref<32x128xf32, #tpu.memory_space<vmem_shared>>) target_semaphore(%arg24 : memref<!tpu.dma_semaphore, #tpu.memory_space<semaphore_mem>>)
    %mul3A_63 = arith.constant 640 : i32
    %mul3A_64 = arith.muli %arg1, %mul3A_63 : i32
    %add3A_65 = arith.constant 224 : i32
    %add3A_66 = arith.addi %mul3A_64, %add3A_65 : i32
    %dma_start3A_67 = arith.constant 0 : i32
    %dma_start3A_68 = tpu.memref_slice %arg6[%add3A_66, %dma_start3A_67] : memref<10240x128xf32, #tpu.memory_space<vmem_shared>> -> memref<32x128xf32, #tpu.memory_space<vmem_shared>>
    %dma_start3A_69 = arith.constant 0 : i32
    %dma_start3A_70 = tpu.memref_slice %arg6[%add3A_66, %dma_start3A_69] : memref<10240x128xf32, #tpu.memory_space<vmem_shared>> -> memref<32x128xf32, #tpu.memory_space<vmem_shared>>
    tpu.enqueue_dma source(%arg11 : memref<32x128xf32, #tpu.memory_space<vmem>>) target(%dma_start3A_70 : memref<32x128xf32, #tpu.memory_space<vmem_shared>>) target_semaphore(%arg24 : memref<!tpu.dma_semaphore, #tpu.memory_space<semaphore_mem>>)
    %mul3A_71 = arith.constant 640 : i32
    %mul3A_72 = arith.muli %arg1, %mul3A_71 : i32
    %add3A_73 = arith.constant 256 : i32
    %add3A_74 = arith.addi %mul3A_72, %add3A_73 : i32
    %dma_start3A_75 = arith.constant 0 : i32
    %dma_start3A_76 = tpu.memref_slice %arg6[%add3A_74, %dma_start3A_75] : memref<10240x128xf32, #tpu.memory_space<vmem_shared>> -> memref<32x128xf32, #tpu.memory_space<vmem_shared>>
    %dma_start3A_77 = arith.constant 0 : i32
    %dma_start3A_78 = tpu.memref_slice %arg6[%add3A_74, %dma_start3A_77] : memref<10240x128xf32, #tpu.memory_space<vmem_shared>> -> memref<32x128xf32, #tpu.memory_space<vmem_shared>>
    tpu.enqueue_dma source(%arg11 : memref<32x128xf32, #tpu.memory_space<vmem>>) target(%dma_start3A_78 : memref<32x128xf32, #tpu.memory_space<vmem_shared>>) target_semaphore(%arg24 : memref<!tpu.dma_semaphore, #tpu.memory_space<semaphore_mem>>)
    %mul3A_79 = arith.constant 640 : i32
    %mul3A_80 = arith.muli %arg1, %mul3A_79 : i32
    %add3A_81 = arith.constant 288 : i32
    %add3A_82 = arith.addi %mul3A_80, %add3A_81 : i32
    %dma_start3A_83 = arith.constant 0 : i32
    %dma_start3A_84 = tpu.memref_slice %arg6[%add3A_82, %dma_start3A_83] : memref<10240x128xf32, #tpu.memory_space<vmem_shared>> -> memref<32x128xf32, #tpu.memory_space<vmem_shared>>
    %dma_start3A_85 = arith.constant 0 : i32
    %dma_start3A_86 = tpu.memref_slice %arg6[%add3A_82, %dma_start3A_85] : memref<10240x128xf32, #tpu.memory_space<vmem_shared>> -> memref<32x128xf32, #tpu.memory_space<vmem_shared>>
    tpu.enqueue_dma source(%arg11 : memref<32x128xf32, #tpu.memory_space<vmem>>) target(%dma_start3A_86 : memref<32x128xf32, #tpu.memory_space<vmem_shared>>) target_semaphore(%arg24 : memref<!tpu.dma_semaphore, #tpu.memory_space<semaphore_mem>>)
    %mul3A_87 = arith.constant 640 : i32
    %mul3A_88 = arith.muli %arg1, %mul3A_87 : i32
    %add3A_89 = arith.constant 320 : i32
    %add3A_90 = arith.addi %mul3A_88, %add3A_89 : i32
    %dma_start3A_91 = arith.constant 0 : i32
    %dma_start3A_92 = tpu.memref_slice %arg6[%add3A_90, %dma_start3A_91] : memref<10240x128xf32, #tpu.memory_space<vmem_shared>> -> memref<32x128xf32, #tpu.memory_space<vmem_shared>>
    %dma_start3A_93 = arith.constant 0 : i32
    %dma_start3A_94 = tpu.memref_slice %arg6[%add3A_90, %dma_start3A_93] : memref<10240x128xf32, #tpu.memory_space<vmem_shared>> -> memref<32x128xf32, #tpu.memory_space<vmem_shared>>
    tpu.enqueue_dma source(%arg11 : memref<32x128xf32, #tpu.memory_space<vmem>>) target(%dma_start3A_94 : memref<32x128xf32, #tpu.memory_space<vmem_shared>>) target_semaphore(%arg24 : memref<!tpu.dma_semaphore, #tpu.memory_space<semaphore_mem>>)
    %mul3A_95 = arith.constant 640 : i32
    %mul3A_96 = arith.muli %arg1, %mul3A_95 : i32
    %add3A_97 = arith.constant 352 : i32
    %add3A_98 = arith.addi %mul3A_96, %add3A_97 : i32
    %dma_start3A_99 = arith.constant 0 : i32
    %dma_start3A_100 = tpu.memref_slice %arg6[%add3A_98, %dma_start3A_99] : memref<10240x128xf32, #tpu.memory_space<vmem_shared>> -> memref<32x128xf32, #tpu.memory_space<vmem_shared>>
    %dma_start3A_101 = arith.constant 0 : i32
    %dma_start3A_102 = tpu.memref_slice %arg6[%add3A_98, %dma_start3A_101] : memref<10240x128xf32, #tpu.memory_space<vmem_shared>> -> memref<32x128xf32, #tpu.memory_space<vmem_shared>>
    tpu.enqueue_dma source(%arg11 : memref<32x128xf32, #tpu.memory_space<vmem>>) target(%dma_start3A_102 : memref<32x128xf32, #tpu.memory_space<vmem_shared>>) target_semaphore(%arg24 : memref<!tpu.dma_semaphore, #tpu.memory_space<semaphore_mem>>)
    %mul3A_103 = arith.constant 640 : i32
    %mul3A_104 = arith.muli %arg1, %mul3A_103 : i32
    %add3A_105 = arith.constant 384 : i32
    %add3A_106 = arith.addi %mul3A_104, %add3A_105 : i32
    %dma_start3A_107 = arith.constant 0 : i32
    %dma_start3A_108 = tpu.memref_slice %arg6[%add3A_106, %dma_start3A_107] : memref<10240x128xf32, #tpu.memory_space<vmem_shared>> -> memref<32x128xf32, #tpu.memory_space<vmem_shared>>
    %dma_start3A_109 = arith.constant 0 : i32
    %dma_start3A_110 = tpu.memref_slice %arg6[%add3A_106, %dma_start3A_109] : memref<10240x128xf32, #tpu.memory_space<vmem_shared>> -> memref<32x128xf32, #tpu.memory_space<vmem_shared>>
    tpu.enqueue_dma source(%arg11 : memref<32x128xf32, #tpu.memory_space<vmem>>) target(%dma_start3A_110 : memref<32x128xf32, #tpu.memory_space<vmem_shared>>) target_semaphore(%arg24 : memref<!tpu.dma_semaphore, #tpu.memory_space<semaphore_mem>>)
    %mul3A_111 = arith.constant 640 : i32
    %mul3A_112 = arith.muli %arg1, %mul3A_111 : i32
    %add3A_113 = arith.constant 416 : i32
    %add3A_114 = arith.addi %mul3A_112, %add3A_113 : i32
    %dma_start3A_115 = arith.constant 0 : i32
    %dma_start3A_116 = tpu.memref_slice %arg6[%add3A_114, %dma_start3A_115] : memref<10240x128xf32, #tpu.memory_space<vmem_shared>> -> memref<32x128xf32, #tpu.memory_space<vmem_shared>>
    %dma_start3A_117 = arith.constant 0 : i32
    %dma_start3A_118 = tpu.memref_slice %arg6[%add3A_114, %dma_start3A_117] : memref<10240x128xf32, #tpu.memory_space<vmem_shared>> -> memref<32x128xf32, #tpu.memory_space<vmem_shared>>
    tpu.enqueue_dma source(%arg11 : memref<32x128xf32, #tpu.memory_space<vmem>>) target(%dma_start3A_118 : memref<32x128xf32, #tpu.memory_space<vmem_shared>>) target_semaphore(%arg24 : memref<!tpu.dma_semaphore, #tpu.memory_space<semaphore_mem>>)
    %mul3A_119 = arith.constant 640 : i32
    %mul3A_120 = arith.muli %arg1, %mul3A_119 : i32
    %add3A_121 = arith.constant 448 : i32
    %add3A_122 = arith.addi %mul3A_120, %add3A_121 : i32
    %dma_start3A_123 = arith.constant 0 : i32
    %dma_start3A_124 = tpu.memref_slice %arg6[%add3A_122, %dma_start3A_123] : memref<10240x128xf32, #tpu.memory_space<vmem_shared>> -> memref<32x128xf32, #tpu.memory_space<vmem_shared>>
    %dma_start3A_125 = arith.constant 0 : i32
    %dma_start3A_126 = tpu.memref_slice %arg6[%add3A_122, %dma_start3A_125] : memref<10240x128xf32, #tpu.memory_space<vmem_shared>> -> memref<32x128xf32, #tpu.memory_space<vmem_shared>>
    tpu.enqueue_dma source(%arg11 : memref<32x128xf32, #tpu.memory_space<vmem>>) target(%dma_start3A_126 : memref<32x128xf32, #tpu.memory_space<vmem_shared>>) target_semaphore(%arg24 : memref<!tpu.dma_semaphore, #tpu.memory_space<semaphore_mem>>)
    %mul3A_127 = arith.constant 640 : i32
    %mul3A_128 = arith.muli %arg1, %mul3A_127 : i32
    %add3A_129 = arith.constant 480 : i32
    %add3A_130 = arith.addi %mul3A_128, %add3A_129 : i32
    %dma_start3A_131 = arith.constant 0 : i32
    %dma_start3A_132 = tpu.memref_slice %arg6[%add3A_130, %dma_start3A_131] : memref<10240x128xf32, #tpu.memory_space<vmem_shared>> -> memref<32x128xf32, #tpu.memory_space<vmem_shared>>
    %dma_start3A_133 = arith.constant 0 : i32
    %dma_start3A_134 = tpu.memref_slice %arg6[%add3A_130, %dma_start3A_133] : memref<10240x128xf32, #tpu.memory_space<vmem_shared>> -> memref<32x128xf32, #tpu.memory_space<vmem_shared>>
    tpu.enqueue_dma source(%arg11 : memref<32x128xf32, #tpu.memory_space<vmem>>) target(%dma_start3A_134 : memref<32x128xf32, #tpu.memory_space<vmem_shared>>) target_semaphore(%arg24 : memref<!tpu.dma_semaphore, #tpu.memory_space<semaphore_mem>>)
    %mul3A_135 = arith.constant 640 : i32
    %mul3A_136 = arith.muli %arg1, %mul3A_135 : i32
    %add3A_137 = arith.constant 512 : i32
    %add3A_138 = arith.addi %mul3A_136, %add3A_137 : i32
    %dma_start3A_139 = arith.constant 0 : i32
    %dma_start3A_140 = tpu.memref_slice %arg6[%add3A_138, %dma_start3A_139] : memref<10240x128xf32, #tpu.memory_space<vmem_shared>> -> memref<32x128xf32, #tpu.memory_space<vmem_shared>>
    %dma_start3A_141 = arith.constant 0 : i32
    %dma_start3A_142 = tpu.memref_slice %arg6[%add3A_138, %dma_start3A_141] : memref<10240x128xf32, #tpu.memory_space<vmem_shared>> -> memref<32x128xf32, #tpu.memory_space<vmem_shared>>
    tpu.enqueue_dma source(%arg11 : memref<32x128xf32, #tpu.memory_space<vmem>>) target(%dma_start3A_142 : memref<32x128xf32, #tpu.memory_space<vmem_shared>>) target_semaphore(%arg24 : memref<!tpu.dma_semaphore, #tpu.memory_space<semaphore_mem>>)
    %mul3A_143 = arith.constant 640 : i32
    %mul3A_144 = arith.muli %arg1, %mul3A_143 : i32
    %add3A_145 = arith.constant 544 : i32
    %add3A_146 = arith.addi %mul3A_144, %add3A_145 : i32
    %dma_start3A_147 = arith.constant 0 : i32
    %dma_start3A_148 = tpu.memref_slice %arg6[%add3A_146, %dma_start3A_147] : memref<10240x128xf32, #tpu.memory_space<vmem_shared>> -> memref<32x128xf32, #tpu.memory_space<vmem_shared>>
    %dma_start3A_149 = arith.constant 0 : i32
    %dma_start3A_150 = tpu.memref_slice %arg6[%add3A_146, %dma_start3A_149] : memref<10240x128xf32, #tpu.memory_space<vmem_shared>> -> memref<32x128xf32, #tpu.memory_space<vmem_shared>>
    tpu.enqueue_dma source(%arg11 : memref<32x128xf32, #tpu.memory_space<vmem>>) target(%dma_start3A_150 : memref<32x128xf32, #tpu.memory_space<vmem_shared>>) target_semaphore(%arg24 : memref<!tpu.dma_semaphore, #tpu.memory_space<semaphore_mem>>)
    %mul3A_151 = arith.constant 640 : i32
    %mul3A_152 = arith.muli %arg1, %mul3A_151 : i32
    %add3A_153 = arith.constant 576 : i32
    %add3A_154 = arith.addi %mul3A_152, %add3A_153 : i32
    %dma_start3A_155 = arith.constant 0 : i32
    %dma_start3A_156 = tpu.memref_slice %arg6[%add3A_154, %dma_start3A_155] : memref<10240x128xf32, #tpu.memory_space<vmem_shared>> -> memref<32x128xf32, #tpu.memory_space<vmem_shared>>
    %dma_start3A_157 = arith.constant 0 : i32
    %dma_start3A_158 = tpu.memref_slice %arg6[%add3A_154, %dma_start3A_157] : memref<10240x128xf32, #tpu.memory_space<vmem_shared>> -> memref<32x128xf32, #tpu.memory_space<vmem_shared>>
    tpu.enqueue_dma source(%arg11 : memref<32x128xf32, #tpu.memory_space<vmem>>) target(%dma_start3A_158 : memref<32x128xf32, #tpu.memory_space<vmem_shared>>) target_semaphore(%arg24 : memref<!tpu.dma_semaphore, #tpu.memory_space<semaphore_mem>>)
    %mul3A_159 = arith.constant 640 : i32
    %mul3A_160 = arith.muli %arg1, %mul3A_159 : i32
    %add3A_161 = arith.constant 608 : i32
    %add3A_162 = arith.addi %mul3A_160, %add3A_161 : i32
    %dma_start3A_163 = arith.constant 0 : i32
    %dma_start3A_164 = tpu.memref_slice %arg6[%add3A_162, %dma_start3A_163] : memref<10240x128xf32, #tpu.memory_space<vmem_shared>> -> memref<32x128xf32, #tpu.memory_space<vmem_shared>>
    %dma_start3A_165 = arith.constant 0 : i32
    %dma_start3A_166 = tpu.memref_slice %arg6[%add3A_162, %dma_start3A_165] : memref<10240x128xf32, #tpu.memory_space<vmem_shared>> -> memref<32x128xf32, #tpu.memory_space<vmem_shared>>
    tpu.enqueue_dma source(%arg11 : memref<32x128xf32, #tpu.memory_space<vmem>>) target(%dma_start3A_166 : memref<32x128xf32, #tpu.memory_space<vmem_shared>>) target_semaphore(%arg24 : memref<!tpu.dma_semaphore, #tpu.memory_space<semaphore_mem>>)
    %dma_wait3A = arith.constant 0 : i32
    %dma_wait3A_167 = tpu.memref_slice %arg6[%add3A_11, %dma_wait3A] : memref<10240x128xf32, #tpu.memory_space<vmem_shared>> -> memref<32x128xf32, #tpu.memory_space<vmem_shared>>
    %dma_wait3A_168 = arith.constant 0 : i32
    %dma_wait3A_169 = tpu.memref_slice %arg6[%add3A_11, %dma_wait3A_168] : memref<10240x128xf32, #tpu.memory_space<vmem_shared>> -> memref<32x128xf32, #tpu.memory_space<vmem_shared>>
    tpu.wait_dma2 semaphore(%arg24 : memref<!tpu.dma_semaphore, #tpu.memory_space<semaphore_mem>>) src(%arg11 : memref<32x128xf32, #tpu.memory_space<vmem>>) dst(%dma_wait3A_169 : memref<32x128xf32, #tpu.memory_space<vmem_shared>>)
    %dma_wait3A_170 = arith.constant 0 : i32
    %dma_wait3A_171 = tpu.memref_slice %arg6[%add3A_18, %dma_wait3A_170] : memref<10240x128xf32, #tpu.memory_space<vmem_shared>> -> memref<32x128xf32, #tpu.memory_space<vmem_shared>>
    %dma_wait3A_172 = arith.constant 0 : i32
    %dma_wait3A_173 = tpu.memref_slice %arg6[%add3A_18, %dma_wait3A_172] : memref<10240x128xf32, #tpu.memory_space<vmem_shared>> -> memref<32x128xf32, #tpu.memory_space<vmem_shared>>
    tpu.wait_dma2 semaphore(%arg24 : memref<!tpu.dma_semaphore, #tpu.memory_space<semaphore_mem>>) src(%arg11 : memref<32x128xf32, #tpu.memory_space<vmem>>) dst(%dma_wait3A_173 : memref<32x128xf32, #tpu.memory_space<vmem_shared>>)
    %dma_wait3A_174 = arith.constant 0 : i32
    %dma_wait3A_175 = tpu.memref_slice %arg6[%add3A_26, %dma_wait3A_174] : memref<10240x128xf32, #tpu.memory_space<vmem_shared>> -> memref<32x128xf32, #tpu.memory_space<vmem_shared>>
    %dma_wait3A_176 = arith.constant 0 : i32
    %dma_wait3A_177 = tpu.memref_slice %arg6[%add3A_26, %dma_wait3A_176] : memref<10240x128xf32, #tpu.memory_space<vmem_shared>> -> memref<32x128xf32, #tpu.memory_space<vmem_shared>>
    tpu.wait_dma2 semaphore(%arg24 : memref<!tpu.dma_semaphore, #tpu.memory_space<semaphore_mem>>) src(%arg11 : memref<32x128xf32, #tpu.memory_space<vmem>>) dst(%dma_wait3A_177 : memref<32x128xf32, #tpu.memory_space<vmem_shared>>)
    %dma_wait3A_178 = arith.constant 0 : i32
    %dma_wait3A_179 = tpu.memref_slice %arg6[%add3A_34, %dma_wait3A_178] : memref<10240x128xf32, #tpu.memory_space<vmem_shared>> -> memref<32x128xf32, #tpu.memory_space<vmem_shared>>
    %dma_wait3A_180 = arith.constant 0 : i32
    %dma_wait3A_181 = tpu.memref_slice %arg6[%add3A_34, %dma_wait3A_180] : memref<10240x128xf32, #tpu.memory_space<vmem_shared>> -> memref<32x128xf32, #tpu.memory_space<vmem_shared>>
    tpu.wait_dma2 semaphore(%arg24 : memref<!tpu.dma_semaphore, #tpu.memory_space<semaphore_mem>>) src(%arg11 : memref<32x128xf32, #tpu.memory_space<vmem>>) dst(%dma_wait3A_181 : memref<32x128xf32, #tpu.memory_space<vmem_shared>>)
    %dma_wait3A_182 = arith.constant 0 : i32
    %dma_wait3A_183 = tpu.memref_slice %arg6[%add3A_42, %dma_wait3A_182] : memref<10240x128xf32, #tpu.memory_space<vmem_shared>> -> memref<32x128xf32, #tpu.memory_space<vmem_shared>>
    %dma_wait3A_184 = arith.constant 0 : i32
    %dma_wait3A_185 = tpu.memref_slice %arg6[%add3A_42, %dma_wait3A_184] : memref<10240x128xf32, #tpu.memory_space<vmem_shared>> -> memref<32x128xf32, #tpu.memory_space<vmem_shared>>
    tpu.wait_dma2 semaphore(%arg24 : memref<!tpu.dma_semaphore, #tpu.memory_space<semaphore_mem>>) src(%arg11 : memref<32x128xf32, #tpu.memory_space<vmem>>) dst(%dma_wait3A_185 : memref<32x128xf32, #tpu.memory_space<vmem_shared>>)
    %dma_wait3A_186 = arith.constant 0 : i32
    %dma_wait3A_187 = tpu.memref_slice %arg6[%add3A_50, %dma_wait3A_186] : memref<10240x128xf32, #tpu.memory_space<vmem_shared>> -> memref<32x128xf32, #tpu.memory_space<vmem_shared>>
    %dma_wait3A_188 = arith.constant 0 : i32
    %dma_wait3A_189 = tpu.memref_slice %arg6[%add3A_50, %dma_wait3A_188] : memref<10240x128xf32, #tpu.memory_space<vmem_shared>> -> memref<32x128xf32, #tpu.memory_space<vmem_shared>>
    tpu.wait_dma2 semaphore(%arg24 : memref<!tpu.dma_semaphore, #tpu.memory_space<semaphore_mem>>) src(%arg11 : memref<32x128xf32, #tpu.memory_space<vmem>>) dst(%dma_wait3A_189 : memref<32x128xf32, #tpu.memory_space<vmem_shared>>)
    %dma_wait3A_190 = arith.constant 0 : i32
    %dma_wait3A_191 = tpu.memref_slice %arg6[%add3A_58, %dma_wait3A_190] : memref<10240x128xf32, #tpu.memory_space<vmem_shared>> -> memref<32x128xf32, #tpu.memory_space<vmem_shared>>
    %dma_wait3A_192 = arith.constant 0 : i32
    %dma_wait3A_193 = tpu.memref_slice %arg6[%add3A_58, %dma_wait3A_192] : memref<10240x128xf32, #tpu.memory_space<vmem_shared>> -> memref<32x128xf32, #tpu.memory_space<vmem_shared>>
    tpu.wait_dma2 semaphore(%arg24 : memref<!tpu.dma_semaphore, #tpu.memory_space<semaphore_mem>>) src(%arg11 : memref<32x128xf32, #tpu.memory_space<vmem>>) dst(%dma_wait3A_193 : memref<32x128xf32, #tpu.memory_space<vmem_shared>>)
    %dma_wait3A_194 = arith.constant 0 : i32
    %dma_wait3A_195 = tpu.memref_slice %arg6[%add3A_66, %dma_wait3A_194] : memref<10240x128xf32, #tpu.memory_space<vmem_shared>> -> memref<32x128xf32, #tpu.memory_space<vmem_shared>>
    %dma_wait3A_196 = arith.constant 0 : i32
    %dma_wait3A_197 = tpu.memref_slice %arg6[%add3A_66, %dma_wait3A_196] : memref<10240x128xf32, #tpu.memory_space<vmem_shared>> -> memref<32x128xf32, #tpu.memory_space<vmem_shared>>
    tpu.wait_dma2 semaphore(%arg24 : memref<!tpu.dma_semaphore, #tpu.memory_space<semaphore_mem>>) src(%arg11 : memref<32x128xf32, #tpu.memory_space<vmem>>) dst(%dma_wait3A_197 : memref<32x128xf32, #tpu.memory_space<vmem_shared>>)
    %dma_wait3A_198 = arith.constant 0 : i32
    %dma_wait3A_199 = tpu.memref_slice %arg6[%add3A_74, %dma_wait3A_198] : memref<10240x128xf32, #tpu.memory_space<vmem_shared>> -> memref<32x128xf32, #tpu.memory_space<vmem_shared>>
    %dma_wait3A_200 = arith.constant 0 : i32
    %dma_wait3A_201 = tpu.memref_slice %arg6[%add3A_74, %dma_wait3A_200] : memref<10240x128xf32, #tpu.memory_space<vmem_shared>> -> memref<32x128xf32, #tpu.memory_space<vmem_shared>>
    tpu.wait_dma2 semaphore(%arg24 : memref<!tpu.dma_semaphore, #tpu.memory_space<semaphore_mem>>) src(%arg11 : memref<32x128xf32, #tpu.memory_space<vmem>>) dst(%dma_wait3A_201 : memref<32x128xf32, #tpu.memory_space<vmem_shared>>)
    %dma_wait3A_202 = arith.constant 0 : i32
    %dma_wait3A_203 = tpu.memref_slice %arg6[%add3A_82, %dma_wait3A_202] : memref<10240x128xf32, #tpu.memory_space<vmem_shared>> -> memref<32x128xf32, #tpu.memory_space<vmem_shared>>
    %dma_wait3A_204 = arith.constant 0 : i32
    %dma_wait3A_205 = tpu.memref_slice %arg6[%add3A_82, %dma_wait3A_204] : memref<10240x128xf32, #tpu.memory_space<vmem_shared>> -> memref<32x128xf32, #tpu.memory_space<vmem_shared>>
    tpu.wait_dma2 semaphore(%arg24 : memref<!tpu.dma_semaphore, #tpu.memory_space<semaphore_mem>>) src(%arg11 : memref<32x128xf32, #tpu.memory_space<vmem>>) dst(%dma_wait3A_205 : memref<32x128xf32, #tpu.memory_space<vmem_shared>>)
    %dma_wait3A_206 = arith.constant 0 : i32
    %dma_wait3A_207 = tpu.memref_slice %arg6[%add3A_90, %dma_wait3A_206] : memref<10240x128xf32, #tpu.memory_space<vmem_shared>> -> memref<32x128xf32, #tpu.memory_space<vmem_shared>>
    %dma_wait3A_208 = arith.constant 0 : i32
    %dma_wait3A_209 = tpu.memref_slice %arg6[%add3A_90, %dma_wait3A_208] : memref<10240x128xf32, #tpu.memory_space<vmem_shared>> -> memref<32x128xf32, #tpu.memory_space<vmem_shared>>
    tpu.wait_dma2 semaphore(%arg24 : memref<!tpu.dma_semaphore, #tpu.memory_space<semaphore_mem>>) src(%arg11 : memref<32x128xf32, #tpu.memory_space<vmem>>) dst(%dma_wait3A_209 : memref<32x128xf32, #tpu.memory_space<vmem_shared>>)
    %dma_wait3A_210 = arith.constant 0 : i32
    %dma_wait3A_211 = tpu.memref_slice %arg6[%add3A_98, %dma_wait3A_210] : memref<10240x128xf32, #tpu.memory_space<vmem_shared>> -> memref<32x128xf32, #tpu.memory_space<vmem_shared>>
    %dma_wait3A_212 = arith.constant 0 : i32
    %dma_wait3A_213 = tpu.memref_slice %arg6[%add3A_98, %dma_wait3A_212] : memref<10240x128xf32, #tpu.memory_space<vmem_shared>> -> memref<32x128xf32, #tpu.memory_space<vmem_shared>>
    tpu.wait_dma2 semaphore(%arg24 : memref<!tpu.dma_semaphore, #tpu.memory_space<semaphore_mem>>) src(%arg11 : memref<32x128xf32, #tpu.memory_space<vmem>>) dst(%dma_wait3A_213 : memref<32x128xf32, #tpu.memory_space<vmem_shared>>)
    %dma_wait3A_214 = arith.constant 0 : i32
    %dma_wait3A_215 = tpu.memref_slice %arg6[%add3A_106, %dma_wait3A_214] : memref<10240x128xf32, #tpu.memory_space<vmem_shared>> -> memref<32x128xf32, #tpu.memory_space<vmem_shared>>
    %dma_wait3A_216 = arith.constant 0 : i32
    %dma_wait3A_217 = tpu.memref_slice %arg6[%add3A_106, %dma_wait3A_216] : memref<10240x128xf32, #tpu.memory_space<vmem_shared>> -> memref<32x128xf32, #tpu.memory_space<vmem_shared>>
    tpu.wait_dma2 semaphore(%arg24 : memref<!tpu.dma_semaphore, #tpu.memory_space<semaphore_mem>>) src(%arg11 : memref<32x128xf32, #tpu.memory_space<vmem>>) dst(%dma_wait3A_217 : memref<32x128xf32, #tpu.memory_space<vmem_shared>>)
    %dma_wait3A_218 = arith.constant 0 : i32
    %dma_wait3A_219 = tpu.memref_slice %arg6[%add3A_114, %dma_wait3A_218] : memref<10240x128xf32, #tpu.memory_space<vmem_shared>> -> memref<32x128xf32, #tpu.memory_space<vmem_shared>>
    %dma_wait3A_220 = arith.constant 0 : i32
    %dma_wait3A_221 = tpu.memref_slice %arg6[%add3A_114, %dma_wait3A_220] : memref<10240x128xf32, #tpu.memory_space<vmem_shared>> -> memref<32x128xf32, #tpu.memory_space<vmem_shared>>
    tpu.wait_dma2 semaphore(%arg24 : memref<!tpu.dma_semaphore, #tpu.memory_space<semaphore_mem>>) src(%arg11 : memref<32x128xf32, #tpu.memory_space<vmem>>) dst(%dma_wait3A_221 : memref<32x128xf32, #tpu.memory_space<vmem_shared>>)
    %dma_wait3A_222 = arith.constant 0 : i32
    %dma_wait3A_223 = tpu.memref_slice %arg6[%add3A_122, %dma_wait3A_222] : memref<10240x128xf32, #tpu.memory_space<vmem_shared>> -> memref<32x128xf32, #tpu.memory_space<vmem_shared>>
    %dma_wait3A_224 = arith.constant 0 : i32
    %dma_wait3A_225 = tpu.memref_slice %arg6[%add3A_122, %dma_wait3A_224] : memref<10240x128xf32, #tpu.memory_space<vmem_shared>> -> memref<32x128xf32, #tpu.memory_space<vmem_shared>>
    tpu.wait_dma2 semaphore(%arg24 : memref<!tpu.dma_semaphore, #tpu.memory_space<semaphore_mem>>) src(%arg11 : memref<32x128xf32, #tpu.memory_space<vmem>>) dst(%dma_wait3A_225 : memref<32x128xf32, #tpu.memory_space<vmem_shared>>)
    %dma_wait3A_226 = arith.constant 0 : i32
    %dma_wait3A_227 = tpu.memref_slice %arg6[%add3A_130, %dma_wait3A_226] : memref<10240x128xf32, #tpu.memory_space<vmem_shared>> -> memref<32x128xf32, #tpu.memory_space<vmem_shared>>
    %dma_wait3A_228 = arith.constant 0 : i32
    %dma_wait3A_229 = tpu.memref_slice %arg6[%add3A_130, %dma_wait3A_228] : memref<10240x128xf32, #tpu.memory_space<vmem_shared>> -> memref<32x128xf32, #tpu.memory_space<vmem_shared>>
    tpu.wait_dma2 semaphore(%arg24 : memref<!tpu.dma_semaphore, #tpu.memory_space<semaphore_mem>>) src(%arg11 : memref<32x128xf32, #tpu.memory_space<vmem>>) dst(%dma_wait3A_229 : memref<32x128xf32, #tpu.memory_space<vmem_shared>>)
    %dma_wait3A_230 = arith.constant 0 : i32
    %dma_wait3A_231 = tpu.memref_slice %arg6[%add3A_138, %dma_wait3A_230] : memref<10240x128xf32, #tpu.memory_space<vmem_shared>> -> memref<32x128xf32, #tpu.memory_space<vmem_shared>>
    %dma_wait3A_232 = arith.constant 0 : i32
    %dma_wait3A_233 = tpu.memref_slice %arg6[%add3A_138, %dma_wait3A_232] : memref<10240x128xf32, #tpu.memory_space<vmem_shared>> -> memref<32x128xf32, #tpu.memory_space<vmem_shared>>
    tpu.wait_dma2 semaphore(%arg24 : memref<!tpu.dma_semaphore, #tpu.memory_space<semaphore_mem>>) src(%arg11 : memref<32x128xf32, #tpu.memory_space<vmem>>) dst(%dma_wait3A_233 : memref<32x128xf32, #tpu.memory_space<vmem_shared>>)
    %dma_wait3A_234 = arith.constant 0 : i32
    %dma_wait3A_235 = tpu.memref_slice %arg6[%add3A_146, %dma_wait3A_234] : memref<10240x128xf32, #tpu.memory_space<vmem_shared>> -> memref<32x128xf32, #tpu.memory_space<vmem_shared>>
    %dma_wait3A_236 = arith.constant 0 : i32
    %dma_wait3A_237 = tpu.memref_slice %arg6[%add3A_146, %dma_wait3A_236] : memref<10240x128xf32, #tpu.memory_space<vmem_shared>> -> memref<32x128xf32, #tpu.memory_space<vmem_shared>>
    tpu.wait_dma2 semaphore(%arg24 : memref<!tpu.dma_semaphore, #tpu.memory_space<semaphore_mem>>) src(%arg11 : memref<32x128xf32, #tpu.memory_space<vmem>>) dst(%dma_wait3A_237 : memref<32x128xf32, #tpu.memory_space<vmem_shared>>)
    %dma_wait3A_238 = arith.constant 0 : i32
    %dma_wait3A_239 = tpu.memref_slice %arg6[%add3A_154, %dma_wait3A_238] : memref<10240x128xf32, #tpu.memory_space<vmem_shared>> -> memref<32x128xf32, #tpu.memory_space<vmem_shared>>
    %dma_wait3A_240 = arith.constant 0 : i32
    %dma_wait3A_241 = tpu.memref_slice %arg6[%add3A_154, %dma_wait3A_240] : memref<10240x128xf32, #tpu.memory_space<vmem_shared>> -> memref<32x128xf32, #tpu.memory_space<vmem_shared>>
    tpu.wait_dma2 semaphore(%arg24 : memref<!tpu.dma_semaphore, #tpu.memory_space<semaphore_mem>>) src(%arg11 : memref<32x128xf32, #tpu.memory_space<vmem>>) dst(%dma_wait3A_241 : memref<32x128xf32, #tpu.memory_space<vmem_shared>>)
    %dma_wait3A_242 = arith.constant 0 : i32
    %dma_wait3A_243 = tpu.memref_slice %arg6[%add3A_162, %dma_wait3A_242] : memref<10240x128xf32, #tpu.memory_space<vmem_shared>> -> memref<32x128xf32, #tpu.memory_space<vmem_shared>>
    %dma_wait3A_244 = arith.constant 0 : i32
    %dma_wait3A_245 = tpu.memref_slice %arg6[%add3A_162, %dma_wait3A_244] : memref<10240x128xf32, #tpu.memory_space<vmem_shared>> -> memref<32x128xf32, #tpu.memory_space<vmem_shared>>
    tpu.wait_dma2 semaphore(%arg24 : memref<!tpu.dma_semaphore, #tpu.memory_space<semaphore_mem>>) src(%arg11 : memref<32x128xf32, #tpu.memory_space<vmem>>) dst(%dma_wait3A_245 : memref<32x128xf32, #tpu.memory_space<vmem_shared>>)
    %barrier3A = arith.constant 0 : index
    tpu.barrier barrier_id(%barrier3A)
    %scan3A_246 = arith.constant 0 : i32
    %scan3A_247 = arith.constant 0 : i32
    %scan3A_248 = arith.constant 80 : i32
    %scan3A_249 = arith.addi %scan3A_247, %scan3A_248 : i32
    %scan3A_250 = arith.constant 1 : i32
    %scan3A_251 = scf.for %scan3A_261 = %scan3A_247 to %scan3A_249 step %scan3A_250 iter_args(%scan3A_262 = %scan3A_246) -> (i32)  : i32 {
      %mul3A_263 = arith.constant 32 : i32
      %mul3A_264 = arith.muli %scan3A_261, %mul3A_263 : i32
      %add3A_265 = arith.addi %mul3A_264, %add3A : i32
      %mul3A_266 = arith.constant 128 : i32
      %mul3A_267 = arith.muli %add3A_265, %mul3A_266 : i32
      %run_scoped3A = arith.constant 0 : i32
      "tpu.region"() ({
        %run_scoped3A_285 = tpu.sem_alloc : memref<!tpu.dma_semaphore, #tpu.memory_space<semaphore_mem>>
        %dma_start3A_286 = arith.constant 0 : i32
        %dma_start3A_287 = tpu.memref_slice %arg7[%run_scoped3A, %dma_start3A_286] : memref<4x128xi32, #tpu.memory_space<vmem>> -> memref<1x128xi32, #tpu.memory_space<vmem>>
        %dma_start3A_288 = tpu.memref_squeeze %dma_start3A_287 : memref<1x128xi32, #tpu.memory_space<vmem>> -> memref<128xi32, #tpu.memory_space<vmem>>
        %dma_start3A_289 = tpu.memref_slice %arg3[%mul3A_267] : memref<327680xi32, #tpu.memory_space<hbm>> -> memref<128xi32, #tpu.memory_space<hbm>>
        %dma_start3A_290 = arith.constant 0 : i32
        %dma_start3A_291 = tpu.memref_slice %arg7[%run_scoped3A, %dma_start3A_290] : memref<4x128xi32, #tpu.memory_space<vmem>> -> memref<1x128xi32, #tpu.memory_space<vmem>>
        %dma_start3A_292 = tpu.memref_squeeze %dma_start3A_291 : memref<1x128xi32, #tpu.memory_space<vmem>> -> memref<128xi32, #tpu.memory_space<vmem>>
        %dma_start3A_293 = tpu.memref_slice %arg3[%mul3A_267] : memref<327680xi32, #tpu.memory_space<hbm>> -> memref<128xi32, #tpu.memory_space<hbm>>
        tpu.enqueue_dma source(%dma_start3A_293 : memref<128xi32, #tpu.memory_space<hbm>>) target(%dma_start3A_292 : memref<128xi32, #tpu.memory_space<vmem>>) target_semaphore(%run_scoped3A_285 : memref<!tpu.dma_semaphore, #tpu.memory_space<semaphore_mem>>)
        %dma_wait3A_294 = arith.constant 0 : i32
        %dma_wait3A_295 = tpu.memref_slice %arg7[%run_scoped3A, %dma_wait3A_294] : memref<4x128xi32, #tpu.memory_space<vmem>> -> memref<1x128xi32, #tpu.memory_space<vmem>>
        %dma_wait3A_296 = tpu.memref_squeeze %dma_wait3A_295 : memref<1x128xi32, #tpu.memory_space<vmem>> -> memref<128xi32, #tpu.memory_space<vmem>>
        %dma_wait3A_297 = tpu.memref_slice %arg3[%mul3A_267] : memref<327680xi32, #tpu.memory_space<hbm>> -> memref<128xi32, #tpu.memory_space<hbm>>
        %dma_wait3A_298 = arith.constant 0 : i32
        %dma_wait3A_299 = tpu.memref_slice %arg7[%run_scoped3A, %dma_wait3A_298] : memref<4x128xi32, #tpu.memory_space<vmem>> -> memref<1x128xi32, #tpu.memory_space<vmem>>
        %dma_wait3A_300 = tpu.memref_squeeze %dma_wait3A_299 : memref<1x128xi32, #tpu.memory_space<vmem>> -> memref<128xi32, #tpu.memory_space<vmem>>
        %dma_wait3A_301 = tpu.memref_slice %arg3[%mul3A_267] : memref<327680xi32, #tpu.memory_space<hbm>> -> memref<128xi32, #tpu.memory_space<hbm>>
        tpu.wait_dma2 semaphore(%run_scoped3A_285 : memref<!tpu.dma_semaphore, #tpu.memory_space<semaphore_mem>>) src(%dma_wait3A_301 : memref<128xi32, #tpu.memory_space<hbm>>) dst(%dma_wait3A_300 : memref<128xi32, #tpu.memory_space<vmem>>)
        tpu.yield
      }) : () -> ()
      %run_scoped3A_268 = arith.constant 0 : i32
      "tpu.region"() ({
        %run_scoped3A_285 = tpu.sem_alloc : memref<!tpu.dma_semaphore, #tpu.memory_space<semaphore_mem>>
        %dma_start3A_286 = arith.constant 0 : i32
        %dma_start3A_287 = tpu.memref_slice %arg8[%run_scoped3A_268, %dma_start3A_286] : memref<4x128xi32, #tpu.memory_space<vmem>> -> memref<1x128xi32, #tpu.memory_space<vmem>>
        %dma_start3A_288 = tpu.memref_squeeze %dma_start3A_287 : memref<1x128xi32, #tpu.memory_space<vmem>> -> memref<128xi32, #tpu.memory_space<vmem>>
        %dma_start3A_289 = tpu.memref_slice %arg4[%mul3A_267] : memref<327680xi32, #tpu.memory_space<hbm>> -> memref<128xi32, #tpu.memory_space<hbm>>
        %dma_start3A_290 = arith.constant 0 : i32
        %dma_start3A_291 = tpu.memref_slice %arg8[%run_scoped3A_268, %dma_start3A_290] : memref<4x128xi32, #tpu.memory_space<vmem>> -> memref<1x128xi32, #tpu.memory_space<vmem>>
        %dma_start3A_292 = tpu.memref_squeeze %dma_start3A_291 : memref<1x128xi32, #tpu.memory_space<vmem>> -> memref<128xi32, #tpu.memory_space<vmem>>
        %dma_start3A_293 = tpu.memref_slice %arg4[%mul3A_267] : memref<327680xi32, #tpu.memory_space<hbm>> -> memref<128xi32, #tpu.memory_space<hbm>>
        tpu.enqueue_dma source(%dma_start3A_293 : memref<128xi32, #tpu.memory_space<hbm>>) target(%dma_start3A_292 : memref<128xi32, #tpu.memory_space<vmem>>) target_semaphore(%run_scoped3A_285 : memref<!tpu.dma_semaphore, #tpu.memory_space<semaphore_mem>>)
        %dma_wait3A_294 = arith.constant 0 : i32
        %dma_wait3A_295 = tpu.memref_slice %arg8[%run_scoped3A_268, %dma_wait3A_294] : memref<4x128xi32, #tpu.memory_space<vmem>> -> memref<1x128xi32, #tpu.memory_space<vmem>>
        %dma_wait3A_296 = tpu.memref_squeeze %dma_wait3A_295 : memref<1x128xi32, #tpu.memory_space<vmem>> -> memref<128xi32, #tpu.memory_space<vmem>>
        %dma_wait3A_297 = tpu.memref_slice %arg4[%mul3A_267] : memref<327680xi32, #tpu.memory_space<hbm>> -> memref<128xi32, #tpu.memory_space<hbm>>
        %dma_wait3A_298 = arith.constant 0 : i32
        %dma_wait3A_299 = tpu.memref_slice %arg8[%run_scoped3A_268, %dma_wait3A_298] : memref<4x128xi32, #tpu.memory_space<vmem>> -> memref<1x128xi32, #tpu.memory_space<vmem>>
        %dma_wait3A_300 = tpu.memref_squeeze %dma_wait3A_299 : memref<1x128xi32, #tpu.memory_space<vmem>> -> memref<128xi32, #tpu.memory_space<vmem>>
        %dma_wait3A_301 = tpu.memref_slice %arg4[%mul3A_267] : memref<327680xi32, #tpu.memory_space<hbm>> -> memref<128xi32, #tpu.memory_space<hbm>>
        tpu.wait_dma2 semaphore(%run_scoped3A_285 : memref<!tpu.dma_semaphore, #tpu.memory_space<semaphore_mem>>) src(%dma_wait3A_301 : memref<128xi32, #tpu.memory_space<hbm>>) dst(%dma_wait3A_300 : memref<128xi32, #tpu.memory_space<vmem>>)
        tpu.yield
      }) : () -> ()
      %dma_start3A_269 = arith.constant 0 : i32
      %dma_start3A_270 = arith.constant 0 : i32
      %dma_start3A_271 = tpu.memref_slice %arg7[%dma_start3A_269, %dma_start3A_270] : memref<4x128xi32, #tpu.memory_space<vmem>> -> memref<1x128xi32, #tpu.memory_space<vmem>>
      %dma_start3A_272 = tpu.memref_squeeze %dma_start3A_271 : memref<1x128xi32, #tpu.memory_space<vmem>> -> memref<128xi32, #tpu.memory_space<vmem>>
      %dma_start3A_273 = arith.constant 0 : i32
      %dma_start3A_274 = arith.constant 0 : i32
      %dma_start3A_275 = tpu.memref_slice %arg2[%dma_start3A_273, %dma_start3A_274] : memref<10000x128xf32, #tpu.memory_space<hbm>> -> memref<10000x128xf32, #tpu.memory_space<hbm>>
      tpu.enqueue_indirect_dma source(%dma_start3A_275 : memref<10000x128xf32, #tpu.memory_space<hbm>>) target(%arg9 : memref<128x128xf32, #tpu.memory_space<vmem>>) offsets(%dma_start3A_272 : memref<128xi32, #tpu.memory_space<vmem>>) semaphore(%arg20 : memref<!tpu.dma_semaphore, #tpu.memory_space<semaphore_mem>>)
      %dma_wait3A_276 = arith.constant 0 : i32
      %dma_wait3A_277 = arith.constant 0 : i32
      %dma_wait3A_278 = tpu.memref_slice %arg7[%dma_wait3A_276, %dma_wait3A_277] : memref<4x128xi32, #tpu.memory_space<vmem>> -> memref<1x128xi32, #tpu.memory_space<vmem>>
      %dma_wait3A_279 = tpu.memref_squeeze %dma_wait3A_278 : memref<1x128xi32, #tpu.memory_space<vmem>> -> memref<128xi32, #tpu.memory_space<vmem>>
      %dma_wait3A_280 = arith.constant 0 : i32
      %dma_wait3A_281 = arith.constant 0 : i32
      %dma_wait3A_282 = tpu.memref_slice %arg2[%dma_wait3A_280, %dma_wait3A_281] : memref<10000x128xf32, #tpu.memory_space<hbm>> -> memref<10000x128xf32, #tpu.memory_space<hbm>>
      tpu.wait_indirect_dma semaphore(%arg20 : memref<!tpu.dma_semaphore, #tpu.memory_space<semaphore_mem>>) src(%dma_wait3A_282 : memref<10000x128xf32, #tpu.memory_space<hbm>>) dst(%arg9 : memref<128x128xf32, #tpu.memory_space<vmem>>)
      %run_scoped3A_283 = arith.constant 0 : i32
      "tpu.region"() ({
        %run_scoped3A_285 = tpu.sem_alloc : memref<!tpu.dma_semaphore, #tpu.memory_space<semaphore_mem>>
        %dma_start3A_286 = arith.constant 0 : i32
        %dma_start3A_287 = tpu.memref_slice %arg8[%run_scoped3A_283, %dma_start3A_286] : memref<4x128xi32, #tpu.memory_space<vmem>> -> memref<1x128xi32, #tpu.memory_space<vmem>>
        %dma_start3A_288 = tpu.memref_squeeze %dma_start3A_287 : memref<1x128xi32, #tpu.memory_space<vmem>> -> memref<128xi32, #tpu.memory_space<vmem>>
        %dma_start3A_289 = arith.constant 0 : i32
        %dma_start3A_290 = arith.constant 0 : i32
        %dma_start3A_291 = tpu.memref_slice %arg6[%dma_start3A_289, %dma_start3A_290] : memref<10240x128xf32, #tpu.memory_space<vmem_shared>> -> memref<10240x128xf32, #tpu.memory_space<vmem_shared>>
        tpu.enqueue_indirect_dma source(%arg9 : memref<128x128xf32, #tpu.memory_space<vmem>>) target(%dma_start3A_291 : memref<10240x128xf32, #tpu.memory_space<vmem_shared>>) offsets(%dma_start3A_288 : memref<128xi32, #tpu.memory_space<vmem>>) semaphore(%run_scoped3A_285 : memref<!tpu.dma_semaphore, #tpu.memory_space<semaphore_mem>>) {add = true}
        %dma_wait3A_292 = arith.constant 0 : i32
        %dma_wait3A_293 = tpu.memref_slice %arg8[%run_scoped3A_283, %dma_wait3A_292] : memref<4x128xi32, #tpu.memory_space<vmem>> -> memref<1x128xi32, #tpu.memory_space<vmem>>
        %dma_wait3A_294 = tpu.memref_squeeze %dma_wait3A_293 : memref<1x128xi32, #tpu.memory_space<vmem>> -> memref<128xi32, #tpu.memory_space<vmem>>
        %dma_wait3A_295 = arith.constant 0 : i32
        %dma_wait3A_296 = arith.constant 0 : i32
        %dma_wait3A_297 = tpu.memref_slice %arg6[%dma_wait3A_295, %dma_wait3A_296] : memref<10240x128xf32, #tpu.memory_space<vmem_shared>> -> memref<10240x128xf32, #tpu.memory_space<vmem_shared>>
        tpu.wait_indirect_dma semaphore(%run_scoped3A_285 : memref<!tpu.dma_semaphore, #tpu.memory_space<semaphore_mem>>) src(%arg9 : memref<128x128xf32, #tpu.memory_space<vmem>>) dst(%dma_wait3A_297 : memref<10240x128xf32, #tpu.memory_space<vmem_shared>>)
        tpu.yield
      }) : () -> ()
      %scan3A_284 = arith.constant 0 : i32
      scf.yield %scan3A_284 : i32
    }
    %scan3A_252 = arith.constant 80 : i32
    %barrier3A_253 = arith.constant 0 : index
    tpu.barrier barrier_id(%barrier3A_253)
    %mul3A_254 = arith.constant 640 : i32
    %mul3A_255 = arith.muli %arg1, %mul3A_254 : i32
    %mul3A_256 = arith.constant 10240 : i32
    %mul3A_257 = arith.muli %arg0, %mul3A_256 : i32
    %mul3A_258 = arith.constant 640 : i32
    %mul3A_259 = arith.muli %arg1, %mul3A_258 : i32
    %add3A_260 = arith.addi %mul3A_257, %mul3A_259 : i32
    "tpu.region"() ({
      %run_scoped3A = tpu.sem_alloc : memref<!tpu.dma_semaphore, #tpu.memory_space<semaphore_mem>>
      %dma_start3A_261 = arith.constant 0 : i32
      %dma_start3A_262 = tpu.memref_slice %arg5[%add3A_260, %dma_start3A_261] : memref<20480x128xf32, #tpu.memory_space<hbm>> -> memref<640x128xf32, #tpu.memory_space<hbm>>
      %dma_start3A_263 = arith.constant 0 : i32
      %dma_start3A_264 = tpu.memref_slice %arg6[%mul3A_255, %dma_start3A_263] : memref<10240x128xf32, #tpu.memory_space<vmem_shared>> -> memref<640x128xf32, #tpu.memory_space<vmem_shared>>
      tpu.enqueue_dma source(%dma_start3A_264 : memref<640x128xf32, #tpu.memory_space<vmem_shared>>) target(%dma_start3A_262 : memref<640x128xf32, #tpu.memory_space<hbm>>) target_semaphore(%run_scoped3A : memref<!tpu.dma_semaphore, #tpu.memory_space<semaphore_mem>>)
      %dma_wait3A_265 = arith.constant 0 : i32
      %dma_wait3A_266 = tpu.memref_slice %arg5[%add3A_260, %dma_wait3A_265] : memref<20480x128xf32, #tpu.memory_space<hbm>> -> memref<640x128xf32, #tpu.memory_space<hbm>>
      %dma_wait3A_267 = arith.constant 0 : i32
      %dma_wait3A_268 = tpu.memref_slice %arg6[%mul3A_255, %dma_wait3A_267] : memref<10240x128xf32, #tpu.memory_space<vmem_shared>> -> memref<640x128xf32, #tpu.memory_space<vmem_shared>>
      tpu.wait_dma2 semaphore(%run_scoped3A : memref<!tpu.dma_semaphore, #tpu.memory_space<semaphore_mem>>) src(%dma_wait3A_268 : memref<640x128xf32, #tpu.memory_space<vmem_shared>>) dst(%dma_wait3A_266 : memref<640x128xf32, #tpu.memory_space<hbm>>)
      tpu.yield
    }) : () -> ()
    return
  }
}

#map = affine_map<(d0, d1) -> (0, 0)>
#map1 = affine_map<(d0, d1) -> (0)>
module attributes {stable_mosaic.version = 14 : i64} {
  func.func @_sc_aggregate(%arg0: i32, %arg1: i32, %arg2: memref<10000x128xf32, #tpu.memory_space<hbm>>, %arg3: memref<327680xi32, #tpu.memory_space<hbm>>, %arg4: memref<327680xi32, #tpu.memory_space<hbm>>, %arg5: memref<20480x128xf32, #tpu.memory_space<hbm>>, %arg6: memref<10240x128xf32, #tpu.memory_space<vmem_shared>>, %arg7: memref<4x128xi32, #tpu.memory_space<vmem>>, %arg8: memref<4x128xi32, #tpu.memory_space<vmem>>, %arg9: memref<128x128xf32, #tpu.memory_space<vmem>>, %arg10: memref<128x128xf32, #tpu.memory_space<vmem>>, %arg11: memref<32x128xf32, #tpu.memory_space<vmem>>, %arg12: memref<!tpu.dma_semaphore, #tpu.memory_space<semaphore_mem>>, %arg13: memref<!tpu.dma_semaphore, #tpu.memory_space<semaphore_mem>>, %arg14: memref<!tpu.dma_semaphore, #tpu.memory_space<semaphore_mem>>, %arg15: memref<!tpu.dma_semaphore, #tpu.memory_space<semaphore_mem>>, %arg16: memref<!tpu.dma_semaphore, #tpu.memory_space<semaphore_mem>>, %arg17: memref<!tpu.dma_semaphore, #tpu.memory_space<semaphore_mem>>, %arg18: memref<!tpu.dma_semaphore, #tpu.memory_space<semaphore_mem>>, %arg19: memref<!tpu.dma_semaphore, #tpu.memory_space<semaphore_mem>>, %arg20: memref<!tpu.dma_semaphore, #tpu.memory_space<semaphore_mem>>, %arg21: memref<!tpu.dma_semaphore, #tpu.memory_space<semaphore_mem>>, %arg22: memref<!tpu.dma_semaphore, #tpu.memory_space<semaphore_mem>>, %arg23: memref<!tpu.dma_semaphore, #tpu.memory_space<semaphore_mem>>, %arg24: memref<!tpu.dma_semaphore, #tpu.memory_space<semaphore_mem>>) attributes {dimension_semantics = [#tpu.dimension_semantics<core_parallel>, #tpu.dimension_semantics<subcore_parallel>], iteration_bounds = array<i64: 2, 16>, scalar_prefetch = 0 : i64, scratch_operands = 19 : i64, tpu.core_type = #tpu.core_type<sc_vector_subcore>, window_params = [{transform_indices = #map}, {transform_indices = #map1}, {transform_indices = #map1}, {transform_indices = #map}]} {
    %mul3A = arith.constant 2 : i32
    %mul3A_0 = arith.muli %arg1, %mul3A : i32
    %add3A = arith.addi %mul3A_0, %arg0 : i32
    %broadcast_in_dim3A = arith.constant 0.000000e+00 : f32
    %broadcast_in_dim3A_1 = vector.broadcast %broadcast_in_dim3A : f32 to vector<16xf32>
    %scan3A = arith.constant 0 : i32
    %scan3A_2 = arith.constant 0 : i32
    %scan3A_3 = arith.constant 32 : i32
    %scan3A_4 = arith.addi %scan3A_2, %scan3A_3 : i32
    %scan3A_5 = arith.constant 1 : i32
    %scan3A_6 = scf.for %scan3A_261 = %scan3A_2 to %scan3A_4 step %scan3A_5 iter_args(%scan3A_262 = %scan3A) -> (i32)  : i32 {
      %swap3A = arith.index_cast %scan3A_261 : i32 to index
      %swap3A_263 = arith.constant 0 : index
      %swap3A_264 = tpu.vector_load %arg11[%swap3A, %swap3A_263] {strides = array<i32>} : memref<32x128xf32, #tpu.memory_space<vmem>>, vector<1x16xf32>,
      %swap3A_265 = vector.shape_cast %swap3A_264 : vector<1x16xf32> to vector<16xf32>
      %swap3A_266 = vector.shape_cast %broadcast_in_dim3A_1 : vector<16xf32> to vector<1x16xf32>
      tpu.vector_store %arg11[%swap3A, %swap3A_263], %swap3A_266 {strides = array<i32>} : memref<32x128xf32, #tpu.memory_space<vmem>>, vector<1x16xf32>,
      %swap3A_267 = arith.index_cast %scan3A_261 : i32 to index
      %swap3A_268 = arith.constant 16 : index
      %swap3A_269 = tpu.vector_load %arg11[%swap3A_267, %swap3A_268] {strides = array<i32>} : memref<32x128xf32, #tpu.memory_space<vmem>>, vector<1x16xf32>,
      %swap3A_270 = vector.shape_cast %swap3A_269 : vector<1x16xf32> to vector<16xf32>
      %swap3A_271 = vector.shape_cast %broadcast_in_dim3A_1 : vector<16xf32> to vector<1x16xf32>
      tpu.vector_store %arg11[%swap3A_267, %swap3A_268], %swap3A_271 {strides = array<i32>} : memref<32x128xf32, #tpu.memory_space<vmem>>, vector<1x16xf32>,
      %swap3A_272 = arith.index_cast %scan3A_261 : i32 to index
      %swap3A_273 = arith.constant 32 : index
      %swap3A_274 = tpu.vector_load %arg11[%swap3A_272, %swap3A_273] {strides = array<i32>} : memref<32x128xf32, #tpu.memory_space<vmem>>, vector<1x16xf32>,
      %swap3A_275 = vector.shape_cast %swap3A_274 : vector<1x16xf32> to vector<16xf32>
      %swap3A_276 = vector.shape_cast %broadcast_in_dim3A_1 : vector<16xf32> to vector<1x16xf32>
      tpu.vector_store %arg11[%swap3A_272, %swap3A_273], %swap3A_276 {strides = array<i32>} : memref<32x128xf32, #tpu.memory_space<vmem>>, vector<1x16xf32>,
      %swap3A_277 = arith.index_cast %scan3A_261 : i32 to index
      %swap3A_278 = arith.constant 48 : index
      %swap3A_279 = tpu.vector_load %arg11[%swap3A_277, %swap3A_278] {strides = array<i32>} : memref<32x128xf32, #tpu.memory_space<vmem>>, vector<1x16xf32>,
      %swap3A_280 = vector.shape_cast %swap3A_279 : vector<1x16xf32> to vector<16xf32>
      %swap3A_281 = vector.shape_cast %broadcast_in_dim3A_1 : vector<16xf32> to vector<1x16xf32>
      tpu.vector_store %arg11[%swap3A_277, %swap3A_278], %swap3A_281 {strides = array<i32>} : memref<32x128xf32, #tpu.memory_space<vmem>>, vector<1x16xf32>,
      %swap3A_282 = arith.index_cast %scan3A_261 : i32 to index
      %swap3A_283 = arith.constant 64 : index
      %swap3A_284 = tpu.vector_load %arg11[%swap3A_282, %swap3A_283] {strides = array<i32>} : memref<32x128xf32, #tpu.memory_space<vmem>>, vector<1x16xf32>,
      %swap3A_285 = vector.shape_cast %swap3A_284 : vector<1x16xf32> to vector<16xf32>
      %swap3A_286 = vector.shape_cast %broadcast_in_dim3A_1 : vector<16xf32> to vector<1x16xf32>
      tpu.vector_store %arg11[%swap3A_282, %swap3A_283], %swap3A_286 {strides = array<i32>} : memref<32x128xf32, #tpu.memory_space<vmem>>, vector<1x16xf32>,
      %swap3A_287 = arith.index_cast %scan3A_261 : i32 to index
      %swap3A_288 = arith.constant 80 : index
      %swap3A_289 = tpu.vector_load %arg11[%swap3A_287, %swap3A_288] {strides = array<i32>} : memref<32x128xf32, #tpu.memory_space<vmem>>, vector<1x16xf32>,
      %swap3A_290 = vector.shape_cast %swap3A_289 : vector<1x16xf32> to vector<16xf32>
      %swap3A_291 = vector.shape_cast %broadcast_in_dim3A_1 : vector<16xf32> to vector<1x16xf32>
      tpu.vector_store %arg11[%swap3A_287, %swap3A_288], %swap3A_291 {strides = array<i32>} : memref<32x128xf32, #tpu.memory_space<vmem>>, vector<1x16xf32>,
      %swap3A_292 = arith.index_cast %scan3A_261 : i32 to index
      %swap3A_293 = arith.constant 96 : index
      %swap3A_294 = tpu.vector_load %arg11[%swap3A_292, %swap3A_293] {strides = array<i32>} : memref<32x128xf32, #tpu.memory_space<vmem>>, vector<1x16xf32>,
      %swap3A_295 = vector.shape_cast %swap3A_294 : vector<1x16xf32> to vector<16xf32>
      %swap3A_296 = vector.shape_cast %broadcast_in_dim3A_1 : vector<16xf32> to vector<1x16xf32>
      tpu.vector_store %arg11[%swap3A_292, %swap3A_293], %swap3A_296 {strides = array<i32>} : memref<32x128xf32, #tpu.memory_space<vmem>>, vector<1x16xf32>,
      %swap3A_297 = arith.index_cast %scan3A_261 : i32 to index
      %swap3A_298 = arith.constant 112 : index
      %swap3A_299 = tpu.vector_load %arg11[%swap3A_297, %swap3A_298] {strides = array<i32>} : memref<32x128xf32, #tpu.memory_space<vmem>>, vector<1x16xf32>,
      %swap3A_300 = vector.shape_cast %swap3A_299 : vector<1x16xf32> to vector<16xf32>
      %swap3A_301 = vector.shape_cast %broadcast_in_dim3A_1 : vector<16xf32> to vector<1x16xf32>
      tpu.vector_store %arg11[%swap3A_297, %swap3A_298], %swap3A_301 {strides = array<i32>} : memref<32x128xf32, #tpu.memory_space<vmem>>, vector<1x16xf32>,
      %scan3A_302 = arith.constant 0 : i32
      scf.yield %scan3A_302 : i32
    }
    %scan3A_7 = arith.constant 32 : i32
    %mul3A_8 = arith.constant 640 : i32
    %mul3A_9 = arith.muli %arg1, %mul3A_8 : i32
    %add3A_10 = arith.constant 0 : i32
    %add3A_11 = arith.addi %mul3A_9, %add3A_10 : i32
    %dma_start3A = arith.constant 0 : i32
    %dma_start3A_12 = tpu.memref_slice %arg6[%add3A_11, %dma_start3A] : memref<10240x128xf32, #tpu.memory_space<vmem_shared>> -> memref<32x128xf32, #tpu.memory_space<vmem_shared>>
    %dma_start3A_13 = arith.constant 0 : i32
    %dma_start3A_14 = tpu.memref_slice %arg6[%add3A_11, %dma_start3A_13] : memref<10240x128xf32, #tpu.memory_space<vmem_shared>> -> memref<32x128xf32, #tpu.memory_space<vmem_shared>>
    tpu.enqueue_dma source(%arg11 : memref<32x128xf32, #tpu.memory_space<vmem>>) target(%dma_start3A_14 : memref<32x128xf32, #tpu.memory_space<vmem_shared>>) target_semaphore(%arg24 : memref<!tpu.dma_semaphore, #tpu.memory_space<semaphore_mem>>)
    %mul3A_15 = arith.constant 640 : i32
    %mul3A_16 = arith.muli %arg1, %mul3A_15 : i32
    %add3A_17 = arith.constant 32 : i32
    %add3A_18 = arith.addi %mul3A_16, %add3A_17 : i32
    %dma_start3A_19 = arith.constant 0 : i32
    %dma_start3A_20 = tpu.memref_slice %arg6[%add3A_18, %dma_start3A_19] : memref<10240x128xf32, #tpu.memory_space<vmem_shared>> -> memref<32x128xf32, #tpu.memory_space<vmem_shared>>
    %dma_start3A_21 = arith.constant 0 : i32
    %dma_start3A_22 = tpu.memref_slice %arg6[%add3A_18, %dma_start3A_21] : memref<10240x128xf32, #tpu.memory_space<vmem_shared>> -> memref<32x128xf32, #tpu.memory_space<vmem_shared>>
    tpu.enqueue_dma source(%arg11 : memref<32x128xf32, #tpu.memory_space<vmem>>) target(%dma_start3A_22 : memref<32x128xf32, #tpu.memory_space<vmem_shared>>) target_semaphore(%arg24 : memref<!tpu.dma_semaphore, #tpu.memory_space<semaphore_mem>>)
    %mul3A_23 = arith.constant 640 : i32
    %mul3A_24 = arith.muli %arg1, %mul3A_23 : i32
    %add3A_25 = arith.constant 64 : i32
    %add3A_26 = arith.addi %mul3A_24, %add3A_25 : i32
    %dma_start3A_27 = arith.constant 0 : i32
    %dma_start3A_28 = tpu.memref_slice %arg6[%add3A_26, %dma_start3A_27] : memref<10240x128xf32, #tpu.memory_space<vmem_shared>> -> memref<32x128xf32, #tpu.memory_space<vmem_shared>>
    %dma_start3A_29 = arith.constant 0 : i32
    %dma_start3A_30 = tpu.memref_slice %arg6[%add3A_26, %dma_start3A_29] : memref<10240x128xf32, #tpu.memory_space<vmem_shared>> -> memref<32x128xf32, #tpu.memory_space<vmem_shared>>
    tpu.enqueue_dma source(%arg11 : memref<32x128xf32, #tpu.memory_space<vmem>>) target(%dma_start3A_30 : memref<32x128xf32, #tpu.memory_space<vmem_shared>>) target_semaphore(%arg24 : memref<!tpu.dma_semaphore, #tpu.memory_space<semaphore_mem>>)
    %mul3A_31 = arith.constant 640 : i32
    %mul3A_32 = arith.muli %arg1, %mul3A_31 : i32
    %add3A_33 = arith.constant 96 : i32
    %add3A_34 = arith.addi %mul3A_32, %add3A_33 : i32
    %dma_start3A_35 = arith.constant 0 : i32
    %dma_start3A_36 = tpu.memref_slice %arg6[%add3A_34, %dma_start3A_35] : memref<10240x128xf32, #tpu.memory_space<vmem_shared>> -> memref<32x128xf32, #tpu.memory_space<vmem_shared>>
    %dma_start3A_37 = arith.constant 0 : i32
    %dma_start3A_38 = tpu.memref_slice %arg6[%add3A_34, %dma_start3A_37] : memref<10240x128xf32, #tpu.memory_space<vmem_shared>> -> memref<32x128xf32, #tpu.memory_space<vmem_shared>>
    tpu.enqueue_dma source(%arg11 : memref<32x128xf32, #tpu.memory_space<vmem>>) target(%dma_start3A_38 : memref<32x128xf32, #tpu.memory_space<vmem_shared>>) target_semaphore(%arg24 : memref<!tpu.dma_semaphore, #tpu.memory_space<semaphore_mem>>)
    %mul3A_39 = arith.constant 640 : i32
    %mul3A_40 = arith.muli %arg1, %mul3A_39 : i32
    %add3A_41 = arith.constant 128 : i32
    %add3A_42 = arith.addi %mul3A_40, %add3A_41 : i32
    %dma_start3A_43 = arith.constant 0 : i32
    %dma_start3A_44 = tpu.memref_slice %arg6[%add3A_42, %dma_start3A_43] : memref<10240x128xf32, #tpu.memory_space<vmem_shared>> -> memref<32x128xf32, #tpu.memory_space<vmem_shared>>
    %dma_start3A_45 = arith.constant 0 : i32
    %dma_start3A_46 = tpu.memref_slice %arg6[%add3A_42, %dma_start3A_45] : memref<10240x128xf32, #tpu.memory_space<vmem_shared>> -> memref<32x128xf32, #tpu.memory_space<vmem_shared>>
    tpu.enqueue_dma source(%arg11 : memref<32x128xf32, #tpu.memory_space<vmem>>) target(%dma_start3A_46 : memref<32x128xf32, #tpu.memory_space<vmem_shared>>) target_semaphore(%arg24 : memref<!tpu.dma_semaphore, #tpu.memory_space<semaphore_mem>>)
    %mul3A_47 = arith.constant 640 : i32
    %mul3A_48 = arith.muli %arg1, %mul3A_47 : i32
    %add3A_49 = arith.constant 160 : i32
    %add3A_50 = arith.addi %mul3A_48, %add3A_49 : i32
    %dma_start3A_51 = arith.constant 0 : i32
    %dma_start3A_52 = tpu.memref_slice %arg6[%add3A_50, %dma_start3A_51] : memref<10240x128xf32, #tpu.memory_space<vmem_shared>> -> memref<32x128xf32, #tpu.memory_space<vmem_shared>>
    %dma_start3A_53 = arith.constant 0 : i32
    %dma_start3A_54 = tpu.memref_slice %arg6[%add3A_50, %dma_start3A_53] : memref<10240x128xf32, #tpu.memory_space<vmem_shared>> -> memref<32x128xf32, #tpu.memory_space<vmem_shared>>
    tpu.enqueue_dma source(%arg11 : memref<32x128xf32, #tpu.memory_space<vmem>>) target(%dma_start3A_54 : memref<32x128xf32, #tpu.memory_space<vmem_shared>>) target_semaphore(%arg24 : memref<!tpu.dma_semaphore, #tpu.memory_space<semaphore_mem>>)
    %mul3A_55 = arith.constant 640 : i32
    %mul3A_56 = arith.muli %arg1, %mul3A_55 : i32
    %add3A_57 = arith.constant 192 : i32
    %add3A_58 = arith.addi %mul3A_56, %add3A_57 : i32
    %dma_start3A_59 = arith.constant 0 : i32
    %dma_start3A_60 = tpu.memref_slice %arg6[%add3A_58, %dma_start3A_59] : memref<10240x128xf32, #tpu.memory_space<vmem_shared>> -> memref<32x128xf32, #tpu.memory_space<vmem_shared>>
    %dma_start3A_61 = arith.constant 0 : i32
    %dma_start3A_62 = tpu.memref_slice %arg6[%add3A_58, %dma_start3A_61] : memref<10240x128xf32, #tpu.memory_space<vmem_shared>> -> memref<32x128xf32, #tpu.memory_space<vmem_shared>>
    tpu.enqueue_dma source(%arg11 : memref<32x128xf32, #tpu.memory_space<vmem>>) target(%dma_start3A_62 : memref<32x128xf32, #tpu.memory_space<vmem_shared>>) target_semaphore(%arg24 : memref<!tpu.dma_semaphore, #tpu.memory_space<semaphore_mem>>)
    %mul3A_63 = arith.constant 640 : i32
    %mul3A_64 = arith.muli %arg1, %mul3A_63 : i32
    %add3A_65 = arith.constant 224 : i32
    %add3A_66 = arith.addi %mul3A_64, %add3A_65 : i32
    %dma_start3A_67 = arith.constant 0 : i32
    %dma_start3A_68 = tpu.memref_slice %arg6[%add3A_66, %dma_start3A_67] : memref<10240x128xf32, #tpu.memory_space<vmem_shared>> -> memref<32x128xf32, #tpu.memory_space<vmem_shared>>
    %dma_start3A_69 = arith.constant 0 : i32
    %dma_start3A_70 = tpu.memref_slice %arg6[%add3A_66, %dma_start3A_69] : memref<10240x128xf32, #tpu.memory_space<vmem_shared>> -> memref<32x128xf32, #tpu.memory_space<vmem_shared>>
    tpu.enqueue_dma source(%arg11 : memref<32x128xf32, #tpu.memory_space<vmem>>) target(%dma_start3A_70 : memref<32x128xf32, #tpu.memory_space<vmem_shared>>) target_semaphore(%arg24 : memref<!tpu.dma_semaphore, #tpu.memory_space<semaphore_mem>>)
    %mul3A_71 = arith.constant 640 : i32
    %mul3A_72 = arith.muli %arg1, %mul3A_71 : i32
    %add3A_73 = arith.constant 256 : i32
    %add3A_74 = arith.addi %mul3A_72, %add3A_73 : i32
    %dma_start3A_75 = arith.constant 0 : i32
    %dma_start3A_76 = tpu.memref_slice %arg6[%add3A_74, %dma_start3A_75] : memref<10240x128xf32, #tpu.memory_space<vmem_shared>> -> memref<32x128xf32, #tpu.memory_space<vmem_shared>>
    %dma_start3A_77 = arith.constant 0 : i32
    %dma_start3A_78 = tpu.memref_slice %arg6[%add3A_74, %dma_start3A_77] : memref<10240x128xf32, #tpu.memory_space<vmem_shared>> -> memref<32x128xf32, #tpu.memory_space<vmem_shared>>
    tpu.enqueue_dma source(%arg11 : memref<32x128xf32, #tpu.memory_space<vmem>>) target(%dma_start3A_78 : memref<32x128xf32, #tpu.memory_space<vmem_shared>>) target_semaphore(%arg24 : memref<!tpu.dma_semaphore, #tpu.memory_space<semaphore_mem>>)
    %mul3A_79 = arith.constant 640 : i32
    %mul3A_80 = arith.muli %arg1, %mul3A_79 : i32
    %add3A_81 = arith.constant 288 : i32
    %add3A_82 = arith.addi %mul3A_80, %add3A_81 : i32
    %dma_start3A_83 = arith.constant 0 : i32
    %dma_start3A_84 = tpu.memref_slice %arg6[%add3A_82, %dma_start3A_83] : memref<10240x128xf32, #tpu.memory_space<vmem_shared>> -> memref<32x128xf32, #tpu.memory_space<vmem_shared>>
    %dma_start3A_85 = arith.constant 0 : i32
    %dma_start3A_86 = tpu.memref_slice %arg6[%add3A_82, %dma_start3A_85] : memref<10240x128xf32, #tpu.memory_space<vmem_shared>> -> memref<32x128xf32, #tpu.memory_space<vmem_shared>>
    tpu.enqueue_dma source(%arg11 : memref<32x128xf32, #tpu.memory_space<vmem>>) target(%dma_start3A_86 : memref<32x128xf32, #tpu.memory_space<vmem_shared>>) target_semaphore(%arg24 : memref<!tpu.dma_semaphore, #tpu.memory_space<semaphore_mem>>)
    %mul3A_87 = arith.constant 640 : i32
    %mul3A_88 = arith.muli %arg1, %mul3A_87 : i32
    %add3A_89 = arith.constant 320 : i32
    %add3A_90 = arith.addi %mul3A_88, %add3A_89 : i32
    %dma_start3A_91 = arith.constant 0 : i32
    %dma_start3A_92 = tpu.memref_slice %arg6[%add3A_90, %dma_start3A_91] : memref<10240x128xf32, #tpu.memory_space<vmem_shared>> -> memref<32x128xf32, #tpu.memory_space<vmem_shared>>
    %dma_start3A_93 = arith.constant 0 : i32
    %dma_start3A_94 = tpu.memref_slice %arg6[%add3A_90, %dma_start3A_93] : memref<10240x128xf32, #tpu.memory_space<vmem_shared>> -> memref<32x128xf32, #tpu.memory_space<vmem_shared>>
    tpu.enqueue_dma source(%arg11 : memref<32x128xf32, #tpu.memory_space<vmem>>) target(%dma_start3A_94 : memref<32x128xf32, #tpu.memory_space<vmem_shared>>) target_semaphore(%arg24 : memref<!tpu.dma_semaphore, #tpu.memory_space<semaphore_mem>>)
    %mul3A_95 = arith.constant 640 : i32
    %mul3A_96 = arith.muli %arg1, %mul3A_95 : i32
    %add3A_97 = arith.constant 352 : i32
    %add3A_98 = arith.addi %mul3A_96, %add3A_97 : i32
    %dma_start3A_99 = arith.constant 0 : i32
    %dma_start3A_100 = tpu.memref_slice %arg6[%add3A_98, %dma_start3A_99] : memref<10240x128xf32, #tpu.memory_space<vmem_shared>> -> memref<32x128xf32, #tpu.memory_space<vmem_shared>>
    %dma_start3A_101 = arith.constant 0 : i32
    %dma_start3A_102 = tpu.memref_slice %arg6[%add3A_98, %dma_start3A_101] : memref<10240x128xf32, #tpu.memory_space<vmem_shared>> -> memref<32x128xf32, #tpu.memory_space<vmem_shared>>
    tpu.enqueue_dma source(%arg11 : memref<32x128xf32, #tpu.memory_space<vmem>>) target(%dma_start3A_102 : memref<32x128xf32, #tpu.memory_space<vmem_shared>>) target_semaphore(%arg24 : memref<!tpu.dma_semaphore, #tpu.memory_space<semaphore_mem>>)
    %mul3A_103 = arith.constant 640 : i32
    %mul3A_104 = arith.muli %arg1, %mul3A_103 : i32
    %add3A_105 = arith.constant 384 : i32
    %add3A_106 = arith.addi %mul3A_104, %add3A_105 : i32
    %dma_start3A_107 = arith.constant 0 : i32
    %dma_start3A_108 = tpu.memref_slice %arg6[%add3A_106, %dma_start3A_107] : memref<10240x128xf32, #tpu.memory_space<vmem_shared>> -> memref<32x128xf32, #tpu.memory_space<vmem_shared>>
    %dma_start3A_109 = arith.constant 0 : i32
    %dma_start3A_110 = tpu.memref_slice %arg6[%add3A_106, %dma_start3A_109] : memref<10240x128xf32, #tpu.memory_space<vmem_shared>> -> memref<32x128xf32, #tpu.memory_space<vmem_shared>>
    tpu.enqueue_dma source(%arg11 : memref<32x128xf32, #tpu.memory_space<vmem>>) target(%dma_start3A_110 : memref<32x128xf32, #tpu.memory_space<vmem_shared>>) target_semaphore(%arg24 : memref<!tpu.dma_semaphore, #tpu.memory_space<semaphore_mem>>)
    %mul3A_111 = arith.constant 640 : i32
    %mul3A_112 = arith.muli %arg1, %mul3A_111 : i32
    %add3A_113 = arith.constant 416 : i32
    %add3A_114 = arith.addi %mul3A_112, %add3A_113 : i32
    %dma_start3A_115 = arith.constant 0 : i32
    %dma_start3A_116 = tpu.memref_slice %arg6[%add3A_114, %dma_start3A_115] : memref<10240x128xf32, #tpu.memory_space<vmem_shared>> -> memref<32x128xf32, #tpu.memory_space<vmem_shared>>
    %dma_start3A_117 = arith.constant 0 : i32
    %dma_start3A_118 = tpu.memref_slice %arg6[%add3A_114, %dma_start3A_117] : memref<10240x128xf32, #tpu.memory_space<vmem_shared>> -> memref<32x128xf32, #tpu.memory_space<vmem_shared>>
    tpu.enqueue_dma source(%arg11 : memref<32x128xf32, #tpu.memory_space<vmem>>) target(%dma_start3A_118 : memref<32x128xf32, #tpu.memory_space<vmem_shared>>) target_semaphore(%arg24 : memref<!tpu.dma_semaphore, #tpu.memory_space<semaphore_mem>>)
    %mul3A_119 = arith.constant 640 : i32
    %mul3A_120 = arith.muli %arg1, %mul3A_119 : i32
    %add3A_121 = arith.constant 448 : i32
    %add3A_122 = arith.addi %mul3A_120, %add3A_121 : i32
    %dma_start3A_123 = arith.constant 0 : i32
    %dma_start3A_124 = tpu.memref_slice %arg6[%add3A_122, %dma_start3A_123] : memref<10240x128xf32, #tpu.memory_space<vmem_shared>> -> memref<32x128xf32, #tpu.memory_space<vmem_shared>>
    %dma_start3A_125 = arith.constant 0 : i32
    %dma_start3A_126 = tpu.memref_slice %arg6[%add3A_122, %dma_start3A_125] : memref<10240x128xf32, #tpu.memory_space<vmem_shared>> -> memref<32x128xf32, #tpu.memory_space<vmem_shared>>
    tpu.enqueue_dma source(%arg11 : memref<32x128xf32, #tpu.memory_space<vmem>>) target(%dma_start3A_126 : memref<32x128xf32, #tpu.memory_space<vmem_shared>>) target_semaphore(%arg24 : memref<!tpu.dma_semaphore, #tpu.memory_space<semaphore_mem>>)
    %mul3A_127 = arith.constant 640 : i32
    %mul3A_128 = arith.muli %arg1, %mul3A_127 : i32
    %add3A_129 = arith.constant 480 : i32
    %add3A_130 = arith.addi %mul3A_128, %add3A_129 : i32
    %dma_start3A_131 = arith.constant 0 : i32
    %dma_start3A_132 = tpu.memref_slice %arg6[%add3A_130, %dma_start3A_131] : memref<10240x128xf32, #tpu.memory_space<vmem_shared>> -> memref<32x128xf32, #tpu.memory_space<vmem_shared>>
    %dma_start3A_133 = arith.constant 0 : i32
    %dma_start3A_134 = tpu.memref_slice %arg6[%add3A_130, %dma_start3A_133] : memref<10240x128xf32, #tpu.memory_space<vmem_shared>> -> memref<32x128xf32, #tpu.memory_space<vmem_shared>>
    tpu.enqueue_dma source(%arg11 : memref<32x128xf32, #tpu.memory_space<vmem>>) target(%dma_start3A_134 : memref<32x128xf32, #tpu.memory_space<vmem_shared>>) target_semaphore(%arg24 : memref<!tpu.dma_semaphore, #tpu.memory_space<semaphore_mem>>)
    %mul3A_135 = arith.constant 640 : i32
    %mul3A_136 = arith.muli %arg1, %mul3A_135 : i32
    %add3A_137 = arith.constant 512 : i32
    %add3A_138 = arith.addi %mul3A_136, %add3A_137 : i32
    %dma_start3A_139 = arith.constant 0 : i32
    %dma_start3A_140 = tpu.memref_slice %arg6[%add3A_138, %dma_start3A_139] : memref<10240x128xf32, #tpu.memory_space<vmem_shared>> -> memref<32x128xf32, #tpu.memory_space<vmem_shared>>
    %dma_start3A_141 = arith.constant 0 : i32
    %dma_start3A_142 = tpu.memref_slice %arg6[%add3A_138, %dma_start3A_141] : memref<10240x128xf32, #tpu.memory_space<vmem_shared>> -> memref<32x128xf32, #tpu.memory_space<vmem_shared>>
    tpu.enqueue_dma source(%arg11 : memref<32x128xf32, #tpu.memory_space<vmem>>) target(%dma_start3A_142 : memref<32x128xf32, #tpu.memory_space<vmem_shared>>) target_semaphore(%arg24 : memref<!tpu.dma_semaphore, #tpu.memory_space<semaphore_mem>>)
    %mul3A_143 = arith.constant 640 : i32
    %mul3A_144 = arith.muli %arg1, %mul3A_143 : i32
    %add3A_145 = arith.constant 544 : i32
    %add3A_146 = arith.addi %mul3A_144, %add3A_145 : i32
    %dma_start3A_147 = arith.constant 0 : i32
    %dma_start3A_148 = tpu.memref_slice %arg6[%add3A_146, %dma_start3A_147] : memref<10240x128xf32, #tpu.memory_space<vmem_shared>> -> memref<32x128xf32, #tpu.memory_space<vmem_shared>>
    %dma_start3A_149 = arith.constant 0 : i32
    %dma_start3A_150 = tpu.memref_slice %arg6[%add3A_146, %dma_start3A_149] : memref<10240x128xf32, #tpu.memory_space<vmem_shared>> -> memref<32x128xf32, #tpu.memory_space<vmem_shared>>
    tpu.enqueue_dma source(%arg11 : memref<32x128xf32, #tpu.memory_space<vmem>>) target(%dma_start3A_150 : memref<32x128xf32, #tpu.memory_space<vmem_shared>>) target_semaphore(%arg24 : memref<!tpu.dma_semaphore, #tpu.memory_space<semaphore_mem>>)
    %mul3A_151 = arith.constant 640 : i32
    %mul3A_152 = arith.muli %arg1, %mul3A_151 : i32
    %add3A_153 = arith.constant 576 : i32
    %add3A_154 = arith.addi %mul3A_152, %add3A_153 : i32
    %dma_start3A_155 = arith.constant 0 : i32
    %dma_start3A_156 = tpu.memref_slice %arg6[%add3A_154, %dma_start3A_155] : memref<10240x128xf32, #tpu.memory_space<vmem_shared>> -> memref<32x128xf32, #tpu.memory_space<vmem_shared>>
    %dma_start3A_157 = arith.constant 0 : i32
    %dma_start3A_158 = tpu.memref_slice %arg6[%add3A_154, %dma_start3A_157] : memref<10240x128xf32, #tpu.memory_space<vmem_shared>> -> memref<32x128xf32, #tpu.memory_space<vmem_shared>>
    tpu.enqueue_dma source(%arg11 : memref<32x128xf32, #tpu.memory_space<vmem>>) target(%dma_start3A_158 : memref<32x128xf32, #tpu.memory_space<vmem_shared>>) target_semaphore(%arg24 : memref<!tpu.dma_semaphore, #tpu.memory_space<semaphore_mem>>)
    %mul3A_159 = arith.constant 640 : i32
    %mul3A_160 = arith.muli %arg1, %mul3A_159 : i32
    %add3A_161 = arith.constant 608 : i32
    %add3A_162 = arith.addi %mul3A_160, %add3A_161 : i32
    %dma_start3A_163 = arith.constant 0 : i32
    %dma_start3A_164 = tpu.memref_slice %arg6[%add3A_162, %dma_start3A_163] : memref<10240x128xf32, #tpu.memory_space<vmem_shared>> -> memref<32x128xf32, #tpu.memory_space<vmem_shared>>
    %dma_start3A_165 = arith.constant 0 : i32
    %dma_start3A_166 = tpu.memref_slice %arg6[%add3A_162, %dma_start3A_165] : memref<10240x128xf32, #tpu.memory_space<vmem_shared>> -> memref<32x128xf32, #tpu.memory_space<vmem_shared>>
    tpu.enqueue_dma source(%arg11 : memref<32x128xf32, #tpu.memory_space<vmem>>) target(%dma_start3A_166 : memref<32x128xf32, #tpu.memory_space<vmem_shared>>) target_semaphore(%arg24 : memref<!tpu.dma_semaphore, #tpu.memory_space<semaphore_mem>>)
    %dma_wait3A = arith.constant 0 : i32
    %dma_wait3A_167 = tpu.memref_slice %arg6[%add3A_11, %dma_wait3A] : memref<10240x128xf32, #tpu.memory_space<vmem_shared>> -> memref<32x128xf32, #tpu.memory_space<vmem_shared>>
    %dma_wait3A_168 = arith.constant 0 : i32
    %dma_wait3A_169 = tpu.memref_slice %arg6[%add3A_11, %dma_wait3A_168] : memref<10240x128xf32, #tpu.memory_space<vmem_shared>> -> memref<32x128xf32, #tpu.memory_space<vmem_shared>>
    tpu.wait_dma2 semaphore(%arg24 : memref<!tpu.dma_semaphore, #tpu.memory_space<semaphore_mem>>) src(%arg11 : memref<32x128xf32, #tpu.memory_space<vmem>>) dst(%dma_wait3A_169 : memref<32x128xf32, #tpu.memory_space<vmem_shared>>)
    %dma_wait3A_170 = arith.constant 0 : i32
    %dma_wait3A_171 = tpu.memref_slice %arg6[%add3A_18, %dma_wait3A_170] : memref<10240x128xf32, #tpu.memory_space<vmem_shared>> -> memref<32x128xf32, #tpu.memory_space<vmem_shared>>
    %dma_wait3A_172 = arith.constant 0 : i32
    %dma_wait3A_173 = tpu.memref_slice %arg6[%add3A_18, %dma_wait3A_172] : memref<10240x128xf32, #tpu.memory_space<vmem_shared>> -> memref<32x128xf32, #tpu.memory_space<vmem_shared>>
    tpu.wait_dma2 semaphore(%arg24 : memref<!tpu.dma_semaphore, #tpu.memory_space<semaphore_mem>>) src(%arg11 : memref<32x128xf32, #tpu.memory_space<vmem>>) dst(%dma_wait3A_173 : memref<32x128xf32, #tpu.memory_space<vmem_shared>>)
    %dma_wait3A_174 = arith.constant 0 : i32
    %dma_wait3A_175 = tpu.memref_slice %arg6[%add3A_26, %dma_wait3A_174] : memref<10240x128xf32, #tpu.memory_space<vmem_shared>> -> memref<32x128xf32, #tpu.memory_space<vmem_shared>>
    %dma_wait3A_176 = arith.constant 0 : i32
    %dma_wait3A_177 = tpu.memref_slice %arg6[%add3A_26, %dma_wait3A_176] : memref<10240x128xf32, #tpu.memory_space<vmem_shared>> -> memref<32x128xf32, #tpu.memory_space<vmem_shared>>
    tpu.wait_dma2 semaphore(%arg24 : memref<!tpu.dma_semaphore, #tpu.memory_space<semaphore_mem>>) src(%arg11 : memref<32x128xf32, #tpu.memory_space<vmem>>) dst(%dma_wait3A_177 : memref<32x128xf32, #tpu.memory_space<vmem_shared>>)
    %dma_wait3A_178 = arith.constant 0 : i32
    %dma_wait3A_179 = tpu.memref_slice %arg6[%add3A_34, %dma_wait3A_178] : memref<10240x128xf32, #tpu.memory_space<vmem_shared>> -> memref<32x128xf32, #tpu.memory_space<vmem_shared>>
    %dma_wait3A_180 = arith.constant 0 : i32
    %dma_wait3A_181 = tpu.memref_slice %arg6[%add3A_34, %dma_wait3A_180] : memref<10240x128xf32, #tpu.memory_space<vmem_shared>> -> memref<32x128xf32, #tpu.memory_space<vmem_shared>>
    tpu.wait_dma2 semaphore(%arg24 : memref<!tpu.dma_semaphore, #tpu.memory_space<semaphore_mem>>) src(%arg11 : memref<32x128xf32, #tpu.memory_space<vmem>>) dst(%dma_wait3A_181 : memref<32x128xf32, #tpu.memory_space<vmem_shared>>)
    %dma_wait3A_182 = arith.constant 0 : i32
    %dma_wait3A_183 = tpu.memref_slice %arg6[%add3A_42, %dma_wait3A_182] : memref<10240x128xf32, #tpu.memory_space<vmem_shared>> -> memref<32x128xf32, #tpu.memory_space<vmem_shared>>
    %dma_wait3A_184 = arith.constant 0 : i32
    %dma_wait3A_185 = tpu.memref_slice %arg6[%add3A_42, %dma_wait3A_184] : memref<10240x128xf32, #tpu.memory_space<vmem_shared>> -> memref<32x128xf32, #tpu.memory_space<vmem_shared>>
    tpu.wait_dma2 semaphore(%arg24 : memref<!tpu.dma_semaphore, #tpu.memory_space<semaphore_mem>>) src(%arg11 : memref<32x128xf32, #tpu.memory_space<vmem>>) dst(%dma_wait3A_185 : memref<32x128xf32, #tpu.memory_space<vmem_shared>>)
    %dma_wait3A_186 = arith.constant 0 : i32
    %dma_wait3A_187 = tpu.memref_slice %arg6[%add3A_50, %dma_wait3A_186] : memref<10240x128xf32, #tpu.memory_space<vmem_shared>> -> memref<32x128xf32, #tpu.memory_space<vmem_shared>>
    %dma_wait3A_188 = arith.constant 0 : i32
    %dma_wait3A_189 = tpu.memref_slice %arg6[%add3A_50, %dma_wait3A_188] : memref<10240x128xf32, #tpu.memory_space<vmem_shared>> -> memref<32x128xf32, #tpu.memory_space<vmem_shared>>
    tpu.wait_dma2 semaphore(%arg24 : memref<!tpu.dma_semaphore, #tpu.memory_space<semaphore_mem>>) src(%arg11 : memref<32x128xf32, #tpu.memory_space<vmem>>) dst(%dma_wait3A_189 : memref<32x128xf32, #tpu.memory_space<vmem_shared>>)
    %dma_wait3A_190 = arith.constant 0 : i32
    %dma_wait3A_191 = tpu.memref_slice %arg6[%add3A_58, %dma_wait3A_190] : memref<10240x128xf32, #tpu.memory_space<vmem_shared>> -> memref<32x128xf32, #tpu.memory_space<vmem_shared>>
    %dma_wait3A_192 = arith.constant 0 : i32
    %dma_wait3A_193 = tpu.memref_slice %arg6[%add3A_58, %dma_wait3A_192] : memref<10240x128xf32, #tpu.memory_space<vmem_shared>> -> memref<32x128xf32, #tpu.memory_space<vmem_shared>>
    tpu.wait_dma2 semaphore(%arg24 : memref<!tpu.dma_semaphore, #tpu.memory_space<semaphore_mem>>) src(%arg11 : memref<32x128xf32, #tpu.memory_space<vmem>>) dst(%dma_wait3A_193 : memref<32x128xf32, #tpu.memory_space<vmem_shared>>)
    %dma_wait3A_194 = arith.constant 0 : i32
    %dma_wait3A_195 = tpu.memref_slice %arg6[%add3A_66, %dma_wait3A_194] : memref<10240x128xf32, #tpu.memory_space<vmem_shared>> -> memref<32x128xf32, #tpu.memory_space<vmem_shared>>
    %dma_wait3A_196 = arith.constant 0 : i32
    %dma_wait3A_197 = tpu.memref_slice %arg6[%add3A_66, %dma_wait3A_196] : memref<10240x128xf32, #tpu.memory_space<vmem_shared>> -> memref<32x128xf32, #tpu.memory_space<vmem_shared>>
    tpu.wait_dma2 semaphore(%arg24 : memref<!tpu.dma_semaphore, #tpu.memory_space<semaphore_mem>>) src(%arg11 : memref<32x128xf32, #tpu.memory_space<vmem>>) dst(%dma_wait3A_197 : memref<32x128xf32, #tpu.memory_space<vmem_shared>>)
    %dma_wait3A_198 = arith.constant 0 : i32
    %dma_wait3A_199 = tpu.memref_slice %arg6[%add3A_74, %dma_wait3A_198] : memref<10240x128xf32, #tpu.memory_space<vmem_shared>> -> memref<32x128xf32, #tpu.memory_space<vmem_shared>>
    %dma_wait3A_200 = arith.constant 0 : i32
    %dma_wait3A_201 = tpu.memref_slice %arg6[%add3A_74, %dma_wait3A_200] : memref<10240x128xf32, #tpu.memory_space<vmem_shared>> -> memref<32x128xf32, #tpu.memory_space<vmem_shared>>
    tpu.wait_dma2 semaphore(%arg24 : memref<!tpu.dma_semaphore, #tpu.memory_space<semaphore_mem>>) src(%arg11 : memref<32x128xf32, #tpu.memory_space<vmem>>) dst(%dma_wait3A_201 : memref<32x128xf32, #tpu.memory_space<vmem_shared>>)
    %dma_wait3A_202 = arith.constant 0 : i32
    %dma_wait3A_203 = tpu.memref_slice %arg6[%add3A_82, %dma_wait3A_202] : memref<10240x128xf32, #tpu.memory_space<vmem_shared>> -> memref<32x128xf32, #tpu.memory_space<vmem_shared>>
    %dma_wait3A_204 = arith.constant 0 : i32
    %dma_wait3A_205 = tpu.memref_slice %arg6[%add3A_82, %dma_wait3A_204] : memref<10240x128xf32, #tpu.memory_space<vmem_shared>> -> memref<32x128xf32, #tpu.memory_space<vmem_shared>>
    tpu.wait_dma2 semaphore(%arg24 : memref<!tpu.dma_semaphore, #tpu.memory_space<semaphore_mem>>) src(%arg11 : memref<32x128xf32, #tpu.memory_space<vmem>>) dst(%dma_wait3A_205 : memref<32x128xf32, #tpu.memory_space<vmem_shared>>)
    %dma_wait3A_206 = arith.constant 0 : i32
    %dma_wait3A_207 = tpu.memref_slice %arg6[%add3A_90, %dma_wait3A_206] : memref<10240x128xf32, #tpu.memory_space<vmem_shared>> -> memref<32x128xf32, #tpu.memory_space<vmem_shared>>
    %dma_wait3A_208 = arith.constant 0 : i32
    %dma_wait3A_209 = tpu.memref_slice %arg6[%add3A_90, %dma_wait3A_208] : memref<10240x128xf32, #tpu.memory_space<vmem_shared>> -> memref<32x128xf32, #tpu.memory_space<vmem_shared>>
    tpu.wait_dma2 semaphore(%arg24 : memref<!tpu.dma_semaphore, #tpu.memory_space<semaphore_mem>>) src(%arg11 : memref<32x128xf32, #tpu.memory_space<vmem>>) dst(%dma_wait3A_209 : memref<32x128xf32, #tpu.memory_space<vmem_shared>>)
    %dma_wait3A_210 = arith.constant 0 : i32
    %dma_wait3A_211 = tpu.memref_slice %arg6[%add3A_98, %dma_wait3A_210] : memref<10240x128xf32, #tpu.memory_space<vmem_shared>> -> memref<32x128xf32, #tpu.memory_space<vmem_shared>>
    %dma_wait3A_212 = arith.constant 0 : i32
    %dma_wait3A_213 = tpu.memref_slice %arg6[%add3A_98, %dma_wait3A_212] : memref<10240x128xf32, #tpu.memory_space<vmem_shared>> -> memref<32x128xf32, #tpu.memory_space<vmem_shared>>
    tpu.wait_dma2 semaphore(%arg24 : memref<!tpu.dma_semaphore, #tpu.memory_space<semaphore_mem>>) src(%arg11 : memref<32x128xf32, #tpu.memory_space<vmem>>) dst(%dma_wait3A_213 : memref<32x128xf32, #tpu.memory_space<vmem_shared>>)
    %dma_wait3A_214 = arith.constant 0 : i32
    %dma_wait3A_215 = tpu.memref_slice %arg6[%add3A_106, %dma_wait3A_214] : memref<10240x128xf32, #tpu.memory_space<vmem_shared>> -> memref<32x128xf32, #tpu.memory_space<vmem_shared>>
    %dma_wait3A_216 = arith.constant 0 : i32
    %dma_wait3A_217 = tpu.memref_slice %arg6[%add3A_106, %dma_wait3A_216] : memref<10240x128xf32, #tpu.memory_space<vmem_shared>> -> memref<32x128xf32, #tpu.memory_space<vmem_shared>>
    tpu.wait_dma2 semaphore(%arg24 : memref<!tpu.dma_semaphore, #tpu.memory_space<semaphore_mem>>) src(%arg11 : memref<32x128xf32, #tpu.memory_space<vmem>>) dst(%dma_wait3A_217 : memref<32x128xf32, #tpu.memory_space<vmem_shared>>)
    %dma_wait3A_218 = arith.constant 0 : i32
    %dma_wait3A_219 = tpu.memref_slice %arg6[%add3A_114, %dma_wait3A_218] : memref<10240x128xf32, #tpu.memory_space<vmem_shared>> -> memref<32x128xf32, #tpu.memory_space<vmem_shared>>
    %dma_wait3A_220 = arith.constant 0 : i32
    %dma_wait3A_221 = tpu.memref_slice %arg6[%add3A_114, %dma_wait3A_220] : memref<10240x128xf32, #tpu.memory_space<vmem_shared>> -> memref<32x128xf32, #tpu.memory_space<vmem_shared>>
    tpu.wait_dma2 semaphore(%arg24 : memref<!tpu.dma_semaphore, #tpu.memory_space<semaphore_mem>>) src(%arg11 : memref<32x128xf32, #tpu.memory_space<vmem>>) dst(%dma_wait3A_221 : memref<32x128xf32, #tpu.memory_space<vmem_shared>>)
    %dma_wait3A_222 = arith.constant 0 : i32
    %dma_wait3A_223 = tpu.memref_slice %arg6[%add3A_122, %dma_wait3A_222] : memref<10240x128xf32, #tpu.memory_space<vmem_shared>> -> memref<32x128xf32, #tpu.memory_space<vmem_shared>>
    %dma_wait3A_224 = arith.constant 0 : i32
    %dma_wait3A_225 = tpu.memref_slice %arg6[%add3A_122, %dma_wait3A_224] : memref<10240x128xf32, #tpu.memory_space<vmem_shared>> -> memref<32x128xf32, #tpu.memory_space<vmem_shared>>
    tpu.wait_dma2 semaphore(%arg24 : memref<!tpu.dma_semaphore, #tpu.memory_space<semaphore_mem>>) src(%arg11 : memref<32x128xf32, #tpu.memory_space<vmem>>) dst(%dma_wait3A_225 : memref<32x128xf32, #tpu.memory_space<vmem_shared>>)
    %dma_wait3A_226 = arith.constant 0 : i32
    %dma_wait3A_227 = tpu.memref_slice %arg6[%add3A_130, %dma_wait3A_226] : memref<10240x128xf32, #tpu.memory_space<vmem_shared>> -> memref<32x128xf32, #tpu.memory_space<vmem_shared>>
    %dma_wait3A_228 = arith.constant 0 : i32
    %dma_wait3A_229 = tpu.memref_slice %arg6[%add3A_130, %dma_wait3A_228] : memref<10240x128xf32, #tpu.memory_space<vmem_shared>> -> memref<32x128xf32, #tpu.memory_space<vmem_shared>>
    tpu.wait_dma2 semaphore(%arg24 : memref<!tpu.dma_semaphore, #tpu.memory_space<semaphore_mem>>) src(%arg11 : memref<32x128xf32, #tpu.memory_space<vmem>>) dst(%dma_wait3A_229 : memref<32x128xf32, #tpu.memory_space<vmem_shared>>)
    %dma_wait3A_230 = arith.constant 0 : i32
    %dma_wait3A_231 = tpu.memref_slice %arg6[%add3A_138, %dma_wait3A_230] : memref<10240x128xf32, #tpu.memory_space<vmem_shared>> -> memref<32x128xf32, #tpu.memory_space<vmem_shared>>
    %dma_wait3A_232 = arith.constant 0 : i32
    %dma_wait3A_233 = tpu.memref_slice %arg6[%add3A_138, %dma_wait3A_232] : memref<10240x128xf32, #tpu.memory_space<vmem_shared>> -> memref<32x128xf32, #tpu.memory_space<vmem_shared>>
    tpu.wait_dma2 semaphore(%arg24 : memref<!tpu.dma_semaphore, #tpu.memory_space<semaphore_mem>>) src(%arg11 : memref<32x128xf32, #tpu.memory_space<vmem>>) dst(%dma_wait3A_233 : memref<32x128xf32, #tpu.memory_space<vmem_shared>>)
    %dma_wait3A_234 = arith.constant 0 : i32
    %dma_wait3A_235 = tpu.memref_slice %arg6[%add3A_146, %dma_wait3A_234] : memref<10240x128xf32, #tpu.memory_space<vmem_shared>> -> memref<32x128xf32, #tpu.memory_space<vmem_shared>>
    %dma_wait3A_236 = arith.constant 0 : i32
    %dma_wait3A_237 = tpu.memref_slice %arg6[%add3A_146, %dma_wait3A_236] : memref<10240x128xf32, #tpu.memory_space<vmem_shared>> -> memref<32x128xf32, #tpu.memory_space<vmem_shared>>
    tpu.wait_dma2 semaphore(%arg24 : memref<!tpu.dma_semaphore, #tpu.memory_space<semaphore_mem>>) src(%arg11 : memref<32x128xf32, #tpu.memory_space<vmem>>) dst(%dma_wait3A_237 : memref<32x128xf32, #tpu.memory_space<vmem_shared>>)
    %dma_wait3A_238 = arith.constant 0 : i32
    %dma_wait3A_239 = tpu.memref_slice %arg6[%add3A_154, %dma_wait3A_238] : memref<10240x128xf32, #tpu.memory_space<vmem_shared>> -> memref<32x128xf32, #tpu.memory_space<vmem_shared>>
    %dma_wait3A_240 = arith.constant 0 : i32
    %dma_wait3A_241 = tpu.memref_slice %arg6[%add3A_154, %dma_wait3A_240] : memref<10240x128xf32, #tpu.memory_space<vmem_shared>> -> memref<32x128xf32, #tpu.memory_space<vmem_shared>>
    tpu.wait_dma2 semaphore(%arg24 : memref<!tpu.dma_semaphore, #tpu.memory_space<semaphore_mem>>) src(%arg11 : memref<32x128xf32, #tpu.memory_space<vmem>>) dst(%dma_wait3A_241 : memref<32x128xf32, #tpu.memory_space<vmem_shared>>)
    %dma_wait3A_242 = arith.constant 0 : i32
    %dma_wait3A_243 = tpu.memref_slice %arg6[%add3A_162, %dma_wait3A_242] : memref<10240x128xf32, #tpu.memory_space<vmem_shared>> -> memref<32x128xf32, #tpu.memory_space<vmem_shared>>
    %dma_wait3A_244 = arith.constant 0 : i32
    %dma_wait3A_245 = tpu.memref_slice %arg6[%add3A_162, %dma_wait3A_244] : memref<10240x128xf32, #tpu.memory_space<vmem_shared>> -> memref<32x128xf32, #tpu.memory_space<vmem_shared>>
    tpu.wait_dma2 semaphore(%arg24 : memref<!tpu.dma_semaphore, #tpu.memory_space<semaphore_mem>>) src(%arg11 : memref<32x128xf32, #tpu.memory_space<vmem>>) dst(%dma_wait3A_245 : memref<32x128xf32, #tpu.memory_space<vmem_shared>>)
    %barrier3A = arith.constant 0 : index
    tpu.barrier barrier_id(%barrier3A)
    %scan3A_246 = arith.constant 0 : i32
    %scan3A_247 = arith.constant 0 : i32
    %scan3A_248 = arith.constant 80 : i32
    %scan3A_249 = arith.addi %scan3A_247, %scan3A_248 : i32
    %scan3A_250 = arith.constant 1 : i32
    %scan3A_251 = scf.for %scan3A_261 = %scan3A_247 to %scan3A_249 step %scan3A_250 iter_args(%scan3A_262 = %scan3A_246) -> (i32)  : i32 {
      %mul3A_263 = arith.constant 32 : i32
      %mul3A_264 = arith.muli %scan3A_261, %mul3A_263 : i32
      %add3A_265 = arith.addi %mul3A_264, %add3A : i32
      %mul3A_266 = arith.constant 128 : i32
      %mul3A_267 = arith.muli %add3A_265, %mul3A_266 : i32
      %run_scoped3A = arith.constant 0 : i32
      "tpu.region"() ({
        %run_scoped3A_285 = tpu.sem_alloc : memref<!tpu.dma_semaphore, #tpu.memory_space<semaphore_mem>>
        %dma_start3A_286 = arith.constant 0 : i32
        %dma_start3A_287 = tpu.memref_slice %arg7[%run_scoped3A, %dma_start3A_286] : memref<4x128xi32, #tpu.memory_space<vmem>> -> memref<1x128xi32, #tpu.memory_space<vmem>>
        %dma_start3A_288 = tpu.memref_squeeze %dma_start3A_287 : memref<1x128xi32, #tpu.memory_space<vmem>> -> memref<128xi32, #tpu.memory_space<vmem>>
        %dma_start3A_289 = tpu.memref_slice %arg3[%mul3A_267] : memref<327680xi32, #tpu.memory_space<hbm>> -> memref<128xi32, #tpu.memory_space<hbm>>
        %dma_start3A_290 = arith.constant 0 : i32
        %dma_start3A_291 = tpu.memref_slice %arg7[%run_scoped3A, %dma_start3A_290] : memref<4x128xi32, #tpu.memory_space<vmem>> -> memref<1x128xi32, #tpu.memory_space<vmem>>
        %dma_start3A_292 = tpu.memref_squeeze %dma_start3A_291 : memref<1x128xi32, #tpu.memory_space<vmem>> -> memref<128xi32, #tpu.memory_space<vmem>>
        %dma_start3A_293 = tpu.memref_slice %arg3[%mul3A_267] : memref<327680xi32, #tpu.memory_space<hbm>> -> memref<128xi32, #tpu.memory_space<hbm>>
        tpu.enqueue_dma source(%dma_start3A_293 : memref<128xi32, #tpu.memory_space<hbm>>) target(%dma_start3A_292 : memref<128xi32, #tpu.memory_space<vmem>>) target_semaphore(%run_scoped3A_285 : memref<!tpu.dma_semaphore, #tpu.memory_space<semaphore_mem>>)
        %dma_wait3A_294 = arith.constant 0 : i32
        %dma_wait3A_295 = tpu.memref_slice %arg7[%run_scoped3A, %dma_wait3A_294] : memref<4x128xi32, #tpu.memory_space<vmem>> -> memref<1x128xi32, #tpu.memory_space<vmem>>
        %dma_wait3A_296 = tpu.memref_squeeze %dma_wait3A_295 : memref<1x128xi32, #tpu.memory_space<vmem>> -> memref<128xi32, #tpu.memory_space<vmem>>
        %dma_wait3A_297 = tpu.memref_slice %arg3[%mul3A_267] : memref<327680xi32, #tpu.memory_space<hbm>> -> memref<128xi32, #tpu.memory_space<hbm>>
        %dma_wait3A_298 = arith.constant 0 : i32
        %dma_wait3A_299 = tpu.memref_slice %arg7[%run_scoped3A, %dma_wait3A_298] : memref<4x128xi32, #tpu.memory_space<vmem>> -> memref<1x128xi32, #tpu.memory_space<vmem>>
        %dma_wait3A_300 = tpu.memref_squeeze %dma_wait3A_299 : memref<1x128xi32, #tpu.memory_space<vmem>> -> memref<128xi32, #tpu.memory_space<vmem>>
        %dma_wait3A_301 = tpu.memref_slice %arg3[%mul3A_267] : memref<327680xi32, #tpu.memory_space<hbm>> -> memref<128xi32, #tpu.memory_space<hbm>>
        tpu.wait_dma2 semaphore(%run_scoped3A_285 : memref<!tpu.dma_semaphore, #tpu.memory_space<semaphore_mem>>) src(%dma_wait3A_301 : memref<128xi32, #tpu.memory_space<hbm>>) dst(%dma_wait3A_300 : memref<128xi32, #tpu.memory_space<vmem>>)
        tpu.yield
      }) : () -> ()
      %run_scoped3A_268 = arith.constant 0 : i32
      "tpu.region"() ({
        %run_scoped3A_285 = tpu.sem_alloc : memref<!tpu.dma_semaphore, #tpu.memory_space<semaphore_mem>>
        %dma_start3A_286 = arith.constant 0 : i32
        %dma_start3A_287 = tpu.memref_slice %arg8[%run_scoped3A_268, %dma_start3A_286] : memref<4x128xi32, #tpu.memory_space<vmem>> -> memref<1x128xi32, #tpu.memory_space<vmem>>
        %dma_start3A_288 = tpu.memref_squeeze %dma_start3A_287 : memref<1x128xi32, #tpu.memory_space<vmem>> -> memref<128xi32, #tpu.memory_space<vmem>>
        %dma_start3A_289 = tpu.memref_slice %arg4[%mul3A_267] : memref<327680xi32, #tpu.memory_space<hbm>> -> memref<128xi32, #tpu.memory_space<hbm>>
        %dma_start3A_290 = arith.constant 0 : i32
        %dma_start3A_291 = tpu.memref_slice %arg8[%run_scoped3A_268, %dma_start3A_290] : memref<4x128xi32, #tpu.memory_space<vmem>> -> memref<1x128xi32, #tpu.memory_space<vmem>>
        %dma_start3A_292 = tpu.memref_squeeze %dma_start3A_291 : memref<1x128xi32, #tpu.memory_space<vmem>> -> memref<128xi32, #tpu.memory_space<vmem>>
        %dma_start3A_293 = tpu.memref_slice %arg4[%mul3A_267] : memref<327680xi32, #tpu.memory_space<hbm>> -> memref<128xi32, #tpu.memory_space<hbm>>
        tpu.enqueue_dma source(%dma_start3A_293 : memref<128xi32, #tpu.memory_space<hbm>>) target(%dma_start3A_292 : memref<128xi32, #tpu.memory_space<vmem>>) target_semaphore(%run_scoped3A_285 : memref<!tpu.dma_semaphore, #tpu.memory_space<semaphore_mem>>)
        %dma_wait3A_294 = arith.constant 0 : i32
        %dma_wait3A_295 = tpu.memref_slice %arg8[%run_scoped3A_268, %dma_wait3A_294] : memref<4x128xi32, #tpu.memory_space<vmem>> -> memref<1x128xi32, #tpu.memory_space<vmem>>
        %dma_wait3A_296 = tpu.memref_squeeze %dma_wait3A_295 : memref<1x128xi32, #tpu.memory_space<vmem>> -> memref<128xi32, #tpu.memory_space<vmem>>
        %dma_wait3A_297 = tpu.memref_slice %arg4[%mul3A_267] : memref<327680xi32, #tpu.memory_space<hbm>> -> memref<128xi32, #tpu.memory_space<hbm>>
        %dma_wait3A_298 = arith.constant 0 : i32
        %dma_wait3A_299 = tpu.memref_slice %arg8[%run_scoped3A_268, %dma_wait3A_298] : memref<4x128xi32, #tpu.memory_space<vmem>> -> memref<1x128xi32, #tpu.memory_space<vmem>>
        %dma_wait3A_300 = tpu.memref_squeeze %dma_wait3A_299 : memref<1x128xi32, #tpu.memory_space<vmem>> -> memref<128xi32, #tpu.memory_space<vmem>>
        %dma_wait3A_301 = tpu.memref_slice %arg4[%mul3A_267] : memref<327680xi32, #tpu.memory_space<hbm>> -> memref<128xi32, #tpu.memory_space<hbm>>
        tpu.wait_dma2 semaphore(%run_scoped3A_285 : memref<!tpu.dma_semaphore, #tpu.memory_space<semaphore_mem>>) src(%dma_wait3A_301 : memref<128xi32, #tpu.memory_space<hbm>>) dst(%dma_wait3A_300 : memref<128xi32, #tpu.memory_space<vmem>>)
        tpu.yield
      }) : () -> ()
      %dma_start3A_269 = arith.constant 0 : i32
      %dma_start3A_270 = arith.constant 0 : i32
      %dma_start3A_271 = tpu.memref_slice %arg7[%dma_start3A_269, %dma_start3A_270] : memref<4x128xi32, #tpu.memory_space<vmem>> -> memref<1x128xi32, #tpu.memory_space<vmem>>
      %dma_start3A_272 = tpu.memref_squeeze %dma_start3A_271 : memref<1x128xi32, #tpu.memory_space<vmem>> -> memref<128xi32, #tpu.memory_space<vmem>>
      %dma_start3A_273 = arith.constant 0 : i32
      %dma_start3A_274 = arith.constant 0 : i32
      %dma_start3A_275 = tpu.memref_slice %arg2[%dma_start3A_273, %dma_start3A_274] : memref<10000x128xf32, #tpu.memory_space<hbm>> -> memref<10000x128xf32, #tpu.memory_space<hbm>>
      tpu.enqueue_indirect_dma source(%dma_start3A_275 : memref<10000x128xf32, #tpu.memory_space<hbm>>) target(%arg9 : memref<128x128xf32, #tpu.memory_space<vmem>>) offsets(%dma_start3A_272 : memref<128xi32, #tpu.memory_space<vmem>>) semaphore(%arg20 : memref<!tpu.dma_semaphore, #tpu.memory_space<semaphore_mem>>)
      %dma_wait3A_276 = arith.constant 0 : i32
      %dma_wait3A_277 = arith.constant 0 : i32
      %dma_wait3A_278 = tpu.memref_slice %arg7[%dma_wait3A_276, %dma_wait3A_277] : memref<4x128xi32, #tpu.memory_space<vmem>> -> memref<1x128xi32, #tpu.memory_space<vmem>>
      %dma_wait3A_279 = tpu.memref_squeeze %dma_wait3A_278 : memref<1x128xi32, #tpu.memory_space<vmem>> -> memref<128xi32, #tpu.memory_space<vmem>>
      %dma_wait3A_280 = arith.constant 0 : i32
      %dma_wait3A_281 = arith.constant 0 : i32
      %dma_wait3A_282 = tpu.memref_slice %arg2[%dma_wait3A_280, %dma_wait3A_281] : memref<10000x128xf32, #tpu.memory_space<hbm>> -> memref<10000x128xf32, #tpu.memory_space<hbm>>
      tpu.wait_indirect_dma semaphore(%arg20 : memref<!tpu.dma_semaphore, #tpu.memory_space<semaphore_mem>>) src(%dma_wait3A_282 : memref<10000x128xf32, #tpu.memory_space<hbm>>) dst(%arg9 : memref<128x128xf32, #tpu.memory_space<vmem>>)
      %run_scoped3A_283 = arith.constant 0 : i32
      "tpu.region"() ({
        %run_scoped3A_285 = tpu.sem_alloc : memref<!tpu.dma_semaphore, #tpu.memory_space<semaphore_mem>>
        %dma_start3A_286 = arith.constant 0 : i32
        %dma_start3A_287 = tpu.memref_slice %arg8[%run_scoped3A_283, %dma_start3A_286] : memref<4x128xi32, #tpu.memory_space<vmem>> -> memref<1x128xi32, #tpu.memory_space<vmem>>
        %dma_start3A_288 = tpu.memref_squeeze %dma_start3A_287 : memref<1x128xi32, #tpu.memory_space<vmem>> -> memref<128xi32, #tpu.memory_space<vmem>>
        %dma_start3A_289 = arith.constant 0 : i32
        %dma_start3A_290 = arith.constant 0 : i32
        %dma_start3A_291 = tpu.memref_slice %arg6[%dma_start3A_289, %dma_start3A_290] : memref<10240x128xf32, #tpu.memory_space<vmem_shared>> -> memref<10240x128xf32, #tpu.memory_space<vmem_shared>>
        tpu.enqueue_indirect_dma source(%arg9 : memref<128x128xf32, #tpu.memory_space<vmem>>) target(%dma_start3A_291 : memref<10240x128xf32, #tpu.memory_space<vmem_shared>>) offsets(%dma_start3A_288 : memref<128xi32, #tpu.memory_space<vmem>>) semaphore(%run_scoped3A_285 : memref<!tpu.dma_semaphore, #tpu.memory_space<semaphore_mem>>) {add = true}
        %dma_wait3A_292 = arith.constant 0 : i32
        %dma_wait3A_293 = tpu.memref_slice %arg8[%run_scoped3A_283, %dma_wait3A_292] : memref<4x128xi32, #tpu.memory_space<vmem>> -> memref<1x128xi32, #tpu.memory_space<vmem>>
        %dma_wait3A_294 = tpu.memref_squeeze %dma_wait3A_293 : memref<1x128xi32, #tpu.memory_space<vmem>> -> memref<128xi32, #tpu.memory_space<vmem>>
        %dma_wait3A_295 = arith.constant 0 : i32
        %dma_wait3A_296 = arith.constant 0 : i32
        %dma_wait3A_297 = tpu.memref_slice %arg6[%dma_wait3A_295, %dma_wait3A_296] : memref<10240x128xf32, #tpu.memory_space<vmem_shared>> -> memref<10240x128xf32, #tpu.memory_space<vmem_shared>>
        tpu.wait_indirect_dma semaphore(%run_scoped3A_285 : memref<!tpu.dma_semaphore, #tpu.memory_space<semaphore_mem>>) src(%arg9 : memref<128x128xf32, #tpu.memory_space<vmem>>) dst(%dma_wait3A_297 : memref<10240x128xf32, #tpu.memory_space<vmem_shared>>)
        tpu.yield
      }) : () -> ()
      %scan3A_284 = arith.constant 0 : i32
      scf.yield %scan3A_284 : i32
    }
    %scan3A_252 = arith.constant 80 : i32
    %barrier3A_253 = arith.constant 0 : index
    tpu.barrier barrier_id(%barrier3A_253)
    %mul3A_254 = arith.constant 640 : i32
    %mul3A_255 = arith.muli %arg1, %mul3A_254 : i32
    %mul3A_256 = arith.constant 10240 : i32
    %mul3A_257 = arith.muli %arg0, %mul3A_256 : i32
    %mul3A_258 = arith.constant 640 : i32
    %mul3A_259 = arith.muli %arg1, %mul3A_258 : i32
    %add3A_260 = arith.addi %mul3A_257, %mul3A_259 : i32
    "tpu.region"() ({
      %run_scoped3A = tpu.sem_alloc : memref<!tpu.dma_semaphore, #tpu.memory_space<semaphore_mem>>
      %dma_start3A_261 = arith.constant 0 : i32
      %dma_start3A_262 = tpu.memref_slice %arg5[%add3A_260, %dma_start3A_261] : memref<20480x128xf32, #tpu.memory_space<hbm>> -> memref<640x128xf32, #tpu.memory_space<hbm>>
      %dma_start3A_263 = arith.constant 0 : i32
      %dma_start3A_264 = tpu.memref_slice %arg6[%mul3A_255, %dma_start3A_263] : memref<10240x128xf32, #tpu.memory_space<vmem_shared>> -> memref<640x128xf32, #tpu.memory_space<vmem_shared>>
      tpu.enqueue_dma source(%dma_start3A_264 : memref<640x128xf32, #tpu.memory_space<vmem_shared>>) target(%dma_start3A_262 : memref<640x128xf32, #tpu.memory_space<hbm>>) target_semaphore(%run_scoped3A : memref<!tpu.dma_semaphore, #tpu.memory_space<semaphore_mem>>)
      %dma_wait3A_265 = arith.constant 0 : i32
      %dma_wait3A_266 = tpu.memref_slice %arg5[%add3A_260, %dma_wait3A_265] : memref<20480x128xf32, #tpu.memory_space<hbm>> -> memref<640x128xf32, #tpu.memory_space<hbm>>
      %dma_wait3A_267 = arith.constant 0 : i32
      %dma_wait3A_268 = tpu.memref_slice %arg6[%mul3A_255, %dma_wait3A_267] : memref<10240x128xf32, #tpu.memory_space<vmem_shared>> -> memref<640x128xf32, #tpu.memory_space<vmem_shared>>
      tpu.wait_dma2 semaphore(%run_scoped3A : memref<!tpu.dma_semaphore, #tpu.memory_space<semaphore_mem>>) src(%dma_wait3A_268 : memref<640x128xf32, #tpu.memory_space<vmem_shared>>) dst(%dma_wait3A_266 : memref<640x128xf32, #tpu.memory_space<hbm>>)
      tpu.yield
    }) : () -> ()
    return
  }
}

module attributes {stable_mosaic.version = 14 : i64} {
  func.func @_tc_mid_body(%arg0: memref<20480x128xf32, #tpu.memory_space<vmem>>, %arg1: memref<10000x128xf32, #tpu.memory_space<vmem>>, %arg2: memref<10000x1xf32, #tpu.memory_space<vmem>>, %arg3: memref<1x128xf32, #tpu.memory_space<vmem>>, %arg4: memref<1x128xf32, #tpu.memory_space<vmem>>, %arg5: memref<1x128xf32, #tpu.memory_space<vmem>>, %arg6: memref<128x128xf32, #tpu.memory_space<vmem>>, %arg7: memref<10000x128xf32, #tpu.memory_space<vmem>>) attributes {dimension_semantics = [], scalar_prefetch = 0 : i64, scratch_operands = 0 : i64, tpu.core_type = #tpu.core_type<tc>} {
    %get3A = arith.constant 0 : index
    %get3A_0 = arith.constant 0 : index
    %get3A_1 = vector.load %arg2[%get3A, %get3A_0] : memref<10000x1xf32, #tpu.memory_space<vmem>>, vector<10000x1xf32>
    %get3A_2 = arith.constant 0 : index
    %get3A_3 = arith.constant 0 : index
    %get3A_4 = vector.load %arg0[%get3A_2, %get3A_3] : memref<20480x128xf32, #tpu.memory_space<vmem>>, vector<10000x128xf32>
    %get3A_5 = arith.constant 10240 : index
    %get3A_6 = arith.constant 0 : index
    %get3A_7 = vector.load %arg0[%get3A_5, %get3A_6] : memref<20480x128xf32, #tpu.memory_space<vmem>>, vector<10000x128xf32>
    %add3A = arith.addf %get3A_4, %get3A_7 : vector<10000x128xf32>
    %get3A_8 = arith.constant 0 : index
    %get3A_9 = arith.constant 0 : index
    %get3A_10 = vector.load %arg1[%get3A_8, %get3A_9] : memref<10000x128xf32, #tpu.memory_space<vmem>>, vector<10000x128xf32>
    %add3A_11 = arith.addf %add3A, %get3A_10 : vector<10000x128xf32>
    %mul3A = vector.broadcast %get3A_1 : vector<10000x1xf32> to vector<10000x128xf32>
    %mul3A_12 = arith.mulf %add3A_11, %mul3A : vector<10000x128xf32>
    %get3A_13 = arith.constant 0 : index
    %get3A_14 = arith.constant 0 : index
    %get3A_15 = vector.load %arg3[%get3A_13, %get3A_14] : memref<1x128xf32, #tpu.memory_space<vmem>>, vector<1x128xf32>
    %add3A_16 = vector.broadcast %get3A_15 : vector<1x128xf32> to vector<10000x128xf32>
    %add3A_17 = arith.addf %mul3A_12, %add3A_16 : vector<10000x128xf32>
    %max3A = arith.constant 0.000000e+00 : f32
    %max3A_18 = vector.broadcast %max3A : f32 to vector<10000x128xf32>
    %max3A_19 = arith.maximumf %add3A_17, %max3A_18 : vector<10000x128xf32>
    %reduce_sum3A = arith.constant dense<0.000000e+00> : vector<128xf32>
    %reduce_sum3A_20 = vector.multi_reduction <add>, %max3A_19, %reduce_sum3A [0] : vector<10000x128xf32> to vector<128xf32>
    %broadcast_in_dim3A = vector.shape_cast %reduce_sum3A_20 : vector<128xf32> to vector<1x128xf32>
    %div3A = arith.constant 1.000000e+04 : f32
    %div3A_21 = vector.broadcast %div3A : f32 to vector<1x128xf32>
    %div3A_22 = arith.divf %broadcast_in_dim3A, %div3A_21 : vector<1x128xf32>
    %sub3A = vector.broadcast %div3A_22 : vector<1x128xf32> to vector<10000x128xf32>
    %sub3A_23 = arith.subf %max3A_19, %sub3A : vector<10000x128xf32>
    %integer_pow3A = arith.mulf %sub3A_23, %sub3A_23 : vector<10000x128xf32>
    %reduce_sum3A_24 = arith.constant dense<0.000000e+00> : vector<128xf32>
    %reduce_sum3A_25 = vector.multi_reduction <add>, %integer_pow3A, %reduce_sum3A_24 [0] : vector<10000x128xf32> to vector<128xf32>
    %broadcast_in_dim3A_26 = vector.shape_cast %reduce_sum3A_25 : vector<128xf32> to vector<1x128xf32>
    %div3A_27 = arith.constant 1.000000e+04 : f32
    %div3A_28 = vector.broadcast %div3A_27 : f32 to vector<1x128xf32>
    %div3A_29 = arith.divf %broadcast_in_dim3A_26, %div3A_28 : vector<1x128xf32>
    %sub3A_30 = vector.broadcast %div3A_22 : vector<1x128xf32> to vector<10000x128xf32>
    %sub3A_31 = arith.subf %max3A_19, %sub3A_30 : vector<10000x128xf32>
    %add3A_32 = arith.constant 9.99999974E-6 : f32
    %add3A_33 = vector.broadcast %add3A_32 : f32 to vector<1x128xf32>
    %add3A_34 = arith.addf %div3A_29, %add3A_33 : vector<1x128xf32>
    %rsqrt3A = math.rsqrt %add3A_34 : vector<1x128xf32>
    %mul3A_35 = vector.broadcast %rsqrt3A : vector<1x128xf32> to vector<10000x128xf32>
    %mul3A_36 = arith.mulf %sub3A_31, %mul3A_35 : vector<10000x128xf32>
    %get3A_37 = arith.constant 0 : index
    %get3A_38 = arith.constant 0 : index
    %get3A_39 = vector.load %arg4[%get3A_37, %get3A_38] : memref<1x128xf32, #tpu.memory_space<vmem>>, vector<1x128xf32>
    %mul3A_40 = vector.broadcast %get3A_39 : vector<1x128xf32> to vector<10000x128xf32>
    %mul3A_41 = arith.mulf %mul3A_36, %mul3A_40 : vector<10000x128xf32>
    %get3A_42 = arith.constant 0 : index
    %get3A_43 = arith.constant 0 : index
    %get3A_44 = vector.load %arg5[%get3A_42, %get3A_43] : memref<1x128xf32, #tpu.memory_space<vmem>>, vector<1x128xf32>
    %add3A_45 = vector.broadcast %get3A_44 : vector<1x128xf32> to vector<10000x128xf32>
    %add3A_46 = arith.addf %mul3A_41, %add3A_45 : vector<10000x128xf32>
    %get3A_47 = arith.constant 0 : index
    %get3A_48 = arith.constant 0 : index
    %get3A_49 = vector.load %arg6[%get3A_47, %get3A_48] : memref<128x128xf32, #tpu.memory_space<vmem>>, vector<128x128xf32>
    %dot_general3A = arith.constant dense<0.000000e+00> : vector<10000x128xf32>
    %dot_general3A_50 = tpu.matmul %add3A_46, %get3A_49, %dot_general3A {dimension_numbers = #tpu.dot_dimension_numbers<[1], [0], [0], [1], [0, 0, 1, 1], [], []>, transpose_lhs_hint = false} : vector<10000x128xf32>, vector<128x128xf32>, vector<10000x128xf32> -> vector<10000x128xf32>
    %mul3A_51 = vector.broadcast %get3A_1 : vector<10000x1xf32> to vector<10000x128xf32>
    %mul3A_52 = arith.mulf %dot_general3A_50, %mul3A_51 : vector<10000x128xf32>
    %swap3A = arith.constant 0 : index
    %swap3A_53 = arith.constant 0 : index
    %swap3A_54 = vector.load %arg7[%swap3A, %swap3A_53] : memref<10000x128xf32, #tpu.memory_space<vmem>>, vector<10000x128xf32>
    tpu.vector_store %arg7[%swap3A, %swap3A_53], %mul3A_52 {strides = array<i32>} : memref<10000x128xf32, #tpu.memory_space<vmem>>, vector<10000x128xf32>,
    return
  }
}

module attributes {stable_mosaic.version = 14 : i64} {
  func.func @_tc_first_body(%arg0: memref<20480x16xf32, #tpu.memory_space<vmem>>, %arg1: memref<10000x128xf32, #tpu.memory_space<vmem>>, %arg2: memref<128x128xf32, #tpu.memory_space<vmem>>, %arg3: memref<10000x1xf32, #tpu.memory_space<vmem>>, %arg4: memref<10000x128xf32, #tpu.memory_space<vmem>>) attributes {dimension_semantics = [], scalar_prefetch = 0 : i64, scratch_operands = 0 : i64, tpu.core_type = #tpu.core_type<tc>} {
    %get3A = arith.constant 0 : index
    %get3A_0 = arith.constant 0 : index
    %get3A_1 = vector.load %arg0[%get3A, %get3A_0] : memref<20480x16xf32, #tpu.memory_space<vmem>>, vector<10000x1xf32>
    %get3A_2 = arith.constant 10240 : index
    %get3A_3 = arith.constant 0 : index
    %get3A_4 = vector.load %arg0[%get3A_2, %get3A_3] : memref<20480x16xf32, #tpu.memory_space<vmem>>, vector<10000x1xf32>
    %add3A = arith.addf %get3A_1, %get3A_4 : vector<10000x1xf32>
    %add3A_5 = arith.constant 1.000000e+00 : f32
    %add3A_6 = vector.broadcast %add3A_5 : f32 to vector<10000x1xf32>
    %add3A_7 = arith.addf %add3A, %add3A_6 : vector<10000x1xf32>
    %rsqrt3A = math.rsqrt %add3A_7 : vector<10000x1xf32>
    %swap3A = arith.constant 0 : index
    %swap3A_8 = arith.constant 0 : index
    %swap3A_9 = vector.load %arg3[%swap3A, %swap3A_8] : memref<10000x1xf32, #tpu.memory_space<vmem>>, vector<10000x1xf32>
    tpu.vector_store %arg3[%swap3A, %swap3A_8], %rsqrt3A {strides = array<i32>} : memref<10000x1xf32, #tpu.memory_space<vmem>>, vector<10000x1xf32>,
    %get3A_10 = arith.constant 0 : index
    %get3A_11 = arith.constant 0 : index
    %get3A_12 = vector.load %arg1[%get3A_10, %get3A_11] : memref<10000x128xf32, #tpu.memory_space<vmem>>, vector<10000x128xf32>
    %get3A_13 = arith.constant 0 : index
    %get3A_14 = arith.constant 0 : index
    %get3A_15 = vector.load %arg2[%get3A_13, %get3A_14] : memref<128x128xf32, #tpu.memory_space<vmem>>, vector<128x128xf32>
    %dot_general3A = arith.constant dense<0.000000e+00> : vector<10000x128xf32>
    %dot_general3A_16 = tpu.matmul %get3A_12, %get3A_15, %dot_general3A {dimension_numbers = #tpu.dot_dimension_numbers<[1], [0], [0], [1], [0, 0, 1, 1], [], []>, transpose_lhs_hint = false} : vector<10000x128xf32>, vector<128x128xf32>, vector<10000x128xf32> -> vector<10000x128xf32>
    %mul3A = vector.broadcast %rsqrt3A : vector<10000x1xf32> to vector<10000x128xf32>
    %mul3A_17 = arith.mulf %dot_general3A_16, %mul3A : vector<10000x128xf32>
    %swap3A_18 = arith.constant 0 : index
    %swap3A_19 = arith.constant 0 : index
    %swap3A_20 = vector.load %arg4[%swap3A_18, %swap3A_19] : memref<10000x128xf32, #tpu.memory_space<vmem>>, vector<10000x128xf32>
    tpu.vector_store %arg4[%swap3A_18, %swap3A_19], %mul3A_17 {strides = array<i32>} : memref<10000x128xf32, #tpu.memory_space<vmem>>, vector<10000x128xf32>,
    return
  }
}

module attributes {stable_mosaic.version = 14 : i64} {
  func.func @_tc_last_body(%arg0: memref<20480x128xf32, #tpu.memory_space<vmem>>, %arg1: memref<10000x128xf32, #tpu.memory_space<vmem>>, %arg2: memref<10000x1xf32, #tpu.memory_space<vmem>>, %arg3: memref<1x128xf32, #tpu.memory_space<vmem>>, %arg4: memref<1x128xf32, #tpu.memory_space<vmem>>, %arg5: memref<1x128xf32, #tpu.memory_space<vmem>>, %arg6: memref<10000x128xf32, #tpu.memory_space<vmem>>) attributes {dimension_semantics = [], scalar_prefetch = 0 : i64, scratch_operands = 0 : i64, tpu.core_type = #tpu.core_type<tc>} {
    %get3A = arith.constant 0 : index
    %get3A_0 = arith.constant 0 : index
    %get3A_1 = vector.load %arg2[%get3A, %get3A_0] : memref<10000x1xf32, #tpu.memory_space<vmem>>, vector<10000x1xf32>
    %get3A_2 = arith.constant 0 : index
    %get3A_3 = arith.constant 0 : index
    %get3A_4 = vector.load %arg0[%get3A_2, %get3A_3] : memref<20480x128xf32, #tpu.memory_space<vmem>>, vector<10000x128xf32>
    %get3A_5 = arith.constant 10240 : index
    %get3A_6 = arith.constant 0 : index
    %get3A_7 = vector.load %arg0[%get3A_5, %get3A_6] : memref<20480x128xf32, #tpu.memory_space<vmem>>, vector<10000x128xf32>
    %add3A = arith.addf %get3A_4, %get3A_7 : vector<10000x128xf32>
    %get3A_8 = arith.constant 0 : index
    %get3A_9 = arith.constant 0 : index
    %get3A_10 = vector.load %arg1[%get3A_8, %get3A_9] : memref<10000x128xf32, #tpu.memory_space<vmem>>, vector<10000x128xf32>
    %add3A_11 = arith.addf %add3A, %get3A_10 : vector<10000x128xf32>
    %mul3A = vector.broadcast %get3A_1 : vector<10000x1xf32> to vector<10000x128xf32>
    %mul3A_12 = arith.mulf %add3A_11, %mul3A : vector<10000x128xf32>
    %get3A_13 = arith.constant 0 : index
    %get3A_14 = arith.constant 0 : index
    %get3A_15 = vector.load %arg3[%get3A_13, %get3A_14] : memref<1x128xf32, #tpu.memory_space<vmem>>, vector<1x128xf32>
    %add3A_16 = vector.broadcast %get3A_15 : vector<1x128xf32> to vector<10000x128xf32>
    %add3A_17 = arith.addf %mul3A_12, %add3A_16 : vector<10000x128xf32>
    %max3A = arith.constant 0.000000e+00 : f32
    %max3A_18 = vector.broadcast %max3A : f32 to vector<10000x128xf32>
    %max3A_19 = arith.maximumf %add3A_17, %max3A_18 : vector<10000x128xf32>
    %reduce_sum3A = arith.constant dense<0.000000e+00> : vector<128xf32>
    %reduce_sum3A_20 = vector.multi_reduction <add>, %max3A_19, %reduce_sum3A [0] : vector<10000x128xf32> to vector<128xf32>
    %broadcast_in_dim3A = vector.shape_cast %reduce_sum3A_20 : vector<128xf32> to vector<1x128xf32>
    %div3A = arith.constant 1.000000e+04 : f32
    %div3A_21 = vector.broadcast %div3A : f32 to vector<1x128xf32>
    %div3A_22 = arith.divf %broadcast_in_dim3A, %div3A_21 : vector<1x128xf32>
    %sub3A = vector.broadcast %div3A_22 : vector<1x128xf32> to vector<10000x128xf32>
    %sub3A_23 = arith.subf %max3A_19, %sub3A : vector<10000x128xf32>
    %integer_pow3A = arith.mulf %sub3A_23, %sub3A_23 : vector<10000x128xf32>
    %reduce_sum3A_24 = arith.constant dense<0.000000e+00> : vector<128xf32>
    %reduce_sum3A_25 = vector.multi_reduction <add>, %integer_pow3A, %reduce_sum3A_24 [0] : vector<10000x128xf32> to vector<128xf32>
    %broadcast_in_dim3A_26 = vector.shape_cast %reduce_sum3A_25 : vector<128xf32> to vector<1x128xf32>
    %div3A_27 = arith.constant 1.000000e+04 : f32
    %div3A_28 = vector.broadcast %div3A_27 : f32 to vector<1x128xf32>
    %div3A_29 = arith.divf %broadcast_in_dim3A_26, %div3A_28 : vector<1x128xf32>
    %sub3A_30 = vector.broadcast %div3A_22 : vector<1x128xf32> to vector<10000x128xf32>
    %sub3A_31 = arith.subf %max3A_19, %sub3A_30 : vector<10000x128xf32>
    %add3A_32 = arith.constant 9.99999974E-6 : f32
    %add3A_33 = vector.broadcast %add3A_32 : f32 to vector<1x128xf32>
    %add3A_34 = arith.addf %div3A_29, %add3A_33 : vector<1x128xf32>
    %rsqrt3A = math.rsqrt %add3A_34 : vector<1x128xf32>
    %mul3A_35 = vector.broadcast %rsqrt3A : vector<1x128xf32> to vector<10000x128xf32>
    %mul3A_36 = arith.mulf %sub3A_31, %mul3A_35 : vector<10000x128xf32>
    %get3A_37 = arith.constant 0 : index
    %get3A_38 = arith.constant 0 : index
    %get3A_39 = vector.load %arg4[%get3A_37, %get3A_38] : memref<1x128xf32, #tpu.memory_space<vmem>>, vector<1x128xf32>
    %mul3A_40 = vector.broadcast %get3A_39 : vector<1x128xf32> to vector<10000x128xf32>
    %mul3A_41 = arith.mulf %mul3A_36, %mul3A_40 : vector<10000x128xf32>
    %get3A_42 = arith.constant 0 : index
    %get3A_43 = arith.constant 0 : index
    %get3A_44 = vector.load %arg5[%get3A_42, %get3A_43] : memref<1x128xf32, #tpu.memory_space<vmem>>, vector<1x128xf32>
    %add3A_45 = vector.broadcast %get3A_44 : vector<1x128xf32> to vector<10000x128xf32>
    %add3A_46 = arith.addf %mul3A_41, %add3A_45 : vector<10000x128xf32>
    %swap3A = arith.constant 0 : index
    %swap3A_47 = arith.constant 0 : index
    %swap3A_48 = vector.load %arg6[%swap3A, %swap3A_47] : memref<10000x128xf32, #tpu.memory_space<vmem>>, vector<10000x128xf32>
    tpu.vector_store %arg6[%swap3A, %swap3A_47], %add3A_46 {strides = array<i32>} : memref<10000x128xf32, #tpu.memory_space<vmem>>, vector<10000x128xf32>,
    return
  }
}

</mosaic_0001>

<sc_bundles>
// kernel: kernel.12.cloned.1.call-start
scs
__scs_entry_jumppad:
0x0: {  	(pc) =	sbr.rel $0x88, $3  }
0x1: {  	(tag) =	ssettag $0x0;
	lr =	simm.s32 $0x1  }
0x2: {  	[smem:$0x3F8F] =	sst lr;
	_ =	strace $0xD0000000  }
0x3: {  	_ = 	snop  }
0x4: {  	_ = 	snop  }
0x5: {  	_ = 	snop  }
0x6: {  	_ = 	snop  }
0x7: {  	_ = 	snop  }
__scs_overlays_trampoline_lowered:
0x8: {  	[smem:$0x3F9E] =	sst s0  }
0x9: {  	[smem:$0x3F9F] =	sst s1  }
0xa: {  	[smem:$0x3FA0] =	sst s2  }
0xb: {  	[smem:$0x3FA1] =	sst s3  }
0xc: {  	[smem:$0x3FA2] =	sst s4  }
0xd: {  	[smem:$0x3FA3] =	sst s5  }
0xe: {  	[smem:$0x3FA4] =	sst s6  }
0xf: {  	[smem:$0x3FA5] =	sst s7  }
0x10: {  	[smem:$0x3FA6] =	sst s8  }
0x11: {  	[smem:$0x3FA7] =	sst s9;
	s0 =	simm.s32 @!p0 $0x0  }
0x12: {  	s1 =	sld [smem:$0x3F8D];
	s0 =	simm.s32 @p0 $0x1  }
0x13: {  	[smem:$0x3FA8] =	sst s0;
	s0 =	simm.s32 @!p1 $0x0  }
0x14: {  	s2 =	sld [smem:$0x3F8C];
	s0 =	simm.s32 @p1 $0x1  }
0x15: {  	[smem:$0x3FA9] =	sst s0;
	s0 =	simm.s32 @!p2 $0x0  }
0x16: {  	s3 =	sld [smem:$0x3FDB];
	s0 =	simm.s32 @p2 $0x1  }
0x17: {  	s4 =	simm.s32 $0x1BF5;
	[smem:$0x3FAB] =	sst s0  }
0x18: {  	s0 =	sld [smem:$0x3F8E];
	_ =	swait.ge [sflag:s4], $0x0  }
0x19: {  	s7 =	sld [smem:$0x3F8F]  }
0x1a: {  	s8 =	sadd.s32 $0xFFFFE003, lr  }
0x1b: {  	s9 =	sadd.s32 $0xFFFFFEF7, lr;
	s5 =	simm.s32 $0xFFFFFFFF;
	p2 =	slt.u32 s8, $0xFFFFF086  }
0x1c: {  	p1 =	slt.u32 s9, $0xF7A;
	s5 =	simm.s32 @!p2 $0x0  }
0x1d: {  	s5 =	simm.s32 @p1 $0x1;
	p0 =	seq.s32 s7, s2  }
0x1e: {  	s7 =	smul.u32 @!p0 $0xF7A, s2;
	p2 =	seq.s32 @!p0 s5, $0x0  }
0x1f: {  	s9 =	smul.u32 $0xF7A, s1;
	s8 =	simm.s32 @!p0 $0x1BF5;
	p2 =	por !p2, p0  }
0x20: {  	[sflag:s8] =	ssyncset.s32 @!p0 $0xFFFFF086;
	s6 =	sadd.s32 @!p0 s3, s7;
	s7 =	simm.s32 @!p0 $0x108  }
0x21: {  	s3 =	sadd.s32 s3, s9;
	s6 =	sadd.s32 @!p0 $0x88, s6;
	s7 =	simm.s32 @p2 $0x1082  }
0x22: {  	[simem:s7], [sflag:s8] =	dma.local @!p0 [hbm:s6], $0xF7A  }
0x23: {  	s9 =	sor.u32 $0xD0000000, s2;
	s6 =	simm.s32 $0x108;
	_ =	swait.ge @!p0 [sflag:s8], $0x0  }
0x24: {  	s3 =	sadd.s32 $0x88, s3;
	s6 =	simm.s32 @!p1 $0x1082;
	[sflag:s4] =	ssyncset.s32 $0xFFFFF086  }
0x25: {  	[simem:s6], [sflag:s4] =	dma.local [hbm:s3], $0xF7A  }
0x26: {  	[smem:$0x3F8F] =	sst s1;
	(tag) =	ssettag s2;
	_ =	strace s9  }
0x27: {  	s1 =	sld [smem:$0x3F9F]  }
0x28: {  	s2 =	sld [smem:$0x3FA0]  }
0x29: {  	s4 =	sld [smem:$0x3FA2]  }
0x2a: {  	p0 =	seq.s32 s5, $0x0;
	s5 =	sld [smem:$0x3FA3]  }
0x2b: {  	s6 =	sld [smem:$0x3FA4]  }
0x2c: {  	s7 =	sld [smem:$0x3FA5]  }
0x2d: {  	s3 =	simm.s32 $0x108;
	s8 =	sld [smem:$0x3FA6]  }
0x2e: {  	s3 =	simm.s32 @!p0 $0x1082;
	s9 =	sld [smem:$0x3FA7]  }
0x2f: {  	lr =	sadd.s32 s0, s3;
	s0 =	sld [smem:$0x3F9E]  }
0x30: {  	s3 =	sld [smem:$0x3FA1]  }
0x31: {  	[smem:$0x3FAA] =	sst s10  }
0x32: {  	s10 =	sld [smem:$0x3FA8];
	_ =	sdelay $0x3  }
0x33: {  	p0 =	seq.s32 s10, $0x1;
	s10 =	sld [smem:$0x3FAA];
	_ =	sdelay $0x3  }
0x34: {  	[smem:$0x3FAA] =	sst s10  }
0x35: {  	s10 =	sld [smem:$0x3FA9];
	_ =	sdelay $0x3  }
0x36: {  	p1 =	seq.s32 s10, $0x1;
	s10 =	sld [smem:$0x3FAA];
	_ =	sdelay $0x3  }
0x37: {  	[smem:$0x3FAA] =	sst s10  }
0x38: {  	s10 =	sld [smem:$0x3FAB]  }
0x39: {  	_ = 	snop;
	(pc) =	sbr.ind lr, $3  }
0x3a: {  	_ = 	snop  }
0x3b: {  	_ = 	snop  }
0x3c: {  	p2 =	seq.s32 s10, $0x1;
	s10 =	sld [smem:$0x3FAA]  }
0x3d: {  	_ =	shalt  }
0x3e: {  	_ =	shalt  }
0x3f: {  	_ =	shalt  }
0x40: {  	_ =	shalt  }
0x41: {  	_ =	shalt  }
0x42: {  	_ =	shalt  }
0x43: {  	_ =	shalt  }
0x44: {  	_ =	shalt  }
0x45: {  	_ =	shalt  }
0x46: {  	_ =	shalt  }
0x47: {  	_ =	shalt  }
0x48: {  	_ =	shalt  }
0x49: {  	_ =	shalt  }
0x4a: {  	_ =	shalt  }
0x4b: {  	_ =	shalt  }
0x4c: {  	_ =	shalt  }
0x4d: {  	_ =	shalt  }
0x4e: {  	_ =	shalt  }
0x4f: {  	_ =	shalt  }
0x50: {  	_ =	shalt  }
0x51: {  	_ =	shalt  }
0x52: {  	_ =	shalt  }
0x53: {  	_ =	shalt  }
0x54: {  	_ =	shalt  }
0x55: {  	_ =	shalt  }
0x56: {  	_ =	shalt  }
0x57: {  	_ =	shalt  }
0x58: {  	_ =	shalt  }
0x59: {  	_ =	shalt  }
0x5a: {  	_ =	shalt  }
0x5b: {  	_ =	shalt  }
0x5c: {  	_ =	shalt  }
0x5d: {  	_ =	shalt  }
0x5e: {  	_ =	shalt  }
0x5f: {  	_ =	shalt  }
0x60: {  	_ =	shalt  }
0x61: {  	_ =	shalt  }
0x62: {  	_ =	shalt  }
0x63: {  	_ =	shalt  }
0x64: {  	_ =	shalt  }
0x65: {  	_ =	shalt  }
0x66: {  	_ =	shalt  }
0x67: {  	_ =	shalt  }
0x68: {  	_ =	shalt  }
0x69: {  	_ =	shalt  }
0x6a: {  	_ =	shalt  }
0x6b: {  	_ =	shalt  }
0x6c: {  	_ =	shalt  }
0x6d: {  	_ =	shalt  }
0x6e: {  	_ =	shalt  }
0x6f: {  	_ =	shalt  }
0x70: {  	_ =	shalt  }
0x71: {  	_ =	shalt  }
0x72: {  	_ =	shalt  }
0x73: {  	_ =	shalt  }
0x74: {  	_ =	shalt  }
0x75: {  	_ =	shalt  }
0x76: {  	_ =	shalt  }
0x77: {  	_ =	shalt  }
0x78: {  	_ =	shalt  }
0x79: {  	_ =	shalt  }
0x7a: {  	_ =	shalt  }
0x7b: {  	_ =	shalt  }
0x7c: {  	_ =	shalt  }
0x7d: {  	_ =	shalt  }
0x7e: {  	_ =	shalt  }
0x7f: {  	_ =	shalt  }
0x80: {  	_ =	shalt  }
0x81: {  	_ =	shalt  }
0x82: {  	_ =	shalt  }
0x83: {  	_ =	shalt  }
0x84: {  	_ =	shalt  }
0x85: {  	_ =	shalt  }
0x86: {  	_ =	shalt  }
0x87: {  	_ =	shalt  }
.Lfunc_end0:
.L_simem_size_0:
called_computation_lowered:
.L_overlay_start_0:
0x88: {  	s2 =	sld [smem:$0x3FD9]  }
0x89: {  	s3 =	sld [smem:$0x3FFE];
	_ =	sdelay $0x1  }
0x8a: {  	s1 =	srdreg.scid  }
0x8b: {  	s0 =	sand.u32 $0x1, s1  }
0x8c: {  	s16 =	sshll.u32 s0, $0xA;
	s2 =	sadd.s32 s3, s2  }
0x8d: {  	s2 =	sadd.s32 s2, s16  }
0x8e: {  	[smem:$0x3FB6] =	sst s2  }
0x8f: {  	_ = 	snop  }
0x90: {  	(tm) =	ssettm $0x1  }
0x91: {  	s17 =	sld [smem:$0x3FFB];
	_ =	sdelay $0x3  }
0x92: {  	_ =	strace s17  }
0x93: {  	s2 =	sld [smem:$0x3FFC];
	_ =	sdelay $0x3  }
0x94: {  	_ =	strace s2  }
0x95: {  	s2 =	sld [smem:$0x3FFD];
	_ =	sdelay $0x3  }
0x96: {  	_ =	strace s2  }
0x97: {  	_ =	strace $0x8FFFFFFF  }
0x98: {  	s18 =	sld [smem:$0x3FDB];
	_ =	sdelay $0x1  }
0x99: {  	s19 =	simm.s32 $_scs_section_size  }
0x9a: {  	s4 =	simm.s32 $_size__tile_overlayer_lowered;
	s5 =	simm.s32 $_tile_overlayer_lowered  }
0x9b: {  	s22 =	simm.s32 $0x1BFF;
	s21 =	sshll.u32 s5, $0x1;
	s2 =	sadd.s32 s19, s18  }
0x9c: {  	s6 =	simm.s32 $0x0;
	s20 =	sshll.u32 s4, $0x1;
	s4 =	sadd.s32 s21, s2  }
0x9d: {  	[timem:s6], [sflag:s22] =	dma.local [hbm:s4], s20  }
0x9e: {  	_ =	swait.ge [sflag:s22], s20  }
0x9f: {  	s3 =	ssub.s32 $0x0, s20;
	[sflag:s22] =	ssyncset.done $0x0  }
0xa0: {  	[sflag:s22] =	ssyncadd.s32 s3;
	_ =	sdelay $0x1  }
0xa1: {  	s23 =	simm.s32 $0x1B8B  }
0xa2: {  	_ =	swait.ge [sflag:s23], $0x1  }
0xa3: {  	[sflag:s23] =	ssyncset.done $0x0  }
0xa4: {  	s25 =	simm.s32 $0x1B8E;
	s24 =	sld [smem:$0x3FFE];
	[sflag:s23] =	ssyncadd.s32 $0xFFFFFFFF  }
0xa5: {  	s26 =	simm.s32 $execute0_lowered;
	[smem:$0x3FD2] =	sst s25  }
0xa6: {  	s4 =	sshll.u32 s26, $0x1;
	_ =	strace $0x80000046;
	[dreg:$0x1] =	wrdreg $0xFFFFFFFF  }
0xa7: {  	s28 =	simm.s32 $_size_execute0_lowered;
	s2 =	sadd.s32 s2, s4;
	[dreg:$0x0] =	wrdreg $0x0  }
0xa8: {  	s4 =	sshll.u32 s28, $0x1;
	[dreg:$0x2] =	wrdreg s2  }
0xa9: {  	[dreg:$0x3] =	wrdreg s4  }
0xaa: {  	[dreg:$0x4] =	wrdreg $0xC0  }
0xab: {  	_ =	task [dreg:s6], $0x5FFFF  }
0xac: {  	[dreg:$0x1] =	wrdreg $0xFFFFFFFF  }
0xad: {  	[dreg:$0x0] =	wrdreg $0x60  }
0xae: {  	[dreg:$0x2] =	wrdreg s24  }
0xaf: {  	[dreg:$0x3] =	wrdreg $0x0  }
0xb0: {  	[dreg:$0x4] =	wrdreg $0x9  }
0xb1: {  	_ =	task.clear_ibuf [dreg:s6], $0x5FFFF;
	_ =	strace $0x90000046  }
0xb2: {  	s29 =	simm.s32 $0x9;
	_ =	strace $0x80000048  }
0xb3: {  	_ =	swait.ge [sflag:s29], $0x1  }
0xb4: {  	[sflag:s29] =	ssyncadd.s32 $0xFFFFFFFF  }
0xb5: {  	_ =	strace $0x90000048  }
0xb6: {  	_ =	sfence  }
0xb7: {  	s30 =	sld [smem:$0x0];
	_ =	sdelay $0x2  }
0xb8: {  	s31 =	sshll.u32 s1, $0xD;
	s1 =	sshrl.u32 s1, $0x2  }
0xb9: {  	s3 =	sand.u32 $0x4000, s31;
	s1 =	sadd.s32 s1, s30  }
0xba: {  	s0 =	sor.u32 s3, s0;
	s1 =	sshll.u32 s1, $0x11  }
0xbb: {  	s0 =	sor.u32 s1, s0  }
0xbc: {  	s0 =	sadd.s32 $0x8F2B, s0  }
0xbd: {  	[sflag:s0] =	ssyncadd.remote.s32 $0x1  }
0xbe: {  	_ =	sfence.sel $0xFFFF  }
0xbf: {  	[dreg:$0x0] =	wrdreg $0xFFFFFFFF;
	(pc) =	sbr.abs _section_cstart, $3  }
0xc0: {  	[dreg:$0x1] =	wrdreg $0xFFFFFFFF  }
0xc1: {  	_ =	task.clear_ibuf [dreg:s6], $0x2FFFF;
	_ =	strace $0x9FFFFFFF  }
0xc2: {  	(tm) =	ssettm $0x7FFFFFFF  }
0xc3: {  	_ =	shalt  }
tec
execute0_lowered:
.L_overlay_start_1:
0x0: {  	(tag) =	ssettag $0x1  }
0x1: {  	s4 =	rddreg [dreg:$0x0]  }
0x2: {  	s2 =	rddreg [dreg:$0x1]  }
0x3: {  	s0 =	rddreg [dreg:$0x2]  }
0x4: {  	s1 =	stileid.u32;
	s5 =	srdreg.scid  }
0x5: {  	s3 =	simm.s32 $0x0;
	s10 =	simm.s32 $0x2800;
	s11 =	simm.s32 $0x80  }
0x6: {  	s12 =	simm.s32 $0x2880;
	s15 =	simm.s32 $0x0;
	s6 =	smul.u32 $0x2800, s1  }
0x7: {  	s5 =	sand.u32 $0x1, s5;
	[smem:$0x7FF] =	sst s3;
	s29 =	smul.u32 $0x50000, s1  }
0x8: {  	s8 =	sshll.u32 s1, $0x5;
	s13 =	sshll.u32 s1, $0x6;
	s7 =	smul.u32 $0x28000, s5  }
0x9: {  	_ =	strace $0x80000047;
	s8 =	sadd.s32 s8, s4;
	s30 =	ssub.s32 $0x2, s5  }
0xa: {  	s5 =	sshll.u32 s5, $0x4;
	s13 =	sor.u32 $0x1C01, s13;
	s9 =	sshrl.u32 s30, $0x1  }
0xb: {  	s31 =	sadd.s32 s5, s8;
	s8 =	simm.s32 $0x6880;
	s6 =	sadd.s32 s6, s7  }
0xc: {  	s7 =	sshrl.u32 s29, $0x2;
	s9 =	ssub.s32 s30, s9;
	s6 =	sadd.s32 s6, s4  }
0xd: {  	s4 =	sadd.s32 s7, s2;
	s7 =	sadd.s32 $0x4E00, s31;
	s5 =	sadd.s32 $0xEE00, s6  }
0xe: {  	v0 =	vimm.f32 $1.000000000e+00;
	v1 =	vimm.f32 $0.0e+00;
	s6 =	smax.u32 s9, $0x1;
	s9 =	simm.s32 $0x1;
	s14 =	sshrl.u32 s4, $0x3  }
.LBB2_1:
0xf: {  	s16 =	simm.s32 $0x0  }
.LBB2_2:
0x10: {  	p0 =	sne.s32 s16, $0xFE00  }
.Ltmp0:
0x11: {  	_ = 	snop;
	(pc) =	sbr.rel @p0 .LBB2_2-.Ltmp0, $3  }
0x12: {  	_ =	sdelay $0x1  }
0x13: {  	s17 =	sshra.s32 s16, $0x2  }
0x14: {  	s16 =	sadd.s32 $0x200, s16;
	[tilespmem:s17+$0x2880] =	vst v0  }
0x15: {  	s16 =	simm.s32 $0x200;
	s17 =	simm.s32 $0x0  }
.LBB2_4:
0x16: {  	p0 =	sne.s32 s16, $0x4FE00;
	[tilespmem:s17+$0x6880] =	vst v1;
	s17 =	smov.u32 s16;
	s16 =	sadd.s32 $0x200, s16  }
.Ltmp1:
0x17: {  	(pc) =	sbr.rel @p0 .LBB2_4-.Ltmp1, $2  }
0x18: {  	_ =	sdelay $0x2  }
0x19: {  	s17 =	sshra.s32 s17, $0x2  }
0x1a: {  	[tilespmem:s17+$0x6880] =	vst v1  }
0x1b: {  	[spmem:s4] =	stream.linear.scatter [tilespmem:s8], [sflag:$0x1], $0x14000, $0x38;
	[tilespmem:$0x1A880] =	vst v63  }
0x1c: {  	_ =	swait.ge [sflag:s9], $0x14000  }
0x1d: {  	[sflag:s9] =	ssyncset.done $0x0  }
0x1e: {  	[sflag:s9] =	ssyncadd.s32 $0xFFFEC000  }
0x1f: {  	s16 =	sadd.s32 $0x0, s7;
	[bflag:$0x0] =	sbarrier.arrive $0xFFFF  }
0x20: {  	[tilespmem:s10], [sflag:$0x1] =	stream.linear.gather [hbm4b:s16+s3], $0x80, $0x38;
	[tilespmem:$0x1A880] =	vst v63  }
0x21: {  	_ =	swait.ge [sflag:s9], $0x80  }
0x22: {  	[sflag:s9] =	ssyncset.done $0x0  }
0x23: {  	[sflag:s9] =	ssyncadd.s32 $0xFFFFFF80  }
0x24: {  	[spmem:s2] =	stream.indirect.scatter.add.f32 [tilespmem:s12], [sflag:$0x1], $0x10, s10, s11, $0xb8;
	[tilespmem:$0x1A880] =	vst v63  }
0x25: {  	_ =	swait.ge [sflag:s9], $0x800  }
0x26: {  	s17 =	simm.s32 $0x400;
	s16 =	simm.s32 $0x200;
	[sflag:s9] =	ssyncset.done $0x0  }
.LBB2_6:
0x27: {  	s18 =	sadd.s32 s16, s7  }
0x28: {  	[sflag:s9] =	ssyncadd.s32 $0xFFFFF800;
	s16 =	smov.u32 s17;
	s19 =	sadd.s32 $0x200, s17  }
0x29: {  	[tilespmem:s10], [sflag:$0x1] =	stream.linear.gather [hbm4b:s18+s3], $0x80, $0x38;
	[tilespmem:$0x1A880] =	vst v63  }
0x2a: {  	p0 =	sne.s32 s17, $0x9E00;
	_ =	swait.ge [sflag:s9], $0x80  }
.Ltmp2:
0x2b: {  	[sflag:s9] =	ssyncset.done $0x0;
	(pc) =	sbr.rel @p0 .LBB2_6-.Ltmp2, $4  }
0x2c: {  	[sflag:s9] =	ssyncadd.s32 $0xFFFFFF80  }
0x2d: {  	[spmem:s2] =	stream.indirect.scatter.add.f32 [tilespmem:s12], [sflag:$0x1], $0x10, s10, s11, $0xb8;
	[tilespmem:$0x1A880] =	vst v63  }
0x2e: {  	_ =	swait.ge [sflag:s9], $0x800  }
0x2f: {  	s17 =	smov.u32 s19;
	[sflag:s9] =	ssyncset.done $0x0  }
0x30: {  	s16 =	sadd.s32 s16, s7;
	[sflag:s9] =	ssyncadd.s32 $0xFFFFF800  }
0x31: {  	[tilespmem:s10], [sflag:$0x1] =	stream.linear.gather [hbm4b:s16+s3], $0x80, $0x38;
	[tilespmem:$0x1A880] =	vst v63  }
0x32: {  	_ =	swait.ge [sflag:s9], $0x80  }
0x33: {  	[sflag:s9] =	ssyncset.done $0x0  }
0x34: {  	[sflag:s9] =	ssyncadd.s32 $0xFFFFFF80  }
0x35: {  	[spmem:s2] =	stream.indirect.scatter.add.f32 [tilespmem:s12], [sflag:$0x1], $0x10, s10, s11, $0xb8;
	[tilespmem:$0x1A880] =	vst v63  }
0x36: {  	_ =	swait.ge [sflag:s9], $0x800  }
0x37: {  	s15 =	sadd.s32 $0x1, s15;
	[sflag:s9] =	ssyncset.done $0x0  }
0x38: {  	p0 =	sne.s32 s15, s6;
	[sflag:s9] =	ssyncadd.s32 $0xFFFFF800  }
.Ltmp3:
0x39: {  	[bflag:$0x0] =	sbarrier.arrive $0xFFFF;
	(pc) =	sbr.rel @p0 .LBB2_1-.Ltmp3, $4  }
0x3a: {  	[hbm:s5], [sflag:s13] =	dma.local [spmem:s14], $0x2800  }
0x3b: {  	_ =	swait.ge [sflag:s9], $0x2800  }
0x3c: {  	[sflag:s9] =	ssyncset.done $0x0  }
0x3d: {  	[sflag:s9] =	ssyncadd.s32 $0xFFFFD800  }
0x3e: {  	_ =	sfence.sel $0x180000  }
0x3f: {  	[bflag:$0x0] =	sbarrier.arrive $0xFFFF  }
0x40: {  	p0 =	sne.s32 s1, $0x0;
	_ =	strace $0x90000047  }
0x41: {  	s0 =	sadd.s32 @!p0 $0x100000, s0;
	[bflag:$0x2] =	sbarrier.arrive $0xFFFF  }
0x42: {  	[sflag:s0] =	ssyncadd.tile.s32 @!p0 $0x1;
	_ =	shalt  }
.Lfunc_end2:
_tile_overlayer_lowered:
.L_overlay_start_2:
0x43: {  	(tag) =	ssettag $0x2  }
0x44: {  	s0 =	rddreg [dreg:$0x0];
	s2 =	stileid.u32  }
0x45: {  	s1 =	rddreg [dreg:$0x1];
	p0 =	sne.s32 s2, $0x0  }
0x46: {  	s3 =	rddreg [dreg:$0x2];
	[bflag:$0x3] =	sbarrier.arrive $0xFFFF;
	s2 =	simm.s32 @!p0 $0x1C01  }
0x47: {  	[timem:s3], [sflag:s2] =	dma.local @!p0 [hbm:s0], s1  }
0x48: {  	s0 =	simm.s32 @!p0 $0x1  }
0x49: {  	_ =	swait.ge @!p0 [sflag:s0], s1  }
0x4a: {  	s1 =	ssub.s32 @!p0 $0x0, s1;
	[sflag:s0] =	ssyncset.done @!p0 $0x0  }
0x4b: {  	[sflag:s0] =	ssyncadd.s32 @!p0 s1  }
0x4c: {  	[bflag:$0x3] =	sbarrier.arrive $0xFFFF  }
0x4d: {  	_ =	shalt  }

// kernel: kernel.15.cloned.1.call-start
scs
__scs_entry_jumppad:
0x0: {  	(pc) =	sbr.rel $0x88, $3  }
0x1: {  	(tag) =	ssettag $0x0;
	lr =	simm.s32 $0x1  }
0x2: {  	[smem:$0x3F8F] =	sst lr;
	_ =	strace $0xD0000000  }
0x3: {  	_ = 	snop  }
0x4: {  	_ = 	snop  }
0x5: {  	_ = 	snop  }
0x6: {  	_ = 	snop  }
0x7: {  	_ = 	snop  }
__scs_overlays_trampoline_lowered:
0x8: {  	[smem:$0x3F9E] =	sst s0  }
0x9: {  	[smem:$0x3F9F] =	sst s1  }
0xa: {  	[smem:$0x3FA0] =	sst s2  }
0xb: {  	[smem:$0x3FA1] =	sst s3  }
0xc: {  	[smem:$0x3FA2] =	sst s4  }
0xd: {  	[smem:$0x3FA3] =	sst s5  }
0xe: {  	[smem:$0x3FA4] =	sst s6  }
0xf: {  	[smem:$0x3FA5] =	sst s7  }
0x10: {  	[smem:$0x3FA6] =	sst s8  }
0x11: {  	[smem:$0x3FA7] =	sst s9;
	s0 =	simm.s32 @!p0 $0x0  }
0x12: {  	s1 =	sld [smem:$0x3F8D];
	s0 =	simm.s32 @p0 $0x1  }
0x13: {  	[smem:$0x3FA8] =	sst s0;
	s0 =	simm.s32 @!p1 $0x0  }
0x14: {  	s2 =	sld [smem:$0x3F8C];
	s0 =	simm.s32 @p1 $0x1  }
0x15: {  	[smem:$0x3FA9] =	sst s0;
	s0 =	simm.s32 @!p2 $0x0  }
0x16: {  	s3 =	sld [smem:$0x3FDB];
	s0 =	simm.s32 @p2 $0x1  }
0x17: {  	s4 =	simm.s32 $0x1BF5;
	[smem:$0x3FAB] =	sst s0  }
0x18: {  	s0 =	sld [smem:$0x3F8E];
	_ =	swait.ge [sflag:s4], $0x0  }
0x19: {  	s7 =	sld [smem:$0x3F8F]  }
0x1a: {  	s8 =	sadd.s32 $0xFFFFE003, lr  }
0x1b: {  	s9 =	sadd.s32 $0xFFFFFEF7, lr;
	s5 =	simm.s32 $0xFFFFFFFF;
	p2 =	slt.u32 s8, $0xFFFFF086  }
0x1c: {  	p1 =	slt.u32 s9, $0xF7A;
	s5 =	simm.s32 @!p2 $0x0  }
0x1d: {  	s5 =	simm.s32 @p1 $0x1;
	p0 =	seq.s32 s7, s2  }
0x1e: {  	s7 =	smul.u32 @!p0 $0xF7A, s2;
	p2 =	seq.s32 @!p0 s5, $0x0  }
0x1f: {  	s9 =	smul.u32 $0xF7A, s1;
	s8 =	simm.s32 @!p0 $0x1BF5;
	p2 =	por !p2, p0  }
0x20: {  	[sflag:s8] =	ssyncset.s32 @!p0 $0xFFFFF086;
	s6 =	sadd.s32 @!p0 s3, s7;
	s7 =	simm.s32 @!p0 $0x108  }
0x21: {  	s3 =	sadd.s32 s3, s9;
	s6 =	sadd.s32 @!p0 $0x88, s6;
	s7 =	simm.s32 @p2 $0x1082  }
0x22: {  	[simem:s7], [sflag:s8] =	dma.local @!p0 [hbm:s6], $0xF7A  }
0x23: {  	s9 =	sor.u32 $0xD0000000, s2;
	s6 =	simm.s32 $0x108;
	_ =	swait.ge @!p0 [sflag:s8], $0x0  }
0x24: {  	s3 =	sadd.s32 $0x88, s3;
	s6 =	simm.s32 @!p1 $0x1082;
	[sflag:s4] =	ssyncset.s32 $0xFFFFF086  }
0x25: {  	[simem:s6], [sflag:s4] =	dma.local [hbm:s3], $0xF7A  }
0x26: {  	[smem:$0x3F8F] =	sst s1;
	(tag) =	ssettag s2;
	_ =	strace s9  }
0x27: {  	s1 =	sld [smem:$0x3F9F]  }
0x28: {  	s2 =	sld [smem:$0x3FA0]  }
0x29: {  	s4 =	sld [smem:$0x3FA2]  }
0x2a: {  	p0 =	seq.s32 s5, $0x0;
	s5 =	sld [smem:$0x3FA3]  }
0x2b: {  	s6 =	sld [smem:$0x3FA4]  }
0x2c: {  	s7 =	sld [smem:$0x3FA5]  }
0x2d: {  	s3 =	simm.s32 $0x108;
	s8 =	sld [smem:$0x3FA6]  }
0x2e: {  	s3 =	simm.s32 @!p0 $0x1082;
	s9 =	sld [smem:$0x3FA7]  }
0x2f: {  	lr =	sadd.s32 s0, s3;
	s0 =	sld [smem:$0x3F9E]  }
0x30: {  	s3 =	sld [smem:$0x3FA1]  }
0x31: {  	[smem:$0x3FAA] =	sst s10  }
0x32: {  	s10 =	sld [smem:$0x3FA8];
	_ =	sdelay $0x3  }
0x33: {  	p0 =	seq.s32 s10, $0x1;
	s10 =	sld [smem:$0x3FAA];
	_ =	sdelay $0x3  }
0x34: {  	[smem:$0x3FAA] =	sst s10  }
0x35: {  	s10 =	sld [smem:$0x3FA9];
	_ =	sdelay $0x3  }
0x36: {  	p1 =	seq.s32 s10, $0x1;
	s10 =	sld [smem:$0x3FAA];
	_ =	sdelay $0x3  }
0x37: {  	[smem:$0x3FAA] =	sst s10  }
0x38: {  	s10 =	sld [smem:$0x3FAB]  }
0x39: {  	_ = 	snop;
	(pc) =	sbr.ind lr, $3  }
0x3a: {  	_ = 	snop  }
0x3b: {  	_ = 	snop  }
0x3c: {  	p2 =	seq.s32 s10, $0x1;
	s10 =	sld [smem:$0x3FAA]  }
0x3d: {  	_ =	shalt  }
0x3e: {  	_ =	shalt  }
0x3f: {  	_ =	shalt  }
0x40: {  	_ =	shalt  }
0x41: {  	_ =	shalt  }
0x42: {  	_ =	shalt  }
0x43: {  	_ =	shalt  }
0x44: {  	_ =	shalt  }
0x45: {  	_ =	shalt  }
0x46: {  	_ =	shalt  }
0x47: {  	_ =	shalt  }
0x48: {  	_ =	shalt  }
0x49: {  	_ =	shalt  }
0x4a: {  	_ =	shalt  }
0x4b: {  	_ =	shalt  }
0x4c: {  	_ =	shalt  }
0x4d: {  	_ =	shalt  }
0x4e: {  	_ =	shalt  }
0x4f: {  	_ =	shalt  }
0x50: {  	_ =	shalt  }
0x51: {  	_ =	shalt  }
0x52: {  	_ =	shalt  }
0x53: {  	_ =	shalt  }
0x54: {  	_ =	shalt  }
0x55: {  	_ =	shalt  }
0x56: {  	_ =	shalt  }
0x57: {  	_ =	shalt  }
0x58: {  	_ =	shalt  }
0x59: {  	_ =	shalt  }
0x5a: {  	_ =	shalt  }
0x5b: {  	_ =	shalt  }
0x5c: {  	_ =	shalt  }
0x5d: {  	_ =	shalt  }
0x5e: {  	_ =	shalt  }
0x5f: {  	_ =	shalt  }
0x60: {  	_ =	shalt  }
0x61: {  	_ =	shalt  }
0x62: {  	_ =	shalt  }
0x63: {  	_ =	shalt  }
0x64: {  	_ =	shalt  }
0x65: {  	_ =	shalt  }
0x66: {  	_ =	shalt  }
0x67: {  	_ =	shalt  }
0x68: {  	_ =	shalt  }
0x69: {  	_ =	shalt  }
0x6a: {  	_ =	shalt  }
0x6b: {  	_ =	shalt  }
0x6c: {  	_ =	shalt  }
0x6d: {  	_ =	shalt  }
0x6e: {  	_ =	shalt  }
0x6f: {  	_ =	shalt  }
0x70: {  	_ =	shalt  }
0x71: {  	_ =	shalt  }
0x72: {  	_ =	shalt  }
0x73: {  	_ =	shalt  }
0x74: {  	_ =	shalt  }
0x75: {  	_ =	shalt  }
0x76: {  	_ =	shalt  }
0x77: {  	_ =	shalt  }
0x78: {  	_ =	shalt  }
0x79: {  	_ =	shalt  }
0x7a: {  	_ =	shalt  }
0x7b: {  	_ =	shalt  }
0x7c: {  	_ =	shalt  }
0x7d: {  	_ =	shalt  }
0x7e: {  	_ =	shalt  }
0x7f: {  	_ =	shalt  }
0x80: {  	_ =	shalt  }
0x81: {  	_ =	shalt  }
0x82: {  	_ =	shalt  }
0x83: {  	_ =	shalt  }
0x84: {  	_ =	shalt  }
0x85: {  	_ =	shalt  }
0x86: {  	_ =	shalt  }
0x87: {  	_ =	shalt  }
.Lfunc_end0:
.L_simem_size_0:
called_computation.1_lowered:
.L_overlay_start_0:
0x88: {  	s2 =	sld [smem:$0x3FD9]  }
0x89: {  	s3 =	sld [smem:$0x3FFE];
	_ =	sdelay $0x1  }
0x8a: {  	s1 =	srdreg.scid  }
0x8b: {  	s0 =	sand.u32 $0x1, s1  }
0x8c: {  	s17 =	sshll.u32 s0, $0xA;
	s2 =	sadd.s32 s3, s2  }
0x8d: {  	s2 =	sadd.s32 s2, s17  }
0x8e: {  	[smem:$0x3FB6] =	sst s2  }
0x8f: {  	_ = 	snop  }
0x90: {  	s2 =	sld [smem:$0x3FD0];
	(tm) =	ssettm $0x1  }
0x91: {  	s18 =	sld [smem:$0x3FFB];
	_ =	sdelay $0x3  }
0x92: {  	_ =	strace s18  }
0x93: {  	s3 =	sld [smem:$0x3FFC];
	_ =	sdelay $0x3  }
0x94: {  	_ =	strace s3  }
0x95: {  	s3 =	sld [smem:$0x3FFD];
	_ =	sdelay $0x3  }
0x96: {  	_ =	strace s3  }
0x97: {  	_ =	strace $0x8FFFFFFF  }
0x98: {  	s19 =	sld [smem:$0x3FDB];
	_ =	sdelay $0x1  }
0x99: {  	s4 =	simm.s32 $_scs_section_size  }
0x9a: {  	s5 =	simm.s32 $_size__tile_overlayer_lowered;
	s6 =	simm.s32 $_tile_overlayer_lowered  }
0x9b: {  	s22 =	simm.s32 $0x1BFF;
	s21 =	sshll.u32 s6, $0x1;
	s3 =	sadd.s32 s4, s19  }
0x9c: {  	s7 =	simm.s32 $0x0;
	s20 =	sshll.u32 s5, $0x1;
	s5 =	sadd.s32 s21, s3  }
0x9d: {  	[timem:s7], [sflag:s22] =	dma.local [hbm:s5], s20  }
0x9e: {  	_ =	swait.ge [sflag:s22], s20  }
0x9f: {  	s4 =	ssub.s32 $0x0, s20;
	[sflag:s22] =	ssyncset.done $0x0  }
0xa0: {  	[sflag:s22] =	ssyncadd.s32 s4;
	_ =	sdelay $0x1  }
0xa1: {  	s23 =	simm.s32 $0x1B8B  }
0xa2: {  	_ =	swait.ge [sflag:s23], $0x1  }
0xa3: {  	[sflag:s23] =	ssyncset.done $0x0  }
0xa4: {  	s25 =	simm.s32 $0x1B8E;
	s24 =	sld [smem:$0x3FFE];
	[sflag:s23] =	ssyncadd.s32 $0xFFFFFFFF  }
0xa5: {  	s26 =	simm.s32 $execute0_lowered;
	[smem:$0x3FD2] =	sst s25  }
0xa6: {  	s5 =	sshll.u32 s26, $0x1;
	_ =	strace $0x80000049;
	[dreg:$0x1] =	wrdreg $0xFFFFFFFF  }
0xa7: {  	s28 =	simm.s32 $_size_execute0_lowered;
	s3 =	sadd.s32 s3, s5;
	[dreg:$0x0] =	wrdreg $0x0  }
0xa8: {  	s5 =	sshll.u32 s28, $0x1;
	[dreg:$0x2] =	wrdreg s3  }
0xa9: {  	[dreg:$0x3] =	wrdreg s5  }
0xaa: {  	[dreg:$0x4] =	wrdreg $0xC0  }
0xab: {  	_ =	task [dreg:s7], $0x5FFFF  }
0xac: {  	[dreg:$0x1] =	wrdreg $0xFFFFFFFF  }
0xad: {  	[dreg:$0x0] =	wrdreg $0x60  }
0xae: {  	[dreg:$0x2] =	wrdreg s2  }
0xaf: {  	[dreg:$0x3] =	wrdreg s24  }
0xb0: {  	[dreg:$0x4] =	wrdreg $0x0  }
0xb1: {  	[dreg:$0x5] =	wrdreg $0x9  }
0xb2: {  	_ =	task.clear_ibuf [dreg:s7], $0x6FFFF;
	_ =	strace $0x90000049  }
0xb3: {  	s29 =	simm.s32 $0x9;
	_ =	strace $0x8000004B  }
0xb4: {  	_ =	swait.ge [sflag:s29], $0x1  }
0xb5: {  	[sflag:s29] =	ssyncadd.s32 $0xFFFFFFFF  }
0xb6: {  	_ =	strace $0x9000004B  }
0xb7: {  	_ =	sfence  }
0xb8: {  	s30 =	sld [smem:$0x0];
	_ =	sdelay $0x2  }
0xb9: {  	s31 =	sshll.u32 s1, $0xD;
	s1 =	sshrl.u32 s1, $0x2  }
0xba: {  	s3 =	sand.u32 $0x4000, s31;
	s1 =	sadd.s32 s1, s30  }
0xbb: {  	s0 =	sor.u32 s3, s0;
	s1 =	sshll.u32 s1, $0x11  }
0xbc: {  	s0 =	sor.u32 s1, s0  }
0xbd: {  	s0 =	sadd.s32 $0x8F2B, s0  }
0xbe: {  	[sflag:s0] =	ssyncadd.remote.s32 $0x1  }
0xbf: {  	_ =	sfence.sel $0xFFFF  }
0xc0: {  	[dreg:$0x0] =	wrdreg $0xFFFFFFFF;
	(pc) =	sbr.abs _section_cstart, $3  }
0xc1: {  	[dreg:$0x1] =	wrdreg $0xFFFFFFFF  }
0xc2: {  	_ =	task.clear_ibuf [dreg:s7], $0x2FFFF;
	_ =	strace $0x9FFFFFFF  }
0xc3: {  	(tm) =	ssettm $0x7FFFFFFF  }
tec
execute0_lowered:
.L_overlay_start_1:
0x0: {  	(tag) =	ssettag $0x1  }
0x1: {  	s2 =	rddreg [dreg:$0x0]  }
0x2: {  	s0 =	rddreg [dreg:$0x1]  }
0x3: {  	s3 =	rddreg [dreg:$0x2];
	s7 =	stileid.u32;
	s4 =	simm.s32 $0x0  }
0x4: {  	s1 =	srdreg.scid;
	s30 =	simm.s32 $0x18400;
	s5 =	smul.u32 $0x2800, s7  }
0x5: {  	s31 =	simm.s32 $0x2;
	s1 =	sand.u32 $0x1, s1;
	s6 =	smul.u32 $0x50000, s7  }
0x6: {  	[smem:$0x7FF] =	sst s4;
	s7 =	sshll.u32 s7, $0x5;
	s8 =	smul.u32 $0x28000, s1  }
0x7: {  	_ =	strace $0x8000004A;
	s7 =	sadd.s32 s7, s0;
	s6 =	sshrl.u32 s6, $0x2  }
0x8: {  	s9 =	ssub.s32 $0x2, s1;
	s8 =	sadd.s32 s5, s8;
	s5 =	sadd.s32 s6, s3  }
0x9: {  	s1 =	sshll.u32 s1, $0x4;
	s10 =	sshrl.u32 s9, $0x1;
	s16 =	sadd.s32 $0x1000, s5  }
0xa: {  	s26 =	sadd.s32 s1, s7;
	s17 =	sadd.s32 $0x2000, s5;
	[dreg:$0x4] =	wrdreg s16  }
0xb: {  	s1 =	simm.s32 $0x3;
	s18 =	sadd.s32 $0x3000, s5;
	[dreg:$0x5] =	wrdreg s17  }
0xc: {  	s7 =	simm.s32 $0x80;
	s19 =	sadd.s32 $0x4000, s5;
	[dreg:$0x6] =	wrdreg s18  }
0xd: {  	s15 =	ssub.s32 s9, s10;
	s20 =	sadd.s32 $0x5000, s5;
	[dreg:$0x7] =	wrdreg s19  }
0xe: {  	s6 =	simm.s32 $0x14200;
	s21 =	sadd.s32 $0x6000, s5;
	[dreg:$0x8] =	wrdreg s20  }
0xf: {  	s9 =	simm.s32 $0x1;
	s22 =	sadd.s32 $0x7000, s5;
	[dreg:$0x9] =	wrdreg s21  }
0x10: {  	s10 =	simm.s32 $0x0;
	s23 =	sadd.s32 $0x8000, s5;
	[dreg:$0xa] =	wrdreg s22  }
0x11: {  	s0 =	sadd.s32 s8, s0;
	s24 =	sadd.s32 $0x9000, s5;
	[dreg:$0xb] =	wrdreg s23  }
0x12: {  	s25 =	sadd.s32 $0xA000, s5;
	s28 =	sadd.s32 $0x12000, s5;
	[dreg:$0xc] =	wrdreg s24  }
0x13: {  	s29 =	sadd.s32 $0x13000, s5;
	s8 =	simm.s32 $0x14400;
	[dreg:$0xd] =	wrdreg s25  }
0x14: {  	s16 =	sadd.s32 $0xB000, s5;
	s17 =	sadd.s32 $0xC000, s5;
	s18 =	sadd.s32 $0xD000, s5  }
0x15: {  	s19 =	sadd.s32 $0xE000, s5;
	s20 =	sadd.s32 $0xF000, s5;
	s21 =	sadd.s32 $0x10000, s5  }
0x16: {  	s22 =	sadd.s32 $0xEE00, s0;
	s23 =	smax.u32 s15, $0x1;
	s24 =	sadd.s32 $0x5EE00, s26  }
0x17: {  	v0 =	vimm.f32 $0.0e+00;
	s25 =	sadd.s32 $0x4E00, s26;
	s26 =	sadd.s32 $0x11000, s5;
	s0 =	simm.s32 $0x14000  }
.LBB2_1:
0x18: {  	s11 =	simm.s32 $0x0;
	s12 =	simm.s32 $0x200  }
.LBB2_2:
0x19: {  	p0 =	sne.s32 s12, $0x3E00;
	[tilespmem:s11+$0x18470] =	vst v0  }
0x1a: {  	[tilespmem:s11+$0x18400] =	vst v0  }
0x1b: {  	[tilespmem:s11+$0x18410] =	vst v0  }
.Ltmp0:
0x1c: {  	[tilespmem:s11+$0x18420] =	vst v0;
	(pc) =	sbr.rel @p0 .LBB2_2-.Ltmp0, $4  }
0x1d: {  	[tilespmem:s11+$0x18430] =	vst v0  }
0x1e: {  	[tilespmem:s11+$0x18440] =	vst v0  }
0x1f: {  	[tilespmem:s11+$0x18450] =	vst v0  }
0x20: {  	[tilespmem:s11+$0x18460] =	vst v0;
	s11 =	sshra.s32 s12, $0x2;
	s12 =	sadd.s32 $0x200, s12  }
0x21: {  	[tilespmem:s11+$0x18470] =	vst v0  }
0x22: {  	[tilespmem:s11+$0x18400] =	vst v0  }
0x23: {  	[tilespmem:s11+$0x18410] =	vst v0  }
0x24: {  	[tilespmem:s11+$0x18420] =	vst v0  }
0x25: {  	[tilespmem:s11+$0x18430] =	vst v0  }
0x26: {  	[tilespmem:s11+$0x18440] =	vst v0  }
0x27: {  	[tilespmem:s11+$0x18450] =	vst v0  }
0x28: {  	[tilespmem:s11+$0x18460] =	vst v0  }
0x29: {  	[spmem:s5] =	stream.linear.scatter [tilespmem:s30], [sflag:$0x2], $0x1000, $0x38;
	[tilespmem:$0x19400] =	vst v63  }
0x2a: {  	s12 =	rddreg [dreg:$0x4]  }
0x2b: {  	[spmem:s12] =	stream.linear.scatter [tilespmem:s30], [sflag:$0x2], $0x1000, $0x38;
	[tilespmem:$0x19400] =	vst v63  }
0x2c: {  	s13 =	rddreg [dreg:$0x5]  }
0x2d: {  	[spmem:s13] =	stream.linear.scatter [tilespmem:s30], [sflag:$0x2], $0x1000, $0x38;
	[tilespmem:$0x19400] =	vst v63  }
0x2e: {  	s14 =	rddreg [dreg:$0x6]  }
0x2f: {  	[spmem:s14] =	stream.linear.scatter [tilespmem:s30], [sflag:$0x2], $0x1000, $0x38;
	[tilespmem:$0x19400] =	vst v63  }
0x30: {  	s15 =	rddreg [dreg:$0x7]  }
0x31: {  	[spmem:s15] =	stream.linear.scatter [tilespmem:s30], [sflag:$0x2], $0x1000, $0x38;
	[tilespmem:$0x19400] =	vst v63  }
0x32: {  	s12 =	rddreg [dreg:$0x8]  }
0x33: {  	[spmem:s12] =	stream.linear.scatter [tilespmem:s30], [sflag:$0x2], $0x1000, $0x38;
	[tilespmem:$0x19400] =	vst v63  }
0x34: {  	s13 =	rddreg [dreg:$0x9]  }
0x35: {  	[spmem:s13] =	stream.linear.scatter [tilespmem:s30], [sflag:$0x2], $0x1000, $0x38;
	[tilespmem:$0x19400] =	vst v63  }
0x36: {  	s14 =	rddreg [dreg:$0xa]  }
0x37: {  	[spmem:s14] =	stream.linear.scatter [tilespmem:s30], [sflag:$0x2], $0x1000, $0x38;
	[tilespmem:$0x19400] =	vst v63  }
0x38: {  	s15 =	rddreg [dreg:$0xb]  }
0x39: {  	[spmem:s15] =	stream.linear.scatter [tilespmem:s30], [sflag:$0x2], $0x1000, $0x38;
	[tilespmem:$0x19400] =	vst v63  }
0x3a: {  	s12 =	rddreg [dreg:$0xc]  }
0x3b: {  	[spmem:s12] =	stream.linear.scatter [tilespmem:s30], [sflag:$0x2], $0x1000, $0x38;
	[tilespmem:$0x19400] =	vst v63  }
0x3c: {  	s13 =	rddreg [dreg:$0xd]  }
0x3d: {  	[spmem:s13] =	stream.linear.scatter [tilespmem:s30], [sflag:$0x2], $0x1000, $0x38;
	[tilespmem:$0x19400] =	vst v63  }
0x3e: {  	_ = 	snop  }
0x3f: {  	[spmem:s16] =	stream.linear.scatter [tilespmem:s30], [sflag:$0x2], $0x1000, $0x38;
	[tilespmem:$0x19400] =	vst v63  }
0x40: {  	_ = 	snop  }
0x41: {  	[spmem:s17] =	stream.linear.scatter [tilespmem:s30], [sflag:$0x2], $0x1000, $0x38;
	[tilespmem:$0x19400] =	vst v63  }
0x42: {  	_ = 	snop  }
0x43: {  	[spmem:s18] =	stream.linear.scatter [tilespmem:s30], [sflag:$0x2], $0x1000, $0x38;
	[tilespmem:$0x19400] =	vst v63  }
0x44: {  	_ = 	snop  }
0x45: {  	[spmem:s19] =	stream.linear.scatter [tilespmem:s30], [sflag:$0x2], $0x1000, $0x38;
	[tilespmem:$0x19400] =	vst v63  }
0x46: {  	_ = 	snop  }
0x47: {  	[spmem:s20] =	stream.linear.scatter [tilespmem:s30], [sflag:$0x2], $0x1000, $0x38;
	[tilespmem:$0x19400] =	vst v63  }
0x48: {  	_ = 	snop  }
0x49: {  	[spmem:s21] =	stream.linear.scatter [tilespmem:s30], [sflag:$0x2], $0x1000, $0x38;
	[tilespmem:$0x19400] =	vst v63  }
0x4a: {  	_ = 	snop  }
0x4b: {  	[spmem:s26] =	stream.linear.scatter [tilespmem:s30], [sflag:$0x2], $0x1000, $0x38;
	[tilespmem:$0x19400] =	vst v63  }
0x4c: {  	_ = 	snop  }
0x4d: {  	[spmem:s28] =	stream.linear.scatter [tilespmem:s30], [sflag:$0x2], $0x1000, $0x38;
	[tilespmem:$0x19400] =	vst v63  }
0x4e: {  	_ = 	snop  }
0x4f: {  	[spmem:s29] =	stream.linear.scatter [tilespmem:s30], [sflag:$0x2], $0x1000, $0x38;
	[tilespmem:$0x19400] =	vst v63  }
0x50: {  	_ =	swait.ge [sflag:s31], $0x1000  }
0x51: {  	[sflag:s31] =	ssyncset.done $0x0  }
0x52: {  	[sflag:s31] =	ssyncadd.s32 $0xFFFFF000  }
0x53: {  	_ =	swait.ge [sflag:s31], $0x1000  }
0x54: {  	[sflag:s31] =	ssyncset.done $0x0  }
0x55: {  	[sflag:s31] =	ssyncadd.s32 $0xFFFFF000  }
0x56: {  	_ =	swait.ge [sflag:s31], $0x1000  }
0x57: {  	[sflag:s31] =	ssyncset.done $0x0  }
0x58: {  	[sflag:s31] =	ssyncadd.s32 $0xFFFFF000  }
0x59: {  	_ =	swait.ge [sflag:s31], $0x1000  }
0x5a: {  	[sflag:s31] =	ssyncset.done $0x0  }
0x5b: {  	[sflag:s31] =	ssyncadd.s32 $0xFFFFF000  }
0x5c: {  	_ =	swait.ge [sflag:s31], $0x1000  }
0x5d: {  	[sflag:s31] =	ssyncset.done $0x0  }
0x5e: {  	[sflag:s31] =	ssyncadd.s32 $0xFFFFF000  }
0x5f: {  	_ =	swait.ge [sflag:s31], $0x1000  }
0x60: {  	[sflag:s31] =	ssyncset.done $0x0  }
0x61: {  	[sflag:s31] =	ssyncadd.s32 $0xFFFFF000  }
0x62: {  	_ =	swait.ge [sflag:s31], $0x1000  }
0x63: {  	[sflag:s31] =	ssyncset.done $0x0  }
0x64: {  	[sflag:s31] =	ssyncadd.s32 $0xFFFFF000  }
0x65: {  	_ =	swait.ge [sflag:s31], $0x1000  }
0x66: {  	[sflag:s31] =	ssyncset.done $0x0  }
0x67: {  	[sflag:s31] =	ssyncadd.s32 $0xFFFFF000  }
0x68: {  	_ =	swait.ge [sflag:s31], $0x1000  }
0x69: {  	[sflag:s31] =	ssyncset.done $0x0  }
0x6a: {  	[sflag:s31] =	ssyncadd.s32 $0xFFFFF000  }
0x6b: {  	_ =	swait.ge [sflag:s31], $0x1000  }
0x6c: {  	[sflag:s31] =	ssyncset.done $0x0  }
0x6d: {  	[sflag:s31] =	ssyncadd.s32 $0xFFFFF000  }
0x6e: {  	_ =	swait.ge [sflag:s31], $0x1000  }
0x6f: {  	[sflag:s31] =	ssyncset.done $0x0  }
0x70: {  	[sflag:s31] =	ssyncadd.s32 $0xFFFFF000  }
0x71: {  	_ =	swait.ge [sflag:s31], $0x1000  }
0x72: {  	[sflag:s31] =	ssyncset.done $0x0  }
0x73: {  	[sflag:s31] =	ssyncadd.s32 $0xFFFFF000  }
0x74: {  	_ =	swait.ge [sflag:s31], $0x1000  }
0x75: {  	[sflag:s31] =	ssyncset.done $0x0  }
0x76: {  	[sflag:s31] =	ssyncadd.s32 $0xFFFFF000  }
0x77: {  	_ =	swait.ge [sflag:s31], $0x1000  }
0x78: {  	[sflag:s31] =	ssyncset.done $0x0  }
0x79: {  	[sflag:s31] =	ssyncadd.s32 $0xFFFFF000  }
0x7a: {  	_ =	swait.ge [sflag:s31], $0x1000  }
0x7b: {  	[sflag:s31] =	ssyncset.done $0x0  }
0x7c: {  	[sflag:s31] =	ssyncadd.s32 $0xFFFFF000  }
0x7d: {  	_ =	swait.ge [sflag:s31], $0x1000  }
0x7e: {  	[sflag:s31] =	ssyncset.done $0x0  }
0x7f: {  	[sflag:s31] =	ssyncadd.s32 $0xFFFFF000  }
0x80: {  	_ =	swait.ge [sflag:s31], $0x1000  }
0x81: {  	[sflag:s31] =	ssyncset.done $0x0  }
0x82: {  	[sflag:s31] =	ssyncadd.s32 $0xFFFFF000  }
0x83: {  	_ =	swait.ge [sflag:s31], $0x1000  }
0x84: {  	[sflag:s31] =	ssyncset.done $0x0  }
0x85: {  	[sflag:s31] =	ssyncadd.s32 $0xFFFFF000  }
0x86: {  	_ =	swait.ge [sflag:s31], $0x1000  }
0x87: {  	[sflag:s31] =	ssyncset.done $0x0  }
0x88: {  	[sflag:s31] =	ssyncadd.s32 $0xFFFFF000  }
0x89: {  	_ =	swait.ge [sflag:s31], $0x1000  }
0x8a: {  	[sflag:s31] =	ssyncset.done $0x0  }
0x8b: {  	[sflag:s31] =	ssyncadd.s32 $0xFFFFF000  }
0x8c: {  	s14 =	sadd.s32 $0x0, s24;
	[bflag:$0x0] =	sbarrier.arrive $0xFFFF  }
0x8d: {  	[tilespmem:s0], [sflag:$0x3] =	stream.linear.gather [hbm4b:s14+s4], $0x80, $0x38;
	[tilespmem:$0x19400] =	vst v63  }
0x8e: {  	_ =	swait.ge [sflag:s1], $0x80  }
0x8f: {  	[sflag:s1] =	ssyncset.done $0x0  }
0x90: {  	s15 =	sadd.s32 $0x0, s25;
	[sflag:s1] =	ssyncadd.s32 $0xFFFFFF80  }
0x91: {  	[tilespmem:s6], [sflag:$0x3] =	stream.linear.gather [hbm4b:s15+s4], $0x80, $0x38;
	[tilespmem:$0x19400] =	vst v63  }
0x92: {  	_ =	swait.ge [sflag:s1], $0x80  }
0x93: {  	[sflag:s1] =	ssyncset.done $0x0  }
0x94: {  	[sflag:s1] =	ssyncadd.s32 $0xFFFFFF80  }
0x95: {  	[tilespmem:s8], [sflag:$0x1] =	stream.indirect.gather [hbm4b:s2+s7], $0x80, s0, s7, $0xb8;
	[tilespmem:$0x19400] =	vst v63  }
0x96: {  	_ =	swait.ge [sflag:s9], $0x4000  }
0x97: {  	[sflag:s9] =	ssyncset.done $0x0  }
0x98: {  	[sflag:s9] =	ssyncadd.s32 $0xFFFFC000  }
0x99: {  	[spmem:s3] =	stream.indirect.scatter.add.f32 [tilespmem:s8], [sflag:$0x3], $0x80, s6, s7, $0xb8;
	[tilespmem:$0x19400] =	vst v63  }
0x9a: {  	_ =	swait.ge [sflag:s1], $0x4000  }
0x9b: {  	s11 =	simm.s32 $0x200;
	s12 =	simm.s32 $0x400;
	[sflag:s1] =	ssyncset.done $0x0  }
.LBB2_4:
0x9c: {  	s13 =	sadd.s32 s11, s24  }
0x9d: {  	[sflag:s1] =	ssyncadd.s32 $0xFFFFC000;
	s14 =	smov.u32 s12;
	s15 =	sadd.s32 $0x200, s12  }
0x9e: {  	[tilespmem:s0], [sflag:$0x3] =	stream.linear.gather [hbm4b:s13+s4], $0x80, $0x38;
	[tilespmem:$0x19400] =	vst v63  }
0x9f: {  	p0 =	sne.s32 s12, $0x9E00;
	_ =	swait.ge [sflag:s1], $0x80  }
0xa0: {  	[sflag:s1] =	ssyncset.done $0x0  }
0xa1: {  	s12 =	sadd.s32 s11, s25;
	s11 =	smov.u32 s14;
	[sflag:s1] =	ssyncadd.s32 $0xFFFFFF80  }
0xa2: {  	[tilespmem:s6], [sflag:$0x3] =	stream.linear.gather [hbm4b:s12+s4], $0x80, $0x38;
	[tilespmem:$0x19400] =	vst v63  }
0xa3: {  	_ =	swait.ge [sflag:s1], $0x80  }
0xa4: {  	[sflag:s1] =	ssyncset.done $0x0  }
0xa5: {  	[sflag:s1] =	ssyncadd.s32 $0xFFFFFF80  }
0xa6: {  	[tilespmem:s8], [sflag:$0x1] =	stream.indirect.gather [hbm4b:s2+s7], $0x80, s0, s7, $0xb8;
	[tilespmem:$0x19400] =	vst v63  }
0xa7: {  	_ =	swait.ge [sflag:s9], $0x4000  }
.Ltmp1:
0xa8: {  	[sflag:s9] =	ssyncset.done $0x0;
	(pc) =	sbr.rel @p0 .LBB2_4-.Ltmp1, $4  }
0xa9: {  	[sflag:s9] =	ssyncadd.s32 $0xFFFFC000  }
0xaa: {  	[spmem:s3] =	stream.indirect.scatter.add.f32 [tilespmem:s8], [sflag:$0x3], $0x80, s6, s7, $0xb8;
	[tilespmem:$0x19400] =	vst v63  }
0xab: {  	_ =	swait.ge [sflag:s1], $0x4000  }
0xac: {  	s12 =	smov.u32 s15;
	[sflag:s1] =	ssyncset.done $0x0  }
0xad: {  	s12 =	sadd.s32 s11, s24;
	[sflag:s1] =	ssyncadd.s32 $0xFFFFC000  }
0xae: {  	[tilespmem:s0], [sflag:$0x3] =	stream.linear.gather [hbm4b:s12+s4], $0x80, $0x38;
	[tilespmem:$0x19400] =	vst v63  }
0xaf: {  	_ =	swait.ge [sflag:s1], $0x80  }
0xb0: {  	[sflag:s1] =	ssyncset.done $0x0  }
0xb1: {  	s13 =	sadd.s32 s11, s25;
	[sflag:s1] =	ssyncadd.s32 $0xFFFFFF80  }
0xb2: {  	[tilespmem:s6], [sflag:$0x3] =	stream.linear.gather [hbm4b:s13+s4], $0x80, $0x38;
	[tilespmem:$0x19400] =	vst v63  }
0xb3: {  	_ =	swait.ge [sflag:s1], $0x80  }
0xb4: {  	[sflag:s1] =	ssyncset.done $0x0  }
0xb5: {  	[sflag:s1] =	ssyncadd.s32 $0xFFFFFF80  }
0xb6: {  	[tilespmem:s8], [sflag:$0x1] =	stream.indirect.gather [hbm4b:s2+s7], $0x80, s0, s7, $0xb8;
	[tilespmem:$0x19400] =	vst v63  }
0xb7: {  	_ =	swait.ge [sflag:s9], $0x4000  }
0xb8: {  	[sflag:s9] =	ssyncset.done $0x0  }
0xb9: {  	[sflag:s9] =	ssyncadd.s32 $0xFFFFC000  }
0xba: {  	[spmem:s3] =	stream.indirect.scatter.add.f32 [tilespmem:s8], [sflag:$0x3], $0x80, s6, s7, $0xb8;
	[tilespmem:$0x19400] =	vst v63  }
0xbb: {  	s14 =	stileid.u32;
	_ =	swait.ge [sflag:s1], $0x4000  }
0xbc: {  	s15 =	sshrl.u32 s5, $0x3;
	s10 =	sadd.s32 $0x1, s10;
	[sflag:s1] =	ssyncset.done $0x0  }
0xbd: {  	s11 =	sshll.u32 s14, $0x6;
	p0 =	sne.s32 s10, s23;
	[sflag:s1] =	ssyncadd.s32 $0xFFFFC000  }
.Ltmp2:
0xbe: {  	s11 =	sor.u32 $0x1C03, s11;
	[bflag:$0x0] =	sbarrier.arrive $0xFFFF;
	(pc) =	sbr.rel @p0 .LBB2_1-.Ltmp2, $4  }
0xbf: {  	[hbm:s22], [sflag:s11] =	dma.local [spmem:s15], $0x2800  }
0xc0: {  	_ =	swait.ge [sflag:s1], $0x2800  }
0xc1: {  	[sflag:s1] =	ssyncset.done $0x0  }
0xc2: {  	[sflag:s1] =	ssyncadd.s32 $0xFFFFD800  }
0xc3: {  	_ =	sfence.sel $0x180000  }
0xc4: {  	[bflag:$0x0] =	sbarrier.arrive $0xFFFF  }
0xc5: {  	_ =	strace $0x9000004A  }
0xc6: {  	s0 =	stileid.u32;
	[bflag:$0x2] =	sbarrier.arrive $0xFFFF  }
0xc7: {  	p0 =	sne.s32 s0, $0x0;
	s0 =	rddreg [dreg:$0x3]  }
0xc8: {  	s0 =	sadd.s32 @!p0 $0x100000, s0  }
0xc9: {  	[sflag:s0] =	ssyncadd.tile.s32 @!p0 $0x1;
	_ =	shalt  }
.Lfunc_end2:
_tile_overlayer_lowered:
.L_overlay_start_2:
0xca: {  	(tag) =	ssettag $0x2  }
0xcb: {  	s0 =	rddreg [dreg:$0x0];
	s2 =	stileid.u32  }
0xcc: {  	s1 =	rddreg [dreg:$0x1];
	p0 =	sne.s32 s2, $0x0  }
0xcd: {  	s3 =	rddreg [dreg:$0x2];
	[bflag:$0x3] =	sbarrier.arrive $0xFFFF;
	s2 =	simm.s32 @!p0 $0x1C03  }
0xce: {  	[timem:s3], [sflag:s2] =	dma.local @!p0 [hbm:s0], s1  }
0xcf: {  	s0 =	simm.s32 @!p0 $0x3  }
0xd0: {  	_ =	swait.ge @!p0 [sflag:s0], s1  }
0xd1: {  	s1 =	ssub.s32 @!p0 $0x0, s1;
	[sflag:s0] =	ssyncset.done @!p0 $0x0  }
0xd2: {  	[sflag:s0] =	ssyncadd.s32 @!p0 s1  }
0xd3: {  	[bflag:$0x3] =	sbarrier.arrive $0xFFFF  }
0xd4: {  	_ =	shalt  }

// kernel: kernel.18.cloned.1.call-start
scs
__scs_entry_jumppad:
0x0: {  	(pc) =	sbr.rel $0x88, $3  }
0x1: {  	(tag) =	ssettag $0x0;
	lr =	simm.s32 $0x1  }
0x2: {  	[smem:$0x3F8F] =	sst lr;
	_ =	strace $0xD0000000  }
0x3: {  	_ = 	snop  }
0x4: {  	_ = 	snop  }
0x5: {  	_ = 	snop  }
0x6: {  	_ = 	snop  }
0x7: {  	_ = 	snop  }
__scs_overlays_trampoline_lowered:
0x8: {  	[smem:$0x3F9E] =	sst s0  }
0x9: {  	[smem:$0x3F9F] =	sst s1  }
0xa: {  	[smem:$0x3FA0] =	sst s2  }
0xb: {  	[smem:$0x3FA1] =	sst s3  }
0xc: {  	[smem:$0x3FA2] =	sst s4  }
0xd: {  	[smem:$0x3FA3] =	sst s5  }
0xe: {  	[smem:$0x3FA4] =	sst s6  }
0xf: {  	[smem:$0x3FA5] =	sst s7  }
0x10: {  	[smem:$0x3FA6] =	sst s8  }
0x11: {  	[smem:$0x3FA7] =	sst s9;
	s0 =	simm.s32 @!p0 $0x0  }
0x12: {  	s1 =	sld [smem:$0x3F8D];
	s0 =	simm.s32 @p0 $0x1  }
0x13: {  	[smem:$0x3FA8] =	sst s0;
	s0 =	simm.s32 @!p1 $0x0  }
0x14: {  	s2 =	sld [smem:$0x3F8C];
	s0 =	simm.s32 @p1 $0x1  }
0x15: {  	[smem:$0x3FA9] =	sst s0;
	s0 =	simm.s32 @!p2 $0x0  }
0x16: {  	s3 =	sld [smem:$0x3FDB];
	s0 =	simm.s32 @p2 $0x1  }
0x17: {  	s4 =	simm.s32 $0x1BF5;
	[smem:$0x3FAB] =	sst s0  }
0x18: {  	s0 =	sld [smem:$0x3F8E];
	_ =	swait.ge [sflag:s4], $0x0  }
0x19: {  	s7 =	sld [smem:$0x3F8F]  }
0x1a: {  	s8 =	sadd.s32 $0xFFFFE003, lr  }
0x1b: {  	s9 =	sadd.s32 $0xFFFFFEF7, lr;
	s5 =	simm.s32 $0xFFFFFFFF;
	p2 =	slt.u32 s8, $0xFFFFF086  }
0x1c: {  	p1 =	slt.u32 s9, $0xF7A;
	s5 =	simm.s32 @!p2 $0x0  }
0x1d: {  	s5 =	simm.s32 @p1 $0x1;
	p0 =	seq.s32 s7, s2  }
0x1e: {  	s7 =	smul.u32 @!p0 $0xF7A, s2;
	p2 =	seq.s32 @!p0 s5, $0x0  }
0x1f: {  	s9 =	smul.u32 $0xF7A, s1;
	s8 =	simm.s32 @!p0 $0x1BF5;
	p2 =	por !p2, p0  }
0x20: {  	[sflag:s8] =	ssyncset.s32 @!p0 $0xFFFFF086;
	s6 =	sadd.s32 @!p0 s3, s7;
	s7 =	simm.s32 @!p0 $0x108  }
0x21: {  	s3 =	sadd.s32 s3, s9;
	s6 =	sadd.s32 @!p0 $0x88, s6;
	s7 =	simm.s32 @p2 $0x1082  }
0x22: {  	[simem:s7], [sflag:s8] =	dma.local @!p0 [hbm:s6], $0xF7A  }
0x23: {  	s9 =	sor.u32 $0xD0000000, s2;
	s6 =	simm.s32 $0x108;
	_ =	swait.ge @!p0 [sflag:s8], $0x0  }
0x24: {  	s3 =	sadd.s32 $0x88, s3;
	s6 =	simm.s32 @!p1 $0x1082;
	[sflag:s4] =	ssyncset.s32 $0xFFFFF086  }
0x25: {  	[simem:s6], [sflag:s4] =	dma.local [hbm:s3], $0xF7A  }
0x26: {  	[smem:$0x3F8F] =	sst s1;
	(tag) =	ssettag s2;
	_ =	strace s9  }
0x27: {  	s1 =	sld [smem:$0x3F9F]  }
0x28: {  	s2 =	sld [smem:$0x3FA0]  }
0x29: {  	s4 =	sld [smem:$0x3FA2]  }
0x2a: {  	p0 =	seq.s32 s5, $0x0;
	s5 =	sld [smem:$0x3FA3]  }
0x2b: {  	s6 =	sld [smem:$0x3FA4]  }
0x2c: {  	s7 =	sld [smem:$0x3FA5]  }
0x2d: {  	s3 =	simm.s32 $0x108;
	s8 =	sld [smem:$0x3FA6]  }
0x2e: {  	s3 =	simm.s32 @!p0 $0x1082;
	s9 =	sld [smem:$0x3FA7]  }
0x2f: {  	lr =	sadd.s32 s0, s3;
	s0 =	sld [smem:$0x3F9E]  }
0x30: {  	s3 =	sld [smem:$0x3FA1]  }
0x31: {  	[smem:$0x3FAA] =	sst s10  }
0x32: {  	s10 =	sld [smem:$0x3FA8];
	_ =	sdelay $0x3  }
0x33: {  	p0 =	seq.s32 s10, $0x1;
	s10 =	sld [smem:$0x3FAA];
	_ =	sdelay $0x3  }
0x34: {  	[smem:$0x3FAA] =	sst s10  }
0x35: {  	s10 =	sld [smem:$0x3FA9];
	_ =	sdelay $0x3  }
0x36: {  	p1 =	seq.s32 s10, $0x1;
	s10 =	sld [smem:$0x3FAA];
	_ =	sdelay $0x3  }
0x37: {  	[smem:$0x3FAA] =	sst s10  }
0x38: {  	s10 =	sld [smem:$0x3FAB]  }
0x39: {  	_ = 	snop;
	(pc) =	sbr.ind lr, $3  }
0x3a: {  	_ = 	snop  }
0x3b: {  	_ = 	snop  }
0x3c: {  	p2 =	seq.s32 s10, $0x1;
	s10 =	sld [smem:$0x3FAA]  }
0x3d: {  	_ =	shalt  }
0x3e: {  	_ =	shalt  }
0x3f: {  	_ =	shalt  }
0x40: {  	_ =	shalt  }
0x41: {  	_ =	shalt  }
0x42: {  	_ =	shalt  }
0x43: {  	_ =	shalt  }
0x44: {  	_ =	shalt  }
0x45: {  	_ =	shalt  }
0x46: {  	_ =	shalt  }
0x47: {  	_ =	shalt  }
0x48: {  	_ =	shalt  }
0x49: {  	_ =	shalt  }
0x4a: {  	_ =	shalt  }
0x4b: {  	_ =	shalt  }
0x4c: {  	_ =	shalt  }
0x4d: {  	_ =	shalt  }
0x4e: {  	_ =	shalt  }
0x4f: {  	_ =	shalt  }
0x50: {  	_ =	shalt  }
0x51: {  	_ =	shalt  }
0x52: {  	_ =	shalt  }
0x53: {  	_ =	shalt  }
0x54: {  	_ =	shalt  }
0x55: {  	_ =	shalt  }
0x56: {  	_ =	shalt  }
0x57: {  	_ =	shalt  }
0x58: {  	_ =	shalt  }
0x59: {  	_ =	shalt  }
0x5a: {  	_ =	shalt  }
0x5b: {  	_ =	shalt  }
0x5c: {  	_ =	shalt  }
0x5d: {  	_ =	shalt  }
0x5e: {  	_ =	shalt  }
0x5f: {  	_ =	shalt  }
0x60: {  	_ =	shalt  }
0x61: {  	_ =	shalt  }
0x62: {  	_ =	shalt  }
0x63: {  	_ =	shalt  }
0x64: {  	_ =	shalt  }
0x65: {  	_ =	shalt  }
0x66: {  	_ =	shalt  }
0x67: {  	_ =	shalt  }
0x68: {  	_ =	shalt  }
0x69: {  	_ =	shalt  }
0x6a: {  	_ =	shalt  }
0x6b: {  	_ =	shalt  }
0x6c: {  	_ =	shalt  }
0x6d: {  	_ =	shalt  }
0x6e: {  	_ =	shalt  }
0x6f: {  	_ =	shalt  }
0x70: {  	_ =	shalt  }
0x71: {  	_ =	shalt  }
0x72: {  	_ =	shalt  }
0x73: {  	_ =	shalt  }
0x74: {  	_ =	shalt  }
0x75: {  	_ =	shalt  }
0x76: {  	_ =	shalt  }
0x77: {  	_ =	shalt  }
0x78: {  	_ =	shalt  }
0x79: {  	_ =	shalt  }
0x7a: {  	_ =	shalt  }
0x7b: {  	_ =	shalt  }
0x7c: {  	_ =	shalt  }
0x7d: {  	_ =	shalt  }
0x7e: {  	_ =	shalt  }
0x7f: {  	_ =	shalt  }
0x80: {  	_ =	shalt  }
0x81: {  	_ =	shalt  }
0x82: {  	_ =	shalt  }
0x83: {  	_ =	shalt  }
0x84: {  	_ =	shalt  }
0x85: {  	_ =	shalt  }
0x86: {  	_ =	shalt  }
0x87: {  	_ =	shalt  }
.Lfunc_end0:
.L_simem_size_0:
called_computation.2_lowered:
.L_overlay_start_0:
0x88: {  	s2 =	sld [smem:$0x3FD9]  }
0x89: {  	s3 =	sld [smem:$0x3FFE];
	_ =	sdelay $0x1  }
0x8a: {  	s1 =	srdreg.scid  }
0x8b: {  	s0 =	sand.u32 $0x1, s1  }
0x8c: {  	s17 =	sshll.u32 s0, $0xA;
	s2 =	sadd.s32 s3, s2  }
0x8d: {  	s2 =	sadd.s32 s2, s17  }
0x8e: {  	[smem:$0x3FB6] =	sst s2  }
0x8f: {  	_ = 	snop  }
0x90: {  	s2 =	sld [smem:$0x3FD0];
	(tm) =	ssettm $0x1  }
0x91: {  	s18 =	sld [smem:$0x3FFB];
	_ =	sdelay $0x3  }
0x92: {  	_ =	strace s18  }
0x93: {  	s3 =	sld [smem:$0x3FFC];
	_ =	sdelay $0x3  }
0x94: {  	_ =	strace s3  }
0x95: {  	s3 =	sld [smem:$0x3FFD];
	_ =	sdelay $0x3  }
0x96: {  	_ =	strace s3  }
0x97: {  	_ =	strace $0x8FFFFFFF  }
0x98: {  	s19 =	sld [smem:$0x3FDB];
	_ =	sdelay $0x1  }
0x99: {  	s4 =	simm.s32 $_scs_section_size  }
0x9a: {  	s5 =	simm.s32 $_size__tile_overlayer_lowered;
	s6 =	simm.s32 $_tile_overlayer_lowered  }
0x9b: {  	s22 =	simm.s32 $0x1BFF;
	s21 =	sshll.u32 s6, $0x1;
	s3 =	sadd.s32 s4, s19  }
0x9c: {  	s7 =	simm.s32 $0x0;
	s20 =	sshll.u32 s5, $0x1;
	s5 =	sadd.s32 s21, s3  }
0x9d: {  	[timem:s7], [sflag:s22] =	dma.local [hbm:s5], s20  }
0x9e: {  	_ =	swait.ge [sflag:s22], s20  }
0x9f: {  	s4 =	ssub.s32 $0x0, s20;
	[sflag:s22] =	ssyncset.done $0x0  }
0xa0: {  	[sflag:s22] =	ssyncadd.s32 s4;
	_ =	sdelay $0x1  }
0xa1: {  	s23 =	simm.s32 $0x1B8B  }
0xa2: {  	_ =	swait.ge [sflag:s23], $0x1  }
0xa3: {  	[sflag:s23] =	ssyncset.done $0x0  }
0xa4: {  	s25 =	simm.s32 $0x1B8E;
	s24 =	sld [smem:$0x3FFE];
	[sflag:s23] =	ssyncadd.s32 $0xFFFFFFFF  }
0xa5: {  	s26 =	simm.s32 $execute0_lowered;
	[smem:$0x3FD2] =	sst s25  }
0xa6: {  	s5 =	sshll.u32 s26, $0x1;
	_ =	strace $0x8000004C;
	[dreg:$0x1] =	wrdreg $0xFFFFFFFF  }
0xa7: {  	s28 =	simm.s32 $_size_execute0_lowered;
	s3 =	sadd.s32 s3, s5;
	[dreg:$0x0] =	wrdreg $0x0  }
0xa8: {  	s5 =	sshll.u32 s28, $0x1;
	[dreg:$0x2] =	wrdreg s3  }
0xa9: {  	[dreg:$0x3] =	wrdreg s5  }
0xaa: {  	[dreg:$0x4] =	wrdreg $0xC0  }
0xab: {  	_ =	task [dreg:s7], $0x5FFFF  }
0xac: {  	[dreg:$0x1] =	wrdreg $0xFFFFFFFF  }
0xad: {  	[dreg:$0x0] =	wrdreg $0x60  }
0xae: {  	[dreg:$0x2] =	wrdreg s2  }
0xaf: {  	[dreg:$0x3] =	wrdreg s24  }
0xb0: {  	[dreg:$0x4] =	wrdreg $0x0  }
0xb1: {  	[dreg:$0x5] =	wrdreg $0x9  }
0xb2: {  	_ =	task.clear_ibuf [dreg:s7], $0x6FFFF;
	_ =	strace $0x9000004C  }
0xb3: {  	s29 =	simm.s32 $0x9;
	_ =	strace $0x8000004E  }
0xb4: {  	_ =	swait.ge [sflag:s29], $0x1  }
0xb5: {  	[sflag:s29] =	ssyncadd.s32 $0xFFFFFFFF  }
0xb6: {  	_ =	strace $0x9000004E  }
0xb7: {  	_ =	sfence  }
0xb8: {  	s30 =	sld [smem:$0x0];
	_ =	sdelay $0x2  }
0xb9: {  	s31 =	sshll.u32 s1, $0xD;
	s1 =	sshrl.u32 s1, $0x2  }
0xba: {  	s3 =	sand.u32 $0x4000, s31;
	s1 =	sadd.s32 s1, s30  }
0xbb: {  	s0 =	sor.u32 s3, s0;
	s1 =	sshll.u32 s1, $0x11  }
0xbc: {  	s0 =	sor.u32 s1, s0  }
0xbd: {  	s0 =	sadd.s32 $0x8F2B, s0  }
0xbe: {  	[sflag:s0] =	ssyncadd.remote.s32 $0x1  }
0xbf: {  	_ =	sfence.sel $0xFFFF  }
0xc0: {  	[dreg:$0x0] =	wrdreg $0xFFFFFFFF;
	(pc) =	sbr.abs _section_cstart, $3  }
0xc1: {  	[dreg:$0x1] =	wrdreg $0xFFFFFFFF  }
0xc2: {  	_ =	task.clear_ibuf [dreg:s7], $0x2FFFF;
	_ =	strace $0x9FFFFFFF  }
0xc3: {  	(tm) =	ssettm $0x7FFFFFFF  }
tec
execute0_lowered:
.L_overlay_start_1:
0x0: {  	(tag) =	ssettag $0x1  }
0x1: {  	s2 =	rddreg [dreg:$0x0]  }
0x2: {  	s0 =	rddreg [dreg:$0x1]  }
0x3: {  	s3 =	rddreg [dreg:$0x2];
	s7 =	stileid.u32;
	s4 =	simm.s32 $0x0  }
0x4: {  	s1 =	srdreg.scid;
	s30 =	simm.s32 $0x18400;
	s5 =	smul.u32 $0x2800, s7  }
0x5: {  	s31 =	simm.s32 $0x2;
	s1 =	sand.u32 $0x1, s1;
	s6 =	smul.u32 $0x50000, s7  }
0x6: {  	[smem:$0x7FF] =	sst s4;
	s7 =	sshll.u32 s7, $0x5;
	s8 =	smul.u32 $0x28000, s1  }
0x7: {  	_ =	strace $0x8000004D;
	s7 =	sadd.s32 s7, s0;
	s6 =	sshrl.u32 s6, $0x2  }
0x8: {  	s9 =	ssub.s32 $0x2, s1;
	s8 =	sadd.s32 s5, s8;
	s5 =	sadd.s32 s6, s3  }
0x9: {  	s1 =	sshll.u32 s1, $0x4;
	s10 =	sshrl.u32 s9, $0x1;
	s16 =	sadd.s32 $0x1000, s5  }
0xa: {  	s26 =	sadd.s32 s1, s7;
	s17 =	sadd.s32 $0x2000, s5;
	[dreg:$0x4] =	wrdreg s16  }
0xb: {  	s1 =	simm.s32 $0x3;
	s18 =	sadd.s32 $0x3000, s5;
	[dreg:$0x5] =	wrdreg s17  }
0xc: {  	s7 =	simm.s32 $0x80;
	s19 =	sadd.s32 $0x4000, s5;
	[dreg:$0x6] =	wrdreg s18  }
0xd: {  	s15 =	ssub.s32 s9, s10;
	s20 =	sadd.s32 $0x5000, s5;
	[dreg:$0x7] =	wrdreg s19  }
0xe: {  	s6 =	simm.s32 $0x14200;
	s21 =	sadd.s32 $0x6000, s5;
	[dreg:$0x8] =	wrdreg s20  }
0xf: {  	s9 =	simm.s32 $0x1;
	s22 =	sadd.s32 $0x7000, s5;
	[dreg:$0x9] =	wrdreg s21  }
0x10: {  	s10 =	simm.s32 $0x0;
	s23 =	sadd.s32 $0x8000, s5;
	[dreg:$0xa] =	wrdreg s22  }
0x11: {  	s0 =	sadd.s32 s8, s0;
	s24 =	sadd.s32 $0x9000, s5;
	[dreg:$0xb] =	wrdreg s23  }
0x12: {  	s25 =	sadd.s32 $0xA000, s5;
	s28 =	sadd.s32 $0x12000, s5;
	[dreg:$0xc] =	wrdreg s24  }
0x13: {  	s29 =	sadd.s32 $0x13000, s5;
	s8 =	simm.s32 $0x14400;
	[dreg:$0xd] =	wrdreg s25  }
0x14: {  	s16 =	sadd.s32 $0xB000, s5;
	s17 =	sadd.s32 $0xC000, s5;
	s18 =	sadd.s32 $0xD000, s5  }
0x15: {  	s19 =	sadd.s32 $0xE000, s5;
	s20 =	sadd.s32 $0xF000, s5;
	s21 =	sadd.s32 $0x10000, s5  }
0x16: {  	s22 =	sadd.s32 $0xEE00, s0;
	s23 =	smax.u32 s15, $0x1;
	s24 =	sadd.s32 $0x5EE00, s26  }
0x17: {  	v0 =	vimm.f32 $0.0e+00;
	s25 =	sadd.s32 $0x4E00, s26;
	s26 =	sadd.s32 $0x11000, s5;
	s0 =	simm.s32 $0x14000  }
.LBB2_1:
0x18: {  	s11 =	simm.s32 $0x0;
	s12 =	simm.s32 $0x200  }
.LBB2_2:
0x19: {  	p0 =	sne.s32 s12, $0x3E00;
	[tilespmem:s11+$0x18470] =	vst v0  }
0x1a: {  	[tilespmem:s11+$0x18400] =	vst v0  }
0x1b: {  	[tilespmem:s11+$0x18410] =	vst v0  }
.Ltmp0:
0x1c: {  	[tilespmem:s11+$0x18420] =	vst v0;
	(pc) =	sbr.rel @p0 .LBB2_2-.Ltmp0, $4  }
0x1d: {  	[tilespmem:s11+$0x18430] =	vst v0  }
0x1e: {  	[tilespmem:s11+$0x18440] =	vst v0  }
0x1f: {  	[tilespmem:s11+$0x18450] =	vst v0  }
0x20: {  	[tilespmem:s11+$0x18460] =	vst v0;
	s11 =	sshra.s32 s12, $0x2;
	s12 =	sadd.s32 $0x200, s12  }
0x21: {  	[tilespmem:s11+$0x18470] =	vst v0  }
0x22: {  	[tilespmem:s11+$0x18400] =	vst v0  }
0x23: {  	[tilespmem:s11+$0x18410] =	vst v0  }
0x24: {  	[tilespmem:s11+$0x18420] =	vst v0  }
0x25: {  	[tilespmem:s11+$0x18430] =	vst v0  }
0x26: {  	[tilespmem:s11+$0x18440] =	vst v0  }
0x27: {  	[tilespmem:s11+$0x18450] =	vst v0  }
0x28: {  	[tilespmem:s11+$0x18460] =	vst v0  }
0x29: {  	[spmem:s5] =	stream.linear.scatter [tilespmem:s30], [sflag:$0x2], $0x1000, $0x38;
	[tilespmem:$0x19400] =	vst v63  }
0x2a: {  	s12 =	rddreg [dreg:$0x4]  }
0x2b: {  	[spmem:s12] =	stream.linear.scatter [tilespmem:s30], [sflag:$0x2], $0x1000, $0x38;
	[tilespmem:$0x19400] =	vst v63  }
0x2c: {  	s13 =	rddreg [dreg:$0x5]  }
0x2d: {  	[spmem:s13] =	stream.linear.scatter [tilespmem:s30], [sflag:$0x2], $0x1000, $0x38;
	[tilespmem:$0x19400] =	vst v63  }
0x2e: {  	s14 =	rddreg [dreg:$0x6]  }
0x2f: {  	[spmem:s14] =	stream.linear.scatter [tilespmem:s30], [sflag:$0x2], $0x1000, $0x38;
	[tilespmem:$0x19400] =	vst v63  }
0x30: {  	s15 =	rddreg [dreg:$0x7]  }
0x31: {  	[spmem:s15] =	stream.linear.scatter [tilespmem:s30], [sflag:$0x2], $0x1000, $0x38;
	[tilespmem:$0x19400] =	vst v63  }
0x32: {  	s12 =	rddreg [dreg:$0x8]  }
0x33: {  	[spmem:s12] =	stream.linear.scatter [tilespmem:s30], [sflag:$0x2], $0x1000, $0x38;
	[tilespmem:$0x19400] =	vst v63  }
0x34: {  	s13 =	rddreg [dreg:$0x9]  }
0x35: {  	[spmem:s13] =	stream.linear.scatter [tilespmem:s30], [sflag:$0x2], $0x1000, $0x38;
	[tilespmem:$0x19400] =	vst v63  }
0x36: {  	s14 =	rddreg [dreg:$0xa]  }
0x37: {  	[spmem:s14] =	stream.linear.scatter [tilespmem:s30], [sflag:$0x2], $0x1000, $0x38;
	[tilespmem:$0x19400] =	vst v63  }
0x38: {  	s15 =	rddreg [dreg:$0xb]  }
0x39: {  	[spmem:s15] =	stream.linear.scatter [tilespmem:s30], [sflag:$0x2], $0x1000, $0x38;
	[tilespmem:$0x19400] =	vst v63  }
0x3a: {  	s12 =	rddreg [dreg:$0xc]  }
0x3b: {  	[spmem:s12] =	stream.linear.scatter [tilespmem:s30], [sflag:$0x2], $0x1000, $0x38;
	[tilespmem:$0x19400] =	vst v63  }
0x3c: {  	s13 =	rddreg [dreg:$0xd]  }
0x3d: {  	[spmem:s13] =	stream.linear.scatter [tilespmem:s30], [sflag:$0x2], $0x1000, $0x38;
	[tilespmem:$0x19400] =	vst v63  }
0x3e: {  	_ = 	snop  }
0x3f: {  	[spmem:s16] =	stream.linear.scatter [tilespmem:s30], [sflag:$0x2], $0x1000, $0x38;
	[tilespmem:$0x19400] =	vst v63  }
0x40: {  	_ = 	snop  }
0x41: {  	[spmem:s17] =	stream.linear.scatter [tilespmem:s30], [sflag:$0x2], $0x1000, $0x38;
	[tilespmem:$0x19400] =	vst v63  }
0x42: {  	_ = 	snop  }
0x43: {  	[spmem:s18] =	stream.linear.scatter [tilespmem:s30], [sflag:$0x2], $0x1000, $0x38;
	[tilespmem:$0x19400] =	vst v63  }
0x44: {  	_ = 	snop  }
0x45: {  	[spmem:s19] =	stream.linear.scatter [tilespmem:s30], [sflag:$0x2], $0x1000, $0x38;
	[tilespmem:$0x19400] =	vst v63  }
0x46: {  	_ = 	snop  }
0x47: {  	[spmem:s20] =	stream.linear.scatter [tilespmem:s30], [sflag:$0x2], $0x1000, $0x38;
	[tilespmem:$0x19400] =	vst v63  }
0x48: {  	_ = 	snop  }
0x49: {  	[spmem:s21] =	stream.linear.scatter [tilespmem:s30], [sflag:$0x2], $0x1000, $0x38;
	[tilespmem:$0x19400] =	vst v63  }
0x4a: {  	_ = 	snop  }
0x4b: {  	[spmem:s26] =	stream.linear.scatter [tilespmem:s30], [sflag:$0x2], $0x1000, $0x38;
	[tilespmem:$0x19400] =	vst v63  }
0x4c: {  	_ = 	snop  }
0x4d: {  	[spmem:s28] =	stream.linear.scatter [tilespmem:s30], [sflag:$0x2], $0x1000, $0x38;
	[tilespmem:$0x19400] =	vst v63  }
0x4e: {  	_ = 	snop  }
0x4f: {  	[spmem:s29] =	stream.linear.scatter [tilespmem:s30], [sflag:$0x2], $0x1000, $0x38;
	[tilespmem:$0x19400] =	vst v63  }
0x50: {  	_ =	swait.ge [sflag:s31], $0x1000  }
0x51: {  	[sflag:s31] =	ssyncset.done $0x0  }
0x52: {  	[sflag:s31] =	ssyncadd.s32 $0xFFFFF000  }
0x53: {  	_ =	swait.ge [sflag:s31], $0x1000  }
0x54: {  	[sflag:s31] =	ssyncset.done $0x0  }
0x55: {  	[sflag:s31] =	ssyncadd.s32 $0xFFFFF000  }
0x56: {  	_ =	swait.ge [sflag:s31], $0x1000  }
0x57: {  	[sflag:s31] =	ssyncset.done $0x0  }
0x58: {  	[sflag:s31] =	ssyncadd.s32 $0xFFFFF000  }
0x59: {  	_ =	swait.ge [sflag:s31], $0x1000  }
0x5a: {  	[sflag:s31] =	ssyncset.done $0x0  }
0x5b: {  	[sflag:s31] =	ssyncadd.s32 $0xFFFFF000  }
0x5c: {  	_ =	swait.ge [sflag:s31], $0x1000  }
0x5d: {  	[sflag:s31] =	ssyncset.done $0x0  }
0x5e: {  	[sflag:s31] =	ssyncadd.s32 $0xFFFFF000  }
0x5f: {  	_ =	swait.ge [sflag:s31], $0x1000  }
0x60: {  	[sflag:s31] =	ssyncset.done $0x0  }
0x61: {  	[sflag:s31] =	ssyncadd.s32 $0xFFFFF000  }
0x62: {  	_ =	swait.ge [sflag:s31], $0x1000  }
0x63: {  	[sflag:s31] =	ssyncset.done $0x0  }
0x64: {  	[sflag:s31] =	ssyncadd.s32 $0xFFFFF000  }
0x65: {  	_ =	swait.ge [sflag:s31], $0x1000  }
0x66: {  	[sflag:s31] =	ssyncset.done $0x0  }
0x67: {  	[sflag:s31] =	ssyncadd.s32 $0xFFFFF000  }
0x68: {  	_ =	swait.ge [sflag:s31], $0x1000  }
0x69: {  	[sflag:s31] =	ssyncset.done $0x0  }
0x6a: {  	[sflag:s31] =	ssyncadd.s32 $0xFFFFF000  }
0x6b: {  	_ =	swait.ge [sflag:s31], $0x1000  }
0x6c: {  	[sflag:s31] =	ssyncset.done $0x0  }
0x6d: {  	[sflag:s31] =	ssyncadd.s32 $0xFFFFF000  }
0x6e: {  	_ =	swait.ge [sflag:s31], $0x1000  }
0x6f: {  	[sflag:s31] =	ssyncset.done $0x0  }
0x70: {  	[sflag:s31] =	ssyncadd.s32 $0xFFFFF000  }
0x71: {  	_ =	swait.ge [sflag:s31], $0x1000  }
0x72: {  	[sflag:s31] =	ssyncset.done $0x0  }
0x73: {  	[sflag:s31] =	ssyncadd.s32 $0xFFFFF000  }
0x74: {  	_ =	swait.ge [sflag:s31], $0x1000  }
0x75: {  	[sflag:s31] =	ssyncset.done $0x0  }
0x76: {  	[sflag:s31] =	ssyncadd.s32 $0xFFFFF000  }
0x77: {  	_ =	swait.ge [sflag:s31], $0x1000  }
0x78: {  	[sflag:s31] =	ssyncset.done $0x0  }
0x79: {  	[sflag:s31] =	ssyncadd.s32 $0xFFFFF000  }
0x7a: {  	_ =	swait.ge [sflag:s31], $0x1000  }
0x7b: {  	[sflag:s31] =	ssyncset.done $0x0  }
0x7c: {  	[sflag:s31] =	ssyncadd.s32 $0xFFFFF000  }
0x7d: {  	_ =	swait.ge [sflag:s31], $0x1000  }
0x7e: {  	[sflag:s31] =	ssyncset.done $0x0  }
0x7f: {  	[sflag:s31] =	ssyncadd.s32 $0xFFFFF000  }
0x80: {  	_ =	swait.ge [sflag:s31], $0x1000  }
0x81: {  	[sflag:s31] =	ssyncset.done $0x0  }
0x82: {  	[sflag:s31] =	ssyncadd.s32 $0xFFFFF000  }
0x83: {  	_ =	swait.ge [sflag:s31], $0x1000  }
0x84: {  	[sflag:s31] =	ssyncset.done $0x0  }
0x85: {  	[sflag:s31] =	ssyncadd.s32 $0xFFFFF000  }
0x86: {  	_ =	swait.ge [sflag:s31], $0x1000  }
0x87: {  	[sflag:s31] =	ssyncset.done $0x0  }
0x88: {  	[sflag:s31] =	ssyncadd.s32 $0xFFFFF000  }
0x89: {  	_ =	swait.ge [sflag:s31], $0x1000  }
0x8a: {  	[sflag:s31] =	ssyncset.done $0x0  }
0x8b: {  	[sflag:s31] =	ssyncadd.s32 $0xFFFFF000  }
0x8c: {  	s14 =	sadd.s32 $0x0, s24;
	[bflag:$0x0] =	sbarrier.arrive $0xFFFF  }
0x8d: {  	[tilespmem:s0], [sflag:$0x3] =	stream.linear.gather [hbm4b:s14+s4], $0x80, $0x38;
	[tilespmem:$0x19400] =	vst v63  }
0x8e: {  	_ =	swait.ge [sflag:s1], $0x80  }
0x8f: {  	[sflag:s1] =	ssyncset.done $0x0  }
0x90: {  	s15 =	sadd.s32 $0x0, s25;
	[sflag:s1] =	ssyncadd.s32 $0xFFFFFF80  }
0x91: {  	[tilespmem:s6], [sflag:$0x3] =	stream.linear.gather [hbm4b:s15+s4], $0x80, $0x38;
	[tilespmem:$0x19400] =	vst v63  }
0x92: {  	_ =	swait.ge [sflag:s1], $0x80  }
0x93: {  	[sflag:s1] =	ssyncset.done $0x0  }
0x94: {  	[sflag:s1] =	ssyncadd.s32 $0xFFFFFF80  }
0x95: {  	[tilespmem:s8], [sflag:$0x1] =	stream.indirect.gather [hbm4b:s2+s7], $0x80, s0, s7, $0xb8;
	[tilespmem:$0x19400] =	vst v63  }
0x96: {  	_ =	swait.ge [sflag:s9], $0x4000  }
0x97: {  	[sflag:s9] =	ssyncset.done $0x0  }
0x98: {  	[sflag:s9] =	ssyncadd.s32 $0xFFFFC000  }
0x99: {  	[spmem:s3] =	stream.indirect.scatter.add.f32 [tilespmem:s8], [sflag:$0x3], $0x80, s6, s7, $0xb8;
	[tilespmem:$0x19400] =	vst v63  }
0x9a: {  	_ =	swait.ge [sflag:s1], $0x4000  }
0x9b: {  	s11 =	simm.s32 $0x200;
	s12 =	simm.s32 $0x400;
	[sflag:s1] =	ssyncset.done $0x0  }
.LBB2_4:
0x9c: {  	s13 =	sadd.s32 s11, s24  }
0x9d: {  	[sflag:s1] =	ssyncadd.s32 $0xFFFFC000;
	s14 =	smov.u32 s12;
	s15 =	sadd.s32 $0x200, s12  }
0x9e: {  	[tilespmem:s0], [sflag:$0x3] =	stream.linear.gather [hbm4b:s13+s4], $0x80, $0x38;
	[tilespmem:$0x19400] =	vst v63  }
0x9f: {  	p0 =	sne.s32 s12, $0x9E00;
	_ =	swait.ge [sflag:s1], $0x80  }
0xa0: {  	[sflag:s1] =	ssyncset.done $0x0  }
0xa1: {  	s12 =	sadd.s32 s11, s25;
	s11 =	smov.u32 s14;
	[sflag:s1] =	ssyncadd.s32 $0xFFFFFF80  }
0xa2: {  	[tilespmem:s6], [sflag:$0x3] =	stream.linear.gather [hbm4b:s12+s4], $0x80, $0x38;
	[tilespmem:$0x19400] =	vst v63  }
0xa3: {  	_ =	swait.ge [sflag:s1], $0x80  }
0xa4: {  	[sflag:s1] =	ssyncset.done $0x0  }
0xa5: {  	[sflag:s1] =	ssyncadd.s32 $0xFFFFFF80  }
0xa6: {  	[tilespmem:s8], [sflag:$0x1] =	stream.indirect.gather [hbm4b:s2+s7], $0x80, s0, s7, $0xb8;
	[tilespmem:$0x19400] =	vst v63  }
0xa7: {  	_ =	swait.ge [sflag:s9], $0x4000  }
.Ltmp1:
0xa8: {  	[sflag:s9] =	ssyncset.done $0x0;
	(pc) =	sbr.rel @p0 .LBB2_4-.Ltmp1, $4  }
0xa9: {  	[sflag:s9] =	ssyncadd.s32 $0xFFFFC000  }
0xaa: {  	[spmem:s3] =	stream.indirect.scatter.add.f32 [tilespmem:s8], [sflag:$0x3], $0x80, s6, s7, $0xb8;
	[tilespmem:$0x19400] =	vst v63  }
0xab: {  	_ =	swait.ge [sflag:s1], $0x4000  }
0xac: {  	s12 =	smov.u32 s15;
	[sflag:s1] =	ssyncset.done $0x0  }
0xad: {  	s12 =	sadd.s32 s11, s24;
	[sflag:s1] =	ssyncadd.s32 $0xFFFFC000  }
0xae: {  	[tilespmem:s0], [sflag:$0x3] =	stream.linear.gather [hbm4b:s12+s4], $0x80, $0x38;
	[tilespmem:$0x19400] =	vst v63  }
0xaf: {  	_ =	swait.ge [sflag:s1], $0x80  }
0xb0: {  	[sflag:s1] =	ssyncset.done $0x0  }
0xb1: {  	s13 =	sadd.s32 s11, s25;
	[sflag:s1] =	ssyncadd.s32 $0xFFFFFF80  }
0xb2: {  	[tilespmem:s6], [sflag:$0x3] =	stream.linear.gather [hbm4b:s13+s4], $0x80, $0x38;
	[tilespmem:$0x19400] =	vst v63  }
0xb3: {  	_ =	swait.ge [sflag:s1], $0x80  }
0xb4: {  	[sflag:s1] =	ssyncset.done $0x0  }
0xb5: {  	[sflag:s1] =	ssyncadd.s32 $0xFFFFFF80  }
0xb6: {  	[tilespmem:s8], [sflag:$0x1] =	stream.indirect.gather [hbm4b:s2+s7], $0x80, s0, s7, $0xb8;
	[tilespmem:$0x19400] =	vst v63  }
0xb7: {  	_ =	swait.ge [sflag:s9], $0x4000  }
0xb8: {  	[sflag:s9] =	ssyncset.done $0x0  }
0xb9: {  	[sflag:s9] =	ssyncadd.s32 $0xFFFFC000  }
0xba: {  	[spmem:s3] =	stream.indirect.scatter.add.f32 [tilespmem:s8], [sflag:$0x3], $0x80, s6, s7, $0xb8;
	[tilespmem:$0x19400] =	vst v63  }
0xbb: {  	s14 =	stileid.u32;
	_ =	swait.ge [sflag:s1], $0x4000  }
0xbc: {  	s15 =	sshrl.u32 s5, $0x3;
	s10 =	sadd.s32 $0x1, s10;
	[sflag:s1] =	ssyncset.done $0x0  }
0xbd: {  	s11 =	sshll.u32 s14, $0x6;
	p0 =	sne.s32 s10, s23;
	[sflag:s1] =	ssyncadd.s32 $0xFFFFC000  }
.Ltmp2:
0xbe: {  	s11 =	sor.u32 $0x1C03, s11;
	[bflag:$0x0] =	sbarrier.arrive $0xFFFF;
	(pc) =	sbr.rel @p0 .LBB2_1-.Ltmp2, $4  }
0xbf: {  	[hbm:s22], [sflag:s11] =	dma.local [spmem:s15], $0x2800  }
0xc0: {  	_ =	swait.ge [sflag:s1], $0x2800  }
0xc1: {  	[sflag:s1] =	ssyncset.done $0x0  }
0xc2: {  	[sflag:s1] =	ssyncadd.s32 $0xFFFFD800  }
0xc3: {  	_ =	sfence.sel $0x180000  }
0xc4: {  	[bflag:$0x0] =	sbarrier.arrive $0xFFFF  }
0xc5: {  	_ =	strace $0x9000004D  }
0xc6: {  	s0 =	stileid.u32;
	[bflag:$0x2] =	sbarrier.arrive $0xFFFF  }
0xc7: {  	p0 =	sne.s32 s0, $0x0;
	s0 =	rddreg [dreg:$0x3]  }
0xc8: {  	s0 =	sadd.s32 @!p0 $0x100000, s0  }
0xc9: {  	[sflag:s0] =	ssyncadd.tile.s32 @!p0 $0x1;
	_ =	shalt  }
.Lfunc_end2:
_tile_overlayer_lowered:
.L_overlay_start_2:
0xca: {  	(tag) =	ssettag $0x2  }
0xcb: {  	s0 =	rddreg [dreg:$0x0];
	s2 =	stileid.u32  }
0xcc: {  	s1 =	rddreg [dreg:$0x1];
	p0 =	sne.s32 s2, $0x0  }
0xcd: {  	s3 =	rddreg [dreg:$0x2];
	[bflag:$0x3] =	sbarrier.arrive $0xFFFF;
	s2 =	simm.s32 @!p0 $0x1C03  }
0xce: {  	[timem:s3], [sflag:s2] =	dma.local @!p0 [hbm:s0], s1  }
0xcf: {  	s0 =	simm.s32 @!p0 $0x3  }
0xd0: {  	_ =	swait.ge @!p0 [sflag:s0], s1  }
0xd1: {  	s1 =	ssub.s32 @!p0 $0x0, s1;
	[sflag:s0] =	ssyncset.done @!p0 $0x0  }
0xd2: {  	[sflag:s0] =	ssyncadd.s32 @!p0 s1  }
0xd3: {  	[bflag:$0x3] =	sbarrier.arrive $0xFFFF  }
0xd4: {  	_ =	shalt  }

// kernel: kernel.21.cloned.1.call-start
scs
__scs_entry_jumppad:
0x0: {  	(pc) =	sbr.rel $0x88, $3  }
0x1: {  	(tag) =	ssettag $0x0;
	lr =	simm.s32 $0x1  }
0x2: {  	[smem:$0x3F8F] =	sst lr;
	_ =	strace $0xD0000000  }
0x3: {  	_ = 	snop  }
0x4: {  	_ = 	snop  }
0x5: {  	_ = 	snop  }
0x6: {  	_ = 	snop  }
0x7: {  	_ = 	snop  }
__scs_overlays_trampoline_lowered:
0x8: {  	[smem:$0x3F9E] =	sst s0  }
0x9: {  	[smem:$0x3F9F] =	sst s1  }
0xa: {  	[smem:$0x3FA0] =	sst s2  }
0xb: {  	[smem:$0x3FA1] =	sst s3  }
0xc: {  	[smem:$0x3FA2] =	sst s4  }
0xd: {  	[smem:$0x3FA3] =	sst s5  }
0xe: {  	[smem:$0x3FA4] =	sst s6  }
0xf: {  	[smem:$0x3FA5] =	sst s7  }
0x10: {  	[smem:$0x3FA6] =	sst s8  }
0x11: {  	[smem:$0x3FA7] =	sst s9;
	s0 =	simm.s32 @!p0 $0x0  }
0x12: {  	s1 =	sld [smem:$0x3F8D];
	s0 =	simm.s32 @p0 $0x1  }
0x13: {  	[smem:$0x3FA8] =	sst s0;
	s0 =	simm.s32 @!p1 $0x0  }
0x14: {  	s2 =	sld [smem:$0x3F8C];
	s0 =	simm.s32 @p1 $0x1  }
0x15: {  	[smem:$0x3FA9] =	sst s0;
	s0 =	simm.s32 @!p2 $0x0  }
0x16: {  	s3 =	sld [smem:$0x3FDB];
	s0 =	simm.s32 @p2 $0x1  }
0x17: {  	s4 =	simm.s32 $0x1BF5;
	[smem:$0x3FAB] =	sst s0  }
0x18: {  	s0 =	sld [smem:$0x3F8E];
	_ =	swait.ge [sflag:s4], $0x0  }
0x19: {  	s7 =	sld [smem:$0x3F8F]  }
0x1a: {  	s8 =	sadd.s32 $0xFFFFE003, lr  }
0x1b: {  	s9 =	sadd.s32 $0xFFFFFEF7, lr;
	s5 =	simm.s32 $0xFFFFFFFF;
	p2 =	slt.u32 s8, $0xFFFFF086  }
0x1c: {  	p1 =	slt.u32 s9, $0xF7A;
	s5 =	simm.s32 @!p2 $0x0  }
0x1d: {  	s5 =	simm.s32 @p1 $0x1;
	p0 =	seq.s32 s7, s2  }
0x1e: {  	s7 =	smul.u32 @!p0 $0xF7A, s2;
	p2 =	seq.s32 @!p0 s5, $0x0  }
0x1f: {  	s9 =	smul.u32 $0xF7A, s1;
	s8 =	simm.s32 @!p0 $0x1BF5;
	p2 =	por !p2, p0  }
0x20: {  	[sflag:s8] =	ssyncset.s32 @!p0 $0xFFFFF086;
	s6 =	sadd.s32 @!p0 s3, s7;
	s7 =	simm.s32 @!p0 $0x108  }
0x21: {  	s3 =	sadd.s32 s3, s9;
	s6 =	sadd.s32 @!p0 $0x88, s6;
	s7 =	simm.s32 @p2 $0x1082  }
0x22: {  	[simem:s7], [sflag:s8] =	dma.local @!p0 [hbm:s6], $0xF7A  }
0x23: {  	s9 =	sor.u32 $0xD0000000, s2;
	s6 =	simm.s32 $0x108;
	_ =	swait.ge @!p0 [sflag:s8], $0x0  }
0x24: {  	s3 =	sadd.s32 $0x88, s3;
	s6 =	simm.s32 @!p1 $0x1082;
	[sflag:s4] =	ssyncset.s32 $0xFFFFF086  }
0x25: {  	[simem:s6], [sflag:s4] =	dma.local [hbm:s3], $0xF7A  }
0x26: {  	[smem:$0x3F8F] =	sst s1;
	(tag) =	ssettag s2;
	_ =	strace s9  }
0x27: {  	s1 =	sld [smem:$0x3F9F]  }
0x28: {  	s2 =	sld [smem:$0x3FA0]  }
0x29: {  	s4 =	sld [smem:$0x3FA2]  }
0x2a: {  	p0 =	seq.s32 s5, $0x0;
	s5 =	sld [smem:$0x3FA3]  }
0x2b: {  	s6 =	sld [smem:$0x3FA4]  }
0x2c: {  	s7 =	sld [smem:$0x3FA5]  }
0x2d: {  	s3 =	simm.s32 $0x108;
	s8 =	sld [smem:$0x3FA6]  }
0x2e: {  	s3 =	simm.s32 @!p0 $0x1082;
	s9 =	sld [smem:$0x3FA7]  }
0x2f: {  	lr =	sadd.s32 s0, s3;
	s0 =	sld [smem:$0x3F9E]  }
0x30: {  	s3 =	sld [smem:$0x3FA1]  }
0x31: {  	[smem:$0x3FAA] =	sst s10  }
0x32: {  	s10 =	sld [smem:$0x3FA8];
	_ =	sdelay $0x3  }
0x33: {  	p0 =	seq.s32 s10, $0x1;
	s10 =	sld [smem:$0x3FAA];
	_ =	sdelay $0x3  }
0x34: {  	[smem:$0x3FAA] =	sst s10  }
0x35: {  	s10 =	sld [smem:$0x3FA9];
	_ =	sdelay $0x3  }
0x36: {  	p1 =	seq.s32 s10, $0x1;
	s10 =	sld [smem:$0x3FAA];
	_ =	sdelay $0x3  }
0x37: {  	[smem:$0x3FAA] =	sst s10  }
0x38: {  	s10 =	sld [smem:$0x3FAB]  }
0x39: {  	_ = 	snop;
	(pc) =	sbr.ind lr, $3  }
0x3a: {  	_ = 	snop  }
0x3b: {  	_ = 	snop  }
0x3c: {  	p2 =	seq.s32 s10, $0x1;
	s10 =	sld [smem:$0x3FAA]  }
0x3d: {  	_ =	shalt  }
0x3e: {  	_ =	shalt  }
0x3f: {  	_ =	shalt  }
0x40: {  	_ =	shalt  }
0x41: {  	_ =	shalt  }
0x42: {  	_ =	shalt  }
0x43: {  	_ =	shalt  }
0x44: {  	_ =	shalt  }
0x45: {  	_ =	shalt  }
0x46: {  	_ =	shalt  }
0x47: {  	_ =	shalt  }
0x48: {  	_ =	shalt  }
0x49: {  	_ =	shalt  }
0x4a: {  	_ =	shalt  }
0x4b: {  	_ =	shalt  }
0x4c: {  	_ =	shalt  }
0x4d: {  	_ =	shalt  }
0x4e: {  	_ =	shalt  }
0x4f: {  	_ =	shalt  }
0x50: {  	_ =	shalt  }
0x51: {  	_ =	shalt  }
0x52: {  	_ =	shalt  }
0x53: {  	_ =	shalt  }
0x54: {  	_ =	shalt  }
0x55: {  	_ =	shalt  }
0x56: {  	_ =	shalt  }
0x57: {  	_ =	shalt  }
0x58: {  	_ =	shalt  }
0x59: {  	_ =	shalt  }
0x5a: {  	_ =	shalt  }
0x5b: {  	_ =	shalt  }
0x5c: {  	_ =	shalt  }
0x5d: {  	_ =	shalt  }
0x5e: {  	_ =	shalt  }
0x5f: {  	_ =	shalt  }
0x60: {  	_ =	shalt  }
0x61: {  	_ =	shalt  }
0x62: {  	_ =	shalt  }
0x63: {  	_ =	shalt  }
0x64: {  	_ =	shalt  }
0x65: {  	_ =	shalt  }
0x66: {  	_ =	shalt  }
0x67: {  	_ =	shalt  }
0x68: {  	_ =	shalt  }
0x69: {  	_ =	shalt  }
0x6a: {  	_ =	shalt  }
0x6b: {  	_ =	shalt  }
0x6c: {  	_ =	shalt  }
0x6d: {  	_ =	shalt  }
0x6e: {  	_ =	shalt  }
0x6f: {  	_ =	shalt  }
0x70: {  	_ =	shalt  }
0x71: {  	_ =	shalt  }
0x72: {  	_ =	shalt  }
0x73: {  	_ =	shalt  }
0x74: {  	_ =	shalt  }
0x75: {  	_ =	shalt  }
0x76: {  	_ =	shalt  }
0x77: {  	_ =	shalt  }
0x78: {  	_ =	shalt  }
0x79: {  	_ =	shalt  }
0x7a: {  	_ =	shalt  }
0x7b: {  	_ =	shalt  }
0x7c: {  	_ =	shalt  }
0x7d: {  	_ =	shalt  }
0x7e: {  	_ =	shalt  }
0x7f: {  	_ =	shalt  }
0x80: {  	_ =	shalt  }
0x81: {  	_ =	shalt  }
0x82: {  	_ =	shalt  }
0x83: {  	_ =	shalt  }
0x84: {  	_ =	shalt  }
0x85: {  	_ =	shalt  }
0x86: {  	_ =	shalt  }
0x87: {  	_ =	shalt  }
.Lfunc_end0:
.L_simem_size_0:
called_computation.3_lowered:
.L_overlay_start_0:
0x88: {  	s2 =	sld [smem:$0x3FD9]  }
0x89: {  	s3 =	sld [smem:$0x3FFE];
	_ =	sdelay $0x1  }
0x8a: {  	s1 =	srdreg.scid  }
0x8b: {  	s0 =	sand.u32 $0x1, s1  }
0x8c: {  	s17 =	sshll.u32 s0, $0xA;
	s2 =	sadd.s32 s3, s2  }
0x8d: {  	s2 =	sadd.s32 s2, s17  }
0x8e: {  	[smem:$0x3FB6] =	sst s2  }
0x8f: {  	_ = 	snop  }
0x90: {  	s2 =	sld [smem:$0x3FD0];
	(tm) =	ssettm $0x1  }
0x91: {  	s18 =	sld [smem:$0x3FFB];
	_ =	sdelay $0x3  }
0x92: {  	_ =	strace s18  }
0x93: {  	s3 =	sld [smem:$0x3FFC];
	_ =	sdelay $0x3  }
0x94: {  	_ =	strace s3  }
0x95: {  	s3 =	sld [smem:$0x3FFD];
	_ =	sdelay $0x3  }
0x96: {  	_ =	strace s3  }
0x97: {  	_ =	strace $0x8FFFFFFF  }
0x98: {  	s19 =	sld [smem:$0x3FDB];
	_ =	sdelay $0x1  }
0x99: {  	s4 =	simm.s32 $_scs_section_size  }
0x9a: {  	s5 =	simm.s32 $_size__tile_overlayer_lowered;
	s6 =	simm.s32 $_tile_overlayer_lowered  }
0x9b: {  	s22 =	simm.s32 $0x1BFF;
	s21 =	sshll.u32 s6, $0x1;
	s3 =	sadd.s32 s4, s19  }
0x9c: {  	s7 =	simm.s32 $0x0;
	s20 =	sshll.u32 s5, $0x1;
	s5 =	sadd.s32 s21, s3  }
0x9d: {  	[timem:s7], [sflag:s22] =	dma.local [hbm:s5], s20  }
0x9e: {  	_ =	swait.ge [sflag:s22], s20  }
0x9f: {  	s4 =	ssub.s32 $0x0, s20;
	[sflag:s22] =	ssyncset.done $0x0  }
0xa0: {  	[sflag:s22] =	ssyncadd.s32 s4;
	_ =	sdelay $0x1  }
0xa1: {  	s23 =	simm.s32 $0x1B8B  }
0xa2: {  	_ =	swait.ge [sflag:s23], $0x1  }
0xa3: {  	[sflag:s23] =	ssyncset.done $0x0  }
0xa4: {  	s25 =	simm.s32 $0x1B8E;
	s24 =	sld [smem:$0x3FFE];
	[sflag:s23] =	ssyncadd.s32 $0xFFFFFFFF  }
0xa5: {  	s26 =	simm.s32 $execute0_lowered;
	[smem:$0x3FD2] =	sst s25  }
0xa6: {  	s5 =	sshll.u32 s26, $0x1;
	_ =	strace $0x8000004F;
	[dreg:$0x1] =	wrdreg $0xFFFFFFFF  }
0xa7: {  	s28 =	simm.s32 $_size_execute0_lowered;
	s3 =	sadd.s32 s3, s5;
	[dreg:$0x0] =	wrdreg $0x0  }
0xa8: {  	s5 =	sshll.u32 s28, $0x1;
	[dreg:$0x2] =	wrdreg s3  }
0xa9: {  	[dreg:$0x3] =	wrdreg s5  }
0xaa: {  	[dreg:$0x4] =	wrdreg $0xC0  }
0xab: {  	_ =	task [dreg:s7], $0x5FFFF  }
0xac: {  	[dreg:$0x1] =	wrdreg $0xFFFFFFFF  }
0xad: {  	[dreg:$0x0] =	wrdreg $0x60  }
0xae: {  	[dreg:$0x2] =	wrdreg s2  }
0xaf: {  	[dreg:$0x3] =	wrdreg s24  }
0xb0: {  	[dreg:$0x4] =	wrdreg $0x0  }
0xb1: {  	[dreg:$0x5] =	wrdreg $0x9  }
0xb2: {  	_ =	task.clear_ibuf [dreg:s7], $0x6FFFF;
	_ =	strace $0x9000004F  }
0xb3: {  	s29 =	simm.s32 $0x9;
	_ =	strace $0x80000051  }
0xb4: {  	_ =	swait.ge [sflag:s29], $0x1  }
0xb5: {  	[sflag:s29] =	ssyncadd.s32 $0xFFFFFFFF  }
0xb6: {  	_ =	strace $0x90000051  }
0xb7: {  	_ =	sfence  }
0xb8: {  	s30 =	sld [smem:$0x0];
	_ =	sdelay $0x2  }
0xb9: {  	s31 =	sshll.u32 s1, $0xD;
	s1 =	sshrl.u32 s1, $0x2  }
0xba: {  	s3 =	sand.u32 $0x4000, s31;
	s1 =	sadd.s32 s1, s30  }
0xbb: {  	s0 =	sor.u32 s3, s0;
	s1 =	sshll.u32 s1, $0x11  }
0xbc: {  	s0 =	sor.u32 s1, s0  }
0xbd: {  	s0 =	sadd.s32 $0x8F2B, s0  }
0xbe: {  	[sflag:s0] =	ssyncadd.remote.s32 $0x1  }
0xbf: {  	_ =	sfence.sel $0xFFFF  }
0xc0: {  	[dreg:$0x0] =	wrdreg $0xFFFFFFFF;
	(pc) =	sbr.abs _section_cstart, $3  }
0xc1: {  	[dreg:$0x1] =	wrdreg $0xFFFFFFFF  }
0xc2: {  	_ =	task.clear_ibuf [dreg:s7], $0x2FFFF;
	_ =	strace $0x9FFFFFFF  }
0xc3: {  	(tm) =	ssettm $0x7FFFFFFF  }
tec
execute0_lowered:
.L_overlay_start_1:
0x0: {  	(tag) =	ssettag $0x1  }
0x1: {  	s2 =	rddreg [dreg:$0x0]  }
0x2: {  	s0 =	rddreg [dreg:$0x1]  }
0x3: {  	s3 =	rddreg [dreg:$0x2];
	s7 =	stileid.u32;
	s4 =	simm.s32 $0x0  }
0x4: {  	s1 =	srdreg.scid;
	s30 =	simm.s32 $0x18400;
	s5 =	smul.u32 $0x2800, s7  }
0x5: {  	s31 =	simm.s32 $0x2;
	s1 =	sand.u32 $0x1, s1;
	s6 =	smul.u32 $0x50000, s7  }
0x6: {  	[smem:$0x7FF] =	sst s4;
	s7 =	sshll.u32 s7, $0x5;
	s8 =	smul.u32 $0x28000, s1  }
0x7: {  	_ =	strace $0x80000050;
	s7 =	sadd.s32 s7, s0;
	s6 =	sshrl.u32 s6, $0x2  }
0x8: {  	s9 =	ssub.s32 $0x2, s1;
	s8 =	sadd.s32 s5, s8;
	s5 =	sadd.s32 s6, s3  }
0x9: {  	s1 =	sshll.u32 s1, $0x4;
	s10 =	sshrl.u32 s9, $0x1;
	s16 =	sadd.s32 $0x1000, s5  }
0xa: {  	s26 =	sadd.s32 s1, s7;
	s17 =	sadd.s32 $0x2000, s5;
	[dreg:$0x4] =	wrdreg s16  }
0xb: {  	s1 =	simm.s32 $0x3;
	s18 =	sadd.s32 $0x3000, s5;
	[dreg:$0x5] =	wrdreg s17  }
0xc: {  	s7 =	simm.s32 $0x80;
	s19 =	sadd.s32 $0x4000, s5;
	[dreg:$0x6] =	wrdreg s18  }
0xd: {  	s15 =	ssub.s32 s9, s10;
	s20 =	sadd.s32 $0x5000, s5;
	[dreg:$0x7] =	wrdreg s19  }
0xe: {  	s6 =	simm.s32 $0x14200;
	s21 =	sadd.s32 $0x6000, s5;
	[dreg:$0x8] =	wrdreg s20  }
0xf: {  	s9 =	simm.s32 $0x1;
	s22 =	sadd.s32 $0x7000, s5;
	[dreg:$0x9] =	wrdreg s21  }
0x10: {  	s10 =	simm.s32 $0x0;
	s23 =	sadd.s32 $0x8000, s5;
	[dreg:$0xa] =	wrdreg s22  }
0x11: {  	s0 =	sadd.s32 s8, s0;
	s24 =	sadd.s32 $0x9000, s5;
	[dreg:$0xb] =	wrdreg s23  }
0x12: {  	s25 =	sadd.s32 $0xA000, s5;
	s28 =	sadd.s32 $0x12000, s5;
	[dreg:$0xc] =	wrdreg s24  }
0x13: {  	s29 =	sadd.s32 $0x13000, s5;
	s8 =	simm.s32 $0x14400;
	[dreg:$0xd] =	wrdreg s25  }
0x14: {  	s16 =	sadd.s32 $0xB000, s5;
	s17 =	sadd.s32 $0xC000, s5;
	s18 =	sadd.s32 $0xD000, s5  }
0x15: {  	s19 =	sadd.s32 $0xE000, s5;
	s20 =	sadd.s32 $0xF000, s5;
	s21 =	sadd.s32 $0x10000, s5  }
0x16: {  	s22 =	sadd.s32 $0xEE00, s0;
	s23 =	smax.u32 s15, $0x1;
	s24 =	sadd.s32 $0x5EE00, s26  }
0x17: {  	v0 =	vimm.f32 $0.0e+00;
	s25 =	sadd.s32 $0x4E00, s26;
	s26 =	sadd.s32 $0x11000, s5;
	s0 =	simm.s32 $0x14000  }
.LBB2_1:
0x18: {  	s11 =	simm.s32 $0x0;
	s12 =	simm.s32 $0x200  }
.LBB2_2:
0x19: {  	p0 =	sne.s32 s12, $0x3E00;
	[tilespmem:s11+$0x18470] =	vst v0  }
0x1a: {  	[tilespmem:s11+$0x18400] =	vst v0  }
0x1b: {  	[tilespmem:s11+$0x18410] =	vst v0  }
.Ltmp0:
0x1c: {  	[tilespmem:s11+$0x18420] =	vst v0;
	(pc) =	sbr.rel @p0 .LBB2_2-.Ltmp0, $4  }
0x1d: {  	[tilespmem:s11+$0x18430] =	vst v0  }
0x1e: {  	[tilespmem:s11+$0x18440] =	vst v0  }
0x1f: {  	[tilespmem:s11+$0x18450] =	vst v0  }
0x20: {  	[tilespmem:s11+$0x18460] =	vst v0;
	s11 =	sshra.s32 s12, $0x2;
	s12 =	sadd.s32 $0x200, s12  }
0x21: {  	[tilespmem:s11+$0x18470] =	vst v0  }
0x22: {  	[tilespmem:s11+$0x18400] =	vst v0  }
0x23: {  	[tilespmem:s11+$0x18410] =	vst v0  }
0x24: {  	[tilespmem:s11+$0x18420] =	vst v0  }
0x25: {  	[tilespmem:s11+$0x18430] =	vst v0  }
0x26: {  	[tilespmem:s11+$0x18440] =	vst v0  }
0x27: {  	[tilespmem:s11+$0x18450] =	vst v0  }
0x28: {  	[tilespmem:s11+$0x18460] =	vst v0  }
0x29: {  	[spmem:s5] =	stream.linear.scatter [tilespmem:s30], [sflag:$0x2], $0x1000, $0x38;
	[tilespmem:$0x19400] =	vst v63  }
0x2a: {  	s12 =	rddreg [dreg:$0x4]  }
0x2b: {  	[spmem:s12] =	stream.linear.scatter [tilespmem:s30], [sflag:$0x2], $0x1000, $0x38;
	[tilespmem:$0x19400] =	vst v63  }
0x2c: {  	s13 =	rddreg [dreg:$0x5]  }
0x2d: {  	[spmem:s13] =	stream.linear.scatter [tilespmem:s30], [sflag:$0x2], $0x1000, $0x38;
	[tilespmem:$0x19400] =	vst v63  }
0x2e: {  	s14 =	rddreg [dreg:$0x6]  }
0x2f: {  	[spmem:s14] =	stream.linear.scatter [tilespmem:s30], [sflag:$0x2], $0x1000, $0x38;
	[tilespmem:$0x19400] =	vst v63  }
0x30: {  	s15 =	rddreg [dreg:$0x7]  }
0x31: {  	[spmem:s15] =	stream.linear.scatter [tilespmem:s30], [sflag:$0x2], $0x1000, $0x38;
	[tilespmem:$0x19400] =	vst v63  }
0x32: {  	s12 =	rddreg [dreg:$0x8]  }
0x33: {  	[spmem:s12] =	stream.linear.scatter [tilespmem:s30], [sflag:$0x2], $0x1000, $0x38;
	[tilespmem:$0x19400] =	vst v63  }
0x34: {  	s13 =	rddreg [dreg:$0x9]  }
0x35: {  	[spmem:s13] =	stream.linear.scatter [tilespmem:s30], [sflag:$0x2], $0x1000, $0x38;
	[tilespmem:$0x19400] =	vst v63  }
0x36: {  	s14 =	rddreg [dreg:$0xa]  }
0x37: {  	[spmem:s14] =	stream.linear.scatter [tilespmem:s30], [sflag:$0x2], $0x1000, $0x38;
	[tilespmem:$0x19400] =	vst v63  }
0x38: {  	s15 =	rddreg [dreg:$0xb]  }
0x39: {  	[spmem:s15] =	stream.linear.scatter [tilespmem:s30], [sflag:$0x2], $0x1000, $0x38;
	[tilespmem:$0x19400] =	vst v63  }
0x3a: {  	s12 =	rddreg [dreg:$0xc]  }
0x3b: {  	[spmem:s12] =	stream.linear.scatter [tilespmem:s30], [sflag:$0x2], $0x1000, $0x38;
	[tilespmem:$0x19400] =	vst v63  }
0x3c: {  	s13 =	rddreg [dreg:$0xd]  }
0x3d: {  	[spmem:s13] =	stream.linear.scatter [tilespmem:s30], [sflag:$0x2], $0x1000, $0x38;
	[tilespmem:$0x19400] =	vst v63  }
0x3e: {  	_ = 	snop  }
0x3f: {  	[spmem:s16] =	stream.linear.scatter [tilespmem:s30], [sflag:$0x2], $0x1000, $0x38;
	[tilespmem:$0x19400] =	vst v63  }
0x40: {  	_ = 	snop  }
0x41: {  	[spmem:s17] =	stream.linear.scatter [tilespmem:s30], [sflag:$0x2], $0x1000, $0x38;
	[tilespmem:$0x19400] =	vst v63  }
0x42: {  	_ = 	snop  }
0x43: {  	[spmem:s18] =	stream.linear.scatter [tilespmem:s30], [sflag:$0x2], $0x1000, $0x38;
	[tilespmem:$0x19400] =	vst v63  }
0x44: {  	_ = 	snop  }
0x45: {  	[spmem:s19] =	stream.linear.scatter [tilespmem:s30], [sflag:$0x2], $0x1000, $0x38;
	[tilespmem:$0x19400] =	vst v63  }
0x46: {  	_ = 	snop  }
0x47: {  	[spmem:s20] =	stream.linear.scatter [tilespmem:s30], [sflag:$0x2], $0x1000, $0x38;
	[tilespmem:$0x19400] =	vst v63  }
0x48: {  	_ = 	snop  }
0x49: {  	[spmem:s21] =	stream.linear.scatter [tilespmem:s30], [sflag:$0x2], $0x1000, $0x38;
	[tilespmem:$0x19400] =	vst v63  }
0x4a: {  	_ = 	snop  }
0x4b: {  	[spmem:s26] =	stream.linear.scatter [tilespmem:s30], [sflag:$0x2], $0x1000, $0x38;
	[tilespmem:$0x19400] =	vst v63  }
0x4c: {  	_ = 	snop  }
0x4d: {  	[spmem:s28] =	stream.linear.scatter [tilespmem:s30], [sflag:$0x2], $0x1000, $0x38;
	[tilespmem:$0x19400] =	vst v63  }
0x4e: {  	_ = 	snop  }
0x4f: {  	[spmem:s29] =	stream.linear.scatter [tilespmem:s30], [sflag:$0x2], $0x1000, $0x38;
	[tilespmem:$0x19400] =	vst v63  }
0x50: {  	_ =	swait.ge [sflag:s31], $0x1000  }
0x51: {  	[sflag:s31] =	ssyncset.done $0x0  }
0x52: {  	[sflag:s31] =	ssyncadd.s32 $0xFFFFF000  }
0x53: {  	_ =	swait.ge [sflag:s31], $0x1000  }
0x54: {  	[sflag:s31] =	ssyncset.done $0x0  }
0x55: {  	[sflag:s31] =	ssyncadd.s32 $0xFFFFF000  }
0x56: {  	_ =	swait.ge [sflag:s31], $0x1000  }
0x57: {  	[sflag:s31] =	ssyncset.done $0x0  }
0x58: {  	[sflag:s31] =	ssyncadd.s32 $0xFFFFF000  }
0x59: {  	_ =	swait.ge [sflag:s31], $0x1000  }
0x5a: {  	[sflag:s31] =	ssyncset.done $0x0  }
0x5b: {  	[sflag:s31] =	ssyncadd.s32 $0xFFFFF000  }
0x5c: {  	_ =	swait.ge [sflag:s31], $0x1000  }
0x5d: {  	[sflag:s31] =	ssyncset.done $0x0  }
0x5e: {  	[sflag:s31] =	ssyncadd.s32 $0xFFFFF000  }
0x5f: {  	_ =	swait.ge [sflag:s31], $0x1000  }
0x60: {  	[sflag:s31] =	ssyncset.done $0x0  }
0x61: {  	[sflag:s31] =	ssyncadd.s32 $0xFFFFF000  }
0x62: {  	_ =	swait.ge [sflag:s31], $0x1000  }
0x63: {  	[sflag:s31] =	ssyncset.done $0x0  }
0x64: {  	[sflag:s31] =	ssyncadd.s32 $0xFFFFF000  }
0x65: {  	_ =	swait.ge [sflag:s31], $0x1000  }
0x66: {  	[sflag:s31] =	ssyncset.done $0x0  }
0x67: {  	[sflag:s31] =	ssyncadd.s32 $0xFFFFF000  }
0x68: {  	_ =	swait.ge [sflag:s31], $0x1000  }
0x69: {  	[sflag:s31] =	ssyncset.done $0x0  }
0x6a: {  	[sflag:s31] =	ssyncadd.s32 $0xFFFFF000  }
0x6b: {  	_ =	swait.ge [sflag:s31], $0x1000  }
0x6c: {  	[sflag:s31] =	ssyncset.done $0x0  }
0x6d: {  	[sflag:s31] =	ssyncadd.s32 $0xFFFFF000  }
0x6e: {  	_ =	swait.ge [sflag:s31], $0x1000  }
0x6f: {  	[sflag:s31] =	ssyncset.done $0x0  }
0x70: {  	[sflag:s31] =	ssyncadd.s32 $0xFFFFF000  }
0x71: {  	_ =	swait.ge [sflag:s31], $0x1000  }
0x72: {  	[sflag:s31] =	ssyncset.done $0x0  }
0x73: {  	[sflag:s31] =	ssyncadd.s32 $0xFFFFF000  }
0x74: {  	_ =	swait.ge [sflag:s31], $0x1000  }
0x75: {  	[sflag:s31] =	ssyncset.done $0x0  }
0x76: {  	[sflag:s31] =	ssyncadd.s32 $0xFFFFF000  }
0x77: {  	_ =	swait.ge [sflag:s31], $0x1000  }
0x78: {  	[sflag:s31] =	ssyncset.done $0x0  }
0x79: {  	[sflag:s31] =	ssyncadd.s32 $0xFFFFF000  }
0x7a: {  	_ =	swait.ge [sflag:s31], $0x1000  }
0x7b: {  	[sflag:s31] =	ssyncset.done $0x0  }
0x7c: {  	[sflag:s31] =	ssyncadd.s32 $0xFFFFF000  }
0x7d: {  	_ =	swait.ge [sflag:s31], $0x1000  }
0x7e: {  	[sflag:s31] =	ssyncset.done $0x0  }
0x7f: {  	[sflag:s31] =	ssyncadd.s32 $0xFFFFF000  }
0x80: {  	_ =	swait.ge [sflag:s31], $0x1000  }
0x81: {  	[sflag:s31] =	ssyncset.done $0x0  }
0x82: {  	[sflag:s31] =	ssyncadd.s32 $0xFFFFF000  }
0x83: {  	_ =	swait.ge [sflag:s31], $0x1000  }
0x84: {  	[sflag:s31] =	ssyncset.done $0x0  }
0x85: {  	[sflag:s31] =	ssyncadd.s32 $0xFFFFF000  }
0x86: {  	_ =	swait.ge [sflag:s31], $0x1000  }
0x87: {  	[sflag:s31] =	ssyncset.done $0x0  }
0x88: {  	[sflag:s31] =	ssyncadd.s32 $0xFFFFF000  }
0x89: {  	_ =	swait.ge [sflag:s31], $0x1000  }
0x8a: {  	[sflag:s31] =	ssyncset.done $0x0  }
0x8b: {  	[sflag:s31] =	ssyncadd.s32 $0xFFFFF000  }
0x8c: {  	s14 =	sadd.s32 $0x0, s24;
	[bflag:$0x0] =	sbarrier.arrive $0xFFFF  }
0x8d: {  	[tilespmem:s0], [sflag:$0x3] =	stream.linear.gather [hbm4b:s14+s4], $0x80, $0x38;
	[tilespmem:$0x19400] =	vst v63  }
0x8e: {  	_ =	swait.ge [sflag:s1], $0x80  }
0x8f: {  	[sflag:s1] =	ssyncset.done $0x0  }
0x90: {  	s15 =	sadd.s32 $0x0, s25;
	[sflag:s1] =	ssyncadd.s32 $0xFFFFFF80  }
0x91: {  	[tilespmem:s6], [sflag:$0x3] =	stream.linear.gather [hbm4b:s15+s4], $0x80, $0x38;
	[tilespmem:$0x19400] =	vst v63  }
0x92: {  	_ =	swait.ge [sflag:s1], $0x80  }
0x93: {  	[sflag:s1] =	ssyncset.done $0x0  }
0x94: {  	[sflag:s1] =	ssyncadd.s32 $0xFFFFFF80  }
0x95: {  	[tilespmem:s8], [sflag:$0x1] =	stream.indirect.gather [hbm4b:s2+s7], $0x80, s0, s7, $0xb8;
	[tilespmem:$0x19400] =	vst v63  }
0x96: {  	_ =	swait.ge [sflag:s9], $0x4000  }
0x97: {  	[sflag:s9] =	ssyncset.done $0x0  }
0x98: {  	[sflag:s9] =	ssyncadd.s32 $0xFFFFC000  }
0x99: {  	[spmem:s3] =	stream.indirect.scatter.add.f32 [tilespmem:s8], [sflag:$0x3], $0x80, s6, s7, $0xb8;
	[tilespmem:$0x19400] =	vst v63  }
0x9a: {  	_ =	swait.ge [sflag:s1], $0x4000  }
0x9b: {  	s11 =	simm.s32 $0x200;
	s12 =	simm.s32 $0x400;
	[sflag:s1] =	ssyncset.done $0x0  }
.LBB2_4:
0x9c: {  	s13 =	sadd.s32 s11, s24  }
0x9d: {  	[sflag:s1] =	ssyncadd.s32 $0xFFFFC000;
	s14 =	smov.u32 s12;
	s15 =	sadd.s32 $0x200, s12  }
0x9e: {  	[tilespmem:s0], [sflag:$0x3] =	stream.linear.gather [hbm4b:s13+s4], $0x80, $0x38;
	[tilespmem:$0x19400] =	vst v63  }
0x9f: {  	p0 =	sne.s32 s12, $0x9E00;
	_ =	swait.ge [sflag:s1], $0x80  }
0xa0: {  	[sflag:s1] =	ssyncset.done $0x0  }
0xa1: {  	s12 =	sadd.s32 s11, s25;
	s11 =	smov.u32 s14;
	[sflag:s1] =	ssyncadd.s32 $0xFFFFFF80  }
0xa2: {  	[tilespmem:s6], [sflag:$0x3] =	stream.linear.gather [hbm4b:s12+s4], $0x80, $0x38;
	[tilespmem:$0x19400] =	vst v63  }
0xa3: {  	_ =	swait.ge [sflag:s1], $0x80  }
0xa4: {  	[sflag:s1] =	ssyncset.done $0x0  }
0xa5: {  	[sflag:s1] =	ssyncadd.s32 $0xFFFFFF80  }
0xa6: {  	[tilespmem:s8], [sflag:$0x1] =	stream.indirect.gather [hbm4b:s2+s7], $0x80, s0, s7, $0xb8;
	[tilespmem:$0x19400] =	vst v63  }
0xa7: {  	_ =	swait.ge [sflag:s9], $0x4000  }
.Ltmp1:
0xa8: {  	[sflag:s9] =	ssyncset.done $0x0;
	(pc) =	sbr.rel @p0 .LBB2_4-.Ltmp1, $4  }
0xa9: {  	[sflag:s9] =	ssyncadd.s32 $0xFFFFC000  }
0xaa: {  	[spmem:s3] =	stream.indirect.scatter.add.f32 [tilespmem:s8], [sflag:$0x3], $0x80, s6, s7, $0xb8;
	[tilespmem:$0x19400] =	vst v63  }
0xab: {  	_ =	swait.ge [sflag:s1], $0x4000  }
0xac: {  	s12 =	smov.u32 s15;
	[sflag:s1] =	ssyncset.done $0x0  }
0xad: {  	s12 =	sadd.s32 s11, s24;
	[sflag:s1] =	ssyncadd.s32 $0xFFFFC000  }
0xae: {  	[tilespmem:s0], [sflag:$0x3] =	stream.linear.gather [hbm4b:s12+s4], $0x80, $0x38;
	[tilespmem:$0x19400] =	vst v63  }
0xaf: {  	_ =	swait.ge [sflag:s1], $0x80  }
0xb0: {  	[sflag:s1] =	ssyncset.done $0x0  }
0xb1: {  	s13 =	sadd.s32 s11, s25;
	[sflag:s1] =	ssyncadd.s32 $0xFFFFFF80  }
0xb2: {  	[tilespmem:s6], [sflag:$0x3] =	stream.linear.gather [hbm4b:s13+s4], $0x80, $0x38;
	[tilespmem:$0x19400] =	vst v63  }
0xb3: {  	_ =	swait.ge [sflag:s1], $0x80  }
0xb4: {  	[sflag:s1] =	ssyncset.done $0x0  }
0xb5: {  	[sflag:s1] =	ssyncadd.s32 $0xFFFFFF80  }
0xb6: {  	[tilespmem:s8], [sflag:$0x1] =	stream.indirect.gather [hbm4b:s2+s7], $0x80, s0, s7, $0xb8;
	[tilespmem:$0x19400] =	vst v63  }
0xb7: {  	_ =	swait.ge [sflag:s9], $0x4000  }
0xb8: {  	[sflag:s9] =	ssyncset.done $0x0  }
0xb9: {  	[sflag:s9] =	ssyncadd.s32 $0xFFFFC000  }
0xba: {  	[spmem:s3] =	stream.indirect.scatter.add.f32 [tilespmem:s8], [sflag:$0x3], $0x80, s6, s7, $0xb8;
	[tilespmem:$0x19400] =	vst v63  }
0xbb: {  	s14 =	stileid.u32;
	_ =	swait.ge [sflag:s1], $0x4000  }
0xbc: {  	s15 =	sshrl.u32 s5, $0x3;
	s10 =	sadd.s32 $0x1, s10;
	[sflag:s1] =	ssyncset.done $0x0  }
0xbd: {  	s11 =	sshll.u32 s14, $0x6;
	p0 =	sne.s32 s10, s23;
	[sflag:s1] =	ssyncadd.s32 $0xFFFFC000  }
.Ltmp2:
0xbe: {  	s11 =	sor.u32 $0x1C03, s11;
	[bflag:$0x0] =	sbarrier.arrive $0xFFFF;
	(pc) =	sbr.rel @p0 .LBB2_1-.Ltmp2, $4  }
0xbf: {  	[hbm:s22], [sflag:s11] =	dma.local [spmem:s15], $0x2800  }
0xc0: {  	_ =	swait.ge [sflag:s1], $0x2800  }
0xc1: {  	[sflag:s1] =	ssyncset.done $0x0  }
0xc2: {  	[sflag:s1] =	ssyncadd.s32 $0xFFFFD800  }
0xc3: {  	_ =	sfence.sel $0x180000  }
0xc4: {  	[bflag:$0x0] =	sbarrier.arrive $0xFFFF  }
0xc5: {  	_ =	strace $0x90000050  }
0xc6: {  	s0 =	stileid.u32;
	[bflag:$0x2] =	sbarrier.arrive $0xFFFF  }
0xc7: {  	p0 =	sne.s32 s0, $0x0;
	s0 =	rddreg [dreg:$0x3]  }
0xc8: {  	s0 =	sadd.s32 @!p0 $0x100000, s0  }
0xc9: {  	[sflag:s0] =	ssyncadd.tile.s32 @!p0 $0x1;
	_ =	shalt  }
.Lfunc_end2:
_tile_overlayer_lowered:
.L_overlay_start_2:
0xca: {  	(tag) =	ssettag $0x2  }
0xcb: {  	s0 =	rddreg [dreg:$0x0];
	s2 =	stileid.u32  }
0xcc: {  	s1 =	rddreg [dreg:$0x1];
	p0 =	sne.s32 s2, $0x0  }
0xcd: {  	s3 =	rddreg [dreg:$0x2];
	[bflag:$0x3] =	sbarrier.arrive $0xFFFF;
	s2 =	simm.s32 @!p0 $0x1C03  }
0xce: {  	[timem:s3], [sflag:s2] =	dma.local @!p0 [hbm:s0], s1  }
0xcf: {  	s0 =	simm.s32 @!p0 $0x3  }
0xd0: {  	_ =	swait.ge @!p0 [sflag:s0], s1  }
0xd1: {  	s1 =	ssub.s32 @!p0 $0x0, s1;
	[sflag:s0] =	ssyncset.done @!p0 $0x0  }
0xd2: {  	[sflag:s0] =	ssyncadd.s32 @!p0 s1  }
0xd3: {  	[bflag:$0x3] =	sbarrier.arrive $0xFFFF  }
0xd4: {  	_ =	shalt  }

// kernel: kernel.24.cloned.1.call-start
scs
__scs_entry_jumppad:
0x0: {  	(pc) =	sbr.rel $0x88, $3  }
0x1: {  	(tag) =	ssettag $0x0;
	lr =	simm.s32 $0x1  }
0x2: {  	[smem:$0x3F8F] =	sst lr;
	_ =	strace $0xD0000000  }
0x3: {  	_ = 	snop  }
0x4: {  	_ = 	snop  }
0x5: {  	_ = 	snop  }
0x6: {  	_ = 	snop  }
0x7: {  	_ = 	snop  }
__scs_overlays_trampoline_lowered:
0x8: {  	[smem:$0x3F9E] =	sst s0  }
0x9: {  	[smem:$0x3F9F] =	sst s1  }
0xa: {  	[smem:$0x3FA0] =	sst s2  }
0xb: {  	[smem:$0x3FA1] =	sst s3  }
0xc: {  	[smem:$0x3FA2] =	sst s4  }
0xd: {  	[smem:$0x3FA3] =	sst s5  }
0xe: {  	[smem:$0x3FA4] =	sst s6  }
0xf: {  	[smem:$0x3FA5] =	sst s7  }
0x10: {  	[smem:$0x3FA6] =	sst s8  }
0x11: {  	[smem:$0x3FA7] =	sst s9;
	s0 =	simm.s32 @!p0 $0x0  }
0x12: {  	s1 =	sld [smem:$0x3F8D];
	s0 =	simm.s32 @p0 $0x1  }
0x13: {  	[smem:$0x3FA8] =	sst s0;
	s0 =	simm.s32 @!p1 $0x0  }
0x14: {  	s2 =	sld [smem:$0x3F8C];
	s0 =	simm.s32 @p1 $0x1  }
0x15: {  	[smem:$0x3FA9] =	sst s0;
	s0 =	simm.s32 @!p2 $0x0  }
0x16: {  	s3 =	sld [smem:$0x3FDB];
	s0 =	simm.s32 @p2 $0x1  }
0x17: {  	s4 =	simm.s32 $0x1BF5;
	[smem:$0x3FAB] =	sst s0  }
0x18: {  	s0 =	sld [smem:$0x3F8E];
	_ =	swait.ge [sflag:s4], $0x0  }
0x19: {  	s7 =	sld [smem:$0x3F8F]  }
0x1a: {  	s8 =	sadd.s32 $0xFFFFE003, lr  }
0x1b: {  	s9 =	sadd.s32 $0xFFFFFEF7, lr;
	s5 =	simm.s32 $0xFFFFFFFF;
	p2 =	slt.u32 s8, $0xFFFFF086  }
0x1c: {  	p1 =	slt.u32 s9, $0xF7A;
	s5 =	simm.s32 @!p2 $0x0  }
0x1d: {  	s5 =	simm.s32 @p1 $0x1;
	p0 =	seq.s32 s7, s2  }
0x1e: {  	s7 =	smul.u32 @!p0 $0xF7A, s2;
	p2 =	seq.s32 @!p0 s5, $0x0  }
0x1f: {  	s9 =	smul.u32 $0xF7A, s1;
	s8 =	simm.s32 @!p0 $0x1BF5;
	p2 =	por !p2, p0  }
0x20: {  	[sflag:s8] =	ssyncset.s32 @!p0 $0xFFFFF086;
	s6 =	sadd.s32 @!p0 s3, s7;
	s7 =	simm.s32 @!p0 $0x108  }
0x21: {  	s3 =	sadd.s32 s3, s9;
	s6 =	sadd.s32 @!p0 $0x88, s6;
	s7 =	simm.s32 @p2 $0x1082  }
0x22: {  	[simem:s7], [sflag:s8] =	dma.local @!p0 [hbm:s6], $0xF7A  }
0x23: {  	s9 =	sor.u32 $0xD0000000, s2;
	s6 =	simm.s32 $0x108;
	_ =	swait.ge @!p0 [sflag:s8], $0x0  }
0x24: {  	s3 =	sadd.s32 $0x88, s3;
	s6 =	simm.s32 @!p1 $0x1082;
	[sflag:s4] =	ssyncset.s32 $0xFFFFF086  }
0x25: {  	[simem:s6], [sflag:s4] =	dma.local [hbm:s3], $0xF7A  }
0x26: {  	[smem:$0x3F8F] =	sst s1;
	(tag) =	ssettag s2;
	_ =	strace s9  }
0x27: {  	s1 =	sld [smem:$0x3F9F]  }
0x28: {  	s2 =	sld [smem:$0x3FA0]  }
0x29: {  	s4 =	sld [smem:$0x3FA2]  }
0x2a: {  	p0 =	seq.s32 s5, $0x0;
	s5 =	sld [smem:$0x3FA3]  }
0x2b: {  	s6 =	sld [smem:$0x3FA4]  }
0x2c: {  	s7 =	sld [smem:$0x3FA5]  }
0x2d: {  	s3 =	simm.s32 $0x108;
	s8 =	sld [smem:$0x3FA6]  }
0x2e: {  	s3 =	simm.s32 @!p0 $0x1082;
	s9 =	sld [smem:$0x3FA7]  }
0x2f: {  	lr =	sadd.s32 s0, s3;
	s0 =	sld [smem:$0x3F9E]  }
0x30: {  	s3 =	sld [smem:$0x3FA1]  }
0x31: {  	[smem:$0x3FAA] =	sst s10  }
0x32: {  	s10 =	sld [smem:$0x3FA8];
	_ =	sdelay $0x3  }
0x33: {  	p0 =	seq.s32 s10, $0x1;
	s10 =	sld [smem:$0x3FAA];
	_ =	sdelay $0x3  }
0x34: {  	[smem:$0x3FAA] =	sst s10  }
0x35: {  	s10 =	sld [smem:$0x3FA9];
	_ =	sdelay $0x3  }
0x36: {  	p1 =	seq.s32 s10, $0x1;
	s10 =	sld [smem:$0x3FAA];
	_ =	sdelay $0x3  }
0x37: {  	[smem:$0x3FAA] =	sst s10  }
0x38: {  	s10 =	sld [smem:$0x3FAB]  }
0x39: {  	_ = 	snop;
	(pc) =	sbr.ind lr, $3  }
0x3a: {  	_ = 	snop  }
0x3b: {  	_ = 	snop  }
0x3c: {  	p2 =	seq.s32 s10, $0x1;
	s10 =	sld [smem:$0x3FAA]  }
0x3d: {  	_ =	shalt  }
0x3e: {  	_ =	shalt  }
0x3f: {  	_ =	shalt  }
0x40: {  	_ =	shalt  }
0x41: {  	_ =	shalt  }
0x42: {  	_ =	shalt  }
0x43: {  	_ =	shalt  }
0x44: {  	_ =	shalt  }
0x45: {  	_ =	shalt  }
0x46: {  	_ =	shalt  }
0x47: {  	_ =	shalt  }
0x48: {  	_ =	shalt  }
0x49: {  	_ =	shalt  }
0x4a: {  	_ =	shalt  }
0x4b: {  	_ =	shalt  }
0x4c: {  	_ =	shalt  }
0x4d: {  	_ =	shalt  }
0x4e: {  	_ =	shalt  }
0x4f: {  	_ =	shalt  }
0x50: {  	_ =	shalt  }
0x51: {  	_ =	shalt  }
0x52: {  	_ =	shalt  }
0x53: {  	_ =	shalt  }
0x54: {  	_ =	shalt  }
0x55: {  	_ =	shalt  }
0x56: {  	_ =	shalt  }
0x57: {  	_ =	shalt  }
0x58: {  	_ =	shalt  }
0x59: {  	_ =	shalt  }
0x5a: {  	_ =	shalt  }
0x5b: {  	_ =	shalt  }
0x5c: {  	_ =	shalt  }
0x5d: {  	_ =	shalt  }
0x5e: {  	_ =	shalt  }
0x5f: {  	_ =	shalt  }
0x60: {  	_ =	shalt  }
0x61: {  	_ =	shalt  }
0x62: {  	_ =	shalt  }
0x63: {  	_ =	shalt  }
0x64: {  	_ =	shalt  }
0x65: {  	_ =	shalt  }
0x66: {  	_ =	shalt  }
0x67: {  	_ =	shalt  }
0x68: {  	_ =	shalt  }
0x69: {  	_ =	shalt  }
0x6a: {  	_ =	shalt  }
0x6b: {  	_ =	shalt  }
0x6c: {  	_ =	shalt  }
0x6d: {  	_ =	shalt  }
0x6e: {  	_ =	shalt  }
0x6f: {  	_ =	shalt  }
0x70: {  	_ =	shalt  }
0x71: {  	_ =	shalt  }
0x72: {  	_ =	shalt  }
0x73: {  	_ =	shalt  }
0x74: {  	_ =	shalt  }
0x75: {  	_ =	shalt  }
0x76: {  	_ =	shalt  }
0x77: {  	_ =	shalt  }
0x78: {  	_ =	shalt  }
0x79: {  	_ =	shalt  }
0x7a: {  	_ =	shalt  }
0x7b: {  	_ =	shalt  }
0x7c: {  	_ =	shalt  }
0x7d: {  	_ =	shalt  }
0x7e: {  	_ =	shalt  }
0x7f: {  	_ =	shalt  }
0x80: {  	_ =	shalt  }
0x81: {  	_ =	shalt  }
0x82: {  	_ =	shalt  }
0x83: {  	_ =	shalt  }
0x84: {  	_ =	shalt  }
0x85: {  	_ =	shalt  }
0x86: {  	_ =	shalt  }
0x87: {  	_ =	shalt  }
.Lfunc_end0:
.L_simem_size_0:
called_computation.4_lowered:
.L_overlay_start_0:
0x88: {  	s2 =	sld [smem:$0x3FD9]  }
0x89: {  	s3 =	sld [smem:$0x3FFE];
	_ =	sdelay $0x1  }
0x8a: {  	s1 =	srdreg.scid  }
0x8b: {  	s0 =	sand.u32 $0x1, s1  }
0x8c: {  	s17 =	sshll.u32 s0, $0xA;
	s2 =	sadd.s32 s3, s2  }
0x8d: {  	s2 =	sadd.s32 s2, s17  }
0x8e: {  	[smem:$0x3FB6] =	sst s2  }
0x8f: {  	_ = 	snop  }
0x90: {  	s2 =	sld [smem:$0x3FD0];
	(tm) =	ssettm $0x1  }
0x91: {  	s18 =	sld [smem:$0x3FFB];
	_ =	sdelay $0x3  }
0x92: {  	_ =	strace s18  }
0x93: {  	s3 =	sld [smem:$0x3FFC];
	_ =	sdelay $0x3  }
0x94: {  	_ =	strace s3  }
0x95: {  	s3 =	sld [smem:$0x3FFD];
	_ =	sdelay $0x3  }
0x96: {  	_ =	strace s3  }
0x97: {  	_ =	strace $0x8FFFFFFF  }
0x98: {  	s19 =	sld [smem:$0x3FDB];
	_ =	sdelay $0x1  }
0x99: {  	s4 =	simm.s32 $_scs_section_size  }
0x9a: {  	s5 =	simm.s32 $_size__tile_overlayer_lowered;
	s6 =	simm.s32 $_tile_overlayer_lowered  }
0x9b: {  	s22 =	simm.s32 $0x1BFF;
	s21 =	sshll.u32 s6, $0x1;
	s3 =	sadd.s32 s4, s19  }
0x9c: {  	s7 =	simm.s32 $0x0;
	s20 =	sshll.u32 s5, $0x1;
	s5 =	sadd.s32 s21, s3  }
0x9d: {  	[timem:s7], [sflag:s22] =	dma.local [hbm:s5], s20  }
0x9e: {  	_ =	swait.ge [sflag:s22], s20  }
0x9f: {  	s4 =	ssub.s32 $0x0, s20;
	[sflag:s22] =	ssyncset.done $0x0  }
0xa0: {  	[sflag:s22] =	ssyncadd.s32 s4;
	_ =	sdelay $0x1  }
0xa1: {  	s23 =	simm.s32 $0x1B8B  }
0xa2: {  	_ =	swait.ge [sflag:s23], $0x1  }
0xa3: {  	[sflag:s23] =	ssyncset.done $0x0  }
0xa4: {  	s25 =	simm.s32 $0x1B8E;
	s24 =	sld [smem:$0x3FFE];
	[sflag:s23] =	ssyncadd.s32 $0xFFFFFFFF  }
0xa5: {  	s26 =	simm.s32 $execute0_lowered;
	[smem:$0x3FD2] =	sst s25  }
0xa6: {  	s5 =	sshll.u32 s26, $0x1;
	_ =	strace $0x80000052;
	[dreg:$0x1] =	wrdreg $0xFFFFFFFF  }
0xa7: {  	s28 =	simm.s32 $_size_execute0_lowered;
	s3 =	sadd.s32 s3, s5;
	[dreg:$0x0] =	wrdreg $0x0  }
0xa8: {  	s5 =	sshll.u32 s28, $0x1;
	[dreg:$0x2] =	wrdreg s3  }
0xa9: {  	[dreg:$0x3] =	wrdreg s5  }
0xaa: {  	[dreg:$0x4] =	wrdreg $0xC0  }
0xab: {  	_ =	task [dreg:s7], $0x5FFFF  }
0xac: {  	[dreg:$0x1] =	wrdreg $0xFFFFFFFF  }
0xad: {  	[dreg:$0x0] =	wrdreg $0x60  }
0xae: {  	[dreg:$0x2] =	wrdreg s2  }
0xaf: {  	[dreg:$0x3] =	wrdreg s24  }
0xb0: {  	[dreg:$0x4] =	wrdreg $0x0  }
0xb1: {  	[dreg:$0x5] =	wrdreg $0x9  }
0xb2: {  	_ =	task.clear_ibuf [dreg:s7], $0x6FFFF;
	_ =	strace $0x90000052  }
0xb3: {  	s29 =	simm.s32 $0x9;
	_ =	strace $0x80000054  }
0xb4: {  	_ =	swait.ge [sflag:s29], $0x1  }
0xb5: {  	[sflag:s29] =	ssyncadd.s32 $0xFFFFFFFF  }
0xb6: {  	_ =	strace $0x90000054  }
0xb7: {  	_ =	sfence  }
0xb8: {  	s30 =	sld [smem:$0x0];
	_ =	sdelay $0x2  }
0xb9: {  	s31 =	sshll.u32 s1, $0xD;
	s1 =	sshrl.u32 s1, $0x2  }
0xba: {  	s3 =	sand.u32 $0x4000, s31;
	s1 =	sadd.s32 s1, s30  }
0xbb: {  	s0 =	sor.u32 s3, s0;
	s1 =	sshll.u32 s1, $0x11  }
0xbc: {  	s0 =	sor.u32 s1, s0  }
0xbd: {  	s0 =	sadd.s32 $0x8F2B, s0  }
0xbe: {  	[sflag:s0] =	ssyncadd.remote.s32 $0x1  }
0xbf: {  	_ =	sfence.sel $0xFFFF  }
0xc0: {  	[dreg:$0x0] =	wrdreg $0xFFFFFFFF;
	(pc) =	sbr.abs _section_cstart, $3  }
0xc1: {  	[dreg:$0x1] =	wrdreg $0xFFFFFFFF  }
0xc2: {  	_ =	task.clear_ibuf [dreg:s7], $0x2FFFF;
	_ =	strace $0x9FFFFFFF  }
0xc3: {  	(tm) =	ssettm $0x7FFFFFFF  }
tec
execute0_lowered:
.L_overlay_start_1:
0x0: {  	(tag) =	ssettag $0x1  }
0x1: {  	s2 =	rddreg [dreg:$0x0]  }
0x2: {  	s0 =	rddreg [dreg:$0x1]  }
0x3: {  	s3 =	rddreg [dreg:$0x2];
	s7 =	stileid.u32;
	s4 =	simm.s32 $0x0  }
0x4: {  	s1 =	srdreg.scid;
	s30 =	simm.s32 $0x18400;
	s5 =	smul.u32 $0x2800, s7  }
0x5: {  	s31 =	simm.s32 $0x2;
	s1 =	sand.u32 $0x1, s1;
	s6 =	smul.u32 $0x50000, s7  }
0x6: {  	[smem:$0x7FF] =	sst s4;
	s7 =	sshll.u32 s7, $0x5;
	s8 =	smul.u32 $0x28000, s1  }
0x7: {  	_ =	strace $0x80000053;
	s7 =	sadd.s32 s7, s0;
	s6 =	sshrl.u32 s6, $0x2  }
0x8: {  	s9 =	ssub.s32 $0x2, s1;
	s8 =	sadd.s32 s5, s8;
	s5 =	sadd.s32 s6, s3  }
0x9: {  	s1 =	sshll.u32 s1, $0x4;
	s10 =	sshrl.u32 s9, $0x1;
	s16 =	sadd.s32 $0x1000, s5  }
0xa: {  	s26 =	sadd.s32 s1, s7;
	s17 =	sadd.s32 $0x2000, s5;
	[dreg:$0x4] =	wrdreg s16  }
0xb: {  	s1 =	simm.s32 $0x3;
	s18 =	sadd.s32 $0x3000, s5;
	[dreg:$0x5] =	wrdreg s17  }
0xc: {  	s7 =	simm.s32 $0x80;
	s19 =	sadd.s32 $0x4000, s5;
	[dreg:$0x6] =	wrdreg s18  }
0xd: {  	s15 =	ssub.s32 s9, s10;
	s20 =	sadd.s32 $0x5000, s5;
	[dreg:$0x7] =	wrdreg s19  }
0xe: {  	s6 =	simm.s32 $0x14200;
	s21 =	sadd.s32 $0x6000, s5;
	[dreg:$0x8] =	wrdreg s20  }
0xf: {  	s9 =	simm.s32 $0x1;
	s22 =	sadd.s32 $0x7000, s5;
	[dreg:$0x9] =	wrdreg s21  }
0x10: {  	s10 =	simm.s32 $0x0;
	s23 =	sadd.s32 $0x8000, s5;
	[dreg:$0xa] =	wrdreg s22  }
0x11: {  	s0 =	sadd.s32 s8, s0;
	s24 =	sadd.s32 $0x9000, s5;
	[dreg:$0xb] =	wrdreg s23  }
0x12: {  	s25 =	sadd.s32 $0xA000, s5;
	s28 =	sadd.s32 $0x12000, s5;
	[dreg:$0xc] =	wrdreg s24  }
0x13: {  	s29 =	sadd.s32 $0x13000, s5;
	s8 =	simm.s32 $0x14400;
	[dreg:$0xd] =	wrdreg s25  }
0x14: {  	s16 =	sadd.s32 $0xB000, s5;
	s17 =	sadd.s32 $0xC000, s5;
	s18 =	sadd.s32 $0xD000, s5  }
0x15: {  	s19 =	sadd.s32 $0xE000, s5;
	s20 =	sadd.s32 $0xF000, s5;
	s21 =	sadd.s32 $0x10000, s5  }
0x16: {  	s22 =	sadd.s32 $0xEE00, s0;
	s23 =	smax.u32 s15, $0x1;
	s24 =	sadd.s32 $0x5EE00, s26  }
0x17: {  	v0 =	vimm.f32 $0.0e+00;
	s25 =	sadd.s32 $0x4E00, s26;
	s26 =	sadd.s32 $0x11000, s5;
	s0 =	simm.s32 $0x14000  }
.LBB2_1:
0x18: {  	s11 =	simm.s32 $0x0;
	s12 =	simm.s32 $0x200  }
.LBB2_2:
0x19: {  	p0 =	sne.s32 s12, $0x3E00;
	[tilespmem:s11+$0x18470] =	vst v0  }
0x1a: {  	[tilespmem:s11+$0x18400] =	vst v0  }
0x1b: {  	[tilespmem:s11+$0x18410] =	vst v0  }
.Ltmp0:
0x1c: {  	[tilespmem:s11+$0x18420] =	vst v0;
	(pc) =	sbr.rel @p0 .LBB2_2-.Ltmp0, $4  }
0x1d: {  	[tilespmem:s11+$0x18430] =	vst v0  }
0x1e: {  	[tilespmem:s11+$0x18440] =	vst v0  }
0x1f: {  	[tilespmem:s11+$0x18450] =	vst v0  }
0x20: {  	[tilespmem:s11+$0x18460] =	vst v0;
	s11 =	sshra.s32 s12, $0x2;
	s12 =	sadd.s32 $0x200, s12  }
0x21: {  	[tilespmem:s11+$0x18470] =	vst v0  }
0x22: {  	[tilespmem:s11+$0x18400] =	vst v0  }
0x23: {  	[tilespmem:s11+$0x18410] =	vst v0  }
0x24: {  	[tilespmem:s11+$0x18420] =	vst v0  }
0x25: {  	[tilespmem:s11+$0x18430] =	vst v0  }
0x26: {  	[tilespmem:s11+$0x18440] =	vst v0  }
0x27: {  	[tilespmem:s11+$0x18450] =	vst v0  }
0x28: {  	[tilespmem:s11+$0x18460] =	vst v0  }
0x29: {  	[spmem:s5] =	stream.linear.scatter [tilespmem:s30], [sflag:$0x2], $0x1000, $0x38;
	[tilespmem:$0x19400] =	vst v63  }
0x2a: {  	s12 =	rddreg [dreg:$0x4]  }
0x2b: {  	[spmem:s12] =	stream.linear.scatter [tilespmem:s30], [sflag:$0x2], $0x1000, $0x38;
	[tilespmem:$0x19400] =	vst v63  }
0x2c: {  	s13 =	rddreg [dreg:$0x5]  }
0x2d: {  	[spmem:s13] =	stream.linear.scatter [tilespmem:s30], [sflag:$0x2], $0x1000, $0x38;
	[tilespmem:$0x19400] =	vst v63  }
0x2e: {  	s14 =	rddreg [dreg:$0x6]  }
0x2f: {  	[spmem:s14] =	stream.linear.scatter [tilespmem:s30], [sflag:$0x2], $0x1000, $0x38;
	[tilespmem:$0x19400] =	vst v63  }
0x30: {  	s15 =	rddreg [dreg:$0x7]  }
0x31: {  	[spmem:s15] =	stream.linear.scatter [tilespmem:s30], [sflag:$0x2], $0x1000, $0x38;
	[tilespmem:$0x19400] =	vst v63  }
0x32: {  	s12 =	rddreg [dreg:$0x8]  }
0x33: {  	[spmem:s12] =	stream.linear.scatter [tilespmem:s30], [sflag:$0x2], $0x1000, $0x38;
	[tilespmem:$0x19400] =	vst v63  }
0x34: {  	s13 =	rddreg [dreg:$0x9]  }
0x35: {  	[spmem:s13] =	stream.linear.scatter [tilespmem:s30], [sflag:$0x2], $0x1000, $0x38;
	[tilespmem:$0x19400] =	vst v63  }
0x36: {  	s14 =	rddreg [dreg:$0xa]  }
0x37: {  	[spmem:s14] =	stream.linear.scatter [tilespmem:s30], [sflag:$0x2], $0x1000, $0x38;
	[tilespmem:$0x19400] =	vst v63  }
0x38: {  	s15 =	rddreg [dreg:$0xb]  }
0x39: {  	[spmem:s15] =	stream.linear.scatter [tilespmem:s30], [sflag:$0x2], $0x1000, $0x38;
	[tilespmem:$0x19400] =	vst v63  }
0x3a: {  	s12 =	rddreg [dreg:$0xc]  }
0x3b: {  	[spmem:s12] =	stream.linear.scatter [tilespmem:s30], [sflag:$0x2], $0x1000, $0x38;
	[tilespmem:$0x19400] =	vst v63  }
0x3c: {  	s13 =	rddreg [dreg:$0xd]  }
0x3d: {  	[spmem:s13] =	stream.linear.scatter [tilespmem:s30], [sflag:$0x2], $0x1000, $0x38;
	[tilespmem:$0x19400] =	vst v63  }
0x3e: {  	_ = 	snop  }
0x3f: {  	[spmem:s16] =	stream.linear.scatter [tilespmem:s30], [sflag:$0x2], $0x1000, $0x38;
	[tilespmem:$0x19400] =	vst v63  }
0x40: {  	_ = 	snop  }
0x41: {  	[spmem:s17] =	stream.linear.scatter [tilespmem:s30], [sflag:$0x2], $0x1000, $0x38;
	[tilespmem:$0x19400] =	vst v63  }
0x42: {  	_ = 	snop  }
0x43: {  	[spmem:s18] =	stream.linear.scatter [tilespmem:s30], [sflag:$0x2], $0x1000, $0x38;
	[tilespmem:$0x19400] =	vst v63  }
0x44: {  	_ = 	snop  }
0x45: {  	[spmem:s19] =	stream.linear.scatter [tilespmem:s30], [sflag:$0x2], $0x1000, $0x38;
	[tilespmem:$0x19400] =	vst v63  }
0x46: {  	_ = 	snop  }
0x47: {  	[spmem:s20] =	stream.linear.scatter [tilespmem:s30], [sflag:$0x2], $0x1000, $0x38;
	[tilespmem:$0x19400] =	vst v63  }
0x48: {  	_ = 	snop  }
0x49: {  	[spmem:s21] =	stream.linear.scatter [tilespmem:s30], [sflag:$0x2], $0x1000, $0x38;
	[tilespmem:$0x19400] =	vst v63  }
0x4a: {  	_ = 	snop  }
0x4b: {  	[spmem:s26] =	stream.linear.scatter [tilespmem:s30], [sflag:$0x2], $0x1000, $0x38;
	[tilespmem:$0x19400] =	vst v63  }
0x4c: {  	_ = 	snop  }
0x4d: {  	[spmem:s28] =	stream.linear.scatter [tilespmem:s30], [sflag:$0x2], $0x1000, $0x38;
	[tilespmem:$0x19400] =	vst v63  }
0x4e: {  	_ = 	snop  }
0x4f: {  	[spmem:s29] =	stream.linear.scatter [tilespmem:s30], [sflag:$0x2], $0x1000, $0x38;
	[tilespmem:$0x19400] =	vst v63  }
0x50: {  	_ =	swait.ge [sflag:s31], $0x1000  }
0x51: {  	[sflag:s31] =	ssyncset.done $0x0  }
0x52: {  	[sflag:s31] =	ssyncadd.s32 $0xFFFFF000  }
0x53: {  	_ =	swait.ge [sflag:s31], $0x1000  }
0x54: {  	[sflag:s31] =	ssyncset.done $0x0  }
0x55: {  	[sflag:s31] =	ssyncadd.s32 $0xFFFFF000  }
0x56: {  	_ =	swait.ge [sflag:s31], $0x1000  }
0x57: {  	[sflag:s31] =	ssyncset.done $0x0  }
0x58: {  	[sflag:s31] =	ssyncadd.s32 $0xFFFFF000  }
0x59: {  	_ =	swait.ge [sflag:s31], $0x1000  }
0x5a: {  	[sflag:s31] =	ssyncset.done $0x0  }
0x5b: {  	[sflag:s31] =	ssyncadd.s32 $0xFFFFF000  }
0x5c: {  	_ =	swait.ge [sflag:s31], $0x1000  }
0x5d: {  	[sflag:s31] =	ssyncset.done $0x0  }
0x5e: {  	[sflag:s31] =	ssyncadd.s32 $0xFFFFF000  }
0x5f: {  	_ =	swait.ge [sflag:s31], $0x1000  }
0x60: {  	[sflag:s31] =	ssyncset.done $0x0  }
0x61: {  	[sflag:s31] =	ssyncadd.s32 $0xFFFFF000  }
0x62: {  	_ =	swait.ge [sflag:s31], $0x1000  }
0x63: {  	[sflag:s31] =	ssyncset.done $0x0  }
0x64: {  	[sflag:s31] =	ssyncadd.s32 $0xFFFFF000  }
0x65: {  	_ =	swait.ge [sflag:s31], $0x1000  }
0x66: {  	[sflag:s31] =	ssyncset.done $0x0  }
0x67: {  	[sflag:s31] =	ssyncadd.s32 $0xFFFFF000  }
0x68: {  	_ =	swait.ge [sflag:s31], $0x1000  }
0x69: {  	[sflag:s31] =	ssyncset.done $0x0  }
0x6a: {  	[sflag:s31] =	ssyncadd.s32 $0xFFFFF000  }
0x6b: {  	_ =	swait.ge [sflag:s31], $0x1000  }
0x6c: {  	[sflag:s31] =	ssyncset.done $0x0  }
0x6d: {  	[sflag:s31] =	ssyncadd.s32 $0xFFFFF000  }
0x6e: {  	_ =	swait.ge [sflag:s31], $0x1000  }
0x6f: {  	[sflag:s31] =	ssyncset.done $0x0  }
0x70: {  	[sflag:s31] =	ssyncadd.s32 $0xFFFFF000  }
0x71: {  	_ =	swait.ge [sflag:s31], $0x1000  }
0x72: {  	[sflag:s31] =	ssyncset.done $0x0  }
0x73: {  	[sflag:s31] =	ssyncadd.s32 $0xFFFFF000  }
0x74: {  	_ =	swait.ge [sflag:s31], $0x1000  }
0x75: {  	[sflag:s31] =	ssyncset.done $0x0  }
0x76: {  	[sflag:s31] =	ssyncadd.s32 $0xFFFFF000  }
0x77: {  	_ =	swait.ge [sflag:s31], $0x1000  }
0x78: {  	[sflag:s31] =	ssyncset.done $0x0  }
0x79: {  	[sflag:s31] =	ssyncadd.s32 $0xFFFFF000  }
0x7a: {  	_ =	swait.ge [sflag:s31], $0x1000  }
0x7b: {  	[sflag:s31] =	ssyncset.done $0x0  }
0x7c: {  	[sflag:s31] =	ssyncadd.s32 $0xFFFFF000  }
0x7d: {  	_ =	swait.ge [sflag:s31], $0x1000  }
0x7e: {  	[sflag:s31] =	ssyncset.done $0x0  }
0x7f: {  	[sflag:s31] =	ssyncadd.s32 $0xFFFFF000  }
0x80: {  	_ =	swait.ge [sflag:s31], $0x1000  }
0x81: {  	[sflag:s31] =	ssyncset.done $0x0  }
0x82: {  	[sflag:s31] =	ssyncadd.s32 $0xFFFFF000  }
0x83: {  	_ =	swait.ge [sflag:s31], $0x1000  }
0x84: {  	[sflag:s31] =	ssyncset.done $0x0  }
0x85: {  	[sflag:s31] =	ssyncadd.s32 $0xFFFFF000  }
0x86: {  	_ =	swait.ge [sflag:s31], $0x1000  }
0x87: {  	[sflag:s31] =	ssyncset.done $0x0  }
0x88: {  	[sflag:s31] =	ssyncadd.s32 $0xFFFFF000  }
0x89: {  	_ =	swait.ge [sflag:s31], $0x1000  }
0x8a: {  	[sflag:s31] =	ssyncset.done $0x0  }
0x8b: {  	[sflag:s31] =	ssyncadd.s32 $0xFFFFF000  }
0x8c: {  	s14 =	sadd.s32 $0x0, s24;
	[bflag:$0x0] =	sbarrier.arrive $0xFFFF  }
0x8d: {  	[tilespmem:s0], [sflag:$0x3] =	stream.linear.gather [hbm4b:s14+s4], $0x80, $0x38;
	[tilespmem:$0x19400] =	vst v63  }
0x8e: {  	_ =	swait.ge [sflag:s1], $0x80  }
0x8f: {  	[sflag:s1] =	ssyncset.done $0x0  }
0x90: {  	s15 =	sadd.s32 $0x0, s25;
	[sflag:s1] =	ssyncadd.s32 $0xFFFFFF80  }
0x91: {  	[tilespmem:s6], [sflag:$0x3] =	stream.linear.gather [hbm4b:s15+s4], $0x80, $0x38;
	[tilespmem:$0x19400] =	vst v63  }
0x92: {  	_ =	swait.ge [sflag:s1], $0x80  }
0x93: {  	[sflag:s1] =	ssyncset.done $0x0  }
0x94: {  	[sflag:s1] =	ssyncadd.s32 $0xFFFFFF80  }
0x95: {  	[tilespmem:s8], [sflag:$0x1] =	stream.indirect.gather [hbm4b:s2+s7], $0x80, s0, s7, $0xb8;
	[tilespmem:$0x19400] =	vst v63  }
0x96: {  	_ =	swait.ge [sflag:s9], $0x4000  }
0x97: {  	[sflag:s9] =	ssyncset.done $0x0  }
0x98: {  	[sflag:s9] =	ssyncadd.s32 $0xFFFFC000  }
0x99: {  	[spmem:s3] =	stream.indirect.scatter.add.f32 [tilespmem:s8], [sflag:$0x3], $0x80, s6, s7, $0xb8;
	[tilespmem:$0x19400] =	vst v63  }
0x9a: {  	_ =	swait.ge [sflag:s1], $0x4000  }
0x9b: {  	s11 =	simm.s32 $0x200;
	s12 =	simm.s32 $0x400;
	[sflag:s1] =	ssyncset.done $0x0  }
.LBB2_4:
0x9c: {  	s13 =	sadd.s32 s11, s24  }
0x9d: {  	[sflag:s1] =	ssyncadd.s32 $0xFFFFC000;
	s14 =	smov.u32 s12;
	s15 =	sadd.s32 $0x200, s12  }
0x9e: {  	[tilespmem:s0], [sflag:$0x3] =	stream.linear.gather [hbm4b:s13+s4], $0x80, $0x38;
	[tilespmem:$0x19400] =	vst v63  }
0x9f: {  	p0 =	sne.s32 s12, $0x9E00;
	_ =	swait.ge [sflag:s1], $0x80  }
0xa0: {  	[sflag:s1] =	ssyncset.done $0x0  }
0xa1: {  	s12 =	sadd.s32 s11, s25;
	s11 =	smov.u32 s14;
	[sflag:s1] =	ssyncadd.s32 $0xFFFFFF80  }
0xa2: {  	[tilespmem:s6], [sflag:$0x3] =	stream.linear.gather [hbm4b:s12+s4], $0x80, $0x38;
	[tilespmem:$0x19400] =	vst v63  }
0xa3: {  	_ =	swait.ge [sflag:s1], $0x80  }
0xa4: {  	[sflag:s1] =	ssyncset.done $0x0  }
0xa5: {  	[sflag:s1] =	ssyncadd.s32 $0xFFFFFF80  }
0xa6: {  	[tilespmem:s8], [sflag:$0x1] =	stream.indirect.gather [hbm4b:s2+s7], $0x80, s0, s7, $0xb8;
	[tilespmem:$0x19400] =	vst v63  }
0xa7: {  	_ =	swait.ge [sflag:s9], $0x4000  }
.Ltmp1:
0xa8: {  	[sflag:s9] =	ssyncset.done $0x0;
	(pc) =	sbr.rel @p0 .LBB2_4-.Ltmp1, $4  }
0xa9: {  	[sflag:s9] =	ssyncadd.s32 $0xFFFFC000  }
0xaa: {  	[spmem:s3] =	stream.indirect.scatter.add.f32 [tilespmem:s8], [sflag:$0x3], $0x80, s6, s7, $0xb8;
	[tilespmem:$0x19400] =	vst v63  }
0xab: {  	_ =	swait.ge [sflag:s1], $0x4000  }
0xac: {  	s12 =	smov.u32 s15;
	[sflag:s1] =	ssyncset.done $0x0  }
0xad: {  	s12 =	sadd.s32 s11, s24;
	[sflag:s1] =	ssyncadd.s32 $0xFFFFC000  }
0xae: {  	[tilespmem:s0], [sflag:$0x3] =	stream.linear.gather [hbm4b:s12+s4], $0x80, $0x38;
	[tilespmem:$0x19400] =	vst v63  }
0xaf: {  	_ =	swait.ge [sflag:s1], $0x80  }
0xb0: {  	[sflag:s1] =	ssyncset.done $0x0  }
0xb1: {  	s13 =	sadd.s32 s11, s25;
	[sflag:s1] =	ssyncadd.s32 $0xFFFFFF80  }
0xb2: {  	[tilespmem:s6], [sflag:$0x3] =	stream.linear.gather [hbm4b:s13+s4], $0x80, $0x38;
	[tilespmem:$0x19400] =	vst v63  }
0xb3: {  	_ =	swait.ge [sflag:s1], $0x80  }
0xb4: {  	[sflag:s1] =	ssyncset.done $0x0  }
0xb5: {  	[sflag:s1] =	ssyncadd.s32 $0xFFFFFF80  }
0xb6: {  	[tilespmem:s8], [sflag:$0x1] =	stream.indirect.gather [hbm4b:s2+s7], $0x80, s0, s7, $0xb8;
	[tilespmem:$0x19400] =	vst v63  }
0xb7: {  	_ =	swait.ge [sflag:s9], $0x4000  }
0xb8: {  	[sflag:s9] =	ssyncset.done $0x0  }
0xb9: {  	[sflag:s9] =	ssyncadd.s32 $0xFFFFC000  }
0xba: {  	[spmem:s3] =	stream.indirect.scatter.add.f32 [tilespmem:s8], [sflag:$0x3], $0x80, s6, s7, $0xb8;
	[tilespmem:$0x19400] =	vst v63  }
0xbb: {  	s14 =	stileid.u32;
	_ =	swait.ge [sflag:s1], $0x4000  }
0xbc: {  	s15 =	sshrl.u32 s5, $0x3;
	s10 =	sadd.s32 $0x1, s10;
	[sflag:s1] =	ssyncset.done $0x0  }
0xbd: {  	s11 =	sshll.u32 s14, $0x6;
	p0 =	sne.s32 s10, s23;
	[sflag:s1] =	ssyncadd.s32 $0xFFFFC000  }
.Ltmp2:
0xbe: {  	s11 =	sor.u32 $0x1C03, s11;
	[bflag:$0x0] =	sbarrier.arrive $0xFFFF;
	(pc) =	sbr.rel @p0 .LBB2_1-.Ltmp2, $4  }
0xbf: {  	[hbm:s22], [sflag:s11] =	dma.local [spmem:s15], $0x2800  }
0xc0: {  	_ =	swait.ge [sflag:s1], $0x2800  }
0xc1: {  	[sflag:s1] =	ssyncset.done $0x0  }
0xc2: {  	[sflag:s1] =	ssyncadd.s32 $0xFFFFD800  }
0xc3: {  	_ =	sfence.sel $0x180000  }
0xc4: {  	[bflag:$0x0] =	sbarrier.arrive $0xFFFF  }
0xc5: {  	_ =	strace $0x90000053  }
0xc6: {  	s0 =	stileid.u32;
	[bflag:$0x2] =	sbarrier.arrive $0xFFFF  }
0xc7: {  	p0 =	sne.s32 s0, $0x0;
	s0 =	rddreg [dreg:$0x3]  }
0xc8: {  	s0 =	sadd.s32 @!p0 $0x100000, s0  }
0xc9: {  	[sflag:s0] =	ssyncadd.tile.s32 @!p0 $0x1;
	_ =	shalt  }
.Lfunc_end2:
_tile_overlayer_lowered:
.L_overlay_start_2:
0xca: {  	(tag) =	ssettag $0x2  }
0xcb: {  	s0 =	rddreg [dreg:$0x0];
	s2 =	stileid.u32  }
0xcc: {  	s1 =	rddreg [dreg:$0x1];
	p0 =	sne.s32 s2, $0x0  }
0xcd: {  	s3 =	rddreg [dreg:$0x2];
	[bflag:$0x3] =	sbarrier.arrive $0xFFFF;
	s2 =	simm.s32 @!p0 $0x1C03  }
0xce: {  	[timem:s3], [sflag:s2] =	dma.local @!p0 [hbm:s0], s1  }
0xcf: {  	s0 =	simm.s32 @!p0 $0x3  }
0xd0: {  	_ =	swait.ge @!p0 [sflag:s0], s1  }
0xd1: {  	s1 =	ssub.s32 @!p0 $0x0, s1;
	[sflag:s0] =	ssyncset.done @!p0 $0x0  }
0xd2: {  	[sflag:s0] =	ssyncadd.s32 @!p0 s1  }
0xd3: {  	[bflag:$0x3] =	sbarrier.arrive $0xFFFF  }
0xd4: {  	_ =	shalt  }

</sc_bundles>
